<compile_context>
chip_gen: v7x
topology: tpu7x:2x2x1
jax: 0.10.2.dev20260603
libtpu: 0.0.44.dev20260713+nightly
codegen_flags: <defaults>
</compile_context>

<pallas_src>
import functools

import jax
import jax.numpy as jnp
from jax import lax
from jax.experimental import pallas as pl
from jax.experimental.pallas import tpu as pltpu
from jax.experimental.pallas import tpu_sc as plsc

_L = 16


def _sc_add_kernel(batch, seq_len, d_model, num_workers, chunk_rows):
    rows_per_worker = seq_len // num_workers
    nchunks = rows_per_worker // chunk_rows
    cd = chunk_rows * d_model
    num_vecs = cd // _L

    mesh = plsc.VectorSubcoreMesh(core_axis_name="c", subcore_axis_name="s")

    @functools.partial(
        pl.kernel,
        mesh=mesh,
        out_type=jax.ShapeDtypeStruct((batch, seq_len * d_model), jnp.float32),
        scratch_types=[
            pltpu.VMEM((2, cd), jnp.float32),
            pltpu.VMEM((2 * batch, cd), jnp.float32),
            pltpu.SemaphoreType.DMA((2,)),
            pltpu.SemaphoreType.DMA((2 * batch,)),
            pltpu.SemaphoreType.DMA((2 * batch,)),
        ],
    )
    def k(x_hbm, pe_hbm, out_hbm, pe_v, x_v, pe_sem, in_sem, out_sem):
        nc = 2
        wid = lax.axis_index("s") * nc + lax.axis_index("c")
        worker_base = wid * (rows_per_worker * d_model)

        def pe_copy(ci, slot):
            base = worker_base + ci * cd
            return pltpu.make_async_copy(
                pe_hbm.at[pl.ds(base, cd)], pe_v.at[slot], pe_sem.at[slot]
            )

        def in_copy(ci, b, slot):
            base = worker_base + ci * cd
            return pltpu.make_async_copy(
                x_hbm.at[b, pl.ds(base, cd)], x_v.at[slot], in_sem.at[slot]
            )

        def out_copy(ci, b, slot):
            base = worker_base + ci * cd
            return pltpu.make_async_copy(
                x_v.at[slot], out_hbm.at[b, pl.ds(base, cd)], out_sem.at[slot]
            )

        pe_copy(0, 0).start()
        for b in range(batch):
            in_copy(0, b, b).start()

        def chunk_pair(ci2, _):
            for p in range(2):
                ci = ci2 * 2 + p

                def pe_prefetch():
                    pe_copy(ci + 1, 1 - p).start()

                if p == 0:
                    pe_prefetch()
                else:
                    pl.when(ci2 < nchunks // 2 - 1)(pe_prefetch)
                pe_copy(ci, p).wait()

                for b in range(batch):
                    cur = p * batch + b
                    nxt = (1 - p) * batch + b

                    def refill():
                        def drain_prev():
                            out_copy(ci - 1, b, nxt).wait()

                        if p == 1:
                            drain_prev()
                        else:
                            pl.when(ci2 >= 1)(drain_prev)
                        in_copy(ci + 1, b, nxt).start()

                    if p == 0:
                        refill()
                    else:
                        pl.when(ci2 < nchunks // 2 - 1)(refill)

                    in_copy(ci, b, cur).wait()

                    def add_body(i, carry):
                        sl = pl.ds(i * _L, _L)
                        x_v[cur, sl] = x_v[cur, sl] + pe_v[p, sl]
                        return carry

                    lax.fori_loop(0, num_vecs, add_body, None, unroll=8)
                    out_copy(ci, b, cur).start()
            return _

        lax.fori_loop(0, nchunks // 2, chunk_pair, None)

        for p in range(2):
            ci = nchunks - 2 + p
            for b in range(batch):
                out_copy(ci, b, p * batch + b).wait()

    return k


def kernel(x, pe_weight):
    batch, seq_len, d_model = x.shape
    x2 = x.reshape(batch, seq_len * d_model)
    pe2 = pe_weight.reshape(-1)
    out = _sc_add_kernel(batch, seq_len, d_model, 32, 8)(x2, pe2)
    return out.reshape(batch, seq_len, d_model)

# --- scband reference (transcript-rebuilt; emitter-appended) ---
"""Pipeline reference for scband-learned-positional-encoding-12232066859143 (READ-ONLY COPY).

The authoritative reference and input builder live on the scoring server;
editing this copy changes nothing except your own understanding.
"""

import jax, jax.numpy as jnp
import numpy as np

D_MODEL = 1024
MAX_LEN = 8192
BATCH = 4
SEQ_LEN = 4096


def setup_inputs(seed: int = 0) -> dict:
    key = jax.random.key(seed)
    k_x, k_pe = jax.random.split(key)
    x = jax.random.normal(k_x, (BATCH, SEQ_LEN, D_MODEL), dtype=jnp.float32)
    pe_weight = jax.random.normal(k_pe, (MAX_LEN, D_MODEL), dtype=jnp.float32) * 0.02
    return {"x": x, "pe_weight": pe_weight}


def reference(x, pe_weight):
    seq_len = x.shape[1]
    positions = jnp.arange(seq_len, dtype=jnp.int64 if jax.config.jax_enable_x64 else jnp.int32)
    pos_emb = jnp.take(pe_weight, positions, axis=0)  # (seq_len, d_model)
    out = x + pos_emb[None, :, :]
    # dropout p=0.0 -> identity
    return out

if __name__ == "__main__":
    import jax
    _d = setup_inputs()
    print(jax.jit(kernel)(*tuple(_d.values())))

</pallas_src>

<mosaic_0001>
#map = affine_map<(d0, d1) -> (0, 0)>
#map1 = affine_map<(d0, d1) -> (0)>
module attributes {stable_mosaic.version = 14 : i64} {
  func.func @k(%arg0: i32, %arg1: i32, %arg2: memref<4x4194304xf32, #tpu.memory_space<hbm>>, %arg3: memref<8388608xf32, #tpu.memory_space<hbm>>, %arg4: memref<4x4194304xf32, #tpu.memory_space<hbm>>, %arg5: memref<2x8192xf32, #tpu.memory_space<vmem>>, %arg6: memref<8x8192xf32, #tpu.memory_space<vmem>>, %arg7: memref<2x!tpu.dma_semaphore, #tpu.memory_space<semaphore_mem>>, %arg8: memref<8x!tpu.dma_semaphore, #tpu.memory_space<semaphore_mem>>, %arg9: memref<8x!tpu.dma_semaphore, #tpu.memory_space<semaphore_mem>>) attributes {dimension_semantics = [#tpu.dimension_semantics<core_parallel>, #tpu.dimension_semantics<subcore_parallel>], iteration_bounds = array<i64: 2, 16>, scalar_prefetch = 0 : i64, scratch_operands = 5 : i64, tpu.core_type = #tpu.core_type<sc_vector_subcore>, window_params = [{transform_indices = #map}, {transform_indices = #map1}, {transform_indices = #map}]} {
    %mul3A = arith.constant 2 : i32
    %mul3A_0 = arith.muli %arg1, %mul3A : i32
    %add3A = arith.addi %mul3A_0, %arg0 : i32
    %mul3A_1 = arith.constant 131072 : i32
    %mul3A_2 = arith.muli %add3A, %mul3A_1 : i32
    %add3A_3 = arith.constant 0 : i32
    %add3A_4 = arith.addi %mul3A_2, %add3A_3 : i32
    %dma_start3A = arith.constant 0 : i32
    %dma_start3A_5 = arith.constant 0 : i32
    %dma_start3A_6 = arith.constant 0 : i32
    %dma_start3A_7 = tpu.memref_slice %arg5[%dma_start3A, %dma_start3A_6] : memref<2x8192xf32, #tpu.memory_space<vmem>> -> memref<1x8192xf32, #tpu.memory_space<vmem>>
    %dma_start3A_8 = tpu.memref_squeeze %dma_start3A_7 : memref<1x8192xf32, #tpu.memory_space<vmem>> -> memref<8192xf32, #tpu.memory_space<vmem>>
    %dma_start3A_9 = tpu.memref_slice %arg3[%add3A_4] : memref<8388608xf32, #tpu.memory_space<hbm>> -> memref<8192xf32, #tpu.memory_space<hbm>>
    %dma_start3A_10 = tpu.memref_slice %arg7[%dma_start3A_5] : memref<2x!tpu.dma_semaphore, #tpu.memory_space<semaphore_mem>> -> memref<1x!tpu.dma_semaphore, #tpu.memory_space<semaphore_mem>>
    %dma_start3A_11 = tpu.memref_squeeze %dma_start3A_10 : memref<1x!tpu.dma_semaphore, #tpu.memory_space<semaphore_mem>> -> memref<!tpu.dma_semaphore, #tpu.memory_space<semaphore_mem>>
    %dma_start3A_12 = arith.constant 0 : i32
    %dma_start3A_13 = tpu.memref_slice %arg5[%dma_start3A, %dma_start3A_12] : memref<2x8192xf32, #tpu.memory_space<vmem>> -> memref<1x8192xf32, #tpu.memory_space<vmem>>
    %dma_start3A_14 = tpu.memref_squeeze %dma_start3A_13 : memref<1x8192xf32, #tpu.memory_space<vmem>> -> memref<8192xf32, #tpu.memory_space<vmem>>
    %dma_start3A_15 = tpu.memref_slice %arg3[%add3A_4] : memref<8388608xf32, #tpu.memory_space<hbm>> -> memref<8192xf32, #tpu.memory_space<hbm>>
    tpu.enqueue_dma source(%dma_start3A_15 : memref<8192xf32, #tpu.memory_space<hbm>>) target(%dma_start3A_14 : memref<8192xf32, #tpu.memory_space<vmem>>) target_semaphore(%dma_start3A_11 : memref<!tpu.dma_semaphore, #tpu.memory_space<semaphore_mem>>)
    %add3A_16 = arith.constant 0 : i32
    %add3A_17 = arith.addi %mul3A_2, %add3A_16 : i32
    %dma_start3A_18 = arith.constant 0 : i32
    %dma_start3A_19 = arith.constant 0 : i32
    %dma_start3A_20 = arith.constant 0 : i32
    %dma_start3A_21 = arith.constant 0 : i32
    %dma_start3A_22 = tpu.memref_slice %arg6[%dma_start3A_19, %dma_start3A_21] : memref<8x8192xf32, #tpu.memory_space<vmem>> -> memref<1x8192xf32, #tpu.memory_space<vmem>>
    %dma_start3A_23 = tpu.memref_squeeze %dma_start3A_22 : memref<1x8192xf32, #tpu.memory_space<vmem>> -> memref<8192xf32, #tpu.memory_space<vmem>>
    %dma_start3A_24 = tpu.memref_slice %arg2[%dma_start3A_18, %add3A_17] : memref<4x4194304xf32, #tpu.memory_space<hbm>> -> memref<1x8192xf32, #tpu.memory_space<hbm>>
    %dma_start3A_25 = tpu.memref_squeeze %dma_start3A_24 : memref<1x8192xf32, #tpu.memory_space<hbm>> -> memref<8192xf32, #tpu.memory_space<hbm>>
    %dma_start3A_26 = tpu.memref_slice %arg8[%dma_start3A_20] : memref<8x!tpu.dma_semaphore, #tpu.memory_space<semaphore_mem>> -> memref<1x!tpu.dma_semaphore, #tpu.memory_space<semaphore_mem>>
    %dma_start3A_27 = tpu.memref_squeeze %dma_start3A_26 : memref<1x!tpu.dma_semaphore, #tpu.memory_space<semaphore_mem>> -> memref<!tpu.dma_semaphore, #tpu.memory_space<semaphore_mem>>
    %dma_start3A_28 = arith.constant 0 : i32
    %dma_start3A_29 = tpu.memref_slice %arg6[%dma_start3A_19, %dma_start3A_28] : memref<8x8192xf32, #tpu.memory_space<vmem>> -> memref<1x8192xf32, #tpu.memory_space<vmem>>
    %dma_start3A_30 = tpu.memref_squeeze %dma_start3A_29 : memref<1x8192xf32, #tpu.memory_space<vmem>> -> memref<8192xf32, #tpu.memory_space<vmem>>
    %dma_start3A_31 = tpu.memref_slice %arg2[%dma_start3A_18, %add3A_17] : memref<4x4194304xf32, #tpu.memory_space<hbm>> -> memref<1x8192xf32, #tpu.memory_space<hbm>>
    %dma_start3A_32 = tpu.memref_squeeze %dma_start3A_31 : memref<1x8192xf32, #tpu.memory_space<hbm>> -> memref<8192xf32, #tpu.memory_space<hbm>>
    tpu.enqueue_dma source(%dma_start3A_32 : memref<8192xf32, #tpu.memory_space<hbm>>) target(%dma_start3A_30 : memref<8192xf32, #tpu.memory_space<vmem>>) target_semaphore(%dma_start3A_27 : memref<!tpu.dma_semaphore, #tpu.memory_space<semaphore_mem>>)
    %add3A_33 = arith.constant 0 : i32
    %add3A_34 = arith.addi %mul3A_2, %add3A_33 : i32
    %dma_start3A_35 = arith.constant 1 : i32
    %dma_start3A_36 = arith.constant 1 : i32
    %dma_start3A_37 = arith.constant 1 : i32
    %dma_start3A_38 = arith.constant 0 : i32
    %dma_start3A_39 = tpu.memref_slice %arg6[%dma_start3A_36, %dma_start3A_38] : memref<8x8192xf32, #tpu.memory_space<vmem>> -> memref<1x8192xf32, #tpu.memory_space<vmem>>
    %dma_start3A_40 = tpu.memref_squeeze %dma_start3A_39 : memref<1x8192xf32, #tpu.memory_space<vmem>> -> memref<8192xf32, #tpu.memory_space<vmem>>
    %dma_start3A_41 = tpu.memref_slice %arg2[%dma_start3A_35, %add3A_34] : memref<4x4194304xf32, #tpu.memory_space<hbm>> -> memref<1x8192xf32, #tpu.memory_space<hbm>>
    %dma_start3A_42 = tpu.memref_squeeze %dma_start3A_41 : memref<1x8192xf32, #tpu.memory_space<hbm>> -> memref<8192xf32, #tpu.memory_space<hbm>>
    %dma_start3A_43 = tpu.memref_slice %arg8[%dma_start3A_37] : memref<8x!tpu.dma_semaphore, #tpu.memory_space<semaphore_mem>> -> memref<1x!tpu.dma_semaphore, #tpu.memory_space<semaphore_mem>>
    %dma_start3A_44 = tpu.memref_squeeze %dma_start3A_43 : memref<1x!tpu.dma_semaphore, #tpu.memory_space<semaphore_mem>> -> memref<!tpu.dma_semaphore, #tpu.memory_space<semaphore_mem>>
    %dma_start3A_45 = arith.constant 0 : i32
    %dma_start3A_46 = tpu.memref_slice %arg6[%dma_start3A_36, %dma_start3A_45] : memref<8x8192xf32, #tpu.memory_space<vmem>> -> memref<1x8192xf32, #tpu.memory_space<vmem>>
    %dma_start3A_47 = tpu.memref_squeeze %dma_start3A_46 : memref<1x8192xf32, #tpu.memory_space<vmem>> -> memref<8192xf32, #tpu.memory_space<vmem>>
    %dma_start3A_48 = tpu.memref_slice %arg2[%dma_start3A_35, %add3A_34] : memref<4x4194304xf32, #tpu.memory_space<hbm>> -> memref<1x8192xf32, #tpu.memory_space<hbm>>
    %dma_start3A_49 = tpu.memref_squeeze %dma_start3A_48 : memref<1x8192xf32, #tpu.memory_space<hbm>> -> memref<8192xf32, #tpu.memory_space<hbm>>
    tpu.enqueue_dma source(%dma_start3A_49 : memref<8192xf32, #tpu.memory_space<hbm>>) target(%dma_start3A_47 : memref<8192xf32, #tpu.memory_space<vmem>>) target_semaphore(%dma_start3A_44 : memref<!tpu.dma_semaphore, #tpu.memory_space<semaphore_mem>>)
    %add3A_50 = arith.constant 0 : i32
    %add3A_51 = arith.addi %mul3A_2, %add3A_50 : i32
    %dma_start3A_52 = arith.constant 2 : i32
    %dma_start3A_53 = arith.constant 2 : i32
    %dma_start3A_54 = arith.constant 2 : i32
    %dma_start3A_55 = arith.constant 0 : i32
    %dma_start3A_56 = tpu.memref_slice %arg6[%dma_start3A_53, %dma_start3A_55] : memref<8x8192xf32, #tpu.memory_space<vmem>> -> memref<1x8192xf32, #tpu.memory_space<vmem>>
    %dma_start3A_57 = tpu.memref_squeeze %dma_start3A_56 : memref<1x8192xf32, #tpu.memory_space<vmem>> -> memref<8192xf32, #tpu.memory_space<vmem>>
    %dma_start3A_58 = tpu.memref_slice %arg2[%dma_start3A_52, %add3A_51] : memref<4x4194304xf32, #tpu.memory_space<hbm>> -> memref<1x8192xf32, #tpu.memory_space<hbm>>
    %dma_start3A_59 = tpu.memref_squeeze %dma_start3A_58 : memref<1x8192xf32, #tpu.memory_space<hbm>> -> memref<8192xf32, #tpu.memory_space<hbm>>
    %dma_start3A_60 = tpu.memref_slice %arg8[%dma_start3A_54] : memref<8x!tpu.dma_semaphore, #tpu.memory_space<semaphore_mem>> -> memref<1x!tpu.dma_semaphore, #tpu.memory_space<semaphore_mem>>
    %dma_start3A_61 = tpu.memref_squeeze %dma_start3A_60 : memref<1x!tpu.dma_semaphore, #tpu.memory_space<semaphore_mem>> -> memref<!tpu.dma_semaphore, #tpu.memory_space<semaphore_mem>>
    %dma_start3A_62 = arith.constant 0 : i32
    %dma_start3A_63 = tpu.memref_slice %arg6[%dma_start3A_53, %dma_start3A_62] : memref<8x8192xf32, #tpu.memory_space<vmem>> -> memref<1x8192xf32, #tpu.memory_space<vmem>>
    %dma_start3A_64 = tpu.memref_squeeze %dma_start3A_63 : memref<1x8192xf32, #tpu.memory_space<vmem>> -> memref<8192xf32, #tpu.memory_space<vmem>>
    %dma_start3A_65 = tpu.memref_slice %arg2[%dma_start3A_52, %add3A_51] : memref<4x4194304xf32, #tpu.memory_space<hbm>> -> memref<1x8192xf32, #tpu.memory_space<hbm>>
    %dma_start3A_66 = tpu.memref_squeeze %dma_start3A_65 : memref<1x8192xf32, #tpu.memory_space<hbm>> -> memref<8192xf32, #tpu.memory_space<hbm>>
    tpu.enqueue_dma source(%dma_start3A_66 : memref<8192xf32, #tpu.memory_space<hbm>>) target(%dma_start3A_64 : memref<8192xf32, #tpu.memory_space<vmem>>) target_semaphore(%dma_start3A_61 : memref<!tpu.dma_semaphore, #tpu.memory_space<semaphore_mem>>)
    %add3A_67 = arith.constant 0 : i32
    %add3A_68 = arith.addi %mul3A_2, %add3A_67 : i32
    %dma_start3A_69 = arith.constant 3 : i32
    %dma_start3A_70 = arith.constant 3 : i32
    %dma_start3A_71 = arith.constant 3 : i32
    %dma_start3A_72 = arith.constant 0 : i32
    %dma_start3A_73 = tpu.memref_slice %arg6[%dma_start3A_70, %dma_start3A_72] : memref<8x8192xf32, #tpu.memory_space<vmem>> -> memref<1x8192xf32, #tpu.memory_space<vmem>>
    %dma_start3A_74 = tpu.memref_squeeze %dma_start3A_73 : memref<1x8192xf32, #tpu.memory_space<vmem>> -> memref<8192xf32, #tpu.memory_space<vmem>>
    %dma_start3A_75 = tpu.memref_slice %arg2[%dma_start3A_69, %add3A_68] : memref<4x4194304xf32, #tpu.memory_space<hbm>> -> memref<1x8192xf32, #tpu.memory_space<hbm>>
    %dma_start3A_76 = tpu.memref_squeeze %dma_start3A_75 : memref<1x8192xf32, #tpu.memory_space<hbm>> -> memref<8192xf32, #tpu.memory_space<hbm>>
    %dma_start3A_77 = tpu.memref_slice %arg8[%dma_start3A_71] : memref<8x!tpu.dma_semaphore, #tpu.memory_space<semaphore_mem>> -> memref<1x!tpu.dma_semaphore, #tpu.memory_space<semaphore_mem>>
    %dma_start3A_78 = tpu.memref_squeeze %dma_start3A_77 : memref<1x!tpu.dma_semaphore, #tpu.memory_space<semaphore_mem>> -> memref<!tpu.dma_semaphore, #tpu.memory_space<semaphore_mem>>
    %dma_start3A_79 = arith.constant 0 : i32
    %dma_start3A_80 = tpu.memref_slice %arg6[%dma_start3A_70, %dma_start3A_79] : memref<8x8192xf32, #tpu.memory_space<vmem>> -> memref<1x8192xf32, #tpu.memory_space<vmem>>
    %dma_start3A_81 = tpu.memref_squeeze %dma_start3A_80 : memref<1x8192xf32, #tpu.memory_space<vmem>> -> memref<8192xf32, #tpu.memory_space<vmem>>
    %dma_start3A_82 = tpu.memref_slice %arg2[%dma_start3A_69, %add3A_68] : memref<4x4194304xf32, #tpu.memory_space<hbm>> -> memref<1x8192xf32, #tpu.memory_space<hbm>>
    %dma_start3A_83 = tpu.memref_squeeze %dma_start3A_82 : memref<1x8192xf32, #tpu.memory_space<hbm>> -> memref<8192xf32, #tpu.memory_space<hbm>>
    tpu.enqueue_dma source(%dma_start3A_83 : memref<8192xf32, #tpu.memory_space<hbm>>) target(%dma_start3A_81 : memref<8192xf32, #tpu.memory_space<vmem>>) target_semaphore(%dma_start3A_78 : memref<!tpu.dma_semaphore, #tpu.memory_space<semaphore_mem>>)
    %scan3A = arith.constant 0 : i32
    %scan3A_84 = arith.constant 8 : i32
    %scan3A_85 = arith.addi %scan3A, %scan3A_84 : i32
    %scan3A_86 = arith.constant 1 : i32
    scf.for %scan3A_223 = %scan3A to %scan3A_85 step %scan3A_86  : i32 {
      %mul3A_224 = arith.constant 2 : i32
      %mul3A_225 = arith.muli %scan3A_223, %mul3A_224 : i32
      %add3A_226 = arith.constant 0 : i32
      %add3A_227 = arith.addi %mul3A_225, %add3A_226 : i32
      %add3A_228 = arith.constant 1 : i32
      %add3A_229 = arith.addi %add3A_227, %add3A_228 : i32
      %mul3A_230 = arith.constant 8192 : i32
      %mul3A_231 = arith.muli %add3A_229, %mul3A_230 : i32
      %add3A_232 = arith.addi %mul3A_2, %mul3A_231 : i32
      %dma_start3A_233 = arith.constant 1 : i32
      %dma_start3A_234 = arith.constant 1 : i32
      %dma_start3A_235 = arith.constant 0 : i32
      %dma_start3A_236 = tpu.memref_slice %arg5[%dma_start3A_233, %dma_start3A_235] : memref<2x8192xf32, #tpu.memory_space<vmem>> -> memref<1x8192xf32, #tpu.memory_space<vmem>>
      %dma_start3A_237 = tpu.memref_squeeze %dma_start3A_236 : memref<1x8192xf32, #tpu.memory_space<vmem>> -> memref<8192xf32, #tpu.memory_space<vmem>>
      %dma_start3A_238 = tpu.memref_slice %arg3[%add3A_232] : memref<8388608xf32, #tpu.memory_space<hbm>> -> memref<8192xf32, #tpu.memory_space<hbm>>
      %dma_start3A_239 = tpu.memref_slice %arg7[%dma_start3A_234] : memref<2x!tpu.dma_semaphore, #tpu.memory_space<semaphore_mem>> -> memref<1x!tpu.dma_semaphore, #tpu.memory_space<semaphore_mem>>
      %dma_start3A_240 = tpu.memref_squeeze %dma_start3A_239 : memref<1x!tpu.dma_semaphore, #tpu.memory_space<semaphore_mem>> -> memref<!tpu.dma_semaphore, #tpu.memory_space<semaphore_mem>>
      %dma_start3A_241 = arith.constant 0 : i32
      %dma_start3A_242 = tpu.memref_slice %arg5[%dma_start3A_233, %dma_start3A_241] : memref<2x8192xf32, #tpu.memory_space<vmem>> -> memref<1x8192xf32, #tpu.memory_space<vmem>>
      %dma_start3A_243 = tpu.memref_squeeze %dma_start3A_242 : memref<1x8192xf32, #tpu.memory_space<vmem>> -> memref<8192xf32, #tpu.memory_space<vmem>>
      %dma_start3A_244 = tpu.memref_slice %arg3[%add3A_232] : memref<8388608xf32, #tpu.memory_space<hbm>> -> memref<8192xf32, #tpu.memory_space<hbm>>
      tpu.enqueue_dma source(%dma_start3A_244 : memref<8192xf32, #tpu.memory_space<hbm>>) target(%dma_start3A_243 : memref<8192xf32, #tpu.memory_space<vmem>>) target_semaphore(%dma_start3A_240 : memref<!tpu.dma_semaphore, #tpu.memory_space<semaphore_mem>>)
      %mul3A_245 = arith.constant 8192 : i32
      %mul3A_246 = arith.muli %add3A_227, %mul3A_245 : i32
      %add3A_247 = arith.addi %mul3A_2, %mul3A_246 : i32
      %dma_wait3A_248 = arith.constant 0 : i32
      %dma_wait3A_249 = arith.constant 0 : i32
      %dma_wait3A_250 = arith.constant 0 : i32
      %dma_wait3A_251 = tpu.memref_slice %arg5[%dma_wait3A_248, %dma_wait3A_250] : memref<2x8192xf32, #tpu.memory_space<vmem>> -> memref<1x8192xf32, #tpu.memory_space<vmem>>
      %dma_wait3A_252 = tpu.memref_squeeze %dma_wait3A_251 : memref<1x8192xf32, #tpu.memory_space<vmem>> -> memref<8192xf32, #tpu.memory_space<vmem>>
      %dma_wait3A_253 = tpu.memref_slice %arg3[%add3A_247] : memref<8388608xf32, #tpu.memory_space<hbm>> -> memref<8192xf32, #tpu.memory_space<hbm>>
      %dma_wait3A_254 = tpu.memref_slice %arg7[%dma_wait3A_249] : memref<2x!tpu.dma_semaphore, #tpu.memory_space<semaphore_mem>> -> memref<1x!tpu.dma_semaphore, #tpu.memory_space<semaphore_mem>>
      %dma_wait3A_255 = tpu.memref_squeeze %dma_wait3A_254 : memref<1x!tpu.dma_semaphore, #tpu.memory_space<semaphore_mem>> -> memref<!tpu.dma_semaphore, #tpu.memory_space<semaphore_mem>>
      %dma_wait3A_256 = arith.constant 0 : i32
      %dma_wait3A_257 = tpu.memref_slice %arg5[%dma_wait3A_248, %dma_wait3A_256] : memref<2x8192xf32, #tpu.memory_space<vmem>> -> memref<1x8192xf32, #tpu.memory_space<vmem>>
      %dma_wait3A_258 = tpu.memref_squeeze %dma_wait3A_257 : memref<1x8192xf32, #tpu.memory_space<vmem>> -> memref<8192xf32, #tpu.memory_space<vmem>>
      %dma_wait3A_259 = tpu.memref_slice %arg3[%add3A_247] : memref<8388608xf32, #tpu.memory_space<hbm>> -> memref<8192xf32, #tpu.memory_space<hbm>>
      tpu.wait_dma2 semaphore(%dma_wait3A_255 : memref<!tpu.dma_semaphore, #tpu.memory_space<semaphore_mem>>) src(%dma_wait3A_259 : memref<8192xf32, #tpu.memory_space<hbm>>) dst(%dma_wait3A_258 : memref<8192xf32, #tpu.memory_space<vmem>>)
      %ge3A = arith.constant 1 : i32
      %ge3A_260 = arith.cmpi sge, %scan3A_223, %ge3A : i32
      %convert_element_type3A = arith.extui %ge3A_260 : i1 to i32
      %cond3A = arith.constant 0 : i32
      %cond3A_261 = arith.cmpi ne, %convert_element_type3A, %cond3A : i32
      scf.if %cond3A_261 {
        %sub3A = arith.constant 1 : i32
        %sub3A_728 = arith.subi %add3A_227, %sub3A : i32
        %mul3A_729 = arith.constant 8192 : i32
        %mul3A_730 = arith.muli %sub3A_728, %mul3A_729 : i32
        %add3A_731 = arith.addi %mul3A_2, %mul3A_730 : i32
        %dma_wait3A_732 = arith.constant 4 : i32
        %dma_wait3A_733 = arith.constant 0 : i32
        %dma_wait3A_734 = arith.constant 4 : i32
        %dma_wait3A_735 = arith.constant 0 : i32
        %dma_wait3A_736 = tpu.memref_slice %arg6[%dma_wait3A_732, %dma_wait3A_735] : memref<8x8192xf32, #tpu.memory_space<vmem>> -> memref<1x8192xf32, #tpu.memory_space<vmem>>
        %dma_wait3A_737 = tpu.memref_squeeze %dma_wait3A_736 : memref<1x8192xf32, #tpu.memory_space<vmem>> -> memref<8192xf32, #tpu.memory_space<vmem>>
        %dma_wait3A_738 = tpu.memref_slice %arg4[%dma_wait3A_733, %add3A_731] : memref<4x4194304xf32, #tpu.memory_space<hbm>> -> memref<1x8192xf32, #tpu.memory_space<hbm>>
        %dma_wait3A_739 = tpu.memref_squeeze %dma_wait3A_738 : memref<1x8192xf32, #tpu.memory_space<hbm>> -> memref<8192xf32, #tpu.memory_space<hbm>>
        %dma_wait3A_740 = tpu.memref_slice %arg9[%dma_wait3A_734] : memref<8x!tpu.dma_semaphore, #tpu.memory_space<semaphore_mem>> -> memref<1x!tpu.dma_semaphore, #tpu.memory_space<semaphore_mem>>
        %dma_wait3A_741 = tpu.memref_squeeze %dma_wait3A_740 : memref<1x!tpu.dma_semaphore, #tpu.memory_space<semaphore_mem>> -> memref<!tpu.dma_semaphore, #tpu.memory_space<semaphore_mem>>
        %dma_wait3A_742 = tpu.memref_slice %arg4[%dma_wait3A_733, %add3A_731] : memref<4x4194304xf32, #tpu.memory_space<hbm>> -> memref<1x8192xf32, #tpu.memory_space<hbm>>
        %dma_wait3A_743 = tpu.memref_squeeze %dma_wait3A_742 : memref<1x8192xf32, #tpu.memory_space<hbm>> -> memref<8192xf32, #tpu.memory_space<hbm>>
        %dma_wait3A_744 = arith.constant 0 : i32
        %dma_wait3A_745 = tpu.memref_slice %arg6[%dma_wait3A_732, %dma_wait3A_744] : memref<8x8192xf32, #tpu.memory_space<vmem>> -> memref<1x8192xf32, #tpu.memory_space<vmem>>
        %dma_wait3A_746 = tpu.memref_squeeze %dma_wait3A_745 : memref<1x8192xf32, #tpu.memory_space<vmem>> -> memref<8192xf32, #tpu.memory_space<vmem>>
        tpu.wait_dma2 semaphore(%dma_wait3A_741 : memref<!tpu.dma_semaphore, #tpu.memory_space<semaphore_mem>>) src(%dma_wait3A_746 : memref<8192xf32, #tpu.memory_space<vmem>>) dst(%dma_wait3A_743 : memref<8192xf32, #tpu.memory_space<hbm>>)
      } else {
      }
      %add3A_262 = arith.constant 1 : i32
      %add3A_263 = arith.addi %add3A_227, %add3A_262 : i32
      %mul3A_264 = arith.constant 8192 : i32
      %mul3A_265 = arith.muli %add3A_263, %mul3A_264 : i32
      %add3A_266 = arith.addi %mul3A_2, %mul3A_265 : i32
      %dma_start3A_267 = arith.constant 0 : i32
      %dma_start3A_268 = arith.constant 4 : i32
      %dma_start3A_269 = arith.constant 4 : i32
      %dma_start3A_270 = arith.constant 0 : i32
      %dma_start3A_271 = tpu.memref_slice %arg6[%dma_start3A_268, %dma_start3A_270] : memref<8x8192xf32, #tpu.memory_space<vmem>> -> memref<1x8192xf32, #tpu.memory_space<vmem>>
      %dma_start3A_272 = tpu.memref_squeeze %dma_start3A_271 : memref<1x8192xf32, #tpu.memory_space<vmem>> -> memref<8192xf32, #tpu.memory_space<vmem>>
      %dma_start3A_273 = tpu.memref_slice %arg2[%dma_start3A_267, %add3A_266] : memref<4x4194304xf32, #tpu.memory_space<hbm>> -> memref<1x8192xf32, #tpu.memory_space<hbm>>
      %dma_start3A_274 = tpu.memref_squeeze %dma_start3A_273 : memref<1x8192xf32, #tpu.memory_space<hbm>> -> memref<8192xf32, #tpu.memory_space<hbm>>
      %dma_start3A_275 = tpu.memref_slice %arg8[%dma_start3A_269] : memref<8x!tpu.dma_semaphore, #tpu.memory_space<semaphore_mem>> -> memref<1x!tpu.dma_semaphore, #tpu.memory_space<semaphore_mem>>
      %dma_start3A_276 = tpu.memref_squeeze %dma_start3A_275 : memref<1x!tpu.dma_semaphore, #tpu.memory_space<semaphore_mem>> -> memref<!tpu.dma_semaphore, #tpu.memory_space<semaphore_mem>>
      %dma_start3A_277 = arith.constant 0 : i32
      %dma_start3A_278 = tpu.memref_slice %arg6[%dma_start3A_268, %dma_start3A_277] : memref<8x8192xf32, #tpu.memory_space<vmem>> -> memref<1x8192xf32, #tpu.memory_space<vmem>>
      %dma_start3A_279 = tpu.memref_squeeze %dma_start3A_278 : memref<1x8192xf32, #tpu.memory_space<vmem>> -> memref<8192xf32, #tpu.memory_space<vmem>>
      %dma_start3A_280 = tpu.memref_slice %arg2[%dma_start3A_267, %add3A_266] : memref<4x4194304xf32, #tpu.memory_space<hbm>> -> memref<1x8192xf32, #tpu.memory_space<hbm>>
      %dma_start3A_281 = tpu.memref_squeeze %dma_start3A_280 : memref<1x8192xf32, #tpu.memory_space<hbm>> -> memref<8192xf32, #tpu.memory_space<hbm>>
      tpu.enqueue_dma source(%dma_start3A_281 : memref<8192xf32, #tpu.memory_space<hbm>>) target(%dma_start3A_279 : memref<8192xf32, #tpu.memory_space<vmem>>) target_semaphore(%dma_start3A_276 : memref<!tpu.dma_semaphore, #tpu.memory_space<semaphore_mem>>)
      %mul3A_282 = arith.constant 8192 : i32
      %mul3A_283 = arith.muli %add3A_227, %mul3A_282 : i32
      %add3A_284 = arith.addi %mul3A_2, %mul3A_283 : i32
      %dma_wait3A_285 = arith.constant 0 : i32
      %dma_wait3A_286 = arith.constant 0 : i32
      %dma_wait3A_287 = arith.constant 0 : i32
      %dma_wait3A_288 = arith.constant 0 : i32
      %dma_wait3A_289 = tpu.memref_slice %arg6[%dma_wait3A_286, %dma_wait3A_288] : memref<8x8192xf32, #tpu.memory_space<vmem>> -> memref<1x8192xf32, #tpu.memory_space<vmem>>
      %dma_wait3A_290 = tpu.memref_squeeze %dma_wait3A_289 : memref<1x8192xf32, #tpu.memory_space<vmem>> -> memref<8192xf32, #tpu.memory_space<vmem>>
      %dma_wait3A_291 = tpu.memref_slice %arg2[%dma_wait3A_285, %add3A_284] : memref<4x4194304xf32, #tpu.memory_space<hbm>> -> memref<1x8192xf32, #tpu.memory_space<hbm>>
      %dma_wait3A_292 = tpu.memref_squeeze %dma_wait3A_291 : memref<1x8192xf32, #tpu.memory_space<hbm>> -> memref<8192xf32, #tpu.memory_space<hbm>>
      %dma_wait3A_293 = tpu.memref_slice %arg8[%dma_wait3A_287] : memref<8x!tpu.dma_semaphore, #tpu.memory_space<semaphore_mem>> -> memref<1x!tpu.dma_semaphore, #tpu.memory_space<semaphore_mem>>
      %dma_wait3A_294 = tpu.memref_squeeze %dma_wait3A_293 : memref<1x!tpu.dma_semaphore, #tpu.memory_space<semaphore_mem>> -> memref<!tpu.dma_semaphore, #tpu.memory_space<semaphore_mem>>
      %dma_wait3A_295 = arith.constant 0 : i32
      %dma_wait3A_296 = tpu.memref_slice %arg6[%dma_wait3A_286, %dma_wait3A_295] : memref<8x8192xf32, #tpu.memory_space<vmem>> -> memref<1x8192xf32, #tpu.memory_space<vmem>>
      %dma_wait3A_297 = tpu.memref_squeeze %dma_wait3A_296 : memref<1x8192xf32, #tpu.memory_space<vmem>> -> memref<8192xf32, #tpu.memory_space<vmem>>
      %dma_wait3A_298 = tpu.memref_slice %arg2[%dma_wait3A_285, %add3A_284] : memref<4x4194304xf32, #tpu.memory_space<hbm>> -> memref<1x8192xf32, #tpu.memory_space<hbm>>
      %dma_wait3A_299 = tpu.memref_squeeze %dma_wait3A_298 : memref<1x8192xf32, #tpu.memory_space<hbm>> -> memref<8192xf32, #tpu.memory_space<hbm>>
      tpu.wait_dma2 semaphore(%dma_wait3A_294 : memref<!tpu.dma_semaphore, #tpu.memory_space<semaphore_mem>>) src(%dma_wait3A_299 : memref<8192xf32, #tpu.memory_space<hbm>>) dst(%dma_wait3A_297 : memref<8192xf32, #tpu.memory_space<vmem>>)
      %scan3A_300 = arith.constant 0 : i32
      %scan3A_301 = arith.constant 512 : i32
      %scan3A_302 = arith.addi %scan3A_300, %scan3A_301 : i32
      %scan3A_303 = arith.constant 8 : i32
      scf.for %scan3A_728 = %scan3A_300 to %scan3A_302 step %scan3A_303  : i32 {
        %mul3A_729 = arith.constant 16 : i32
        %mul3A_730 = arith.muli %scan3A_728, %mul3A_729 : i32
        %get3A = arith.constant 0 : i32
        %get3A_731 = arith.index_cast %get3A : i32 to index
        %get3A_732 = arith.index_cast %mul3A_730 : i32 to index
        %get3A_733 = tpu.vector_load %arg6[%get3A_731, %get3A_732] {strides = array<i32>} : memref<8x8192xf32, #tpu.memory_space<vmem>>, vector<1x16xf32>,
        %get3A_734 = vector.shape_cast %get3A_733 : vector<1x16xf32> to vector<16xf32>
        %get3A_735 = arith.constant 0 : i32
        %get3A_736 = arith.index_cast %get3A_735 : i32 to index
        %get3A_737 = arith.index_cast %mul3A_730 : i32 to index
        %get3A_738 = tpu.vector_load %arg5[%get3A_736, %get3A_737] {strides = array<i32>} : memref<2x8192xf32, #tpu.memory_space<vmem>>, vector<1x16xf32>,
        %get3A_739 = vector.shape_cast %get3A_738 : vector<1x16xf32> to vector<16xf32>
        %add3A_740 = arith.addf %get3A_734, %get3A_739 : vector<16xf32>
        %swap3A = arith.constant 0 : i32
        %swap3A_741 = arith.index_cast %swap3A : i32 to index
        %swap3A_742 = arith.index_cast %mul3A_730 : i32 to index
        %swap3A_743 = tpu.vector_load %arg6[%swap3A_741, %swap3A_742] {strides = array<i32>} : memref<8x8192xf32, #tpu.memory_space<vmem>>, vector<1x16xf32>,
        %swap3A_744 = vector.shape_cast %swap3A_743 : vector<1x16xf32> to vector<16xf32>
        %swap3A_745 = vector.shape_cast %add3A_740 : vector<16xf32> to vector<1x16xf32>
        tpu.vector_store %arg6[%swap3A_741, %swap3A_742], %swap3A_745 {strides = array<i32>} : memref<8x8192xf32, #tpu.memory_space<vmem>>, vector<1x16xf32>,
        %scan3A_746 = arith.constant 1 : i32
        %scan3A_747 = arith.addi %scan3A_728, %scan3A_746 : i32
        %mul3A_748 = arith.constant 16 : i32
        %mul3A_749 = arith.muli %scan3A_747, %mul3A_748 : i32
        %get3A_750 = arith.constant 0 : i32
        %get3A_751 = arith.index_cast %get3A_750 : i32 to index
        %get3A_752 = arith.index_cast %mul3A_749 : i32 to index
        %get3A_753 = tpu.vector_load %arg6[%get3A_751, %get3A_752] {strides = array<i32>} : memref<8x8192xf32, #tpu.memory_space<vmem>>, vector<1x16xf32>,
        %get3A_754 = vector.shape_cast %get3A_753 : vector<1x16xf32> to vector<16xf32>
        %get3A_755 = arith.constant 0 : i32
        %get3A_756 = arith.index_cast %get3A_755 : i32 to index
        %get3A_757 = arith.index_cast %mul3A_749 : i32 to index
        %get3A_758 = tpu.vector_load %arg5[%get3A_756, %get3A_757] {strides = array<i32>} : memref<2x8192xf32, #tpu.memory_space<vmem>>, vector<1x16xf32>,
        %get3A_759 = vector.shape_cast %get3A_758 : vector<1x16xf32> to vector<16xf32>
        %add3A_760 = arith.addf %get3A_754, %get3A_759 : vector<16xf32>
        %swap3A_761 = arith.constant 0 : i32
        %swap3A_762 = arith.index_cast %swap3A_761 : i32 to index
        %swap3A_763 = arith.index_cast %mul3A_749 : i32 to index
        %swap3A_764 = tpu.vector_load %arg6[%swap3A_762, %swap3A_763] {strides = array<i32>} : memref<8x8192xf32, #tpu.memory_space<vmem>>, vector<1x16xf32>,
        %swap3A_765 = vector.shape_cast %swap3A_764 : vector<1x16xf32> to vector<16xf32>
        %swap3A_766 = vector.shape_cast %add3A_760 : vector<16xf32> to vector<1x16xf32>
        tpu.vector_store %arg6[%swap3A_762, %swap3A_763], %swap3A_766 {strides = array<i32>} : memref<8x8192xf32, #tpu.memory_space<vmem>>, vector<1x16xf32>,
        %scan3A_767 = arith.constant 2 : i32
        %scan3A_768 = arith.addi %scan3A_728, %scan3A_767 : i32
        %mul3A_769 = arith.constant 16 : i32
        %mul3A_770 = arith.muli %scan3A_768, %mul3A_769 : i32
        %get3A_771 = arith.constant 0 : i32
        %get3A_772 = arith.index_cast %get3A_771 : i32 to index
        %get3A_773 = arith.index_cast %mul3A_770 : i32 to index
        %get3A_774 = tpu.vector_load %arg6[%get3A_772, %get3A_773] {strides = array<i32>} : memref<8x8192xf32, #tpu.memory_space<vmem>>, vector<1x16xf32>,
        %get3A_775 = vector.shape_cast %get3A_774 : vector<1x16xf32> to vector<16xf32>
        %get3A_776 = arith.constant 0 : i32
        %get3A_777 = arith.index_cast %get3A_776 : i32 to index
        %get3A_778 = arith.index_cast %mul3A_770 : i32 to index
        %get3A_779 = tpu.vector_load %arg5[%get3A_777, %get3A_778] {strides = array<i32>} : memref<2x8192xf32, #tpu.memory_space<vmem>>, vector<1x16xf32>,
        %get3A_780 = vector.shape_cast %get3A_779 : vector<1x16xf32> to vector<16xf32>
        %add3A_781 = arith.addf %get3A_775, %get3A_780 : vector<16xf32>
        %swap3A_782 = arith.constant 0 : i32
        %swap3A_783 = arith.index_cast %swap3A_782 : i32 to index
        %swap3A_784 = arith.index_cast %mul3A_770 : i32 to index
        %swap3A_785 = tpu.vector_load %arg6[%swap3A_783, %swap3A_784] {strides = array<i32>} : memref<8x8192xf32, #tpu.memory_space<vmem>>, vector<1x16xf32>,
        %swap3A_786 = vector.shape_cast %swap3A_785 : vector<1x16xf32> to vector<16xf32>
        %swap3A_787 = vector.shape_cast %add3A_781 : vector<16xf32> to vector<1x16xf32>
        tpu.vector_store %arg6[%swap3A_783, %swap3A_784], %swap3A_787 {strides = array<i32>} : memref<8x8192xf32, #tpu.memory_space<vmem>>, vector<1x16xf32>,
        %scan3A_788 = arith.constant 3 : i32
        %scan3A_789 = arith.addi %scan3A_728, %scan3A_788 : i32
        %mul3A_790 = arith.constant 16 : i32
        %mul3A_791 = arith.muli %scan3A_789, %mul3A_790 : i32
        %get3A_792 = arith.constant 0 : i32
        %get3A_793 = arith.index_cast %get3A_792 : i32 to index
        %get3A_794 = arith.index_cast %mul3A_791 : i32 to index
        %get3A_795 = tpu.vector_load %arg6[%get3A_793, %get3A_794] {strides = array<i32>} : memref<8x8192xf32, #tpu.memory_space<vmem>>, vector<1x16xf32>,
        %get3A_796 = vector.shape_cast %get3A_795 : vector<1x16xf32> to vector<16xf32>
        %get3A_797 = arith.constant 0 : i32
        %get3A_798 = arith.index_cast %get3A_797 : i32 to index
        %get3A_799 = arith.index_cast %mul3A_791 : i32 to index
        %get3A_800 = tpu.vector_load %arg5[%get3A_798, %get3A_799] {strides = array<i32>} : memref<2x8192xf32, #tpu.memory_space<vmem>>, vector<1x16xf32>,
        %get3A_801 = vector.shape_cast %get3A_800 : vector<1x16xf32> to vector<16xf32>
        %add3A_802 = arith.addf %get3A_796, %get3A_801 : vector<16xf32>
        %swap3A_803 = arith.constant 0 : i32
        %swap3A_804 = arith.index_cast %swap3A_803 : i32 to index
        %swap3A_805 = arith.index_cast %mul3A_791 : i32 to index
        %swap3A_806 = tpu.vector_load %arg6[%swap3A_804, %swap3A_805] {strides = array<i32>} : memref<8x8192xf32, #tpu.memory_space<vmem>>, vector<1x16xf32>,
        %swap3A_807 = vector.shape_cast %swap3A_806 : vector<1x16xf32> to vector<16xf32>
        %swap3A_808 = vector.shape_cast %add3A_802 : vector<16xf32> to vector<1x16xf32>
        tpu.vector_store %arg6[%swap3A_804, %swap3A_805], %swap3A_808 {strides = array<i32>} : memref<8x8192xf32, #tpu.memory_space<vmem>>, vector<1x16xf32>,
        %scan3A_809 = arith.constant 4 : i32
        %scan3A_810 = arith.addi %scan3A_728, %scan3A_809 : i32
        %mul3A_811 = arith.constant 16 : i32
        %mul3A_812 = arith.muli %scan3A_810, %mul3A_811 : i32
        %get3A_813 = arith.constant 0 : i32
        %get3A_814 = arith.index_cast %get3A_813 : i32 to index
        %get3A_815 = arith.index_cast %mul3A_812 : i32 to index
        %get3A_816 = tpu.vector_load %arg6[%get3A_814, %get3A_815] {strides = array<i32>} : memref<8x8192xf32, #tpu.memory_space<vmem>>, vector<1x16xf32>,
        %get3A_817 = vector.shape_cast %get3A_816 : vector<1x16xf32> to vector<16xf32>
        %get3A_818 = arith.constant 0 : i32
        %get3A_819 = arith.index_cast %get3A_818 : i32 to index
        %get3A_820 = arith.index_cast %mul3A_812 : i32 to index
        %get3A_821 = tpu.vector_load %arg5[%get3A_819, %get3A_820] {strides = array<i32>} : memref<2x8192xf32, #tpu.memory_space<vmem>>, vector<1x16xf32>,
        %get3A_822 = vector.shape_cast %get3A_821 : vector<1x16xf32> to vector<16xf32>
        %add3A_823 = arith.addf %get3A_817, %get3A_822 : vector<16xf32>
        %swap3A_824 = arith.constant 0 : i32
        %swap3A_825 = arith.index_cast %swap3A_824 : i32 to index
        %swap3A_826 = arith.index_cast %mul3A_812 : i32 to index
        %swap3A_827 = tpu.vector_load %arg6[%swap3A_825, %swap3A_826] {strides = array<i32>} : memref<8x8192xf32, #tpu.memory_space<vmem>>, vector<1x16xf32>,
        %swap3A_828 = vector.shape_cast %swap3A_827 : vector<1x16xf32> to vector<16xf32>
        %swap3A_829 = vector.shape_cast %add3A_823 : vector<16xf32> to vector<1x16xf32>
        tpu.vector_store %arg6[%swap3A_825, %swap3A_826], %swap3A_829 {strides = array<i32>} : memref<8x8192xf32, #tpu.memory_space<vmem>>, vector<1x16xf32>,
        %scan3A_830 = arith.constant 5 : i32
        %scan3A_831 = arith.addi %scan3A_728, %scan3A_830 : i32
        %mul3A_832 = arith.constant 16 : i32
        %mul3A_833 = arith.muli %scan3A_831, %mul3A_832 : i32
        %get3A_834 = arith.constant 0 : i32
        %get3A_835 = arith.index_cast %get3A_834 : i32 to index
        %get3A_836 = arith.index_cast %mul3A_833 : i32 to index
        %get3A_837 = tpu.vector_load %arg6[%get3A_835, %get3A_836] {strides = array<i32>} : memref<8x8192xf32, #tpu.memory_space<vmem>>, vector<1x16xf32>,
        %get3A_838 = vector.shape_cast %get3A_837 : vector<1x16xf32> to vector<16xf32>
        %get3A_839 = arith.constant 0 : i32
        %get3A_840 = arith.index_cast %get3A_839 : i32 to index
        %get3A_841 = arith.index_cast %mul3A_833 : i32 to index
        %get3A_842 = tpu.vector_load %arg5[%get3A_840, %get3A_841] {strides = array<i32>} : memref<2x8192xf32, #tpu.memory_space<vmem>>, vector<1x16xf32>,
        %get3A_843 = vector.shape_cast %get3A_842 : vector<1x16xf32> to vector<16xf32>
        %add3A_844 = arith.addf %get3A_838, %get3A_843 : vector<16xf32>
        %swap3A_845 = arith.constant 0 : i32
        %swap3A_846 = arith.index_cast %swap3A_845 : i32 to index
        %swap3A_847 = arith.index_cast %mul3A_833 : i32 to index
        %swap3A_848 = tpu.vector_load %arg6[%swap3A_846, %swap3A_847] {strides = array<i32>} : memref<8x8192xf32, #tpu.memory_space<vmem>>, vector<1x16xf32>,
        %swap3A_849 = vector.shape_cast %swap3A_848 : vector<1x16xf32> to vector<16xf32>
        %swap3A_850 = vector.shape_cast %add3A_844 : vector<16xf32> to vector<1x16xf32>
        tpu.vector_store %arg6[%swap3A_846, %swap3A_847], %swap3A_850 {strides = array<i32>} : memref<8x8192xf32, #tpu.memory_space<vmem>>, vector<1x16xf32>,
        %scan3A_851 = arith.constant 6 : i32
        %scan3A_852 = arith.addi %scan3A_728, %scan3A_851 : i32
        %mul3A_853 = arith.constant 16 : i32
        %mul3A_854 = arith.muli %scan3A_852, %mul3A_853 : i32
        %get3A_855 = arith.constant 0 : i32
        %get3A_856 = arith.index_cast %get3A_855 : i32 to index
        %get3A_857 = arith.index_cast %mul3A_854 : i32 to index
        %get3A_858 = tpu.vector_load %arg6[%get3A_856, %get3A_857] {strides = array<i32>} : memref<8x8192xf32, #tpu.memory_space<vmem>>, vector<1x16xf32>,
        %get3A_859 = vector.shape_cast %get3A_858 : vector<1x16xf32> to vector<16xf32>
        %get3A_860 = arith.constant 0 : i32
        %get3A_861 = arith.index_cast %get3A_860 : i32 to index
        %get3A_862 = arith.index_cast %mul3A_854 : i32 to index
        %get3A_863 = tpu.vector_load %arg5[%get3A_861, %get3A_862] {strides = array<i32>} : memref<2x8192xf32, #tpu.memory_space<vmem>>, vector<1x16xf32>,
        %get3A_864 = vector.shape_cast %get3A_863 : vector<1x16xf32> to vector<16xf32>
        %add3A_865 = arith.addf %get3A_859, %get3A_864 : vector<16xf32>
        %swap3A_866 = arith.constant 0 : i32
        %swap3A_867 = arith.index_cast %swap3A_866 : i32 to index
        %swap3A_868 = arith.index_cast %mul3A_854 : i32 to index
        %swap3A_869 = tpu.vector_load %arg6[%swap3A_867, %swap3A_868] {strides = array<i32>} : memref<8x8192xf32, #tpu.memory_space<vmem>>, vector<1x16xf32>,
        %swap3A_870 = vector.shape_cast %swap3A_869 : vector<1x16xf32> to vector<16xf32>
        %swap3A_871 = vector.shape_cast %add3A_865 : vector<16xf32> to vector<1x16xf32>
        tpu.vector_store %arg6[%swap3A_867, %swap3A_868], %swap3A_871 {strides = array<i32>} : memref<8x8192xf32, #tpu.memory_space<vmem>>, vector<1x16xf32>,
        %scan3A_872 = arith.constant 7 : i32
        %scan3A_873 = arith.addi %scan3A_728, %scan3A_872 : i32
        %mul3A_874 = arith.constant 16 : i32
        %mul3A_875 = arith.muli %scan3A_873, %mul3A_874 : i32
        %get3A_876 = arith.constant 0 : i32
        %get3A_877 = arith.index_cast %get3A_876 : i32 to index
        %get3A_878 = arith.index_cast %mul3A_875 : i32 to index
        %get3A_879 = tpu.vector_load %arg6[%get3A_877, %get3A_878] {strides = array<i32>} : memref<8x8192xf32, #tpu.memory_space<vmem>>, vector<1x16xf32>,
        %get3A_880 = vector.shape_cast %get3A_879 : vector<1x16xf32> to vector<16xf32>
        %get3A_881 = arith.constant 0 : i32
        %get3A_882 = arith.index_cast %get3A_881 : i32 to index
        %get3A_883 = arith.index_cast %mul3A_875 : i32 to index
        %get3A_884 = tpu.vector_load %arg5[%get3A_882, %get3A_883] {strides = array<i32>} : memref<2x8192xf32, #tpu.memory_space<vmem>>, vector<1x16xf32>,
        %get3A_885 = vector.shape_cast %get3A_884 : vector<1x16xf32> to vector<16xf32>
        %add3A_886 = arith.addf %get3A_880, %get3A_885 : vector<16xf32>
        %swap3A_887 = arith.constant 0 : i32
        %swap3A_888 = arith.index_cast %swap3A_887 : i32 to index
        %swap3A_889 = arith.index_cast %mul3A_875 : i32 to index
        %swap3A_890 = tpu.vector_load %arg6[%swap3A_888, %swap3A_889] {strides = array<i32>} : memref<8x8192xf32, #tpu.memory_space<vmem>>, vector<1x16xf32>,
        %swap3A_891 = vector.shape_cast %swap3A_890 : vector<1x16xf32> to vector<16xf32>
        %swap3A_892 = vector.shape_cast %add3A_886 : vector<16xf32> to vector<1x16xf32>
        tpu.vector_store %arg6[%swap3A_888, %swap3A_889], %swap3A_892 {strides = array<i32>} : memref<8x8192xf32, #tpu.memory_space<vmem>>, vector<1x16xf32>,
      }
      %scan3A_304 = arith.constant 512 : i32
      %mul3A_305 = arith.constant 8192 : i32
      %mul3A_306 = arith.muli %add3A_227, %mul3A_305 : i32
      %add3A_307 = arith.addi %mul3A_2, %mul3A_306 : i32
      %dma_start3A_308 = arith.constant 0 : i32
      %dma_start3A_309 = arith.constant 0 : i32
      %dma_start3A_310 = arith.constant 0 : i32
      %dma_start3A_311 = arith.constant 0 : i32
      %dma_start3A_312 = tpu.memref_slice %arg6[%dma_start3A_308, %dma_start3A_311] : memref<8x8192xf32, #tpu.memory_space<vmem>> -> memref<1x8192xf32, #tpu.memory_space<vmem>>
      %dma_start3A_313 = tpu.memref_squeeze %dma_start3A_312 : memref<1x8192xf32, #tpu.memory_space<vmem>> -> memref<8192xf32, #tpu.memory_space<vmem>>
      %dma_start3A_314 = tpu.memref_slice %arg4[%dma_start3A_309, %add3A_307] : memref<4x4194304xf32, #tpu.memory_space<hbm>> -> memref<1x8192xf32, #tpu.memory_space<hbm>>
      %dma_start3A_315 = tpu.memref_squeeze %dma_start3A_314 : memref<1x8192xf32, #tpu.memory_space<hbm>> -> memref<8192xf32, #tpu.memory_space<hbm>>
      %dma_start3A_316 = tpu.memref_slice %arg9[%dma_start3A_310] : memref<8x!tpu.dma_semaphore, #tpu.memory_space<semaphore_mem>> -> memref<1x!tpu.dma_semaphore, #tpu.memory_space<semaphore_mem>>
      %dma_start3A_317 = tpu.memref_squeeze %dma_start3A_316 : memref<1x!tpu.dma_semaphore, #tpu.memory_space<semaphore_mem>> -> memref<!tpu.dma_semaphore, #tpu.memory_space<semaphore_mem>>
      %dma_start3A_318 = tpu.memref_slice %arg4[%dma_start3A_309, %add3A_307] : memref<4x4194304xf32, #tpu.memory_space<hbm>> -> memref<1x8192xf32, #tpu.memory_space<hbm>>
      %dma_start3A_319 = tpu.memref_squeeze %dma_start3A_318 : memref<1x8192xf32, #tpu.memory_space<hbm>> -> memref<8192xf32, #tpu.memory_space<hbm>>
      %dma_start3A_320 = arith.constant 0 : i32
      %dma_start3A_321 = tpu.memref_slice %arg6[%dma_start3A_308, %dma_start3A_320] : memref<8x8192xf32, #tpu.memory_space<vmem>> -> memref<1x8192xf32, #tpu.memory_space<vmem>>
      %dma_start3A_322 = tpu.memref_squeeze %dma_start3A_321 : memref<1x8192xf32, #tpu.memory_space<vmem>> -> memref<8192xf32, #tpu.memory_space<vmem>>
      tpu.enqueue_dma source(%dma_start3A_322 : memref<8192xf32, #tpu.memory_space<vmem>>) target(%dma_start3A_319 : memref<8192xf32, #tpu.memory_space<hbm>>) target_semaphore(%dma_start3A_317 : memref<!tpu.dma_semaphore, #tpu.memory_space<semaphore_mem>>)
      %ge3A_323 = arith.constant 1 : i32
      %ge3A_324 = arith.cmpi sge, %scan3A_223, %ge3A_323 : i32
      %convert_element_type3A_325 = arith.extui %ge3A_324 : i1 to i32
      %cond3A_326 = arith.constant 0 : i32
      %cond3A_327 = arith.cmpi ne, %convert_element_type3A_325, %cond3A_326 : i32
      scf.if %cond3A_327 {
        %sub3A = arith.constant 1 : i32
        %sub3A_728 = arith.subi %add3A_227, %sub3A : i32
        %mul3A_729 = arith.constant 8192 : i32
        %mul3A_730 = arith.muli %sub3A_728, %mul3A_729 : i32
        %add3A_731 = arith.addi %mul3A_2, %mul3A_730 : i32
        %dma_wait3A_732 = arith.constant 5 : i32
        %dma_wait3A_733 = arith.constant 1 : i32
        %dma_wait3A_734 = arith.constant 5 : i32
        %dma_wait3A_735 = arith.constant 0 : i32
        %dma_wait3A_736 = tpu.memref_slice %arg6[%dma_wait3A_732, %dma_wait3A_735] : memref<8x8192xf32, #tpu.memory_space<vmem>> -> memref<1x8192xf32, #tpu.memory_space<vmem>>
        %dma_wait3A_737 = tpu.memref_squeeze %dma_wait3A_736 : memref<1x8192xf32, #tpu.memory_space<vmem>> -> memref<8192xf32, #tpu.memory_space<vmem>>
        %dma_wait3A_738 = tpu.memref_slice %arg4[%dma_wait3A_733, %add3A_731] : memref<4x4194304xf32, #tpu.memory_space<hbm>> -> memref<1x8192xf32, #tpu.memory_space<hbm>>
        %dma_wait3A_739 = tpu.memref_squeeze %dma_wait3A_738 : memref<1x8192xf32, #tpu.memory_space<hbm>> -> memref<8192xf32, #tpu.memory_space<hbm>>
        %dma_wait3A_740 = tpu.memref_slice %arg9[%dma_wait3A_734] : memref<8x!tpu.dma_semaphore, #tpu.memory_space<semaphore_mem>> -> memref<1x!tpu.dma_semaphore, #tpu.memory_space<semaphore_mem>>
        %dma_wait3A_741 = tpu.memref_squeeze %dma_wait3A_740 : memref<1x!tpu.dma_semaphore, #tpu.memory_space<semaphore_mem>> -> memref<!tpu.dma_semaphore, #tpu.memory_space<semaphore_mem>>
        %dma_wait3A_742 = tpu.memref_slice %arg4[%dma_wait3A_733, %add3A_731] : memref<4x4194304xf32, #tpu.memory_space<hbm>> -> memref<1x8192xf32, #tpu.memory_space<hbm>>
        %dma_wait3A_743 = tpu.memref_squeeze %dma_wait3A_742 : memref<1x8192xf32, #tpu.memory_space<hbm>> -> memref<8192xf32, #tpu.memory_space<hbm>>
        %dma_wait3A_744 = arith.constant 0 : i32
        %dma_wait3A_745 = tpu.memref_slice %arg6[%dma_wait3A_732, %dma_wait3A_744] : memref<8x8192xf32, #tpu.memory_space<vmem>> -> memref<1x8192xf32, #tpu.memory_space<vmem>>
        %dma_wait3A_746 = tpu.memref_squeeze %dma_wait3A_745 : memref<1x8192xf32, #tpu.memory_space<vmem>> -> memref<8192xf32, #tpu.memory_space<vmem>>
        tpu.wait_dma2 semaphore(%dma_wait3A_741 : memref<!tpu.dma_semaphore, #tpu.memory_space<semaphore_mem>>) src(%dma_wait3A_746 : memref<8192xf32, #tpu.memory_space<vmem>>) dst(%dma_wait3A_743 : memref<8192xf32, #tpu.memory_space<hbm>>)
      } else {
      }
      %add3A_328 = arith.constant 1 : i32
      %add3A_329 = arith.addi %add3A_227, %add3A_328 : i32
      %mul3A_330 = arith.constant 8192 : i32
      %mul3A_331 = arith.muli %add3A_329, %mul3A_330 : i32
      %add3A_332 = arith.addi %mul3A_2, %mul3A_331 : i32
      %dma_start3A_333 = arith.constant 1 : i32
      %dma_start3A_334 = arith.constant 5 : i32
      %dma_start3A_335 = arith.constant 5 : i32
      %dma_start3A_336 = arith.constant 0 : i32
      %dma_start3A_337 = tpu.memref_slice %arg6[%dma_start3A_334, %dma_start3A_336] : memref<8x8192xf32, #tpu.memory_space<vmem>> -> memref<1x8192xf32, #tpu.memory_space<vmem>>
      %dma_start3A_338 = tpu.memref_squeeze %dma_start3A_337 : memref<1x8192xf32, #tpu.memory_space<vmem>> -> memref<8192xf32, #tpu.memory_space<vmem>>
      %dma_start3A_339 = tpu.memref_slice %arg2[%dma_start3A_333, %add3A_332] : memref<4x4194304xf32, #tpu.memory_space<hbm>> -> memref<1x8192xf32, #tpu.memory_space<hbm>>
      %dma_start3A_340 = tpu.memref_squeeze %dma_start3A_339 : memref<1x8192xf32, #tpu.memory_space<hbm>> -> memref<8192xf32, #tpu.memory_space<hbm>>
      %dma_start3A_341 = tpu.memref_slice %arg8[%dma_start3A_335] : memref<8x!tpu.dma_semaphore, #tpu.memory_space<semaphore_mem>> -> memref<1x!tpu.dma_semaphore, #tpu.memory_space<semaphore_mem>>
      %dma_start3A_342 = tpu.memref_squeeze %dma_start3A_341 : memref<1x!tpu.dma_semaphore, #tpu.memory_space<semaphore_mem>> -> memref<!tpu.dma_semaphore, #tpu.memory_space<semaphore_mem>>
      %dma_start3A_343 = arith.constant 0 : i32
      %dma_start3A_344 = tpu.memref_slice %arg6[%dma_start3A_334, %dma_start3A_343] : memref<8x8192xf32, #tpu.memory_space<vmem>> -> memref<1x8192xf32, #tpu.memory_space<vmem>>
      %dma_start3A_345 = tpu.memref_squeeze %dma_start3A_344 : memref<1x8192xf32, #tpu.memory_space<vmem>> -> memref<8192xf32, #tpu.memory_space<vmem>>
      %dma_start3A_346 = tpu.memref_slice %arg2[%dma_start3A_333, %add3A_332] : memref<4x4194304xf32, #tpu.memory_space<hbm>> -> memref<1x8192xf32, #tpu.memory_space<hbm>>
      %dma_start3A_347 = tpu.memref_squeeze %dma_start3A_346 : memref<1x8192xf32, #tpu.memory_space<hbm>> -> memref<8192xf32, #tpu.memory_space<hbm>>
      tpu.enqueue_dma source(%dma_start3A_347 : memref<8192xf32, #tpu.memory_space<hbm>>) target(%dma_start3A_345 : memref<8192xf32, #tpu.memory_space<vmem>>) target_semaphore(%dma_start3A_342 : memref<!tpu.dma_semaphore, #tpu.memory_space<semaphore_mem>>)
      %mul3A_348 = arith.constant 8192 : i32
      %mul3A_349 = arith.muli %add3A_227, %mul3A_348 : i32
      %add3A_350 = arith.addi %mul3A_2, %mul3A_349 : i32
      %dma_wait3A_351 = arith.constant 1 : i32
      %dma_wait3A_352 = arith.constant 1 : i32
      %dma_wait3A_353 = arith.constant 1 : i32
      %dma_wait3A_354 = arith.constant 0 : i32
      %dma_wait3A_355 = tpu.memref_slice %arg6[%dma_wait3A_352, %dma_wait3A_354] : memref<8x8192xf32, #tpu.memory_space<vmem>> -> memref<1x8192xf32, #tpu.memory_space<vmem>>
      %dma_wait3A_356 = tpu.memref_squeeze %dma_wait3A_355 : memref<1x8192xf32, #tpu.memory_space<vmem>> -> memref<8192xf32, #tpu.memory_space<vmem>>
      %dma_wait3A_357 = tpu.memref_slice %arg2[%dma_wait3A_351, %add3A_350] : memref<4x4194304xf32, #tpu.memory_space<hbm>> -> memref<1x8192xf32, #tpu.memory_space<hbm>>
      %dma_wait3A_358 = tpu.memref_squeeze %dma_wait3A_357 : memref<1x8192xf32, #tpu.memory_space<hbm>> -> memref<8192xf32, #tpu.memory_space<hbm>>
      %dma_wait3A_359 = tpu.memref_slice %arg8[%dma_wait3A_353] : memref<8x!tpu.dma_semaphore, #tpu.memory_space<semaphore_mem>> -> memref<1x!tpu.dma_semaphore, #tpu.memory_space<semaphore_mem>>
      %dma_wait3A_360 = tpu.memref_squeeze %dma_wait3A_359 : memref<1x!tpu.dma_semaphore, #tpu.memory_space<semaphore_mem>> -> memref<!tpu.dma_semaphore, #tpu.memory_space<semaphore_mem>>
      %dma_wait3A_361 = arith.constant 0 : i32
      %dma_wait3A_362 = tpu.memref_slice %arg6[%dma_wait3A_352, %dma_wait3A_361] : memref<8x8192xf32, #tpu.memory_space<vmem>> -> memref<1x8192xf32, #tpu.memory_space<vmem>>
      %dma_wait3A_363 = tpu.memref_squeeze %dma_wait3A_362 : memref<1x8192xf32, #tpu.memory_space<vmem>> -> memref<8192xf32, #tpu.memory_space<vmem>>
      %dma_wait3A_364 = tpu.memref_slice %arg2[%dma_wait3A_351, %add3A_350] : memref<4x4194304xf32, #tpu.memory_space<hbm>> -> memref<1x8192xf32, #tpu.memory_space<hbm>>
      %dma_wait3A_365 = tpu.memref_squeeze %dma_wait3A_364 : memref<1x8192xf32, #tpu.memory_space<hbm>> -> memref<8192xf32, #tpu.memory_space<hbm>>
      tpu.wait_dma2 semaphore(%dma_wait3A_360 : memref<!tpu.dma_semaphore, #tpu.memory_space<semaphore_mem>>) src(%dma_wait3A_365 : memref<8192xf32, #tpu.memory_space<hbm>>) dst(%dma_wait3A_363 : memref<8192xf32, #tpu.memory_space<vmem>>)
      %scan3A_366 = arith.constant 0 : i32
      %scan3A_367 = arith.constant 512 : i32
      %scan3A_368 = arith.addi %scan3A_366, %scan3A_367 : i32
      %scan3A_369 = arith.constant 8 : i32
      scf.for %scan3A_728 = %scan3A_366 to %scan3A_368 step %scan3A_369  : i32 {
        %mul3A_729 = arith.constant 16 : i32
        %mul3A_730 = arith.muli %scan3A_728, %mul3A_729 : i32
        %get3A = arith.constant 1 : i32
        %get3A_731 = arith.index_cast %get3A : i32 to index
        %get3A_732 = arith.index_cast %mul3A_730 : i32 to index
        %get3A_733 = tpu.vector_load %arg6[%get3A_731, %get3A_732] {strides = array<i32>} : memref<8x8192xf32, #tpu.memory_space<vmem>>, vector<1x16xf32>,
        %get3A_734 = vector.shape_cast %get3A_733 : vector<1x16xf32> to vector<16xf32>
        %get3A_735 = arith.constant 0 : i32
        %get3A_736 = arith.index_cast %get3A_735 : i32 to index
        %get3A_737 = arith.index_cast %mul3A_730 : i32 to index
        %get3A_738 = tpu.vector_load %arg5[%get3A_736, %get3A_737] {strides = array<i32>} : memref<2x8192xf32, #tpu.memory_space<vmem>>, vector<1x16xf32>,
        %get3A_739 = vector.shape_cast %get3A_738 : vector<1x16xf32> to vector<16xf32>
        %add3A_740 = arith.addf %get3A_734, %get3A_739 : vector<16xf32>
        %swap3A = arith.constant 1 : i32
        %swap3A_741 = arith.index_cast %swap3A : i32 to index
        %swap3A_742 = arith.index_cast %mul3A_730 : i32 to index
        %swap3A_743 = tpu.vector_load %arg6[%swap3A_741, %swap3A_742] {strides = array<i32>} : memref<8x8192xf32, #tpu.memory_space<vmem>>, vector<1x16xf32>,
        %swap3A_744 = vector.shape_cast %swap3A_743 : vector<1x16xf32> to vector<16xf32>
        %swap3A_745 = vector.shape_cast %add3A_740 : vector<16xf32> to vector<1x16xf32>
        tpu.vector_store %arg6[%swap3A_741, %swap3A_742], %swap3A_745 {strides = array<i32>} : memref<8x8192xf32, #tpu.memory_space<vmem>>, vector<1x16xf32>,
        %scan3A_746 = arith.constant 1 : i32
        %scan3A_747 = arith.addi %scan3A_728, %scan3A_746 : i32
        %mul3A_748 = arith.constant 16 : i32
        %mul3A_749 = arith.muli %scan3A_747, %mul3A_748 : i32
        %get3A_750 = arith.constant 1 : i32
        %get3A_751 = arith.index_cast %get3A_750 : i32 to index
        %get3A_752 = arith.index_cast %mul3A_749 : i32 to index
        %get3A_753 = tpu.vector_load %arg6[%get3A_751, %get3A_752] {strides = array<i32>} : memref<8x8192xf32, #tpu.memory_space<vmem>>, vector<1x16xf32>,
        %get3A_754 = vector.shape_cast %get3A_753 : vector<1x16xf32> to vector<16xf32>
        %get3A_755 = arith.constant 0 : i32
        %get3A_756 = arith.index_cast %get3A_755 : i32 to index
        %get3A_757 = arith.index_cast %mul3A_749 : i32 to index
        %get3A_758 = tpu.vector_load %arg5[%get3A_756, %get3A_757] {strides = array<i32>} : memref<2x8192xf32, #tpu.memory_space<vmem>>, vector<1x16xf32>,
        %get3A_759 = vector.shape_cast %get3A_758 : vector<1x16xf32> to vector<16xf32>
        %add3A_760 = arith.addf %get3A_754, %get3A_759 : vector<16xf32>
        %swap3A_761 = arith.constant 1 : i32
        %swap3A_762 = arith.index_cast %swap3A_761 : i32 to index
        %swap3A_763 = arith.index_cast %mul3A_749 : i32 to index
        %swap3A_764 = tpu.vector_load %arg6[%swap3A_762, %swap3A_763] {strides = array<i32>} : memref<8x8192xf32, #tpu.memory_space<vmem>>, vector<1x16xf32>,
        %swap3A_765 = vector.shape_cast %swap3A_764 : vector<1x16xf32> to vector<16xf32>
        %swap3A_766 = vector.shape_cast %add3A_760 : vector<16xf32> to vector<1x16xf32>
        tpu.vector_store %arg6[%swap3A_762, %swap3A_763], %swap3A_766 {strides = array<i32>} : memref<8x8192xf32, #tpu.memory_space<vmem>>, vector<1x16xf32>,
        %scan3A_767 = arith.constant 2 : i32
        %scan3A_768 = arith.addi %scan3A_728, %scan3A_767 : i32
        %mul3A_769 = arith.constant 16 : i32
        %mul3A_770 = arith.muli %scan3A_768, %mul3A_769 : i32
        %get3A_771 = arith.constant 1 : i32
        %get3A_772 = arith.index_cast %get3A_771 : i32 to index
        %get3A_773 = arith.index_cast %mul3A_770 : i32 to index
        %get3A_774 = tpu.vector_load %arg6[%get3A_772, %get3A_773] {strides = array<i32>} : memref<8x8192xf32, #tpu.memory_space<vmem>>, vector<1x16xf32>,
        %get3A_775 = vector.shape_cast %get3A_774 : vector<1x16xf32> to vector<16xf32>
        %get3A_776 = arith.constant 0 : i32
        %get3A_777 = arith.index_cast %get3A_776 : i32 to index
        %get3A_778 = arith.index_cast %mul3A_770 : i32 to index
        %get3A_779 = tpu.vector_load %arg5[%get3A_777, %get3A_778] {strides = array<i32>} : memref<2x8192xf32, #tpu.memory_space<vmem>>, vector<1x16xf32>,
        %get3A_780 = vector.shape_cast %get3A_779 : vector<1x16xf32> to vector<16xf32>
        %add3A_781 = arith.addf %get3A_775, %get3A_780 : vector<16xf32>
        %swap3A_782 = arith.constant 1 : i32
        %swap3A_783 = arith.index_cast %swap3A_782 : i32 to index
        %swap3A_784 = arith.index_cast %mul3A_770 : i32 to index
        %swap3A_785 = tpu.vector_load %arg6[%swap3A_783, %swap3A_784] {strides = array<i32>} : memref<8x8192xf32, #tpu.memory_space<vmem>>, vector<1x16xf32>,
        %swap3A_786 = vector.shape_cast %swap3A_785 : vector<1x16xf32> to vector<16xf32>
        %swap3A_787 = vector.shape_cast %add3A_781 : vector<16xf32> to vector<1x16xf32>
        tpu.vector_store %arg6[%swap3A_783, %swap3A_784], %swap3A_787 {strides = array<i32>} : memref<8x8192xf32, #tpu.memory_space<vmem>>, vector<1x16xf32>,
        %scan3A_788 = arith.constant 3 : i32
        %scan3A_789 = arith.addi %scan3A_728, %scan3A_788 : i32
        %mul3A_790 = arith.constant 16 : i32
        %mul3A_791 = arith.muli %scan3A_789, %mul3A_790 : i32
        %get3A_792 = arith.constant 1 : i32
        %get3A_793 = arith.index_cast %get3A_792 : i32 to index
        %get3A_794 = arith.index_cast %mul3A_791 : i32 to index
        %get3A_795 = tpu.vector_load %arg6[%get3A_793, %get3A_794] {strides = array<i32>} : memref<8x8192xf32, #tpu.memory_space<vmem>>, vector<1x16xf32>,
        %get3A_796 = vector.shape_cast %get3A_795 : vector<1x16xf32> to vector<16xf32>
        %get3A_797 = arith.constant 0 : i32
        %get3A_798 = arith.index_cast %get3A_797 : i32 to index
        %get3A_799 = arith.index_cast %mul3A_791 : i32 to index
        %get3A_800 = tpu.vector_load %arg5[%get3A_798, %get3A_799] {strides = array<i32>} : memref<2x8192xf32, #tpu.memory_space<vmem>>, vector<1x16xf32>,
        %get3A_801 = vector.shape_cast %get3A_800 : vector<1x16xf32> to vector<16xf32>
        %add3A_802 = arith.addf %get3A_796, %get3A_801 : vector<16xf32>
        %swap3A_803 = arith.constant 1 : i32
        %swap3A_804 = arith.index_cast %swap3A_803 : i32 to index
        %swap3A_805 = arith.index_cast %mul3A_791 : i32 to index
        %swap3A_806 = tpu.vector_load %arg6[%swap3A_804, %swap3A_805] {strides = array<i32>} : memref<8x8192xf32, #tpu.memory_space<vmem>>, vector<1x16xf32>,
        %swap3A_807 = vector.shape_cast %swap3A_806 : vector<1x16xf32> to vector<16xf32>
        %swap3A_808 = vector.shape_cast %add3A_802 : vector<16xf32> to vector<1x16xf32>
        tpu.vector_store %arg6[%swap3A_804, %swap3A_805], %swap3A_808 {strides = array<i32>} : memref<8x8192xf32, #tpu.memory_space<vmem>>, vector<1x16xf32>,
        %scan3A_809 = arith.constant 4 : i32
        %scan3A_810 = arith.addi %scan3A_728, %scan3A_809 : i32
        %mul3A_811 = arith.constant 16 : i32
        %mul3A_812 = arith.muli %scan3A_810, %mul3A_811 : i32
        %get3A_813 = arith.constant 1 : i32
        %get3A_814 = arith.index_cast %get3A_813 : i32 to index
        %get3A_815 = arith.index_cast %mul3A_812 : i32 to index
        %get3A_816 = tpu.vector_load %arg6[%get3A_814, %get3A_815] {strides = array<i32>} : memref<8x8192xf32, #tpu.memory_space<vmem>>, vector<1x16xf32>,
        %get3A_817 = vector.shape_cast %get3A_816 : vector<1x16xf32> to vector<16xf32>
        %get3A_818 = arith.constant 0 : i32
        %get3A_819 = arith.index_cast %get3A_818 : i32 to index
        %get3A_820 = arith.index_cast %mul3A_812 : i32 to index
        %get3A_821 = tpu.vector_load %arg5[%get3A_819, %get3A_820] {strides = array<i32>} : memref<2x8192xf32, #tpu.memory_space<vmem>>, vector<1x16xf32>,
        %get3A_822 = vector.shape_cast %get3A_821 : vector<1x16xf32> to vector<16xf32>
        %add3A_823 = arith.addf %get3A_817, %get3A_822 : vector<16xf32>
        %swap3A_824 = arith.constant 1 : i32
        %swap3A_825 = arith.index_cast %swap3A_824 : i32 to index
        %swap3A_826 = arith.index_cast %mul3A_812 : i32 to index
        %swap3A_827 = tpu.vector_load %arg6[%swap3A_825, %swap3A_826] {strides = array<i32>} : memref<8x8192xf32, #tpu.memory_space<vmem>>, vector<1x16xf32>,
        %swap3A_828 = vector.shape_cast %swap3A_827 : vector<1x16xf32> to vector<16xf32>
        %swap3A_829 = vector.shape_cast %add3A_823 : vector<16xf32> to vector<1x16xf32>
        tpu.vector_store %arg6[%swap3A_825, %swap3A_826], %swap3A_829 {strides = array<i32>} : memref<8x8192xf32, #tpu.memory_space<vmem>>, vector<1x16xf32>,
        %scan3A_830 = arith.constant 5 : i32
        %scan3A_831 = arith.addi %scan3A_728, %scan3A_830 : i32
        %mul3A_832 = arith.constant 16 : i32
        %mul3A_833 = arith.muli %scan3A_831, %mul3A_832 : i32
        %get3A_834 = arith.constant 1 : i32
        %get3A_835 = arith.index_cast %get3A_834 : i32 to index
        %get3A_836 = arith.index_cast %mul3A_833 : i32 to index
        %get3A_837 = tpu.vector_load %arg6[%get3A_835, %get3A_836] {strides = array<i32>} : memref<8x8192xf32, #tpu.memory_space<vmem>>, vector<1x16xf32>,
        %get3A_838 = vector.shape_cast %get3A_837 : vector<1x16xf32> to vector<16xf32>
        %get3A_839 = arith.constant 0 : i32
        %get3A_840 = arith.index_cast %get3A_839 : i32 to index
        %get3A_841 = arith.index_cast %mul3A_833 : i32 to index
        %get3A_842 = tpu.vector_load %arg5[%get3A_840, %get3A_841] {strides = array<i32>} : memref<2x8192xf32, #tpu.memory_space<vmem>>, vector<1x16xf32>,
        %get3A_843 = vector.shape_cast %get3A_842 : vector<1x16xf32> to vector<16xf32>
        %add3A_844 = arith.addf %get3A_838, %get3A_843 : vector<16xf32>
        %swap3A_845 = arith.constant 1 : i32
        %swap3A_846 = arith.index_cast %swap3A_845 : i32 to index
        %swap3A_847 = arith.index_cast %mul3A_833 : i32 to index
        %swap3A_848 = tpu.vector_load %arg6[%swap3A_846, %swap3A_847] {strides = array<i32>} : memref<8x8192xf32, #tpu.memory_space<vmem>>, vector<1x16xf32>,
        %swap3A_849 = vector.shape_cast %swap3A_848 : vector<1x16xf32> to vector<16xf32>
        %swap3A_850 = vector.shape_cast %add3A_844 : vector<16xf32> to vector<1x16xf32>
        tpu.vector_store %arg6[%swap3A_846, %swap3A_847], %swap3A_850 {strides = array<i32>} : memref<8x8192xf32, #tpu.memory_space<vmem>>, vector<1x16xf32>,
        %scan3A_851 = arith.constant 6 : i32
        %scan3A_852 = arith.addi %scan3A_728, %scan3A_851 : i32
        %mul3A_853 = arith.constant 16 : i32
        %mul3A_854 = arith.muli %scan3A_852, %mul3A_853 : i32
        %get3A_855 = arith.constant 1 : i32
        %get3A_856 = arith.index_cast %get3A_855 : i32 to index
        %get3A_857 = arith.index_cast %mul3A_854 : i32 to index
        %get3A_858 = tpu.vector_load %arg6[%get3A_856, %get3A_857] {strides = array<i32>} : memref<8x8192xf32, #tpu.memory_space<vmem>>, vector<1x16xf32>,
        %get3A_859 = vector.shape_cast %get3A_858 : vector<1x16xf32> to vector<16xf32>
        %get3A_860 = arith.constant 0 : i32
        %get3A_861 = arith.index_cast %get3A_860 : i32 to index
        %get3A_862 = arith.index_cast %mul3A_854 : i32 to index
        %get3A_863 = tpu.vector_load %arg5[%get3A_861, %get3A_862] {strides = array<i32>} : memref<2x8192xf32, #tpu.memory_space<vmem>>, vector<1x16xf32>,
        %get3A_864 = vector.shape_cast %get3A_863 : vector<1x16xf32> to vector<16xf32>
        %add3A_865 = arith.addf %get3A_859, %get3A_864 : vector<16xf32>
        %swap3A_866 = arith.constant 1 : i32
        %swap3A_867 = arith.index_cast %swap3A_866 : i32 to index
        %swap3A_868 = arith.index_cast %mul3A_854 : i32 to index
        %swap3A_869 = tpu.vector_load %arg6[%swap3A_867, %swap3A_868] {strides = array<i32>} : memref<8x8192xf32, #tpu.memory_space<vmem>>, vector<1x16xf32>,
        %swap3A_870 = vector.shape_cast %swap3A_869 : vector<1x16xf32> to vector<16xf32>
        %swap3A_871 = vector.shape_cast %add3A_865 : vector<16xf32> to vector<1x16xf32>
        tpu.vector_store %arg6[%swap3A_867, %swap3A_868], %swap3A_871 {strides = array<i32>} : memref<8x8192xf32, #tpu.memory_space<vmem>>, vector<1x16xf32>,
        %scan3A_872 = arith.constant 7 : i32
        %scan3A_873 = arith.addi %scan3A_728, %scan3A_872 : i32
        %mul3A_874 = arith.constant 16 : i32
        %mul3A_875 = arith.muli %scan3A_873, %mul3A_874 : i32
        %get3A_876 = arith.constant 1 : i32
        %get3A_877 = arith.index_cast %get3A_876 : i32 to index
        %get3A_878 = arith.index_cast %mul3A_875 : i32 to index
        %get3A_879 = tpu.vector_load %arg6[%get3A_877, %get3A_878] {strides = array<i32>} : memref<8x8192xf32, #tpu.memory_space<vmem>>, vector<1x16xf32>,
        %get3A_880 = vector.shape_cast %get3A_879 : vector<1x16xf32> to vector<16xf32>
        %get3A_881 = arith.constant 0 : i32
        %get3A_882 = arith.index_cast %get3A_881 : i32 to index
        %get3A_883 = arith.index_cast %mul3A_875 : i32 to index
        %get3A_884 = tpu.vector_load %arg5[%get3A_882, %get3A_883] {strides = array<i32>} : memref<2x8192xf32, #tpu.memory_space<vmem>>, vector<1x16xf32>,
        %get3A_885 = vector.shape_cast %get3A_884 : vector<1x16xf32> to vector<16xf32>
        %add3A_886 = arith.addf %get3A_880, %get3A_885 : vector<16xf32>
        %swap3A_887 = arith.constant 1 : i32
        %swap3A_888 = arith.index_cast %swap3A_887 : i32 to index
        %swap3A_889 = arith.index_cast %mul3A_875 : i32 to index
        %swap3A_890 = tpu.vector_load %arg6[%swap3A_888, %swap3A_889] {strides = array<i32>} : memref<8x8192xf32, #tpu.memory_space<vmem>>, vector<1x16xf32>,
        %swap3A_891 = vector.shape_cast %swap3A_890 : vector<1x16xf32> to vector<16xf32>
        %swap3A_892 = vector.shape_cast %add3A_886 : vector<16xf32> to vector<1x16xf32>
        tpu.vector_store %arg6[%swap3A_888, %swap3A_889], %swap3A_892 {strides = array<i32>} : memref<8x8192xf32, #tpu.memory_space<vmem>>, vector<1x16xf32>,
      }
      %scan3A_370 = arith.constant 512 : i32
      %mul3A_371 = arith.constant 8192 : i32
      %mul3A_372 = arith.muli %add3A_227, %mul3A_371 : i32
      %add3A_373 = arith.addi %mul3A_2, %mul3A_372 : i32
      %dma_start3A_374 = arith.constant 1 : i32
      %dma_start3A_375 = arith.constant 1 : i32
      %dma_start3A_376 = arith.constant 1 : i32
      %dma_start3A_377 = arith.constant 0 : i32
      %dma_start3A_378 = tpu.memref_slice %arg6[%dma_start3A_374, %dma_start3A_377] : memref<8x8192xf32, #tpu.memory_space<vmem>> -> memref<1x8192xf32, #tpu.memory_space<vmem>>
      %dma_start3A_379 = tpu.memref_squeeze %dma_start3A_378 : memref<1x8192xf32, #tpu.memory_space<vmem>> -> memref<8192xf32, #tpu.memory_space<vmem>>
      %dma_start3A_380 = tpu.memref_slice %arg4[%dma_start3A_375, %add3A_373] : memref<4x4194304xf32, #tpu.memory_space<hbm>> -> memref<1x8192xf32, #tpu.memory_space<hbm>>
      %dma_start3A_381 = tpu.memref_squeeze %dma_start3A_380 : memref<1x8192xf32, #tpu.memory_space<hbm>> -> memref<8192xf32, #tpu.memory_space<hbm>>
      %dma_start3A_382 = tpu.memref_slice %arg9[%dma_start3A_376] : memref<8x!tpu.dma_semaphore, #tpu.memory_space<semaphore_mem>> -> memref<1x!tpu.dma_semaphore, #tpu.memory_space<semaphore_mem>>
      %dma_start3A_383 = tpu.memref_squeeze %dma_start3A_382 : memref<1x!tpu.dma_semaphore, #tpu.memory_space<semaphore_mem>> -> memref<!tpu.dma_semaphore, #tpu.memory_space<semaphore_mem>>
      %dma_start3A_384 = tpu.memref_slice %arg4[%dma_start3A_375, %add3A_373] : memref<4x4194304xf32, #tpu.memory_space<hbm>> -> memref<1x8192xf32, #tpu.memory_space<hbm>>
      %dma_start3A_385 = tpu.memref_squeeze %dma_start3A_384 : memref<1x8192xf32, #tpu.memory_space<hbm>> -> memref<8192xf32, #tpu.memory_space<hbm>>
      %dma_start3A_386 = arith.constant 0 : i32
      %dma_start3A_387 = tpu.memref_slice %arg6[%dma_start3A_374, %dma_start3A_386] : memref<8x8192xf32, #tpu.memory_space<vmem>> -> memref<1x8192xf32, #tpu.memory_space<vmem>>
      %dma_start3A_388 = tpu.memref_squeeze %dma_start3A_387 : memref<1x8192xf32, #tpu.memory_space<vmem>> -> memref<8192xf32, #tpu.memory_space<vmem>>
      tpu.enqueue_dma source(%dma_start3A_388 : memref<8192xf32, #tpu.memory_space<vmem>>) target(%dma_start3A_385 : memref<8192xf32, #tpu.memory_space<hbm>>) target_semaphore(%dma_start3A_383 : memref<!tpu.dma_semaphore, #tpu.memory_space<semaphore_mem>>)
      %ge3A_389 = arith.constant 1 : i32
      %ge3A_390 = arith.cmpi sge, %scan3A_223, %ge3A_389 : i32
      %convert_element_type3A_391 = arith.extui %ge3A_390 : i1 to i32
      %cond3A_392 = arith.constant 0 : i32
      %cond3A_393 = arith.cmpi ne, %convert_element_type3A_391, %cond3A_392 : i32
      scf.if %cond3A_393 {
        %sub3A = arith.constant 1 : i32
        %sub3A_728 = arith.subi %add3A_227, %sub3A : i32
        %mul3A_729 = arith.constant 8192 : i32
        %mul3A_730 = arith.muli %sub3A_728, %mul3A_729 : i32
        %add3A_731 = arith.addi %mul3A_2, %mul3A_730 : i32
        %dma_wait3A_732 = arith.constant 6 : i32
        %dma_wait3A_733 = arith.constant 2 : i32
        %dma_wait3A_734 = arith.constant 6 : i32
        %dma_wait3A_735 = arith.constant 0 : i32
        %dma_wait3A_736 = tpu.memref_slice %arg6[%dma_wait3A_732, %dma_wait3A_735] : memref<8x8192xf32, #tpu.memory_space<vmem>> -> memref<1x8192xf32, #tpu.memory_space<vmem>>
        %dma_wait3A_737 = tpu.memref_squeeze %dma_wait3A_736 : memref<1x8192xf32, #tpu.memory_space<vmem>> -> memref<8192xf32, #tpu.memory_space<vmem>>
        %dma_wait3A_738 = tpu.memref_slice %arg4[%dma_wait3A_733, %add3A_731] : memref<4x4194304xf32, #tpu.memory_space<hbm>> -> memref<1x8192xf32, #tpu.memory_space<hbm>>
        %dma_wait3A_739 = tpu.memref_squeeze %dma_wait3A_738 : memref<1x8192xf32, #tpu.memory_space<hbm>> -> memref<8192xf32, #tpu.memory_space<hbm>>
        %dma_wait3A_740 = tpu.memref_slice %arg9[%dma_wait3A_734] : memref<8x!tpu.dma_semaphore, #tpu.memory_space<semaphore_mem>> -> memref<1x!tpu.dma_semaphore, #tpu.memory_space<semaphore_mem>>
        %dma_wait3A_741 = tpu.memref_squeeze %dma_wait3A_740 : memref<1x!tpu.dma_semaphore, #tpu.memory_space<semaphore_mem>> -> memref<!tpu.dma_semaphore, #tpu.memory_space<semaphore_mem>>
        %dma_wait3A_742 = tpu.memref_slice %arg4[%dma_wait3A_733, %add3A_731] : memref<4x4194304xf32, #tpu.memory_space<hbm>> -> memref<1x8192xf32, #tpu.memory_space<hbm>>
        %dma_wait3A_743 = tpu.memref_squeeze %dma_wait3A_742 : memref<1x8192xf32, #tpu.memory_space<hbm>> -> memref<8192xf32, #tpu.memory_space<hbm>>
        %dma_wait3A_744 = arith.constant 0 : i32
        %dma_wait3A_745 = tpu.memref_slice %arg6[%dma_wait3A_732, %dma_wait3A_744] : memref<8x8192xf32, #tpu.memory_space<vmem>> -> memref<1x8192xf32, #tpu.memory_space<vmem>>
        %dma_wait3A_746 = tpu.memref_squeeze %dma_wait3A_745 : memref<1x8192xf32, #tpu.memory_space<vmem>> -> memref<8192xf32, #tpu.memory_space<vmem>>
        tpu.wait_dma2 semaphore(%dma_wait3A_741 : memref<!tpu.dma_semaphore, #tpu.memory_space<semaphore_mem>>) src(%dma_wait3A_746 : memref<8192xf32, #tpu.memory_space<vmem>>) dst(%dma_wait3A_743 : memref<8192xf32, #tpu.memory_space<hbm>>)
      } else {
      }
      %add3A_394 = arith.constant 1 : i32
      %add3A_395 = arith.addi %add3A_227, %add3A_394 : i32
      %mul3A_396 = arith.constant 8192 : i32
      %mul3A_397 = arith.muli %add3A_395, %mul3A_396 : i32
      %add3A_398 = arith.addi %mul3A_2, %mul3A_397 : i32
      %dma_start3A_399 = arith.constant 2 : i32
      %dma_start3A_400 = arith.constant 6 : i32
      %dma_start3A_401 = arith.constant 6 : i32
      %dma_start3A_402 = arith.constant 0 : i32
      %dma_start3A_403 = tpu.memref_slice %arg6[%dma_start3A_400, %dma_start3A_402] : memref<8x8192xf32, #tpu.memory_space<vmem>> -> memref<1x8192xf32, #tpu.memory_space<vmem>>
      %dma_start3A_404 = tpu.memref_squeeze %dma_start3A_403 : memref<1x8192xf32, #tpu.memory_space<vmem>> -> memref<8192xf32, #tpu.memory_space<vmem>>
      %dma_start3A_405 = tpu.memref_slice %arg2[%dma_start3A_399, %add3A_398] : memref<4x4194304xf32, #tpu.memory_space<hbm>> -> memref<1x8192xf32, #tpu.memory_space<hbm>>
      %dma_start3A_406 = tpu.memref_squeeze %dma_start3A_405 : memref<1x8192xf32, #tpu.memory_space<hbm>> -> memref<8192xf32, #tpu.memory_space<hbm>>
      %dma_start3A_407 = tpu.memref_slice %arg8[%dma_start3A_401] : memref<8x!tpu.dma_semaphore, #tpu.memory_space<semaphore_mem>> -> memref<1x!tpu.dma_semaphore, #tpu.memory_space<semaphore_mem>>
      %dma_start3A_408 = tpu.memref_squeeze %dma_start3A_407 : memref<1x!tpu.dma_semaphore, #tpu.memory_space<semaphore_mem>> -> memref<!tpu.dma_semaphore, #tpu.memory_space<semaphore_mem>>
      %dma_start3A_409 = arith.constant 0 : i32
      %dma_start3A_410 = tpu.memref_slice %arg6[%dma_start3A_400, %dma_start3A_409] : memref<8x8192xf32, #tpu.memory_space<vmem>> -> memref<1x8192xf32, #tpu.memory_space<vmem>>
      %dma_start3A_411 = tpu.memref_squeeze %dma_start3A_410 : memref<1x8192xf32, #tpu.memory_space<vmem>> -> memref<8192xf32, #tpu.memory_space<vmem>>
      %dma_start3A_412 = tpu.memref_slice %arg2[%dma_start3A_399, %add3A_398] : memref<4x4194304xf32, #tpu.memory_space<hbm>> -> memref<1x8192xf32, #tpu.memory_space<hbm>>
      %dma_start3A_413 = tpu.memref_squeeze %dma_start3A_412 : memref<1x8192xf32, #tpu.memory_space<hbm>> -> memref<8192xf32, #tpu.memory_space<hbm>>
      tpu.enqueue_dma source(%dma_start3A_413 : memref<8192xf32, #tpu.memory_space<hbm>>) target(%dma_start3A_411 : memref<8192xf32, #tpu.memory_space<vmem>>) target_semaphore(%dma_start3A_408 : memref<!tpu.dma_semaphore, #tpu.memory_space<semaphore_mem>>)
      %mul3A_414 = arith.constant 8192 : i32
      %mul3A_415 = arith.muli %add3A_227, %mul3A_414 : i32
      %add3A_416 = arith.addi %mul3A_2, %mul3A_415 : i32
      %dma_wait3A_417 = arith.constant 2 : i32
      %dma_wait3A_418 = arith.constant 2 : i32
      %dma_wait3A_419 = arith.constant 2 : i32
      %dma_wait3A_420 = arith.constant 0 : i32
      %dma_wait3A_421 = tpu.memref_slice %arg6[%dma_wait3A_418, %dma_wait3A_420] : memref<8x8192xf32, #tpu.memory_space<vmem>> -> memref<1x8192xf32, #tpu.memory_space<vmem>>
      %dma_wait3A_422 = tpu.memref_squeeze %dma_wait3A_421 : memref<1x8192xf32, #tpu.memory_space<vmem>> -> memref<8192xf32, #tpu.memory_space<vmem>>
      %dma_wait3A_423 = tpu.memref_slice %arg2[%dma_wait3A_417, %add3A_416] : memref<4x4194304xf32, #tpu.memory_space<hbm>> -> memref<1x8192xf32, #tpu.memory_space<hbm>>
      %dma_wait3A_424 = tpu.memref_squeeze %dma_wait3A_423 : memref<1x8192xf32, #tpu.memory_space<hbm>> -> memref<8192xf32, #tpu.memory_space<hbm>>
      %dma_wait3A_425 = tpu.memref_slice %arg8[%dma_wait3A_419] : memref<8x!tpu.dma_semaphore, #tpu.memory_space<semaphore_mem>> -> memref<1x!tpu.dma_semaphore, #tpu.memory_space<semaphore_mem>>
      %dma_wait3A_426 = tpu.memref_squeeze %dma_wait3A_425 : memref<1x!tpu.dma_semaphore, #tpu.memory_space<semaphore_mem>> -> memref<!tpu.dma_semaphore, #tpu.memory_space<semaphore_mem>>
      %dma_wait3A_427 = arith.constant 0 : i32
      %dma_wait3A_428 = tpu.memref_slice %arg6[%dma_wait3A_418, %dma_wait3A_427] : memref<8x8192xf32, #tpu.memory_space<vmem>> -> memref<1x8192xf32, #tpu.memory_space<vmem>>
      %dma_wait3A_429 = tpu.memref_squeeze %dma_wait3A_428 : memref<1x8192xf32, #tpu.memory_space<vmem>> -> memref<8192xf32, #tpu.memory_space<vmem>>
      %dma_wait3A_430 = tpu.memref_slice %arg2[%dma_wait3A_417, %add3A_416] : memref<4x4194304xf32, #tpu.memory_space<hbm>> -> memref<1x8192xf32, #tpu.memory_space<hbm>>
      %dma_wait3A_431 = tpu.memref_squeeze %dma_wait3A_430 : memref<1x8192xf32, #tpu.memory_space<hbm>> -> memref<8192xf32, #tpu.memory_space<hbm>>
      tpu.wait_dma2 semaphore(%dma_wait3A_426 : memref<!tpu.dma_semaphore, #tpu.memory_space<semaphore_mem>>) src(%dma_wait3A_431 : memref<8192xf32, #tpu.memory_space<hbm>>) dst(%dma_wait3A_429 : memref<8192xf32, #tpu.memory_space<vmem>>)
      %scan3A_432 = arith.constant 0 : i32
      %scan3A_433 = arith.constant 512 : i32
      %scan3A_434 = arith.addi %scan3A_432, %scan3A_433 : i32
      %scan3A_435 = arith.constant 8 : i32
      scf.for %scan3A_728 = %scan3A_432 to %scan3A_434 step %scan3A_435  : i32 {
        %mul3A_729 = arith.constant 16 : i32
        %mul3A_730 = arith.muli %scan3A_728, %mul3A_729 : i32
        %get3A = arith.constant 2 : i32
        %get3A_731 = arith.index_cast %get3A : i32 to index
        %get3A_732 = arith.index_cast %mul3A_730 : i32 to index
        %get3A_733 = tpu.vector_load %arg6[%get3A_731, %get3A_732] {strides = array<i32>} : memref<8x8192xf32, #tpu.memory_space<vmem>>, vector<1x16xf32>,
        %get3A_734 = vector.shape_cast %get3A_733 : vector<1x16xf32> to vector<16xf32>
        %get3A_735 = arith.constant 0 : i32
        %get3A_736 = arith.index_cast %get3A_735 : i32 to index
        %get3A_737 = arith.index_cast %mul3A_730 : i32 to index
        %get3A_738 = tpu.vector_load %arg5[%get3A_736, %get3A_737] {strides = array<i32>} : memref<2x8192xf32, #tpu.memory_space<vmem>>, vector<1x16xf32>,
        %get3A_739 = vector.shape_cast %get3A_738 : vector<1x16xf32> to vector<16xf32>
        %add3A_740 = arith.addf %get3A_734, %get3A_739 : vector<16xf32>
        %swap3A = arith.constant 2 : i32
        %swap3A_741 = arith.index_cast %swap3A : i32 to index
        %swap3A_742 = arith.index_cast %mul3A_730 : i32 to index
        %swap3A_743 = tpu.vector_load %arg6[%swap3A_741, %swap3A_742] {strides = array<i32>} : memref<8x8192xf32, #tpu.memory_space<vmem>>, vector<1x16xf32>,
        %swap3A_744 = vector.shape_cast %swap3A_743 : vector<1x16xf32> to vector<16xf32>
        %swap3A_745 = vector.shape_cast %add3A_740 : vector<16xf32> to vector<1x16xf32>
        tpu.vector_store %arg6[%swap3A_741, %swap3A_742], %swap3A_745 {strides = array<i32>} : memref<8x8192xf32, #tpu.memory_space<vmem>>, vector<1x16xf32>,
        %scan3A_746 = arith.constant 1 : i32
        %scan3A_747 = arith.addi %scan3A_728, %scan3A_746 : i32
        %mul3A_748 = arith.constant 16 : i32
        %mul3A_749 = arith.muli %scan3A_747, %mul3A_748 : i32
        %get3A_750 = arith.constant 2 : i32
        %get3A_751 = arith.index_cast %get3A_750 : i32 to index
        %get3A_752 = arith.index_cast %mul3A_749 : i32 to index
        %get3A_753 = tpu.vector_load %arg6[%get3A_751, %get3A_752] {strides = array<i32>} : memref<8x8192xf32, #tpu.memory_space<vmem>>, vector<1x16xf32>,
        %get3A_754 = vector.shape_cast %get3A_753 : vector<1x16xf32> to vector<16xf32>
        %get3A_755 = arith.constant 0 : i32
        %get3A_756 = arith.index_cast %get3A_755 : i32 to index
        %get3A_757 = arith.index_cast %mul3A_749 : i32 to index
        %get3A_758 = tpu.vector_load %arg5[%get3A_756, %get3A_757] {strides = array<i32>} : memref<2x8192xf32, #tpu.memory_space<vmem>>, vector<1x16xf32>,
        %get3A_759 = vector.shape_cast %get3A_758 : vector<1x16xf32> to vector<16xf32>
        %add3A_760 = arith.addf %get3A_754, %get3A_759 : vector<16xf32>
        %swap3A_761 = arith.constant 2 : i32
        %swap3A_762 = arith.index_cast %swap3A_761 : i32 to index
        %swap3A_763 = arith.index_cast %mul3A_749 : i32 to index
        %swap3A_764 = tpu.vector_load %arg6[%swap3A_762, %swap3A_763] {strides = array<i32>} : memref<8x8192xf32, #tpu.memory_space<vmem>>, vector<1x16xf32>,
        %swap3A_765 = vector.shape_cast %swap3A_764 : vector<1x16xf32> to vector<16xf32>
        %swap3A_766 = vector.shape_cast %add3A_760 : vector<16xf32> to vector<1x16xf32>
        tpu.vector_store %arg6[%swap3A_762, %swap3A_763], %swap3A_766 {strides = array<i32>} : memref<8x8192xf32, #tpu.memory_space<vmem>>, vector<1x16xf32>,
        %scan3A_767 = arith.constant 2 : i32
        %scan3A_768 = arith.addi %scan3A_728, %scan3A_767 : i32
        %mul3A_769 = arith.constant 16 : i32
        %mul3A_770 = arith.muli %scan3A_768, %mul3A_769 : i32
        %get3A_771 = arith.constant 2 : i32
        %get3A_772 = arith.index_cast %get3A_771 : i32 to index
        %get3A_773 = arith.index_cast %mul3A_770 : i32 to index
        %get3A_774 = tpu.vector_load %arg6[%get3A_772, %get3A_773] {strides = array<i32>} : memref<8x8192xf32, #tpu.memory_space<vmem>>, vector<1x16xf32>,
        %get3A_775 = vector.shape_cast %get3A_774 : vector<1x16xf32> to vector<16xf32>
        %get3A_776 = arith.constant 0 : i32
        %get3A_777 = arith.index_cast %get3A_776 : i32 to index
        %get3A_778 = arith.index_cast %mul3A_770 : i32 to index
        %get3A_779 = tpu.vector_load %arg5[%get3A_777, %get3A_778] {strides = array<i32>} : memref<2x8192xf32, #tpu.memory_space<vmem>>, vector<1x16xf32>,
        %get3A_780 = vector.shape_cast %get3A_779 : vector<1x16xf32> to vector<16xf32>
        %add3A_781 = arith.addf %get3A_775, %get3A_780 : vector<16xf32>
        %swap3A_782 = arith.constant 2 : i32
        %swap3A_783 = arith.index_cast %swap3A_782 : i32 to index
        %swap3A_784 = arith.index_cast %mul3A_770 : i32 to index
        %swap3A_785 = tpu.vector_load %arg6[%swap3A_783, %swap3A_784] {strides = array<i32>} : memref<8x8192xf32, #tpu.memory_space<vmem>>, vector<1x16xf32>,
        %swap3A_786 = vector.shape_cast %swap3A_785 : vector<1x16xf32> to vector<16xf32>
        %swap3A_787 = vector.shape_cast %add3A_781 : vector<16xf32> to vector<1x16xf32>
        tpu.vector_store %arg6[%swap3A_783, %swap3A_784], %swap3A_787 {strides = array<i32>} : memref<8x8192xf32, #tpu.memory_space<vmem>>, vector<1x16xf32>,
        %scan3A_788 = arith.constant 3 : i32
        %scan3A_789 = arith.addi %scan3A_728, %scan3A_788 : i32
        %mul3A_790 = arith.constant 16 : i32
        %mul3A_791 = arith.muli %scan3A_789, %mul3A_790 : i32
        %get3A_792 = arith.constant 2 : i32
        %get3A_793 = arith.index_cast %get3A_792 : i32 to index
        %get3A_794 = arith.index_cast %mul3A_791 : i32 to index
        %get3A_795 = tpu.vector_load %arg6[%get3A_793, %get3A_794] {strides = array<i32>} : memref<8x8192xf32, #tpu.memory_space<vmem>>, vector<1x16xf32>,
        %get3A_796 = vector.shape_cast %get3A_795 : vector<1x16xf32> to vector<16xf32>
        %get3A_797 = arith.constant 0 : i32
        %get3A_798 = arith.index_cast %get3A_797 : i32 to index
        %get3A_799 = arith.index_cast %mul3A_791 : i32 to index
        %get3A_800 = tpu.vector_load %arg5[%get3A_798, %get3A_799] {strides = array<i32>} : memref<2x8192xf32, #tpu.memory_space<vmem>>, vector<1x16xf32>,
        %get3A_801 = vector.shape_cast %get3A_800 : vector<1x16xf32> to vector<16xf32>
        %add3A_802 = arith.addf %get3A_796, %get3A_801 : vector<16xf32>
        %swap3A_803 = arith.constant 2 : i32
        %swap3A_804 = arith.index_cast %swap3A_803 : i32 to index
        %swap3A_805 = arith.index_cast %mul3A_791 : i32 to index
        %swap3A_806 = tpu.vector_load %arg6[%swap3A_804, %swap3A_805] {strides = array<i32>} : memref<8x8192xf32, #tpu.memory_space<vmem>>, vector<1x16xf32>,
        %swap3A_807 = vector.shape_cast %swap3A_806 : vector<1x16xf32> to vector<16xf32>
        %swap3A_808 = vector.shape_cast %add3A_802 : vector<16xf32> to vector<1x16xf32>
        tpu.vector_store %arg6[%swap3A_804, %swap3A_805], %swap3A_808 {strides = array<i32>} : memref<8x8192xf32, #tpu.memory_space<vmem>>, vector<1x16xf32>,
        %scan3A_809 = arith.constant 4 : i32
        %scan3A_810 = arith.addi %scan3A_728, %scan3A_809 : i32
        %mul3A_811 = arith.constant 16 : i32
        %mul3A_812 = arith.muli %scan3A_810, %mul3A_811 : i32
        %get3A_813 = arith.constant 2 : i32
        %get3A_814 = arith.index_cast %get3A_813 : i32 to index
        %get3A_815 = arith.index_cast %mul3A_812 : i32 to index
        %get3A_816 = tpu.vector_load %arg6[%get3A_814, %get3A_815] {strides = array<i32>} : memref<8x8192xf32, #tpu.memory_space<vmem>>, vector<1x16xf32>,
        %get3A_817 = vector.shape_cast %get3A_816 : vector<1x16xf32> to vector<16xf32>
        %get3A_818 = arith.constant 0 : i32
        %get3A_819 = arith.index_cast %get3A_818 : i32 to index
        %get3A_820 = arith.index_cast %mul3A_812 : i32 to index
        %get3A_821 = tpu.vector_load %arg5[%get3A_819, %get3A_820] {strides = array<i32>} : memref<2x8192xf32, #tpu.memory_space<vmem>>, vector<1x16xf32>,
        %get3A_822 = vector.shape_cast %get3A_821 : vector<1x16xf32> to vector<16xf32>
        %add3A_823 = arith.addf %get3A_817, %get3A_822 : vector<16xf32>
        %swap3A_824 = arith.constant 2 : i32
        %swap3A_825 = arith.index_cast %swap3A_824 : i32 to index
        %swap3A_826 = arith.index_cast %mul3A_812 : i32 to index
        %swap3A_827 = tpu.vector_load %arg6[%swap3A_825, %swap3A_826] {strides = array<i32>} : memref<8x8192xf32, #tpu.memory_space<vmem>>, vector<1x16xf32>,
        %swap3A_828 = vector.shape_cast %swap3A_827 : vector<1x16xf32> to vector<16xf32>
        %swap3A_829 = vector.shape_cast %add3A_823 : vector<16xf32> to vector<1x16xf32>
        tpu.vector_store %arg6[%swap3A_825, %swap3A_826], %swap3A_829 {strides = array<i32>} : memref<8x8192xf32, #tpu.memory_space<vmem>>, vector<1x16xf32>,
        %scan3A_830 = arith.constant 5 : i32
        %scan3A_831 = arith.addi %scan3A_728, %scan3A_830 : i32
        %mul3A_832 = arith.constant 16 : i32
        %mul3A_833 = arith.muli %scan3A_831, %mul3A_832 : i32
        %get3A_834 = arith.constant 2 : i32
        %get3A_835 = arith.index_cast %get3A_834 : i32 to index
        %get3A_836 = arith.index_cast %mul3A_833 : i32 to index
        %get3A_837 = tpu.vector_load %arg6[%get3A_835, %get3A_836] {strides = array<i32>} : memref<8x8192xf32, #tpu.memory_space<vmem>>, vector<1x16xf32>,
        %get3A_838 = vector.shape_cast %get3A_837 : vector<1x16xf32> to vector<16xf32>
        %get3A_839 = arith.constant 0 : i32
        %get3A_840 = arith.index_cast %get3A_839 : i32 to index
        %get3A_841 = arith.index_cast %mul3A_833 : i32 to index
        %get3A_842 = tpu.vector_load %arg5[%get3A_840, %get3A_841] {strides = array<i32>} : memref<2x8192xf32, #tpu.memory_space<vmem>>, vector<1x16xf32>,
        %get3A_843 = vector.shape_cast %get3A_842 : vector<1x16xf32> to vector<16xf32>
        %add3A_844 = arith.addf %get3A_838, %get3A_843 : vector<16xf32>
        %swap3A_845 = arith.constant 2 : i32
        %swap3A_846 = arith.index_cast %swap3A_845 : i32 to index
        %swap3A_847 = arith.index_cast %mul3A_833 : i32 to index
        %swap3A_848 = tpu.vector_load %arg6[%swap3A_846, %swap3A_847] {strides = array<i32>} : memref<8x8192xf32, #tpu.memory_space<vmem>>, vector<1x16xf32>,
        %swap3A_849 = vector.shape_cast %swap3A_848 : vector<1x16xf32> to vector<16xf32>
        %swap3A_850 = vector.shape_cast %add3A_844 : vector<16xf32> to vector<1x16xf32>
        tpu.vector_store %arg6[%swap3A_846, %swap3A_847], %swap3A_850 {strides = array<i32>} : memref<8x8192xf32, #tpu.memory_space<vmem>>, vector<1x16xf32>,
        %scan3A_851 = arith.constant 6 : i32
        %scan3A_852 = arith.addi %scan3A_728, %scan3A_851 : i32
        %mul3A_853 = arith.constant 16 : i32
        %mul3A_854 = arith.muli %scan3A_852, %mul3A_853 : i32
        %get3A_855 = arith.constant 2 : i32
        %get3A_856 = arith.index_cast %get3A_855 : i32 to index
        %get3A_857 = arith.index_cast %mul3A_854 : i32 to index
        %get3A_858 = tpu.vector_load %arg6[%get3A_856, %get3A_857] {strides = array<i32>} : memref<8x8192xf32, #tpu.memory_space<vmem>>, vector<1x16xf32>,
        %get3A_859 = vector.shape_cast %get3A_858 : vector<1x16xf32> to vector<16xf32>
        %get3A_860 = arith.constant 0 : i32
        %get3A_861 = arith.index_cast %get3A_860 : i32 to index
        %get3A_862 = arith.index_cast %mul3A_854 : i32 to index
        %get3A_863 = tpu.vector_load %arg5[%get3A_861, %get3A_862] {strides = array<i32>} : memref<2x8192xf32, #tpu.memory_space<vmem>>, vector<1x16xf32>,
        %get3A_864 = vector.shape_cast %get3A_863 : vector<1x16xf32> to vector<16xf32>
        %add3A_865 = arith.addf %get3A_859, %get3A_864 : vector<16xf32>
        %swap3A_866 = arith.constant 2 : i32
        %swap3A_867 = arith.index_cast %swap3A_866 : i32 to index
        %swap3A_868 = arith.index_cast %mul3A_854 : i32 to index
        %swap3A_869 = tpu.vector_load %arg6[%swap3A_867, %swap3A_868] {strides = array<i32>} : memref<8x8192xf32, #tpu.memory_space<vmem>>, vector<1x16xf32>,
        %swap3A_870 = vector.shape_cast %swap3A_869 : vector<1x16xf32> to vector<16xf32>
        %swap3A_871 = vector.shape_cast %add3A_865 : vector<16xf32> to vector<1x16xf32>
        tpu.vector_store %arg6[%swap3A_867, %swap3A_868], %swap3A_871 {strides = array<i32>} : memref<8x8192xf32, #tpu.memory_space<vmem>>, vector<1x16xf32>,
        %scan3A_872 = arith.constant 7 : i32
        %scan3A_873 = arith.addi %scan3A_728, %scan3A_872 : i32
        %mul3A_874 = arith.constant 16 : i32
        %mul3A_875 = arith.muli %scan3A_873, %mul3A_874 : i32
        %get3A_876 = arith.constant 2 : i32
        %get3A_877 = arith.index_cast %get3A_876 : i32 to index
        %get3A_878 = arith.index_cast %mul3A_875 : i32 to index
        %get3A_879 = tpu.vector_load %arg6[%get3A_877, %get3A_878] {strides = array<i32>} : memref<8x8192xf32, #tpu.memory_space<vmem>>, vector<1x16xf32>,
        %get3A_880 = vector.shape_cast %get3A_879 : vector<1x16xf32> to vector<16xf32>
        %get3A_881 = arith.constant 0 : i32
        %get3A_882 = arith.index_cast %get3A_881 : i32 to index
        %get3A_883 = arith.index_cast %mul3A_875 : i32 to index
        %get3A_884 = tpu.vector_load %arg5[%get3A_882, %get3A_883] {strides = array<i32>} : memref<2x8192xf32, #tpu.memory_space<vmem>>, vector<1x16xf32>,
        %get3A_885 = vector.shape_cast %get3A_884 : vector<1x16xf32> to vector<16xf32>
        %add3A_886 = arith.addf %get3A_880, %get3A_885 : vector<16xf32>
        %swap3A_887 = arith.constant 2 : i32
        %swap3A_888 = arith.index_cast %swap3A_887 : i32 to index
        %swap3A_889 = arith.index_cast %mul3A_875 : i32 to index
        %swap3A_890 = tpu.vector_load %arg6[%swap3A_888, %swap3A_889] {strides = array<i32>} : memref<8x8192xf32, #tpu.memory_space<vmem>>, vector<1x16xf32>,
        %swap3A_891 = vector.shape_cast %swap3A_890 : vector<1x16xf32> to vector<16xf32>
        %swap3A_892 = vector.shape_cast %add3A_886 : vector<16xf32> to vector<1x16xf32>
        tpu.vector_store %arg6[%swap3A_888, %swap3A_889], %swap3A_892 {strides = array<i32>} : memref<8x8192xf32, #tpu.memory_space<vmem>>, vector<1x16xf32>,
      }
      %scan3A_436 = arith.constant 512 : i32
      %mul3A_437 = arith.constant 8192 : i32
      %mul3A_438 = arith.muli %add3A_227, %mul3A_437 : i32
      %add3A_439 = arith.addi %mul3A_2, %mul3A_438 : i32
      %dma_start3A_440 = arith.constant 2 : i32
      %dma_start3A_441 = arith.constant 2 : i32
      %dma_start3A_442 = arith.constant 2 : i32
      %dma_start3A_443 = arith.constant 0 : i32
      %dma_start3A_444 = tpu.memref_slice %arg6[%dma_start3A_440, %dma_start3A_443] : memref<8x8192xf32, #tpu.memory_space<vmem>> -> memref<1x8192xf32, #tpu.memory_space<vmem>>
      %dma_start3A_445 = tpu.memref_squeeze %dma_start3A_444 : memref<1x8192xf32, #tpu.memory_space<vmem>> -> memref<8192xf32, #tpu.memory_space<vmem>>
      %dma_start3A_446 = tpu.memref_slice %arg4[%dma_start3A_441, %add3A_439] : memref<4x4194304xf32, #tpu.memory_space<hbm>> -> memref<1x8192xf32, #tpu.memory_space<hbm>>
      %dma_start3A_447 = tpu.memref_squeeze %dma_start3A_446 : memref<1x8192xf32, #tpu.memory_space<hbm>> -> memref<8192xf32, #tpu.memory_space<hbm>>
      %dma_start3A_448 = tpu.memref_slice %arg9[%dma_start3A_442] : memref<8x!tpu.dma_semaphore, #tpu.memory_space<semaphore_mem>> -> memref<1x!tpu.dma_semaphore, #tpu.memory_space<semaphore_mem>>
      %dma_start3A_449 = tpu.memref_squeeze %dma_start3A_448 : memref<1x!tpu.dma_semaphore, #tpu.memory_space<semaphore_mem>> -> memref<!tpu.dma_semaphore, #tpu.memory_space<semaphore_mem>>
      %dma_start3A_450 = tpu.memref_slice %arg4[%dma_start3A_441, %add3A_439] : memref<4x4194304xf32, #tpu.memory_space<hbm>> -> memref<1x8192xf32, #tpu.memory_space<hbm>>
      %dma_start3A_451 = tpu.memref_squeeze %dma_start3A_450 : memref<1x8192xf32, #tpu.memory_space<hbm>> -> memref<8192xf32, #tpu.memory_space<hbm>>
      %dma_start3A_452 = arith.constant 0 : i32
      %dma_start3A_453 = tpu.memref_slice %arg6[%dma_start3A_440, %dma_start3A_452] : memref<8x8192xf32, #tpu.memory_space<vmem>> -> memref<1x8192xf32, #tpu.memory_space<vmem>>
      %dma_start3A_454 = tpu.memref_squeeze %dma_start3A_453 : memref<1x8192xf32, #tpu.memory_space<vmem>> -> memref<8192xf32, #tpu.memory_space<vmem>>
      tpu.enqueue_dma source(%dma_start3A_454 : memref<8192xf32, #tpu.memory_space<vmem>>) target(%dma_start3A_451 : memref<8192xf32, #tpu.memory_space<hbm>>) target_semaphore(%dma_start3A_449 : memref<!tpu.dma_semaphore, #tpu.memory_space<semaphore_mem>>)
      %ge3A_455 = arith.constant 1 : i32
      %ge3A_456 = arith.cmpi sge, %scan3A_223, %ge3A_455 : i32
      %convert_element_type3A_457 = arith.extui %ge3A_456 : i1 to i32
      %cond3A_458 = arith.constant 0 : i32
      %cond3A_459 = arith.cmpi ne, %convert_element_type3A_457, %cond3A_458 : i32
      scf.if %cond3A_459 {
        %sub3A = arith.constant 1 : i32
        %sub3A_728 = arith.subi %add3A_227, %sub3A : i32
        %mul3A_729 = arith.constant 8192 : i32
        %mul3A_730 = arith.muli %sub3A_728, %mul3A_729 : i32
        %add3A_731 = arith.addi %mul3A_2, %mul3A_730 : i32
        %dma_wait3A_732 = arith.constant 7 : i32
        %dma_wait3A_733 = arith.constant 3 : i32
        %dma_wait3A_734 = arith.constant 7 : i32
        %dma_wait3A_735 = arith.constant 0 : i32
        %dma_wait3A_736 = tpu.memref_slice %arg6[%dma_wait3A_732, %dma_wait3A_735] : memref<8x8192xf32, #tpu.memory_space<vmem>> -> memref<1x8192xf32, #tpu.memory_space<vmem>>
        %dma_wait3A_737 = tpu.memref_squeeze %dma_wait3A_736 : memref<1x8192xf32, #tpu.memory_space<vmem>> -> memref<8192xf32, #tpu.memory_space<vmem>>
        %dma_wait3A_738 = tpu.memref_slice %arg4[%dma_wait3A_733, %add3A_731] : memref<4x4194304xf32, #tpu.memory_space<hbm>> -> memref<1x8192xf32, #tpu.memory_space<hbm>>
        %dma_wait3A_739 = tpu.memref_squeeze %dma_wait3A_738 : memref<1x8192xf32, #tpu.memory_space<hbm>> -> memref<8192xf32, #tpu.memory_space<hbm>>
        %dma_wait3A_740 = tpu.memref_slice %arg9[%dma_wait3A_734] : memref<8x!tpu.dma_semaphore, #tpu.memory_space<semaphore_mem>> -> memref<1x!tpu.dma_semaphore, #tpu.memory_space<semaphore_mem>>
        %dma_wait3A_741 = tpu.memref_squeeze %dma_wait3A_740 : memref<1x!tpu.dma_semaphore, #tpu.memory_space<semaphore_mem>> -> memref<!tpu.dma_semaphore, #tpu.memory_space<semaphore_mem>>
        %dma_wait3A_742 = tpu.memref_slice %arg4[%dma_wait3A_733, %add3A_731] : memref<4x4194304xf32, #tpu.memory_space<hbm>> -> memref<1x8192xf32, #tpu.memory_space<hbm>>
        %dma_wait3A_743 = tpu.memref_squeeze %dma_wait3A_742 : memref<1x8192xf32, #tpu.memory_space<hbm>> -> memref<8192xf32, #tpu.memory_space<hbm>>
        %dma_wait3A_744 = arith.constant 0 : i32
        %dma_wait3A_745 = tpu.memref_slice %arg6[%dma_wait3A_732, %dma_wait3A_744] : memref<8x8192xf32, #tpu.memory_space<vmem>> -> memref<1x8192xf32, #tpu.memory_space<vmem>>
        %dma_wait3A_746 = tpu.memref_squeeze %dma_wait3A_745 : memref<1x8192xf32, #tpu.memory_space<vmem>> -> memref<8192xf32, #tpu.memory_space<vmem>>
        tpu.wait_dma2 semaphore(%dma_wait3A_741 : memref<!tpu.dma_semaphore, #tpu.memory_space<semaphore_mem>>) src(%dma_wait3A_746 : memref<8192xf32, #tpu.memory_space<vmem>>) dst(%dma_wait3A_743 : memref<8192xf32, #tpu.memory_space<hbm>>)
      } else {
      }
      %add3A_460 = arith.constant 1 : i32
      %add3A_461 = arith.addi %add3A_227, %add3A_460 : i32
      %mul3A_462 = arith.constant 8192 : i32
      %mul3A_463 = arith.muli %add3A_461, %mul3A_462 : i32
      %add3A_464 = arith.addi %mul3A_2, %mul3A_463 : i32
      %dma_start3A_465 = arith.constant 3 : i32
      %dma_start3A_466 = arith.constant 7 : i32
      %dma_start3A_467 = arith.constant 7 : i32
      %dma_start3A_468 = arith.constant 0 : i32
      %dma_start3A_469 = tpu.memref_slice %arg6[%dma_start3A_466, %dma_start3A_468] : memref<8x8192xf32, #tpu.memory_space<vmem>> -> memref<1x8192xf32, #tpu.memory_space<vmem>>
      %dma_start3A_470 = tpu.memref_squeeze %dma_start3A_469 : memref<1x8192xf32, #tpu.memory_space<vmem>> -> memref<8192xf32, #tpu.memory_space<vmem>>
      %dma_start3A_471 = tpu.memref_slice %arg2[%dma_start3A_465, %add3A_464] : memref<4x4194304xf32, #tpu.memory_space<hbm>> -> memref<1x8192xf32, #tpu.memory_space<hbm>>
      %dma_start3A_472 = tpu.memref_squeeze %dma_start3A_471 : memref<1x8192xf32, #tpu.memory_space<hbm>> -> memref<8192xf32, #tpu.memory_space<hbm>>
      %dma_start3A_473 = tpu.memref_slice %arg8[%dma_start3A_467] : memref<8x!tpu.dma_semaphore, #tpu.memory_space<semaphore_mem>> -> memref<1x!tpu.dma_semaphore, #tpu.memory_space<semaphore_mem>>
      %dma_start3A_474 = tpu.memref_squeeze %dma_start3A_473 : memref<1x!tpu.dma_semaphore, #tpu.memory_space<semaphore_mem>> -> memref<!tpu.dma_semaphore, #tpu.memory_space<semaphore_mem>>
      %dma_start3A_475 = arith.constant 0 : i32
      %dma_start3A_476 = tpu.memref_slice %arg6[%dma_start3A_466, %dma_start3A_475] : memref<8x8192xf32, #tpu.memory_space<vmem>> -> memref<1x8192xf32, #tpu.memory_space<vmem>>
      %dma_start3A_477 = tpu.memref_squeeze %dma_start3A_476 : memref<1x8192xf32, #tpu.memory_space<vmem>> -> memref<8192xf32, #tpu.memory_space<vmem>>
      %dma_start3A_478 = tpu.memref_slice %arg2[%dma_start3A_465, %add3A_464] : memref<4x4194304xf32, #tpu.memory_space<hbm>> -> memref<1x8192xf32, #tpu.memory_space<hbm>>
      %dma_start3A_479 = tpu.memref_squeeze %dma_start3A_478 : memref<1x8192xf32, #tpu.memory_space<hbm>> -> memref<8192xf32, #tpu.memory_space<hbm>>
      tpu.enqueue_dma source(%dma_start3A_479 : memref<8192xf32, #tpu.memory_space<hbm>>) target(%dma_start3A_477 : memref<8192xf32, #tpu.memory_space<vmem>>) target_semaphore(%dma_start3A_474 : memref<!tpu.dma_semaphore, #tpu.memory_space<semaphore_mem>>)
      %mul3A_480 = arith.constant 8192 : i32
      %mul3A_481 = arith.muli %add3A_227, %mul3A_480 : i32
      %add3A_482 = arith.addi %mul3A_2, %mul3A_481 : i32
      %dma_wait3A_483 = arith.constant 3 : i32
      %dma_wait3A_484 = arith.constant 3 : i32
      %dma_wait3A_485 = arith.constant 3 : i32
      %dma_wait3A_486 = arith.constant 0 : i32
      %dma_wait3A_487 = tpu.memref_slice %arg6[%dma_wait3A_484, %dma_wait3A_486] : memref<8x8192xf32, #tpu.memory_space<vmem>> -> memref<1x8192xf32, #tpu.memory_space<vmem>>
      %dma_wait3A_488 = tpu.memref_squeeze %dma_wait3A_487 : memref<1x8192xf32, #tpu.memory_space<vmem>> -> memref<8192xf32, #tpu.memory_space<vmem>>
      %dma_wait3A_489 = tpu.memref_slice %arg2[%dma_wait3A_483, %add3A_482] : memref<4x4194304xf32, #tpu.memory_space<hbm>> -> memref<1x8192xf32, #tpu.memory_space<hbm>>
      %dma_wait3A_490 = tpu.memref_squeeze %dma_wait3A_489 : memref<1x8192xf32, #tpu.memory_space<hbm>> -> memref<8192xf32, #tpu.memory_space<hbm>>
      %dma_wait3A_491 = tpu.memref_slice %arg8[%dma_wait3A_485] : memref<8x!tpu.dma_semaphore, #tpu.memory_space<semaphore_mem>> -> memref<1x!tpu.dma_semaphore, #tpu.memory_space<semaphore_mem>>
      %dma_wait3A_492 = tpu.memref_squeeze %dma_wait3A_491 : memref<1x!tpu.dma_semaphore, #tpu.memory_space<semaphore_mem>> -> memref<!tpu.dma_semaphore, #tpu.memory_space<semaphore_mem>>
      %dma_wait3A_493 = arith.constant 0 : i32
      %dma_wait3A_494 = tpu.memref_slice %arg6[%dma_wait3A_484, %dma_wait3A_493] : memref<8x8192xf32, #tpu.memory_space<vmem>> -> memref<1x8192xf32, #tpu.memory_space<vmem>>
      %dma_wait3A_495 = tpu.memref_squeeze %dma_wait3A_494 : memref<1x8192xf32, #tpu.memory_space<vmem>> -> memref<8192xf32, #tpu.memory_space<vmem>>
      %dma_wait3A_496 = tpu.memref_slice %arg2[%dma_wait3A_483, %add3A_482] : memref<4x4194304xf32, #tpu.memory_space<hbm>> -> memref<1x8192xf32, #tpu.memory_space<hbm>>
      %dma_wait3A_497 = tpu.memref_squeeze %dma_wait3A_496 : memref<1x8192xf32, #tpu.memory_space<hbm>> -> memref<8192xf32, #tpu.memory_space<hbm>>
      tpu.wait_dma2 semaphore(%dma_wait3A_492 : memref<!tpu.dma_semaphore, #tpu.memory_space<semaphore_mem>>) src(%dma_wait3A_497 : memref<8192xf32, #tpu.memory_space<hbm>>) dst(%dma_wait3A_495 : memref<8192xf32, #tpu.memory_space<vmem>>)
      %scan3A_498 = arith.constant 0 : i32
      %scan3A_499 = arith.constant 512 : i32
      %scan3A_500 = arith.addi %scan3A_498, %scan3A_499 : i32
      %scan3A_501 = arith.constant 8 : i32
      scf.for %scan3A_728 = %scan3A_498 to %scan3A_500 step %scan3A_501  : i32 {
        %mul3A_729 = arith.constant 16 : i32
        %mul3A_730 = arith.muli %scan3A_728, %mul3A_729 : i32
        %get3A = arith.constant 3 : i32
        %get3A_731 = arith.index_cast %get3A : i32 to index
        %get3A_732 = arith.index_cast %mul3A_730 : i32 to index
        %get3A_733 = tpu.vector_load %arg6[%get3A_731, %get3A_732] {strides = array<i32>} : memref<8x8192xf32, #tpu.memory_space<vmem>>, vector<1x16xf32>,
        %get3A_734 = vector.shape_cast %get3A_733 : vector<1x16xf32> to vector<16xf32>
        %get3A_735 = arith.constant 0 : i32
        %get3A_736 = arith.index_cast %get3A_735 : i32 to index
        %get3A_737 = arith.index_cast %mul3A_730 : i32 to index
        %get3A_738 = tpu.vector_load %arg5[%get3A_736, %get3A_737] {strides = array<i32>} : memref<2x8192xf32, #tpu.memory_space<vmem>>, vector<1x16xf32>,
        %get3A_739 = vector.shape_cast %get3A_738 : vector<1x16xf32> to vector<16xf32>
        %add3A_740 = arith.addf %get3A_734, %get3A_739 : vector<16xf32>
        %swap3A = arith.constant 3 : i32
        %swap3A_741 = arith.index_cast %swap3A : i32 to index
        %swap3A_742 = arith.index_cast %mul3A_730 : i32 to index
        %swap3A_743 = tpu.vector_load %arg6[%swap3A_741, %swap3A_742] {strides = array<i32>} : memref<8x8192xf32, #tpu.memory_space<vmem>>, vector<1x16xf32>,
        %swap3A_744 = vector.shape_cast %swap3A_743 : vector<1x16xf32> to vector<16xf32>
        %swap3A_745 = vector.shape_cast %add3A_740 : vector<16xf32> to vector<1x16xf32>
        tpu.vector_store %arg6[%swap3A_741, %swap3A_742], %swap3A_745 {strides = array<i32>} : memref<8x8192xf32, #tpu.memory_space<vmem>>, vector<1x16xf32>,
        %scan3A_746 = arith.constant 1 : i32
        %scan3A_747 = arith.addi %scan3A_728, %scan3A_746 : i32
        %mul3A_748 = arith.constant 16 : i32
        %mul3A_749 = arith.muli %scan3A_747, %mul3A_748 : i32
        %get3A_750 = arith.constant 3 : i32
        %get3A_751 = arith.index_cast %get3A_750 : i32 to index
        %get3A_752 = arith.index_cast %mul3A_749 : i32 to index
        %get3A_753 = tpu.vector_load %arg6[%get3A_751, %get3A_752] {strides = array<i32>} : memref<8x8192xf32, #tpu.memory_space<vmem>>, vector<1x16xf32>,
        %get3A_754 = vector.shape_cast %get3A_753 : vector<1x16xf32> to vector<16xf32>
        %get3A_755 = arith.constant 0 : i32
        %get3A_756 = arith.index_cast %get3A_755 : i32 to index
        %get3A_757 = arith.index_cast %mul3A_749 : i32 to index
        %get3A_758 = tpu.vector_load %arg5[%get3A_756, %get3A_757] {strides = array<i32>} : memref<2x8192xf32, #tpu.memory_space<vmem>>, vector<1x16xf32>,
        %get3A_759 = vector.shape_cast %get3A_758 : vector<1x16xf32> to vector<16xf32>
        %add3A_760 = arith.addf %get3A_754, %get3A_759 : vector<16xf32>
        %swap3A_761 = arith.constant 3 : i32
        %swap3A_762 = arith.index_cast %swap3A_761 : i32 to index
        %swap3A_763 = arith.index_cast %mul3A_749 : i32 to index
        %swap3A_764 = tpu.vector_load %arg6[%swap3A_762, %swap3A_763] {strides = array<i32>} : memref<8x8192xf32, #tpu.memory_space<vmem>>, vector<1x16xf32>,
        %swap3A_765 = vector.shape_cast %swap3A_764 : vector<1x16xf32> to vector<16xf32>
        %swap3A_766 = vector.shape_cast %add3A_760 : vector<16xf32> to vector<1x16xf32>
        tpu.vector_store %arg6[%swap3A_762, %swap3A_763], %swap3A_766 {strides = array<i32>} : memref<8x8192xf32, #tpu.memory_space<vmem>>, vector<1x16xf32>,
        %scan3A_767 = arith.constant 2 : i32
        %scan3A_768 = arith.addi %scan3A_728, %scan3A_767 : i32
        %mul3A_769 = arith.constant 16 : i32
        %mul3A_770 = arith.muli %scan3A_768, %mul3A_769 : i32
        %get3A_771 = arith.constant 3 : i32
        %get3A_772 = arith.index_cast %get3A_771 : i32 to index
        %get3A_773 = arith.index_cast %mul3A_770 : i32 to index
        %get3A_774 = tpu.vector_load %arg6[%get3A_772, %get3A_773] {strides = array<i32>} : memref<8x8192xf32, #tpu.memory_space<vmem>>, vector<1x16xf32>,
        %get3A_775 = vector.shape_cast %get3A_774 : vector<1x16xf32> to vector<16xf32>
        %get3A_776 = arith.constant 0 : i32
        %get3A_777 = arith.index_cast %get3A_776 : i32 to index
        %get3A_778 = arith.index_cast %mul3A_770 : i32 to index
        %get3A_779 = tpu.vector_load %arg5[%get3A_777, %get3A_778] {strides = array<i32>} : memref<2x8192xf32, #tpu.memory_space<vmem>>, vector<1x16xf32>,
        %get3A_780 = vector.shape_cast %get3A_779 : vector<1x16xf32> to vector<16xf32>
        %add3A_781 = arith.addf %get3A_775, %get3A_780 : vector<16xf32>
        %swap3A_782 = arith.constant 3 : i32
        %swap3A_783 = arith.index_cast %swap3A_782 : i32 to index
        %swap3A_784 = arith.index_cast %mul3A_770 : i32 to index
        %swap3A_785 = tpu.vector_load %arg6[%swap3A_783, %swap3A_784] {strides = array<i32>} : memref<8x8192xf32, #tpu.memory_space<vmem>>, vector<1x16xf32>,
        %swap3A_786 = vector.shape_cast %swap3A_785 : vector<1x16xf32> to vector<16xf32>
        %swap3A_787 = vector.shape_cast %add3A_781 : vector<16xf32> to vector<1x16xf32>
        tpu.vector_store %arg6[%swap3A_783, %swap3A_784], %swap3A_787 {strides = array<i32>} : memref<8x8192xf32, #tpu.memory_space<vmem>>, vector<1x16xf32>,
        %scan3A_788 = arith.constant 3 : i32
        %scan3A_789 = arith.addi %scan3A_728, %scan3A_788 : i32
        %mul3A_790 = arith.constant 16 : i32
        %mul3A_791 = arith.muli %scan3A_789, %mul3A_790 : i32
        %get3A_792 = arith.constant 3 : i32
        %get3A_793 = arith.index_cast %get3A_792 : i32 to index
        %get3A_794 = arith.index_cast %mul3A_791 : i32 to index
        %get3A_795 = tpu.vector_load %arg6[%get3A_793, %get3A_794] {strides = array<i32>} : memref<8x8192xf32, #tpu.memory_space<vmem>>, vector<1x16xf32>,
        %get3A_796 = vector.shape_cast %get3A_795 : vector<1x16xf32> to vector<16xf32>
        %get3A_797 = arith.constant 0 : i32
        %get3A_798 = arith.index_cast %get3A_797 : i32 to index
        %get3A_799 = arith.index_cast %mul3A_791 : i32 to index
        %get3A_800 = tpu.vector_load %arg5[%get3A_798, %get3A_799] {strides = array<i32>} : memref<2x8192xf32, #tpu.memory_space<vmem>>, vector<1x16xf32>,
        %get3A_801 = vector.shape_cast %get3A_800 : vector<1x16xf32> to vector<16xf32>
        %add3A_802 = arith.addf %get3A_796, %get3A_801 : vector<16xf32>
        %swap3A_803 = arith.constant 3 : i32
        %swap3A_804 = arith.index_cast %swap3A_803 : i32 to index
        %swap3A_805 = arith.index_cast %mul3A_791 : i32 to index
        %swap3A_806 = tpu.vector_load %arg6[%swap3A_804, %swap3A_805] {strides = array<i32>} : memref<8x8192xf32, #tpu.memory_space<vmem>>, vector<1x16xf32>,
        %swap3A_807 = vector.shape_cast %swap3A_806 : vector<1x16xf32> to vector<16xf32>
        %swap3A_808 = vector.shape_cast %add3A_802 : vector<16xf32> to vector<1x16xf32>
        tpu.vector_store %arg6[%swap3A_804, %swap3A_805], %swap3A_808 {strides = array<i32>} : memref<8x8192xf32, #tpu.memory_space<vmem>>, vector<1x16xf32>,
        %scan3A_809 = arith.constant 4 : i32
        %scan3A_810 = arith.addi %scan3A_728, %scan3A_809 : i32
        %mul3A_811 = arith.constant 16 : i32
        %mul3A_812 = arith.muli %scan3A_810, %mul3A_811 : i32
        %get3A_813 = arith.constant 3 : i32
        %get3A_814 = arith.index_cast %get3A_813 : i32 to index
        %get3A_815 = arith.index_cast %mul3A_812 : i32 to index
        %get3A_816 = tpu.vector_load %arg6[%get3A_814, %get3A_815] {strides = array<i32>} : memref<8x8192xf32, #tpu.memory_space<vmem>>, vector<1x16xf32>,
        %get3A_817 = vector.shape_cast %get3A_816 : vector<1x16xf32> to vector<16xf32>
        %get3A_818 = arith.constant 0 : i32
        %get3A_819 = arith.index_cast %get3A_818 : i32 to index
        %get3A_820 = arith.index_cast %mul3A_812 : i32 to index
        %get3A_821 = tpu.vector_load %arg5[%get3A_819, %get3A_820] {strides = array<i32>} : memref<2x8192xf32, #tpu.memory_space<vmem>>, vector<1x16xf32>,
        %get3A_822 = vector.shape_cast %get3A_821 : vector<1x16xf32> to vector<16xf32>
        %add3A_823 = arith.addf %get3A_817, %get3A_822 : vector<16xf32>
        %swap3A_824 = arith.constant 3 : i32
        %swap3A_825 = arith.index_cast %swap3A_824 : i32 to index
        %swap3A_826 = arith.index_cast %mul3A_812 : i32 to index
        %swap3A_827 = tpu.vector_load %arg6[%swap3A_825, %swap3A_826] {strides = array<i32>} : memref<8x8192xf32, #tpu.memory_space<vmem>>, vector<1x16xf32>,
        %swap3A_828 = vector.shape_cast %swap3A_827 : vector<1x16xf32> to vector<16xf32>
        %swap3A_829 = vector.shape_cast %add3A_823 : vector<16xf32> to vector<1x16xf32>
        tpu.vector_store %arg6[%swap3A_825, %swap3A_826], %swap3A_829 {strides = array<i32>} : memref<8x8192xf32, #tpu.memory_space<vmem>>, vector<1x16xf32>,
        %scan3A_830 = arith.constant 5 : i32
        %scan3A_831 = arith.addi %scan3A_728, %scan3A_830 : i32
        %mul3A_832 = arith.constant 16 : i32
        %mul3A_833 = arith.muli %scan3A_831, %mul3A_832 : i32
        %get3A_834 = arith.constant 3 : i32
        %get3A_835 = arith.index_cast %get3A_834 : i32 to index
        %get3A_836 = arith.index_cast %mul3A_833 : i32 to index
        %get3A_837 = tpu.vector_load %arg6[%get3A_835, %get3A_836] {strides = array<i32>} : memref<8x8192xf32, #tpu.memory_space<vmem>>, vector<1x16xf32>,
        %get3A_838 = vector.shape_cast %get3A_837 : vector<1x16xf32> to vector<16xf32>
        %get3A_839 = arith.constant 0 : i32
        %get3A_840 = arith.index_cast %get3A_839 : i32 to index
        %get3A_841 = arith.index_cast %mul3A_833 : i32 to index
        %get3A_842 = tpu.vector_load %arg5[%get3A_840, %get3A_841] {strides = array<i32>} : memref<2x8192xf32, #tpu.memory_space<vmem>>, vector<1x16xf32>,
        %get3A_843 = vector.shape_cast %get3A_842 : vector<1x16xf32> to vector<16xf32>
        %add3A_844 = arith.addf %get3A_838, %get3A_843 : vector<16xf32>
        %swap3A_845 = arith.constant 3 : i32
        %swap3A_846 = arith.index_cast %swap3A_845 : i32 to index
        %swap3A_847 = arith.index_cast %mul3A_833 : i32 to index
        %swap3A_848 = tpu.vector_load %arg6[%swap3A_846, %swap3A_847] {strides = array<i32>} : memref<8x8192xf32, #tpu.memory_space<vmem>>, vector<1x16xf32>,
        %swap3A_849 = vector.shape_cast %swap3A_848 : vector<1x16xf32> to vector<16xf32>
        %swap3A_850 = vector.shape_cast %add3A_844 : vector<16xf32> to vector<1x16xf32>
        tpu.vector_store %arg6[%swap3A_846, %swap3A_847], %swap3A_850 {strides = array<i32>} : memref<8x8192xf32, #tpu.memory_space<vmem>>, vector<1x16xf32>,
        %scan3A_851 = arith.constant 6 : i32
        %scan3A_852 = arith.addi %scan3A_728, %scan3A_851 : i32
        %mul3A_853 = arith.constant 16 : i32
        %mul3A_854 = arith.muli %scan3A_852, %mul3A_853 : i32
        %get3A_855 = arith.constant 3 : i32
        %get3A_856 = arith.index_cast %get3A_855 : i32 to index
        %get3A_857 = arith.index_cast %mul3A_854 : i32 to index
        %get3A_858 = tpu.vector_load %arg6[%get3A_856, %get3A_857] {strides = array<i32>} : memref<8x8192xf32, #tpu.memory_space<vmem>>, vector<1x16xf32>,
        %get3A_859 = vector.shape_cast %get3A_858 : vector<1x16xf32> to vector<16xf32>
        %get3A_860 = arith.constant 0 : i32
        %get3A_861 = arith.index_cast %get3A_860 : i32 to index
        %get3A_862 = arith.index_cast %mul3A_854 : i32 to index
        %get3A_863 = tpu.vector_load %arg5[%get3A_861, %get3A_862] {strides = array<i32>} : memref<2x8192xf32, #tpu.memory_space<vmem>>, vector<1x16xf32>,
        %get3A_864 = vector.shape_cast %get3A_863 : vector<1x16xf32> to vector<16xf32>
        %add3A_865 = arith.addf %get3A_859, %get3A_864 : vector<16xf32>
        %swap3A_866 = arith.constant 3 : i32
        %swap3A_867 = arith.index_cast %swap3A_866 : i32 to index
        %swap3A_868 = arith.index_cast %mul3A_854 : i32 to index
        %swap3A_869 = tpu.vector_load %arg6[%swap3A_867, %swap3A_868] {strides = array<i32>} : memref<8x8192xf32, #tpu.memory_space<vmem>>, vector<1x16xf32>,
        %swap3A_870 = vector.shape_cast %swap3A_869 : vector<1x16xf32> to vector<16xf32>
        %swap3A_871 = vector.shape_cast %add3A_865 : vector<16xf32> to vector<1x16xf32>
        tpu.vector_store %arg6[%swap3A_867, %swap3A_868], %swap3A_871 {strides = array<i32>} : memref<8x8192xf32, #tpu.memory_space<vmem>>, vector<1x16xf32>,
        %scan3A_872 = arith.constant 7 : i32
        %scan3A_873 = arith.addi %scan3A_728, %scan3A_872 : i32
        %mul3A_874 = arith.constant 16 : i32
        %mul3A_875 = arith.muli %scan3A_873, %mul3A_874 : i32
        %get3A_876 = arith.constant 3 : i32
        %get3A_877 = arith.index_cast %get3A_876 : i32 to index
        %get3A_878 = arith.index_cast %mul3A_875 : i32 to index
        %get3A_879 = tpu.vector_load %arg6[%get3A_877, %get3A_878] {strides = array<i32>} : memref<8x8192xf32, #tpu.memory_space<vmem>>, vector<1x16xf32>,
        %get3A_880 = vector.shape_cast %get3A_879 : vector<1x16xf32> to vector<16xf32>
        %get3A_881 = arith.constant 0 : i32
        %get3A_882 = arith.index_cast %get3A_881 : i32 to index
        %get3A_883 = arith.index_cast %mul3A_875 : i32 to index
        %get3A_884 = tpu.vector_load %arg5[%get3A_882, %get3A_883] {strides = array<i32>} : memref<2x8192xf32, #tpu.memory_space<vmem>>, vector<1x16xf32>,
        %get3A_885 = vector.shape_cast %get3A_884 : vector<1x16xf32> to vector<16xf32>
        %add3A_886 = arith.addf %get3A_880, %get3A_885 : vector<16xf32>
        %swap3A_887 = arith.constant 3 : i32
        %swap3A_888 = arith.index_cast %swap3A_887 : i32 to index
        %swap3A_889 = arith.index_cast %mul3A_875 : i32 to index
        %swap3A_890 = tpu.vector_load %arg6[%swap3A_888, %swap3A_889] {strides = array<i32>} : memref<8x8192xf32, #tpu.memory_space<vmem>>, vector<1x16xf32>,
        %swap3A_891 = vector.shape_cast %swap3A_890 : vector<1x16xf32> to vector<16xf32>
        %swap3A_892 = vector.shape_cast %add3A_886 : vector<16xf32> to vector<1x16xf32>
        tpu.vector_store %arg6[%swap3A_888, %swap3A_889], %swap3A_892 {strides = array<i32>} : memref<8x8192xf32, #tpu.memory_space<vmem>>, vector<1x16xf32>,
      }
      %scan3A_502 = arith.constant 512 : i32
      %mul3A_503 = arith.constant 8192 : i32
      %mul3A_504 = arith.muli %add3A_227, %mul3A_503 : i32
      %add3A_505 = arith.addi %mul3A_2, %mul3A_504 : i32
      %dma_start3A_506 = arith.constant 3 : i32
      %dma_start3A_507 = arith.constant 3 : i32
      %dma_start3A_508 = arith.constant 3 : i32
      %dma_start3A_509 = arith.constant 0 : i32
      %dma_start3A_510 = tpu.memref_slice %arg6[%dma_start3A_506, %dma_start3A_509] : memref<8x8192xf32, #tpu.memory_space<vmem>> -> memref<1x8192xf32, #tpu.memory_space<vmem>>
      %dma_start3A_511 = tpu.memref_squeeze %dma_start3A_510 : memref<1x8192xf32, #tpu.memory_space<vmem>> -> memref<8192xf32, #tpu.memory_space<vmem>>
      %dma_start3A_512 = tpu.memref_slice %arg4[%dma_start3A_507, %add3A_505] : memref<4x4194304xf32, #tpu.memory_space<hbm>> -> memref<1x8192xf32, #tpu.memory_space<hbm>>
      %dma_start3A_513 = tpu.memref_squeeze %dma_start3A_512 : memref<1x8192xf32, #tpu.memory_space<hbm>> -> memref<8192xf32, #tpu.memory_space<hbm>>
      %dma_start3A_514 = tpu.memref_slice %arg9[%dma_start3A_508] : memref<8x!tpu.dma_semaphore, #tpu.memory_space<semaphore_mem>> -> memref<1x!tpu.dma_semaphore, #tpu.memory_space<semaphore_mem>>
      %dma_start3A_515 = tpu.memref_squeeze %dma_start3A_514 : memref<1x!tpu.dma_semaphore, #tpu.memory_space<semaphore_mem>> -> memref<!tpu.dma_semaphore, #tpu.memory_space<semaphore_mem>>
      %dma_start3A_516 = tpu.memref_slice %arg4[%dma_start3A_507, %add3A_505] : memref<4x4194304xf32, #tpu.memory_space<hbm>> -> memref<1x8192xf32, #tpu.memory_space<hbm>>
      %dma_start3A_517 = tpu.memref_squeeze %dma_start3A_516 : memref<1x8192xf32, #tpu.memory_space<hbm>> -> memref<8192xf32, #tpu.memory_space<hbm>>
      %dma_start3A_518 = arith.constant 0 : i32
      %dma_start3A_519 = tpu.memref_slice %arg6[%dma_start3A_506, %dma_start3A_518] : memref<8x8192xf32, #tpu.memory_space<vmem>> -> memref<1x8192xf32, #tpu.memory_space<vmem>>
      %dma_start3A_520 = tpu.memref_squeeze %dma_start3A_519 : memref<1x8192xf32, #tpu.memory_space<vmem>> -> memref<8192xf32, #tpu.memory_space<vmem>>
      tpu.enqueue_dma source(%dma_start3A_520 : memref<8192xf32, #tpu.memory_space<vmem>>) target(%dma_start3A_517 : memref<8192xf32, #tpu.memory_space<hbm>>) target_semaphore(%dma_start3A_515 : memref<!tpu.dma_semaphore, #tpu.memory_space<semaphore_mem>>)
      %mul3A_521 = arith.constant 2 : i32
      %mul3A_522 = arith.muli %scan3A_223, %mul3A_521 : i32
      %add3A_523 = arith.constant 1 : i32
      %add3A_524 = arith.addi %mul3A_522, %add3A_523 : i32
      %lt3A = arith.constant 7 : i32
      %lt3A_525 = arith.cmpi slt, %scan3A_223, %lt3A : i32
      %convert_element_type3A_526 = arith.extui %lt3A_525 : i1 to i32
      %cond3A_527 = arith.constant 0 : i32
      %cond3A_528 = arith.cmpi ne, %convert_element_type3A_526, %cond3A_527 : i32
      scf.if %cond3A_528 {
        %add3A_728 = arith.constant 1 : i32
        %add3A_729 = arith.addi %add3A_524, %add3A_728 : i32
        %mul3A_730 = arith.constant 8192 : i32
        %mul3A_731 = arith.muli %add3A_729, %mul3A_730 : i32
        %add3A_732 = arith.addi %mul3A_2, %mul3A_731 : i32
        %dma_start3A_733 = arith.constant 0 : i32
        %dma_start3A_734 = arith.constant 0 : i32
        %dma_start3A_735 = arith.constant 0 : i32
        %dma_start3A_736 = tpu.memref_slice %arg5[%dma_start3A_733, %dma_start3A_735] : memref<2x8192xf32, #tpu.memory_space<vmem>> -> memref<1x8192xf32, #tpu.memory_space<vmem>>
        %dma_start3A_737 = tpu.memref_squeeze %dma_start3A_736 : memref<1x8192xf32, #tpu.memory_space<vmem>> -> memref<8192xf32, #tpu.memory_space<vmem>>
        %dma_start3A_738 = tpu.memref_slice %arg3[%add3A_732] : memref<8388608xf32, #tpu.memory_space<hbm>> -> memref<8192xf32, #tpu.memory_space<hbm>>
        %dma_start3A_739 = tpu.memref_slice %arg7[%dma_start3A_734] : memref<2x!tpu.dma_semaphore, #tpu.memory_space<semaphore_mem>> -> memref<1x!tpu.dma_semaphore, #tpu.memory_space<semaphore_mem>>
        %dma_start3A_740 = tpu.memref_squeeze %dma_start3A_739 : memref<1x!tpu.dma_semaphore, #tpu.memory_space<semaphore_mem>> -> memref<!tpu.dma_semaphore, #tpu.memory_space<semaphore_mem>>
        %dma_start3A_741 = arith.constant 0 : i32
        %dma_start3A_742 = tpu.memref_slice %arg5[%dma_start3A_733, %dma_start3A_741] : memref<2x8192xf32, #tpu.memory_space<vmem>> -> memref<1x8192xf32, #tpu.memory_space<vmem>>
        %dma_start3A_743 = tpu.memref_squeeze %dma_start3A_742 : memref<1x8192xf32, #tpu.memory_space<vmem>> -> memref<8192xf32, #tpu.memory_space<vmem>>
        %dma_start3A_744 = tpu.memref_slice %arg3[%add3A_732] : memref<8388608xf32, #tpu.memory_space<hbm>> -> memref<8192xf32, #tpu.memory_space<hbm>>
        tpu.enqueue_dma source(%dma_start3A_744 : memref<8192xf32, #tpu.memory_space<hbm>>) target(%dma_start3A_743 : memref<8192xf32, #tpu.memory_space<vmem>>) target_semaphore(%dma_start3A_740 : memref<!tpu.dma_semaphore, #tpu.memory_space<semaphore_mem>>)
      } else {
      }
      %mul3A_529 = arith.constant 8192 : i32
      %mul3A_530 = arith.muli %add3A_524, %mul3A_529 : i32
      %add3A_531 = arith.addi %mul3A_2, %mul3A_530 : i32
      %dma_wait3A_532 = arith.constant 1 : i32
      %dma_wait3A_533 = arith.constant 1 : i32
      %dma_wait3A_534 = arith.constant 0 : i32
      %dma_wait3A_535 = tpu.memref_slice %arg5[%dma_wait3A_532, %dma_wait3A_534] : memref<2x8192xf32, #tpu.memory_space<vmem>> -> memref<1x8192xf32, #tpu.memory_space<vmem>>
      %dma_wait3A_536 = tpu.memref_squeeze %dma_wait3A_535 : memref<1x8192xf32, #tpu.memory_space<vmem>> -> memref<8192xf32, #tpu.memory_space<vmem>>
      %dma_wait3A_537 = tpu.memref_slice %arg3[%add3A_531] : memref<8388608xf32, #tpu.memory_space<hbm>> -> memref<8192xf32, #tpu.memory_space<hbm>>
      %dma_wait3A_538 = tpu.memref_slice %arg7[%dma_wait3A_533] : memref<2x!tpu.dma_semaphore, #tpu.memory_space<semaphore_mem>> -> memref<1x!tpu.dma_semaphore, #tpu.memory_space<semaphore_mem>>
      %dma_wait3A_539 = tpu.memref_squeeze %dma_wait3A_538 : memref<1x!tpu.dma_semaphore, #tpu.memory_space<semaphore_mem>> -> memref<!tpu.dma_semaphore, #tpu.memory_space<semaphore_mem>>
      %dma_wait3A_540 = arith.constant 0 : i32
      %dma_wait3A_541 = tpu.memref_slice %arg5[%dma_wait3A_532, %dma_wait3A_540] : memref<2x8192xf32, #tpu.memory_space<vmem>> -> memref<1x8192xf32, #tpu.memory_space<vmem>>
      %dma_wait3A_542 = tpu.memref_squeeze %dma_wait3A_541 : memref<1x8192xf32, #tpu.memory_space<vmem>> -> memref<8192xf32, #tpu.memory_space<vmem>>
      %dma_wait3A_543 = tpu.memref_slice %arg3[%add3A_531] : memref<8388608xf32, #tpu.memory_space<hbm>> -> memref<8192xf32, #tpu.memory_space<hbm>>
      tpu.wait_dma2 semaphore(%dma_wait3A_539 : memref<!tpu.dma_semaphore, #tpu.memory_space<semaphore_mem>>) src(%dma_wait3A_543 : memref<8192xf32, #tpu.memory_space<hbm>>) dst(%dma_wait3A_542 : memref<8192xf32, #tpu.memory_space<vmem>>)
      %lt3A_544 = arith.constant 7 : i32
      %lt3A_545 = arith.cmpi slt, %scan3A_223, %lt3A_544 : i32
      %convert_element_type3A_546 = arith.extui %lt3A_545 : i1 to i32
      %cond3A_547 = arith.constant 0 : i32
      %cond3A_548 = arith.cmpi ne, %convert_element_type3A_546, %cond3A_547 : i32
      scf.if %cond3A_548 {
        %sub3A = arith.constant 1 : i32
        %sub3A_728 = arith.subi %add3A_524, %sub3A : i32
        %mul3A_729 = arith.constant 8192 : i32
        %mul3A_730 = arith.muli %sub3A_728, %mul3A_729 : i32
        %add3A_731 = arith.addi %mul3A_2, %mul3A_730 : i32
        %dma_wait3A_732 = arith.constant 0 : i32
        %dma_wait3A_733 = arith.constant 0 : i32
        %dma_wait3A_734 = arith.constant 0 : i32
        %dma_wait3A_735 = arith.constant 0 : i32
        %dma_wait3A_736 = tpu.memref_slice %arg6[%dma_wait3A_732, %dma_wait3A_735] : memref<8x8192xf32, #tpu.memory_space<vmem>> -> memref<1x8192xf32, #tpu.memory_space<vmem>>
        %dma_wait3A_737 = tpu.memref_squeeze %dma_wait3A_736 : memref<1x8192xf32, #tpu.memory_space<vmem>> -> memref<8192xf32, #tpu.memory_space<vmem>>
        %dma_wait3A_738 = tpu.memref_slice %arg4[%dma_wait3A_733, %add3A_731] : memref<4x4194304xf32, #tpu.memory_space<hbm>> -> memref<1x8192xf32, #tpu.memory_space<hbm>>
        %dma_wait3A_739 = tpu.memref_squeeze %dma_wait3A_738 : memref<1x8192xf32, #tpu.memory_space<hbm>> -> memref<8192xf32, #tpu.memory_space<hbm>>
        %dma_wait3A_740 = tpu.memref_slice %arg9[%dma_wait3A_734] : memref<8x!tpu.dma_semaphore, #tpu.memory_space<semaphore_mem>> -> memref<1x!tpu.dma_semaphore, #tpu.memory_space<semaphore_mem>>
        %dma_wait3A_741 = tpu.memref_squeeze %dma_wait3A_740 : memref<1x!tpu.dma_semaphore, #tpu.memory_space<semaphore_mem>> -> memref<!tpu.dma_semaphore, #tpu.memory_space<semaphore_mem>>
        %dma_wait3A_742 = tpu.memref_slice %arg4[%dma_wait3A_733, %add3A_731] : memref<4x4194304xf32, #tpu.memory_space<hbm>> -> memref<1x8192xf32, #tpu.memory_space<hbm>>
        %dma_wait3A_743 = tpu.memref_squeeze %dma_wait3A_742 : memref<1x8192xf32, #tpu.memory_space<hbm>> -> memref<8192xf32, #tpu.memory_space<hbm>>
        %dma_wait3A_744 = arith.constant 0 : i32
        %dma_wait3A_745 = tpu.memref_slice %arg6[%dma_wait3A_732, %dma_wait3A_744] : memref<8x8192xf32, #tpu.memory_space<vmem>> -> memref<1x8192xf32, #tpu.memory_space<vmem>>
        %dma_wait3A_746 = tpu.memref_squeeze %dma_wait3A_745 : memref<1x8192xf32, #tpu.memory_space<vmem>> -> memref<8192xf32, #tpu.memory_space<vmem>>
        tpu.wait_dma2 semaphore(%dma_wait3A_741 : memref<!tpu.dma_semaphore, #tpu.memory_space<semaphore_mem>>) src(%dma_wait3A_746 : memref<8192xf32, #tpu.memory_space<vmem>>) dst(%dma_wait3A_743 : memref<8192xf32, #tpu.memory_space<hbm>>)
        %add3A_747 = arith.constant 1 : i32
        %add3A_748 = arith.addi %add3A_524, %add3A_747 : i32
        %mul3A_749 = arith.constant 8192 : i32
        %mul3A_750 = arith.muli %add3A_748, %mul3A_749 : i32
        %add3A_751 = arith.addi %mul3A_2, %mul3A_750 : i32
        %dma_start3A_752 = arith.constant 0 : i32
        %dma_start3A_753 = arith.constant 0 : i32
        %dma_start3A_754 = arith.constant 0 : i32
        %dma_start3A_755 = arith.constant 0 : i32
        %dma_start3A_756 = tpu.memref_slice %arg6[%dma_start3A_753, %dma_start3A_755] : memref<8x8192xf32, #tpu.memory_space<vmem>> -> memref<1x8192xf32, #tpu.memory_space<vmem>>
        %dma_start3A_757 = tpu.memref_squeeze %dma_start3A_756 : memref<1x8192xf32, #tpu.memory_space<vmem>> -> memref<8192xf32, #tpu.memory_space<vmem>>
        %dma_start3A_758 = tpu.memref_slice %arg2[%dma_start3A_752, %add3A_751] : memref<4x4194304xf32, #tpu.memory_space<hbm>> -> memref<1x8192xf32, #tpu.memory_space<hbm>>
        %dma_start3A_759 = tpu.memref_squeeze %dma_start3A_758 : memref<1x8192xf32, #tpu.memory_space<hbm>> -> memref<8192xf32, #tpu.memory_space<hbm>>
        %dma_start3A_760 = tpu.memref_slice %arg8[%dma_start3A_754] : memref<8x!tpu.dma_semaphore, #tpu.memory_space<semaphore_mem>> -> memref<1x!tpu.dma_semaphore, #tpu.memory_space<semaphore_mem>>
        %dma_start3A_761 = tpu.memref_squeeze %dma_start3A_760 : memref<1x!tpu.dma_semaphore, #tpu.memory_space<semaphore_mem>> -> memref<!tpu.dma_semaphore, #tpu.memory_space<semaphore_mem>>
        %dma_start3A_762 = arith.constant 0 : i32
        %dma_start3A_763 = tpu.memref_slice %arg6[%dma_start3A_753, %dma_start3A_762] : memref<8x8192xf32, #tpu.memory_space<vmem>> -> memref<1x8192xf32, #tpu.memory_space<vmem>>
        %dma_start3A_764 = tpu.memref_squeeze %dma_start3A_763 : memref<1x8192xf32, #tpu.memory_space<vmem>> -> memref<8192xf32, #tpu.memory_space<vmem>>
        %dma_start3A_765 = tpu.memref_slice %arg2[%dma_start3A_752, %add3A_751] : memref<4x4194304xf32, #tpu.memory_space<hbm>> -> memref<1x8192xf32, #tpu.memory_space<hbm>>
        %dma_start3A_766 = tpu.memref_squeeze %dma_start3A_765 : memref<1x8192xf32, #tpu.memory_space<hbm>> -> memref<8192xf32, #tpu.memory_space<hbm>>
        tpu.enqueue_dma source(%dma_start3A_766 : memref<8192xf32, #tpu.memory_space<hbm>>) target(%dma_start3A_764 : memref<8192xf32, #tpu.memory_space<vmem>>) target_semaphore(%dma_start3A_761 : memref<!tpu.dma_semaphore, #tpu.memory_space<semaphore_mem>>)
      } else {
      }
      %mul3A_549 = arith.constant 8192 : i32
      %mul3A_550 = arith.muli %add3A_524, %mul3A_549 : i32
      %add3A_551 = arith.addi %mul3A_2, %mul3A_550 : i32
      %dma_wait3A_552 = arith.constant 0 : i32
      %dma_wait3A_553 = arith.constant 4 : i32
      %dma_wait3A_554 = arith.constant 4 : i32
      %dma_wait3A_555 = arith.constant 0 : i32
      %dma_wait3A_556 = tpu.memref_slice %arg6[%dma_wait3A_553, %dma_wait3A_555] : memref<8x8192xf32, #tpu.memory_space<vmem>> -> memref<1x8192xf32, #tpu.memory_space<vmem>>
      %dma_wait3A_557 = tpu.memref_squeeze %dma_wait3A_556 : memref<1x8192xf32, #tpu.memory_space<vmem>> -> memref<8192xf32, #tpu.memory_space<vmem>>
      %dma_wait3A_558 = tpu.memref_slice %arg2[%dma_wait3A_552, %add3A_551] : memref<4x4194304xf32, #tpu.memory_space<hbm>> -> memref<1x8192xf32, #tpu.memory_space<hbm>>
      %dma_wait3A_559 = tpu.memref_squeeze %dma_wait3A_558 : memref<1x8192xf32, #tpu.memory_space<hbm>> -> memref<8192xf32, #tpu.memory_space<hbm>>
      %dma_wait3A_560 = tpu.memref_slice %arg8[%dma_wait3A_554] : memref<8x!tpu.dma_semaphore, #tpu.memory_space<semaphore_mem>> -> memref<1x!tpu.dma_semaphore, #tpu.memory_space<semaphore_mem>>
      %dma_wait3A_561 = tpu.memref_squeeze %dma_wait3A_560 : memref<1x!tpu.dma_semaphore, #tpu.memory_space<semaphore_mem>> -> memref<!tpu.dma_semaphore, #tpu.memory_space<semaphore_mem>>
      %dma_wait3A_562 = arith.constant 0 : i32
      %dma_wait3A_563 = tpu.memref_slice %arg6[%dma_wait3A_553, %dma_wait3A_562] : memref<8x8192xf32, #tpu.memory_space<vmem>> -> memref<1x8192xf32, #tpu.memory_space<vmem>>
      %dma_wait3A_564 = tpu.memref_squeeze %dma_wait3A_563 : memref<1x8192xf32, #tpu.memory_space<vmem>> -> memref<8192xf32, #tpu.memory_space<vmem>>
      %dma_wait3A_565 = tpu.memref_slice %arg2[%dma_wait3A_552, %add3A_551] : memref<4x4194304xf32, #tpu.memory_space<hbm>> -> memref<1x8192xf32, #tpu.memory_space<hbm>>
      %dma_wait3A_566 = tpu.memref_squeeze %dma_wait3A_565 : memref<1x8192xf32, #tpu.memory_space<hbm>> -> memref<8192xf32, #tpu.memory_space<hbm>>
      tpu.wait_dma2 semaphore(%dma_wait3A_561 : memref<!tpu.dma_semaphore, #tpu.memory_space<semaphore_mem>>) src(%dma_wait3A_566 : memref<8192xf32, #tpu.memory_space<hbm>>) dst(%dma_wait3A_564 : memref<8192xf32, #tpu.memory_space<vmem>>)
      %scan3A_567 = arith.constant 0 : i32
      %scan3A_568 = arith.constant 512 : i32
      %scan3A_569 = arith.addi %scan3A_567, %scan3A_568 : i32
      %scan3A_570 = arith.constant 8 : i32
      scf.for %scan3A_728 = %scan3A_567 to %scan3A_569 step %scan3A_570  : i32 {
        %mul3A_729 = arith.constant 16 : i32
        %mul3A_730 = arith.muli %scan3A_728, %mul3A_729 : i32
        %get3A = arith.constant 4 : i32
        %get3A_731 = arith.index_cast %get3A : i32 to index
        %get3A_732 = arith.index_cast %mul3A_730 : i32 to index
        %get3A_733 = tpu.vector_load %arg6[%get3A_731, %get3A_732] {strides = array<i32>} : memref<8x8192xf32, #tpu.memory_space<vmem>>, vector<1x16xf32>,
        %get3A_734 = vector.shape_cast %get3A_733 : vector<1x16xf32> to vector<16xf32>
        %get3A_735 = arith.constant 1 : i32
        %get3A_736 = arith.index_cast %get3A_735 : i32 to index
        %get3A_737 = arith.index_cast %mul3A_730 : i32 to index
        %get3A_738 = tpu.vector_load %arg5[%get3A_736, %get3A_737] {strides = array<i32>} : memref<2x8192xf32, #tpu.memory_space<vmem>>, vector<1x16xf32>,
        %get3A_739 = vector.shape_cast %get3A_738 : vector<1x16xf32> to vector<16xf32>
        %add3A_740 = arith.addf %get3A_734, %get3A_739 : vector<16xf32>
        %swap3A = arith.constant 4 : i32
        %swap3A_741 = arith.index_cast %swap3A : i32 to index
        %swap3A_742 = arith.index_cast %mul3A_730 : i32 to index
        %swap3A_743 = tpu.vector_load %arg6[%swap3A_741, %swap3A_742] {strides = array<i32>} : memref<8x8192xf32, #tpu.memory_space<vmem>>, vector<1x16xf32>,
        %swap3A_744 = vector.shape_cast %swap3A_743 : vector<1x16xf32> to vector<16xf32>
        %swap3A_745 = vector.shape_cast %add3A_740 : vector<16xf32> to vector<1x16xf32>
        tpu.vector_store %arg6[%swap3A_741, %swap3A_742], %swap3A_745 {strides = array<i32>} : memref<8x8192xf32, #tpu.memory_space<vmem>>, vector<1x16xf32>,
        %scan3A_746 = arith.constant 1 : i32
        %scan3A_747 = arith.addi %scan3A_728, %scan3A_746 : i32
        %mul3A_748 = arith.constant 16 : i32
        %mul3A_749 = arith.muli %scan3A_747, %mul3A_748 : i32
        %get3A_750 = arith.constant 4 : i32
        %get3A_751 = arith.index_cast %get3A_750 : i32 to index
        %get3A_752 = arith.index_cast %mul3A_749 : i32 to index
        %get3A_753 = tpu.vector_load %arg6[%get3A_751, %get3A_752] {strides = array<i32>} : memref<8x8192xf32, #tpu.memory_space<vmem>>, vector<1x16xf32>,
        %get3A_754 = vector.shape_cast %get3A_753 : vector<1x16xf32> to vector<16xf32>
        %get3A_755 = arith.constant 1 : i32
        %get3A_756 = arith.index_cast %get3A_755 : i32 to index
        %get3A_757 = arith.index_cast %mul3A_749 : i32 to index
        %get3A_758 = tpu.vector_load %arg5[%get3A_756, %get3A_757] {strides = array<i32>} : memref<2x8192xf32, #tpu.memory_space<vmem>>, vector<1x16xf32>,
        %get3A_759 = vector.shape_cast %get3A_758 : vector<1x16xf32> to vector<16xf32>
        %add3A_760 = arith.addf %get3A_754, %get3A_759 : vector<16xf32>
        %swap3A_761 = arith.constant 4 : i32
        %swap3A_762 = arith.index_cast %swap3A_761 : i32 to index
        %swap3A_763 = arith.index_cast %mul3A_749 : i32 to index
        %swap3A_764 = tpu.vector_load %arg6[%swap3A_762, %swap3A_763] {strides = array<i32>} : memref<8x8192xf32, #tpu.memory_space<vmem>>, vector<1x16xf32>,
        %swap3A_765 = vector.shape_cast %swap3A_764 : vector<1x16xf32> to vector<16xf32>
        %swap3A_766 = vector.shape_cast %add3A_760 : vector<16xf32> to vector<1x16xf32>
        tpu.vector_store %arg6[%swap3A_762, %swap3A_763], %swap3A_766 {strides = array<i32>} : memref<8x8192xf32, #tpu.memory_space<vmem>>, vector<1x16xf32>,
        %scan3A_767 = arith.constant 2 : i32
        %scan3A_768 = arith.addi %scan3A_728, %scan3A_767 : i32
        %mul3A_769 = arith.constant 16 : i32
        %mul3A_770 = arith.muli %scan3A_768, %mul3A_769 : i32
        %get3A_771 = arith.constant 4 : i32
        %get3A_772 = arith.index_cast %get3A_771 : i32 to index
        %get3A_773 = arith.index_cast %mul3A_770 : i32 to index
        %get3A_774 = tpu.vector_load %arg6[%get3A_772, %get3A_773] {strides = array<i32>} : memref<8x8192xf32, #tpu.memory_space<vmem>>, vector<1x16xf32>,
        %get3A_775 = vector.shape_cast %get3A_774 : vector<1x16xf32> to vector<16xf32>
        %get3A_776 = arith.constant 1 : i32
        %get3A_777 = arith.index_cast %get3A_776 : i32 to index
        %get3A_778 = arith.index_cast %mul3A_770 : i32 to index
        %get3A_779 = tpu.vector_load %arg5[%get3A_777, %get3A_778] {strides = array<i32>} : memref<2x8192xf32, #tpu.memory_space<vmem>>, vector<1x16xf32>,
        %get3A_780 = vector.shape_cast %get3A_779 : vector<1x16xf32> to vector<16xf32>
        %add3A_781 = arith.addf %get3A_775, %get3A_780 : vector<16xf32>
        %swap3A_782 = arith.constant 4 : i32
        %swap3A_783 = arith.index_cast %swap3A_782 : i32 to index
        %swap3A_784 = arith.index_cast %mul3A_770 : i32 to index
        %swap3A_785 = tpu.vector_load %arg6[%swap3A_783, %swap3A_784] {strides = array<i32>} : memref<8x8192xf32, #tpu.memory_space<vmem>>, vector<1x16xf32>,
        %swap3A_786 = vector.shape_cast %swap3A_785 : vector<1x16xf32> to vector<16xf32>
        %swap3A_787 = vector.shape_cast %add3A_781 : vector<16xf32> to vector<1x16xf32>
        tpu.vector_store %arg6[%swap3A_783, %swap3A_784], %swap3A_787 {strides = array<i32>} : memref<8x8192xf32, #tpu.memory_space<vmem>>, vector<1x16xf32>,
        %scan3A_788 = arith.constant 3 : i32
        %scan3A_789 = arith.addi %scan3A_728, %scan3A_788 : i32
        %mul3A_790 = arith.constant 16 : i32
        %mul3A_791 = arith.muli %scan3A_789, %mul3A_790 : i32
        %get3A_792 = arith.constant 4 : i32
        %get3A_793 = arith.index_cast %get3A_792 : i32 to index
        %get3A_794 = arith.index_cast %mul3A_791 : i32 to index
        %get3A_795 = tpu.vector_load %arg6[%get3A_793, %get3A_794] {strides = array<i32>} : memref<8x8192xf32, #tpu.memory_space<vmem>>, vector<1x16xf32>,
        %get3A_796 = vector.shape_cast %get3A_795 : vector<1x16xf32> to vector<16xf32>
        %get3A_797 = arith.constant 1 : i32
        %get3A_798 = arith.index_cast %get3A_797 : i32 to index
        %get3A_799 = arith.index_cast %mul3A_791 : i32 to index
        %get3A_800 = tpu.vector_load %arg5[%get3A_798, %get3A_799] {strides = array<i32>} : memref<2x8192xf32, #tpu.memory_space<vmem>>, vector<1x16xf32>,
        %get3A_801 = vector.shape_cast %get3A_800 : vector<1x16xf32> to vector<16xf32>
        %add3A_802 = arith.addf %get3A_796, %get3A_801 : vector<16xf32>
        %swap3A_803 = arith.constant 4 : i32
        %swap3A_804 = arith.index_cast %swap3A_803 : i32 to index
        %swap3A_805 = arith.index_cast %mul3A_791 : i32 to index
        %swap3A_806 = tpu.vector_load %arg6[%swap3A_804, %swap3A_805] {strides = array<i32>} : memref<8x8192xf32, #tpu.memory_space<vmem>>, vector<1x16xf32>,
        %swap3A_807 = vector.shape_cast %swap3A_806 : vector<1x16xf32> to vector<16xf32>
        %swap3A_808 = vector.shape_cast %add3A_802 : vector<16xf32> to vector<1x16xf32>
        tpu.vector_store %arg6[%swap3A_804, %swap3A_805], %swap3A_808 {strides = array<i32>} : memref<8x8192xf32, #tpu.memory_space<vmem>>, vector<1x16xf32>,
        %scan3A_809 = arith.constant 4 : i32
        %scan3A_810 = arith.addi %scan3A_728, %scan3A_809 : i32
        %mul3A_811 = arith.constant 16 : i32
        %mul3A_812 = arith.muli %scan3A_810, %mul3A_811 : i32
        %get3A_813 = arith.constant 4 : i32
        %get3A_814 = arith.index_cast %get3A_813 : i32 to index
        %get3A_815 = arith.index_cast %mul3A_812 : i32 to index
        %get3A_816 = tpu.vector_load %arg6[%get3A_814, %get3A_815] {strides = array<i32>} : memref<8x8192xf32, #tpu.memory_space<vmem>>, vector<1x16xf32>,
        %get3A_817 = vector.shape_cast %get3A_816 : vector<1x16xf32> to vector<16xf32>
        %get3A_818 = arith.constant 1 : i32
        %get3A_819 = arith.index_cast %get3A_818 : i32 to index
        %get3A_820 = arith.index_cast %mul3A_812 : i32 to index
        %get3A_821 = tpu.vector_load %arg5[%get3A_819, %get3A_820] {strides = array<i32>} : memref<2x8192xf32, #tpu.memory_space<vmem>>, vector<1x16xf32>,
        %get3A_822 = vector.shape_cast %get3A_821 : vector<1x16xf32> to vector<16xf32>
        %add3A_823 = arith.addf %get3A_817, %get3A_822 : vector<16xf32>
        %swap3A_824 = arith.constant 4 : i32
        %swap3A_825 = arith.index_cast %swap3A_824 : i32 to index
        %swap3A_826 = arith.index_cast %mul3A_812 : i32 to index
        %swap3A_827 = tpu.vector_load %arg6[%swap3A_825, %swap3A_826] {strides = array<i32>} : memref<8x8192xf32, #tpu.memory_space<vmem>>, vector<1x16xf32>,
        %swap3A_828 = vector.shape_cast %swap3A_827 : vector<1x16xf32> to vector<16xf32>
        %swap3A_829 = vector.shape_cast %add3A_823 : vector<16xf32> to vector<1x16xf32>
        tpu.vector_store %arg6[%swap3A_825, %swap3A_826], %swap3A_829 {strides = array<i32>} : memref<8x8192xf32, #tpu.memory_space<vmem>>, vector<1x16xf32>,
        %scan3A_830 = arith.constant 5 : i32
        %scan3A_831 = arith.addi %scan3A_728, %scan3A_830 : i32
        %mul3A_832 = arith.constant 16 : i32
        %mul3A_833 = arith.muli %scan3A_831, %mul3A_832 : i32
        %get3A_834 = arith.constant 4 : i32
        %get3A_835 = arith.index_cast %get3A_834 : i32 to index
        %get3A_836 = arith.index_cast %mul3A_833 : i32 to index
        %get3A_837 = tpu.vector_load %arg6[%get3A_835, %get3A_836] {strides = array<i32>} : memref<8x8192xf32, #tpu.memory_space<vmem>>, vector<1x16xf32>,
        %get3A_838 = vector.shape_cast %get3A_837 : vector<1x16xf32> to vector<16xf32>
        %get3A_839 = arith.constant 1 : i32
        %get3A_840 = arith.index_cast %get3A_839 : i32 to index
        %get3A_841 = arith.index_cast %mul3A_833 : i32 to index
        %get3A_842 = tpu.vector_load %arg5[%get3A_840, %get3A_841] {strides = array<i32>} : memref<2x8192xf32, #tpu.memory_space<vmem>>, vector<1x16xf32>,
        %get3A_843 = vector.shape_cast %get3A_842 : vector<1x16xf32> to vector<16xf32>
        %add3A_844 = arith.addf %get3A_838, %get3A_843 : vector<16xf32>
        %swap3A_845 = arith.constant 4 : i32
        %swap3A_846 = arith.index_cast %swap3A_845 : i32 to index
        %swap3A_847 = arith.index_cast %mul3A_833 : i32 to index
        %swap3A_848 = tpu.vector_load %arg6[%swap3A_846, %swap3A_847] {strides = array<i32>} : memref<8x8192xf32, #tpu.memory_space<vmem>>, vector<1x16xf32>,
        %swap3A_849 = vector.shape_cast %swap3A_848 : vector<1x16xf32> to vector<16xf32>
        %swap3A_850 = vector.shape_cast %add3A_844 : vector<16xf32> to vector<1x16xf32>
        tpu.vector_store %arg6[%swap3A_846, %swap3A_847], %swap3A_850 {strides = array<i32>} : memref<8x8192xf32, #tpu.memory_space<vmem>>, vector<1x16xf32>,
        %scan3A_851 = arith.constant 6 : i32
        %scan3A_852 = arith.addi %scan3A_728, %scan3A_851 : i32
        %mul3A_853 = arith.constant 16 : i32
        %mul3A_854 = arith.muli %scan3A_852, %mul3A_853 : i32
        %get3A_855 = arith.constant 4 : i32
        %get3A_856 = arith.index_cast %get3A_855 : i32 to index
        %get3A_857 = arith.index_cast %mul3A_854 : i32 to index
        %get3A_858 = tpu.vector_load %arg6[%get3A_856, %get3A_857] {strides = array<i32>} : memref<8x8192xf32, #tpu.memory_space<vmem>>, vector<1x16xf32>,
        %get3A_859 = vector.shape_cast %get3A_858 : vector<1x16xf32> to vector<16xf32>
        %get3A_860 = arith.constant 1 : i32
        %get3A_861 = arith.index_cast %get3A_860 : i32 to index
        %get3A_862 = arith.index_cast %mul3A_854 : i32 to index
        %get3A_863 = tpu.vector_load %arg5[%get3A_861, %get3A_862] {strides = array<i32>} : memref<2x8192xf32, #tpu.memory_space<vmem>>, vector<1x16xf32>,
        %get3A_864 = vector.shape_cast %get3A_863 : vector<1x16xf32> to vector<16xf32>
        %add3A_865 = arith.addf %get3A_859, %get3A_864 : vector<16xf32>
        %swap3A_866 = arith.constant 4 : i32
        %swap3A_867 = arith.index_cast %swap3A_866 : i32 to index
        %swap3A_868 = arith.index_cast %mul3A_854 : i32 to index
        %swap3A_869 = tpu.vector_load %arg6[%swap3A_867, %swap3A_868] {strides = array<i32>} : memref<8x8192xf32, #tpu.memory_space<vmem>>, vector<1x16xf32>,
        %swap3A_870 = vector.shape_cast %swap3A_869 : vector<1x16xf32> to vector<16xf32>
        %swap3A_871 = vector.shape_cast %add3A_865 : vector<16xf32> to vector<1x16xf32>
        tpu.vector_store %arg6[%swap3A_867, %swap3A_868], %swap3A_871 {strides = array<i32>} : memref<8x8192xf32, #tpu.memory_space<vmem>>, vector<1x16xf32>,
        %scan3A_872 = arith.constant 7 : i32
        %scan3A_873 = arith.addi %scan3A_728, %scan3A_872 : i32
        %mul3A_874 = arith.constant 16 : i32
        %mul3A_875 = arith.muli %scan3A_873, %mul3A_874 : i32
        %get3A_876 = arith.constant 4 : i32
        %get3A_877 = arith.index_cast %get3A_876 : i32 to index
        %get3A_878 = arith.index_cast %mul3A_875 : i32 to index
        %get3A_879 = tpu.vector_load %arg6[%get3A_877, %get3A_878] {strides = array<i32>} : memref<8x8192xf32, #tpu.memory_space<vmem>>, vector<1x16xf32>,
        %get3A_880 = vector.shape_cast %get3A_879 : vector<1x16xf32> to vector<16xf32>
        %get3A_881 = arith.constant 1 : i32
        %get3A_882 = arith.index_cast %get3A_881 : i32 to index
        %get3A_883 = arith.index_cast %mul3A_875 : i32 to index
        %get3A_884 = tpu.vector_load %arg5[%get3A_882, %get3A_883] {strides = array<i32>} : memref<2x8192xf32, #tpu.memory_space<vmem>>, vector<1x16xf32>,
        %get3A_885 = vector.shape_cast %get3A_884 : vector<1x16xf32> to vector<16xf32>
        %add3A_886 = arith.addf %get3A_880, %get3A_885 : vector<16xf32>
        %swap3A_887 = arith.constant 4 : i32
        %swap3A_888 = arith.index_cast %swap3A_887 : i32 to index
        %swap3A_889 = arith.index_cast %mul3A_875 : i32 to index
        %swap3A_890 = tpu.vector_load %arg6[%swap3A_888, %swap3A_889] {strides = array<i32>} : memref<8x8192xf32, #tpu.memory_space<vmem>>, vector<1x16xf32>,
        %swap3A_891 = vector.shape_cast %swap3A_890 : vector<1x16xf32> to vector<16xf32>
        %swap3A_892 = vector.shape_cast %add3A_886 : vector<16xf32> to vector<1x16xf32>
        tpu.vector_store %arg6[%swap3A_888, %swap3A_889], %swap3A_892 {strides = array<i32>} : memref<8x8192xf32, #tpu.memory_space<vmem>>, vector<1x16xf32>,
      }
      %scan3A_571 = arith.constant 512 : i32
      %mul3A_572 = arith.constant 8192 : i32
      %mul3A_573 = arith.muli %add3A_524, %mul3A_572 : i32
      %add3A_574 = arith.addi %mul3A_2, %mul3A_573 : i32
      %dma_start3A_575 = arith.constant 4 : i32
      %dma_start3A_576 = arith.constant 0 : i32
      %dma_start3A_577 = arith.constant 4 : i32
      %dma_start3A_578 = arith.constant 0 : i32
      %dma_start3A_579 = tpu.memref_slice %arg6[%dma_start3A_575, %dma_start3A_578] : memref<8x8192xf32, #tpu.memory_space<vmem>> -> memref<1x8192xf32, #tpu.memory_space<vmem>>
      %dma_start3A_580 = tpu.memref_squeeze %dma_start3A_579 : memref<1x8192xf32, #tpu.memory_space<vmem>> -> memref<8192xf32, #tpu.memory_space<vmem>>
      %dma_start3A_581 = tpu.memref_slice %arg4[%dma_start3A_576, %add3A_574] : memref<4x4194304xf32, #tpu.memory_space<hbm>> -> memref<1x8192xf32, #tpu.memory_space<hbm>>
      %dma_start3A_582 = tpu.memref_squeeze %dma_start3A_581 : memref<1x8192xf32, #tpu.memory_space<hbm>> -> memref<8192xf32, #tpu.memory_space<hbm>>
      %dma_start3A_583 = tpu.memref_slice %arg9[%dma_start3A_577] : memref<8x!tpu.dma_semaphore, #tpu.memory_space<semaphore_mem>> -> memref<1x!tpu.dma_semaphore, #tpu.memory_space<semaphore_mem>>
      %dma_start3A_584 = tpu.memref_squeeze %dma_start3A_583 : memref<1x!tpu.dma_semaphore, #tpu.memory_space<semaphore_mem>> -> memref<!tpu.dma_semaphore, #tpu.memory_space<semaphore_mem>>
      %dma_start3A_585 = tpu.memref_slice %arg4[%dma_start3A_576, %add3A_574] : memref<4x4194304xf32, #tpu.memory_space<hbm>> -> memref<1x8192xf32, #tpu.memory_space<hbm>>
      %dma_start3A_586 = tpu.memref_squeeze %dma_start3A_585 : memref<1x8192xf32, #tpu.memory_space<hbm>> -> memref<8192xf32, #tpu.memory_space<hbm>>
      %dma_start3A_587 = arith.constant 0 : i32
      %dma_start3A_588 = tpu.memref_slice %arg6[%dma_start3A_575, %dma_start3A_587] : memref<8x8192xf32, #tpu.memory_space<vmem>> -> memref<1x8192xf32, #tpu.memory_space<vmem>>
      %dma_start3A_589 = tpu.memref_squeeze %dma_start3A_588 : memref<1x8192xf32, #tpu.memory_space<vmem>> -> memref<8192xf32, #tpu.memory_space<vmem>>
      tpu.enqueue_dma source(%dma_start3A_589 : memref<8192xf32, #tpu.memory_space<vmem>>) target(%dma_start3A_586 : memref<8192xf32, #tpu.memory_space<hbm>>) target_semaphore(%dma_start3A_584 : memref<!tpu.dma_semaphore, #tpu.memory_space<semaphore_mem>>)
      %lt3A_590 = arith.constant 7 : i32
      %lt3A_591 = arith.cmpi slt, %scan3A_223, %lt3A_590 : i32
      %convert_element_type3A_592 = arith.extui %lt3A_591 : i1 to i32
      %cond3A_593 = arith.constant 0 : i32
      %cond3A_594 = arith.cmpi ne, %convert_element_type3A_592, %cond3A_593 : i32
      scf.if %cond3A_594 {
        %sub3A = arith.constant 1 : i32
        %sub3A_728 = arith.subi %add3A_524, %sub3A : i32
        %mul3A_729 = arith.constant 8192 : i32
        %mul3A_730 = arith.muli %sub3A_728, %mul3A_729 : i32
        %add3A_731 = arith.addi %mul3A_2, %mul3A_730 : i32
        %dma_wait3A_732 = arith.constant 1 : i32
        %dma_wait3A_733 = arith.constant 1 : i32
        %dma_wait3A_734 = arith.constant 1 : i32
        %dma_wait3A_735 = arith.constant 0 : i32
        %dma_wait3A_736 = tpu.memref_slice %arg6[%dma_wait3A_732, %dma_wait3A_735] : memref<8x8192xf32, #tpu.memory_space<vmem>> -> memref<1x8192xf32, #tpu.memory_space<vmem>>
        %dma_wait3A_737 = tpu.memref_squeeze %dma_wait3A_736 : memref<1x8192xf32, #tpu.memory_space<vmem>> -> memref<8192xf32, #tpu.memory_space<vmem>>
        %dma_wait3A_738 = tpu.memref_slice %arg4[%dma_wait3A_733, %add3A_731] : memref<4x4194304xf32, #tpu.memory_space<hbm>> -> memref<1x8192xf32, #tpu.memory_space<hbm>>
        %dma_wait3A_739 = tpu.memref_squeeze %dma_wait3A_738 : memref<1x8192xf32, #tpu.memory_space<hbm>> -> memref<8192xf32, #tpu.memory_space<hbm>>
        %dma_wait3A_740 = tpu.memref_slice %arg9[%dma_wait3A_734] : memref<8x!tpu.dma_semaphore, #tpu.memory_space<semaphore_mem>> -> memref<1x!tpu.dma_semaphore, #tpu.memory_space<semaphore_mem>>
        %dma_wait3A_741 = tpu.memref_squeeze %dma_wait3A_740 : memref<1x!tpu.dma_semaphore, #tpu.memory_space<semaphore_mem>> -> memref<!tpu.dma_semaphore, #tpu.memory_space<semaphore_mem>>
        %dma_wait3A_742 = tpu.memref_slice %arg4[%dma_wait3A_733, %add3A_731] : memref<4x4194304xf32, #tpu.memory_space<hbm>> -> memref<1x8192xf32, #tpu.memory_space<hbm>>
        %dma_wait3A_743 = tpu.memref_squeeze %dma_wait3A_742 : memref<1x8192xf32, #tpu.memory_space<hbm>> -> memref<8192xf32, #tpu.memory_space<hbm>>
        %dma_wait3A_744 = arith.constant 0 : i32
        %dma_wait3A_745 = tpu.memref_slice %arg6[%dma_wait3A_732, %dma_wait3A_744] : memref<8x8192xf32, #tpu.memory_space<vmem>> -> memref<1x8192xf32, #tpu.memory_space<vmem>>
        %dma_wait3A_746 = tpu.memref_squeeze %dma_wait3A_745 : memref<1x8192xf32, #tpu.memory_space<vmem>> -> memref<8192xf32, #tpu.memory_space<vmem>>
        tpu.wait_dma2 semaphore(%dma_wait3A_741 : memref<!tpu.dma_semaphore, #tpu.memory_space<semaphore_mem>>) src(%dma_wait3A_746 : memref<8192xf32, #tpu.memory_space<vmem>>) dst(%dma_wait3A_743 : memref<8192xf32, #tpu.memory_space<hbm>>)
        %add3A_747 = arith.constant 1 : i32
        %add3A_748 = arith.addi %add3A_524, %add3A_747 : i32
        %mul3A_749 = arith.constant 8192 : i32
        %mul3A_750 = arith.muli %add3A_748, %mul3A_749 : i32
        %add3A_751 = arith.addi %mul3A_2, %mul3A_750 : i32
        %dma_start3A_752 = arith.constant 1 : i32
        %dma_start3A_753 = arith.constant 1 : i32
        %dma_start3A_754 = arith.constant 1 : i32
        %dma_start3A_755 = arith.constant 0 : i32
        %dma_start3A_756 = tpu.memref_slice %arg6[%dma_start3A_753, %dma_start3A_755] : memref<8x8192xf32, #tpu.memory_space<vmem>> -> memref<1x8192xf32, #tpu.memory_space<vmem>>
        %dma_start3A_757 = tpu.memref_squeeze %dma_start3A_756 : memref<1x8192xf32, #tpu.memory_space<vmem>> -> memref<8192xf32, #tpu.memory_space<vmem>>
        %dma_start3A_758 = tpu.memref_slice %arg2[%dma_start3A_752, %add3A_751] : memref<4x4194304xf32, #tpu.memory_space<hbm>> -> memref<1x8192xf32, #tpu.memory_space<hbm>>
        %dma_start3A_759 = tpu.memref_squeeze %dma_start3A_758 : memref<1x8192xf32, #tpu.memory_space<hbm>> -> memref<8192xf32, #tpu.memory_space<hbm>>
        %dma_start3A_760 = tpu.memref_slice %arg8[%dma_start3A_754] : memref<8x!tpu.dma_semaphore, #tpu.memory_space<semaphore_mem>> -> memref<1x!tpu.dma_semaphore, #tpu.memory_space<semaphore_mem>>
        %dma_start3A_761 = tpu.memref_squeeze %dma_start3A_760 : memref<1x!tpu.dma_semaphore, #tpu.memory_space<semaphore_mem>> -> memref<!tpu.dma_semaphore, #tpu.memory_space<semaphore_mem>>
        %dma_start3A_762 = arith.constant 0 : i32
        %dma_start3A_763 = tpu.memref_slice %arg6[%dma_start3A_753, %dma_start3A_762] : memref<8x8192xf32, #tpu.memory_space<vmem>> -> memref<1x8192xf32, #tpu.memory_space<vmem>>
        %dma_start3A_764 = tpu.memref_squeeze %dma_start3A_763 : memref<1x8192xf32, #tpu.memory_space<vmem>> -> memref<8192xf32, #tpu.memory_space<vmem>>
        %dma_start3A_765 = tpu.memref_slice %arg2[%dma_start3A_752, %add3A_751] : memref<4x4194304xf32, #tpu.memory_space<hbm>> -> memref<1x8192xf32, #tpu.memory_space<hbm>>
        %dma_start3A_766 = tpu.memref_squeeze %dma_start3A_765 : memref<1x8192xf32, #tpu.memory_space<hbm>> -> memref<8192xf32, #tpu.memory_space<hbm>>
        tpu.enqueue_dma source(%dma_start3A_766 : memref<8192xf32, #tpu.memory_space<hbm>>) target(%dma_start3A_764 : memref<8192xf32, #tpu.memory_space<vmem>>) target_semaphore(%dma_start3A_761 : memref<!tpu.dma_semaphore, #tpu.memory_space<semaphore_mem>>)
      } else {
      }
      %mul3A_595 = arith.constant 8192 : i32
      %mul3A_596 = arith.muli %add3A_524, %mul3A_595 : i32
      %add3A_597 = arith.addi %mul3A_2, %mul3A_596 : i32
      %dma_wait3A_598 = arith.constant 1 : i32
      %dma_wait3A_599 = arith.constant 5 : i32
      %dma_wait3A_600 = arith.constant 5 : i32
      %dma_wait3A_601 = arith.constant 0 : i32
      %dma_wait3A_602 = tpu.memref_slice %arg6[%dma_wait3A_599, %dma_wait3A_601] : memref<8x8192xf32, #tpu.memory_space<vmem>> -> memref<1x8192xf32, #tpu.memory_space<vmem>>
      %dma_wait3A_603 = tpu.memref_squeeze %dma_wait3A_602 : memref<1x8192xf32, #tpu.memory_space<vmem>> -> memref<8192xf32, #tpu.memory_space<vmem>>
      %dma_wait3A_604 = tpu.memref_slice %arg2[%dma_wait3A_598, %add3A_597] : memref<4x4194304xf32, #tpu.memory_space<hbm>> -> memref<1x8192xf32, #tpu.memory_space<hbm>>
      %dma_wait3A_605 = tpu.memref_squeeze %dma_wait3A_604 : memref<1x8192xf32, #tpu.memory_space<hbm>> -> memref<8192xf32, #tpu.memory_space<hbm>>
      %dma_wait3A_606 = tpu.memref_slice %arg8[%dma_wait3A_600] : memref<8x!tpu.dma_semaphore, #tpu.memory_space<semaphore_mem>> -> memref<1x!tpu.dma_semaphore, #tpu.memory_space<semaphore_mem>>
      %dma_wait3A_607 = tpu.memref_squeeze %dma_wait3A_606 : memref<1x!tpu.dma_semaphore, #tpu.memory_space<semaphore_mem>> -> memref<!tpu.dma_semaphore, #tpu.memory_space<semaphore_mem>>
      %dma_wait3A_608 = arith.constant 0 : i32
      %dma_wait3A_609 = tpu.memref_slice %arg6[%dma_wait3A_599, %dma_wait3A_608] : memref<8x8192xf32, #tpu.memory_space<vmem>> -> memref<1x8192xf32, #tpu.memory_space<vmem>>
      %dma_wait3A_610 = tpu.memref_squeeze %dma_wait3A_609 : memref<1x8192xf32, #tpu.memory_space<vmem>> -> memref<8192xf32, #tpu.memory_space<vmem>>
      %dma_wait3A_611 = tpu.memref_slice %arg2[%dma_wait3A_598, %add3A_597] : memref<4x4194304xf32, #tpu.memory_space<hbm>> -> memref<1x8192xf32, #tpu.memory_space<hbm>>
      %dma_wait3A_612 = tpu.memref_squeeze %dma_wait3A_611 : memref<1x8192xf32, #tpu.memory_space<hbm>> -> memref<8192xf32, #tpu.memory_space<hbm>>
      tpu.wait_dma2 semaphore(%dma_wait3A_607 : memref<!tpu.dma_semaphore, #tpu.memory_space<semaphore_mem>>) src(%dma_wait3A_612 : memref<8192xf32, #tpu.memory_space<hbm>>) dst(%dma_wait3A_610 : memref<8192xf32, #tpu.memory_space<vmem>>)
      %scan3A_613 = arith.constant 0 : i32
      %scan3A_614 = arith.constant 512 : i32
      %scan3A_615 = arith.addi %scan3A_613, %scan3A_614 : i32
      %scan3A_616 = arith.constant 8 : i32
      scf.for %scan3A_728 = %scan3A_613 to %scan3A_615 step %scan3A_616  : i32 {
        %mul3A_729 = arith.constant 16 : i32
        %mul3A_730 = arith.muli %scan3A_728, %mul3A_729 : i32
        %get3A = arith.constant 5 : i32
        %get3A_731 = arith.index_cast %get3A : i32 to index
        %get3A_732 = arith.index_cast %mul3A_730 : i32 to index
        %get3A_733 = tpu.vector_load %arg6[%get3A_731, %get3A_732] {strides = array<i32>} : memref<8x8192xf32, #tpu.memory_space<vmem>>, vector<1x16xf32>,
        %get3A_734 = vector.shape_cast %get3A_733 : vector<1x16xf32> to vector<16xf32>
        %get3A_735 = arith.constant 1 : i32
        %get3A_736 = arith.index_cast %get3A_735 : i32 to index
        %get3A_737 = arith.index_cast %mul3A_730 : i32 to index
        %get3A_738 = tpu.vector_load %arg5[%get3A_736, %get3A_737] {strides = array<i32>} : memref<2x8192xf32, #tpu.memory_space<vmem>>, vector<1x16xf32>,
        %get3A_739 = vector.shape_cast %get3A_738 : vector<1x16xf32> to vector<16xf32>
        %add3A_740 = arith.addf %get3A_734, %get3A_739 : vector<16xf32>
        %swap3A = arith.constant 5 : i32
        %swap3A_741 = arith.index_cast %swap3A : i32 to index
        %swap3A_742 = arith.index_cast %mul3A_730 : i32 to index
        %swap3A_743 = tpu.vector_load %arg6[%swap3A_741, %swap3A_742] {strides = array<i32>} : memref<8x8192xf32, #tpu.memory_space<vmem>>, vector<1x16xf32>,
        %swap3A_744 = vector.shape_cast %swap3A_743 : vector<1x16xf32> to vector<16xf32>
        %swap3A_745 = vector.shape_cast %add3A_740 : vector<16xf32> to vector<1x16xf32>
        tpu.vector_store %arg6[%swap3A_741, %swap3A_742], %swap3A_745 {strides = array<i32>} : memref<8x8192xf32, #tpu.memory_space<vmem>>, vector<1x16xf32>,
        %scan3A_746 = arith.constant 1 : i32
        %scan3A_747 = arith.addi %scan3A_728, %scan3A_746 : i32
        %mul3A_748 = arith.constant 16 : i32
        %mul3A_749 = arith.muli %scan3A_747, %mul3A_748 : i32
        %get3A_750 = arith.constant 5 : i32
        %get3A_751 = arith.index_cast %get3A_750 : i32 to index
        %get3A_752 = arith.index_cast %mul3A_749 : i32 to index
        %get3A_753 = tpu.vector_load %arg6[%get3A_751, %get3A_752] {strides = array<i32>} : memref<8x8192xf32, #tpu.memory_space<vmem>>, vector<1x16xf32>,
        %get3A_754 = vector.shape_cast %get3A_753 : vector<1x16xf32> to vector<16xf32>
        %get3A_755 = arith.constant 1 : i32
        %get3A_756 = arith.index_cast %get3A_755 : i32 to index
        %get3A_757 = arith.index_cast %mul3A_749 : i32 to index
        %get3A_758 = tpu.vector_load %arg5[%get3A_756, %get3A_757] {strides = array<i32>} : memref<2x8192xf32, #tpu.memory_space<vmem>>, vector<1x16xf32>,
        %get3A_759 = vector.shape_cast %get3A_758 : vector<1x16xf32> to vector<16xf32>
        %add3A_760 = arith.addf %get3A_754, %get3A_759 : vector<16xf32>
        %swap3A_761 = arith.constant 5 : i32
        %swap3A_762 = arith.index_cast %swap3A_761 : i32 to index
        %swap3A_763 = arith.index_cast %mul3A_749 : i32 to index
        %swap3A_764 = tpu.vector_load %arg6[%swap3A_762, %swap3A_763] {strides = array<i32>} : memref<8x8192xf32, #tpu.memory_space<vmem>>, vector<1x16xf32>,
        %swap3A_765 = vector.shape_cast %swap3A_764 : vector<1x16xf32> to vector<16xf32>
        %swap3A_766 = vector.shape_cast %add3A_760 : vector<16xf32> to vector<1x16xf32>
        tpu.vector_store %arg6[%swap3A_762, %swap3A_763], %swap3A_766 {strides = array<i32>} : memref<8x8192xf32, #tpu.memory_space<vmem>>, vector<1x16xf32>,
        %scan3A_767 = arith.constant 2 : i32
        %scan3A_768 = arith.addi %scan3A_728, %scan3A_767 : i32
        %mul3A_769 = arith.constant 16 : i32
        %mul3A_770 = arith.muli %scan3A_768, %mul3A_769 : i32
        %get3A_771 = arith.constant 5 : i32
        %get3A_772 = arith.index_cast %get3A_771 : i32 to index
        %get3A_773 = arith.index_cast %mul3A_770 : i32 to index
        %get3A_774 = tpu.vector_load %arg6[%get3A_772, %get3A_773] {strides = array<i32>} : memref<8x8192xf32, #tpu.memory_space<vmem>>, vector<1x16xf32>,
        %get3A_775 = vector.shape_cast %get3A_774 : vector<1x16xf32> to vector<16xf32>
        %get3A_776 = arith.constant 1 : i32
        %get3A_777 = arith.index_cast %get3A_776 : i32 to index
        %get3A_778 = arith.index_cast %mul3A_770 : i32 to index
        %get3A_779 = tpu.vector_load %arg5[%get3A_777, %get3A_778] {strides = array<i32>} : memref<2x8192xf32, #tpu.memory_space<vmem>>, vector<1x16xf32>,
        %get3A_780 = vector.shape_cast %get3A_779 : vector<1x16xf32> to vector<16xf32>
        %add3A_781 = arith.addf %get3A_775, %get3A_780 : vector<16xf32>
        %swap3A_782 = arith.constant 5 : i32
        %swap3A_783 = arith.index_cast %swap3A_782 : i32 to index
        %swap3A_784 = arith.index_cast %mul3A_770 : i32 to index
        %swap3A_785 = tpu.vector_load %arg6[%swap3A_783, %swap3A_784] {strides = array<i32>} : memref<8x8192xf32, #tpu.memory_space<vmem>>, vector<1x16xf32>,
        %swap3A_786 = vector.shape_cast %swap3A_785 : vector<1x16xf32> to vector<16xf32>
        %swap3A_787 = vector.shape_cast %add3A_781 : vector<16xf32> to vector<1x16xf32>
        tpu.vector_store %arg6[%swap3A_783, %swap3A_784], %swap3A_787 {strides = array<i32>} : memref<8x8192xf32, #tpu.memory_space<vmem>>, vector<1x16xf32>,
        %scan3A_788 = arith.constant 3 : i32
        %scan3A_789 = arith.addi %scan3A_728, %scan3A_788 : i32
        %mul3A_790 = arith.constant 16 : i32
        %mul3A_791 = arith.muli %scan3A_789, %mul3A_790 : i32
        %get3A_792 = arith.constant 5 : i32
        %get3A_793 = arith.index_cast %get3A_792 : i32 to index
        %get3A_794 = arith.index_cast %mul3A_791 : i32 to index
        %get3A_795 = tpu.vector_load %arg6[%get3A_793, %get3A_794] {strides = array<i32>} : memref<8x8192xf32, #tpu.memory_space<vmem>>, vector<1x16xf32>,
        %get3A_796 = vector.shape_cast %get3A_795 : vector<1x16xf32> to vector<16xf32>
        %get3A_797 = arith.constant 1 : i32
        %get3A_798 = arith.index_cast %get3A_797 : i32 to index
        %get3A_799 = arith.index_cast %mul3A_791 : i32 to index
        %get3A_800 = tpu.vector_load %arg5[%get3A_798, %get3A_799] {strides = array<i32>} : memref<2x8192xf32, #tpu.memory_space<vmem>>, vector<1x16xf32>,
        %get3A_801 = vector.shape_cast %get3A_800 : vector<1x16xf32> to vector<16xf32>
        %add3A_802 = arith.addf %get3A_796, %get3A_801 : vector<16xf32>
        %swap3A_803 = arith.constant 5 : i32
        %swap3A_804 = arith.index_cast %swap3A_803 : i32 to index
        %swap3A_805 = arith.index_cast %mul3A_791 : i32 to index
        %swap3A_806 = tpu.vector_load %arg6[%swap3A_804, %swap3A_805] {strides = array<i32>} : memref<8x8192xf32, #tpu.memory_space<vmem>>, vector<1x16xf32>,
        %swap3A_807 = vector.shape_cast %swap3A_806 : vector<1x16xf32> to vector<16xf32>
        %swap3A_808 = vector.shape_cast %add3A_802 : vector<16xf32> to vector<1x16xf32>
        tpu.vector_store %arg6[%swap3A_804, %swap3A_805], %swap3A_808 {strides = array<i32>} : memref<8x8192xf32, #tpu.memory_space<vmem>>, vector<1x16xf32>,
        %scan3A_809 = arith.constant 4 : i32
        %scan3A_810 = arith.addi %scan3A_728, %scan3A_809 : i32
        %mul3A_811 = arith.constant 16 : i32
        %mul3A_812 = arith.muli %scan3A_810, %mul3A_811 : i32
        %get3A_813 = arith.constant 5 : i32
        %get3A_814 = arith.index_cast %get3A_813 : i32 to index
        %get3A_815 = arith.index_cast %mul3A_812 : i32 to index
        %get3A_816 = tpu.vector_load %arg6[%get3A_814, %get3A_815] {strides = array<i32>} : memref<8x8192xf32, #tpu.memory_space<vmem>>, vector<1x16xf32>,
        %get3A_817 = vector.shape_cast %get3A_816 : vector<1x16xf32> to vector<16xf32>
        %get3A_818 = arith.constant 1 : i32
        %get3A_819 = arith.index_cast %get3A_818 : i32 to index
        %get3A_820 = arith.index_cast %mul3A_812 : i32 to index
        %get3A_821 = tpu.vector_load %arg5[%get3A_819, %get3A_820] {strides = array<i32>} : memref<2x8192xf32, #tpu.memory_space<vmem>>, vector<1x16xf32>,
        %get3A_822 = vector.shape_cast %get3A_821 : vector<1x16xf32> to vector<16xf32>
        %add3A_823 = arith.addf %get3A_817, %get3A_822 : vector<16xf32>
        %swap3A_824 = arith.constant 5 : i32
        %swap3A_825 = arith.index_cast %swap3A_824 : i32 to index
        %swap3A_826 = arith.index_cast %mul3A_812 : i32 to index
        %swap3A_827 = tpu.vector_load %arg6[%swap3A_825, %swap3A_826] {strides = array<i32>} : memref<8x8192xf32, #tpu.memory_space<vmem>>, vector<1x16xf32>,
        %swap3A_828 = vector.shape_cast %swap3A_827 : vector<1x16xf32> to vector<16xf32>
        %swap3A_829 = vector.shape_cast %add3A_823 : vector<16xf32> to vector<1x16xf32>
        tpu.vector_store %arg6[%swap3A_825, %swap3A_826], %swap3A_829 {strides = array<i32>} : memref<8x8192xf32, #tpu.memory_space<vmem>>, vector<1x16xf32>,
        %scan3A_830 = arith.constant 5 : i32
        %scan3A_831 = arith.addi %scan3A_728, %scan3A_830 : i32
        %mul3A_832 = arith.constant 16 : i32
        %mul3A_833 = arith.muli %scan3A_831, %mul3A_832 : i32
        %get3A_834 = arith.constant 5 : i32
        %get3A_835 = arith.index_cast %get3A_834 : i32 to index
        %get3A_836 = arith.index_cast %mul3A_833 : i32 to index
        %get3A_837 = tpu.vector_load %arg6[%get3A_835, %get3A_836] {strides = array<i32>} : memref<8x8192xf32, #tpu.memory_space<vmem>>, vector<1x16xf32>,
        %get3A_838 = vector.shape_cast %get3A_837 : vector<1x16xf32> to vector<16xf32>
        %get3A_839 = arith.constant 1 : i32
        %get3A_840 = arith.index_cast %get3A_839 : i32 to index
        %get3A_841 = arith.index_cast %mul3A_833 : i32 to index
        %get3A_842 = tpu.vector_load %arg5[%get3A_840, %get3A_841] {strides = array<i32>} : memref<2x8192xf32, #tpu.memory_space<vmem>>, vector<1x16xf32>,
        %get3A_843 = vector.shape_cast %get3A_842 : vector<1x16xf32> to vector<16xf32>
        %add3A_844 = arith.addf %get3A_838, %get3A_843 : vector<16xf32>
        %swap3A_845 = arith.constant 5 : i32
        %swap3A_846 = arith.index_cast %swap3A_845 : i32 to index
        %swap3A_847 = arith.index_cast %mul3A_833 : i32 to index
        %swap3A_848 = tpu.vector_load %arg6[%swap3A_846, %swap3A_847] {strides = array<i32>} : memref<8x8192xf32, #tpu.memory_space<vmem>>, vector<1x16xf32>,
        %swap3A_849 = vector.shape_cast %swap3A_848 : vector<1x16xf32> to vector<16xf32>
        %swap3A_850 = vector.shape_cast %add3A_844 : vector<16xf32> to vector<1x16xf32>
        tpu.vector_store %arg6[%swap3A_846, %swap3A_847], %swap3A_850 {strides = array<i32>} : memref<8x8192xf32, #tpu.memory_space<vmem>>, vector<1x16xf32>,
        %scan3A_851 = arith.constant 6 : i32
        %scan3A_852 = arith.addi %scan3A_728, %scan3A_851 : i32
        %mul3A_853 = arith.constant 16 : i32
        %mul3A_854 = arith.muli %scan3A_852, %mul3A_853 : i32
        %get3A_855 = arith.constant 5 : i32
        %get3A_856 = arith.index_cast %get3A_855 : i32 to index
        %get3A_857 = arith.index_cast %mul3A_854 : i32 to index
        %get3A_858 = tpu.vector_load %arg6[%get3A_856, %get3A_857] {strides = array<i32>} : memref<8x8192xf32, #tpu.memory_space<vmem>>, vector<1x16xf32>,
        %get3A_859 = vector.shape_cast %get3A_858 : vector<1x16xf32> to vector<16xf32>
        %get3A_860 = arith.constant 1 : i32
        %get3A_861 = arith.index_cast %get3A_860 : i32 to index
        %get3A_862 = arith.index_cast %mul3A_854 : i32 to index
        %get3A_863 = tpu.vector_load %arg5[%get3A_861, %get3A_862] {strides = array<i32>} : memref<2x8192xf32, #tpu.memory_space<vmem>>, vector<1x16xf32>,
        %get3A_864 = vector.shape_cast %get3A_863 : vector<1x16xf32> to vector<16xf32>
        %add3A_865 = arith.addf %get3A_859, %get3A_864 : vector<16xf32>
        %swap3A_866 = arith.constant 5 : i32
        %swap3A_867 = arith.index_cast %swap3A_866 : i32 to index
        %swap3A_868 = arith.index_cast %mul3A_854 : i32 to index
        %swap3A_869 = tpu.vector_load %arg6[%swap3A_867, %swap3A_868] {strides = array<i32>} : memref<8x8192xf32, #tpu.memory_space<vmem>>, vector<1x16xf32>,
        %swap3A_870 = vector.shape_cast %swap3A_869 : vector<1x16xf32> to vector<16xf32>
        %swap3A_871 = vector.shape_cast %add3A_865 : vector<16xf32> to vector<1x16xf32>
        tpu.vector_store %arg6[%swap3A_867, %swap3A_868], %swap3A_871 {strides = array<i32>} : memref<8x8192xf32, #tpu.memory_space<vmem>>, vector<1x16xf32>,
        %scan3A_872 = arith.constant 7 : i32
        %scan3A_873 = arith.addi %scan3A_728, %scan3A_872 : i32
        %mul3A_874 = arith.constant 16 : i32
        %mul3A_875 = arith.muli %scan3A_873, %mul3A_874 : i32
        %get3A_876 = arith.constant 5 : i32
        %get3A_877 = arith.index_cast %get3A_876 : i32 to index
        %get3A_878 = arith.index_cast %mul3A_875 : i32 to index
        %get3A_879 = tpu.vector_load %arg6[%get3A_877, %get3A_878] {strides = array<i32>} : memref<8x8192xf32, #tpu.memory_space<vmem>>, vector<1x16xf32>,
        %get3A_880 = vector.shape_cast %get3A_879 : vector<1x16xf32> to vector<16xf32>
        %get3A_881 = arith.constant 1 : i32
        %get3A_882 = arith.index_cast %get3A_881 : i32 to index
        %get3A_883 = arith.index_cast %mul3A_875 : i32 to index
        %get3A_884 = tpu.vector_load %arg5[%get3A_882, %get3A_883] {strides = array<i32>} : memref<2x8192xf32, #tpu.memory_space<vmem>>, vector<1x16xf32>,
        %get3A_885 = vector.shape_cast %get3A_884 : vector<1x16xf32> to vector<16xf32>
        %add3A_886 = arith.addf %get3A_880, %get3A_885 : vector<16xf32>
        %swap3A_887 = arith.constant 5 : i32
        %swap3A_888 = arith.index_cast %swap3A_887 : i32 to index
        %swap3A_889 = arith.index_cast %mul3A_875 : i32 to index
        %swap3A_890 = tpu.vector_load %arg6[%swap3A_888, %swap3A_889] {strides = array<i32>} : memref<8x8192xf32, #tpu.memory_space<vmem>>, vector<1x16xf32>,
        %swap3A_891 = vector.shape_cast %swap3A_890 : vector<1x16xf32> to vector<16xf32>
        %swap3A_892 = vector.shape_cast %add3A_886 : vector<16xf32> to vector<1x16xf32>
        tpu.vector_store %arg6[%swap3A_888, %swap3A_889], %swap3A_892 {strides = array<i32>} : memref<8x8192xf32, #tpu.memory_space<vmem>>, vector<1x16xf32>,
      }
      %scan3A_617 = arith.constant 512 : i32
      %mul3A_618 = arith.constant 8192 : i32
      %mul3A_619 = arith.muli %add3A_524, %mul3A_618 : i32
      %add3A_620 = arith.addi %mul3A_2, %mul3A_619 : i32
      %dma_start3A_621 = arith.constant 5 : i32
      %dma_start3A_622 = arith.constant 1 : i32
      %dma_start3A_623 = arith.constant 5 : i32
      %dma_start3A_624 = arith.constant 0 : i32
      %dma_start3A_625 = tpu.memref_slice %arg6[%dma_start3A_621, %dma_start3A_624] : memref<8x8192xf32, #tpu.memory_space<vmem>> -> memref<1x8192xf32, #tpu.memory_space<vmem>>
      %dma_start3A_626 = tpu.memref_squeeze %dma_start3A_625 : memref<1x8192xf32, #tpu.memory_space<vmem>> -> memref<8192xf32, #tpu.memory_space<vmem>>
      %dma_start3A_627 = tpu.memref_slice %arg4[%dma_start3A_622, %add3A_620] : memref<4x4194304xf32, #tpu.memory_space<hbm>> -> memref<1x8192xf32, #tpu.memory_space<hbm>>
      %dma_start3A_628 = tpu.memref_squeeze %dma_start3A_627 : memref<1x8192xf32, #tpu.memory_space<hbm>> -> memref<8192xf32, #tpu.memory_space<hbm>>
      %dma_start3A_629 = tpu.memref_slice %arg9[%dma_start3A_623] : memref<8x!tpu.dma_semaphore, #tpu.memory_space<semaphore_mem>> -> memref<1x!tpu.dma_semaphore, #tpu.memory_space<semaphore_mem>>
      %dma_start3A_630 = tpu.memref_squeeze %dma_start3A_629 : memref<1x!tpu.dma_semaphore, #tpu.memory_space<semaphore_mem>> -> memref<!tpu.dma_semaphore, #tpu.memory_space<semaphore_mem>>
      %dma_start3A_631 = tpu.memref_slice %arg4[%dma_start3A_622, %add3A_620] : memref<4x4194304xf32, #tpu.memory_space<hbm>> -> memref<1x8192xf32, #tpu.memory_space<hbm>>
      %dma_start3A_632 = tpu.memref_squeeze %dma_start3A_631 : memref<1x8192xf32, #tpu.memory_space<hbm>> -> memref<8192xf32, #tpu.memory_space<hbm>>
      %dma_start3A_633 = arith.constant 0 : i32
      %dma_start3A_634 = tpu.memref_slice %arg6[%dma_start3A_621, %dma_start3A_633] : memref<8x8192xf32, #tpu.memory_space<vmem>> -> memref<1x8192xf32, #tpu.memory_space<vmem>>
      %dma_start3A_635 = tpu.memref_squeeze %dma_start3A_634 : memref<1x8192xf32, #tpu.memory_space<vmem>> -> memref<8192xf32, #tpu.memory_space<vmem>>
      tpu.enqueue_dma source(%dma_start3A_635 : memref<8192xf32, #tpu.memory_space<vmem>>) target(%dma_start3A_632 : memref<8192xf32, #tpu.memory_space<hbm>>) target_semaphore(%dma_start3A_630 : memref<!tpu.dma_semaphore, #tpu.memory_space<semaphore_mem>>)
      %lt3A_636 = arith.constant 7 : i32
      %lt3A_637 = arith.cmpi slt, %scan3A_223, %lt3A_636 : i32
      %convert_element_type3A_638 = arith.extui %lt3A_637 : i1 to i32
      %cond3A_639 = arith.constant 0 : i32
      %cond3A_640 = arith.cmpi ne, %convert_element_type3A_638, %cond3A_639 : i32
      scf.if %cond3A_640 {
        %sub3A = arith.constant 1 : i32
        %sub3A_728 = arith.subi %add3A_524, %sub3A : i32
        %mul3A_729 = arith.constant 8192 : i32
        %mul3A_730 = arith.muli %sub3A_728, %mul3A_729 : i32
        %add3A_731 = arith.addi %mul3A_2, %mul3A_730 : i32
        %dma_wait3A_732 = arith.constant 2 : i32
        %dma_wait3A_733 = arith.constant 2 : i32
        %dma_wait3A_734 = arith.constant 2 : i32
        %dma_wait3A_735 = arith.constant 0 : i32
        %dma_wait3A_736 = tpu.memref_slice %arg6[%dma_wait3A_732, %dma_wait3A_735] : memref<8x8192xf32, #tpu.memory_space<vmem>> -> memref<1x8192xf32, #tpu.memory_space<vmem>>
        %dma_wait3A_737 = tpu.memref_squeeze %dma_wait3A_736 : memref<1x8192xf32, #tpu.memory_space<vmem>> -> memref<8192xf32, #tpu.memory_space<vmem>>
        %dma_wait3A_738 = tpu.memref_slice %arg4[%dma_wait3A_733, %add3A_731] : memref<4x4194304xf32, #tpu.memory_space<hbm>> -> memref<1x8192xf32, #tpu.memory_space<hbm>>
        %dma_wait3A_739 = tpu.memref_squeeze %dma_wait3A_738 : memref<1x8192xf32, #tpu.memory_space<hbm>> -> memref<8192xf32, #tpu.memory_space<hbm>>
        %dma_wait3A_740 = tpu.memref_slice %arg9[%dma_wait3A_734] : memref<8x!tpu.dma_semaphore, #tpu.memory_space<semaphore_mem>> -> memref<1x!tpu.dma_semaphore, #tpu.memory_space<semaphore_mem>>
        %dma_wait3A_741 = tpu.memref_squeeze %dma_wait3A_740 : memref<1x!tpu.dma_semaphore, #tpu.memory_space<semaphore_mem>> -> memref<!tpu.dma_semaphore, #tpu.memory_space<semaphore_mem>>
        %dma_wait3A_742 = tpu.memref_slice %arg4[%dma_wait3A_733, %add3A_731] : memref<4x4194304xf32, #tpu.memory_space<hbm>> -> memref<1x8192xf32, #tpu.memory_space<hbm>>
        %dma_wait3A_743 = tpu.memref_squeeze %dma_wait3A_742 : memref<1x8192xf32, #tpu.memory_space<hbm>> -> memref<8192xf32, #tpu.memory_space<hbm>>
        %dma_wait3A_744 = arith.constant 0 : i32
        %dma_wait3A_745 = tpu.memref_slice %arg6[%dma_wait3A_732, %dma_wait3A_744] : memref<8x8192xf32, #tpu.memory_space<vmem>> -> memref<1x8192xf32, #tpu.memory_space<vmem>>
        %dma_wait3A_746 = tpu.memref_squeeze %dma_wait3A_745 : memref<1x8192xf32, #tpu.memory_space<vmem>> -> memref<8192xf32, #tpu.memory_space<vmem>>
        tpu.wait_dma2 semaphore(%dma_wait3A_741 : memref<!tpu.dma_semaphore, #tpu.memory_space<semaphore_mem>>) src(%dma_wait3A_746 : memref<8192xf32, #tpu.memory_space<vmem>>) dst(%dma_wait3A_743 : memref<8192xf32, #tpu.memory_space<hbm>>)
        %add3A_747 = arith.constant 1 : i32
        %add3A_748 = arith.addi %add3A_524, %add3A_747 : i32
        %mul3A_749 = arith.constant 8192 : i32
        %mul3A_750 = arith.muli %add3A_748, %mul3A_749 : i32
        %add3A_751 = arith.addi %mul3A_2, %mul3A_750 : i32
        %dma_start3A_752 = arith.constant 2 : i32
        %dma_start3A_753 = arith.constant 2 : i32
        %dma_start3A_754 = arith.constant 2 : i32
        %dma_start3A_755 = arith.constant 0 : i32
        %dma_start3A_756 = tpu.memref_slice %arg6[%dma_start3A_753, %dma_start3A_755] : memref<8x8192xf32, #tpu.memory_space<vmem>> -> memref<1x8192xf32, #tpu.memory_space<vmem>>
        %dma_start3A_757 = tpu.memref_squeeze %dma_start3A_756 : memref<1x8192xf32, #tpu.memory_space<vmem>> -> memref<8192xf32, #tpu.memory_space<vmem>>
        %dma_start3A_758 = tpu.memref_slice %arg2[%dma_start3A_752, %add3A_751] : memref<4x4194304xf32, #tpu.memory_space<hbm>> -> memref<1x8192xf32, #tpu.memory_space<hbm>>
        %dma_start3A_759 = tpu.memref_squeeze %dma_start3A_758 : memref<1x8192xf32, #tpu.memory_space<hbm>> -> memref<8192xf32, #tpu.memory_space<hbm>>
        %dma_start3A_760 = tpu.memref_slice %arg8[%dma_start3A_754] : memref<8x!tpu.dma_semaphore, #tpu.memory_space<semaphore_mem>> -> memref<1x!tpu.dma_semaphore, #tpu.memory_space<semaphore_mem>>
        %dma_start3A_761 = tpu.memref_squeeze %dma_start3A_760 : memref<1x!tpu.dma_semaphore, #tpu.memory_space<semaphore_mem>> -> memref<!tpu.dma_semaphore, #tpu.memory_space<semaphore_mem>>
        %dma_start3A_762 = arith.constant 0 : i32
        %dma_start3A_763 = tpu.memref_slice %arg6[%dma_start3A_753, %dma_start3A_762] : memref<8x8192xf32, #tpu.memory_space<vmem>> -> memref<1x8192xf32, #tpu.memory_space<vmem>>
        %dma_start3A_764 = tpu.memref_squeeze %dma_start3A_763 : memref<1x8192xf32, #tpu.memory_space<vmem>> -> memref<8192xf32, #tpu.memory_space<vmem>>
        %dma_start3A_765 = tpu.memref_slice %arg2[%dma_start3A_752, %add3A_751] : memref<4x4194304xf32, #tpu.memory_space<hbm>> -> memref<1x8192xf32, #tpu.memory_space<hbm>>
        %dma_start3A_766 = tpu.memref_squeeze %dma_start3A_765 : memref<1x8192xf32, #tpu.memory_space<hbm>> -> memref<8192xf32, #tpu.memory_space<hbm>>
        tpu.enqueue_dma source(%dma_start3A_766 : memref<8192xf32, #tpu.memory_space<hbm>>) target(%dma_start3A_764 : memref<8192xf32, #tpu.memory_space<vmem>>) target_semaphore(%dma_start3A_761 : memref<!tpu.dma_semaphore, #tpu.memory_space<semaphore_mem>>)
      } else {
      }
      %mul3A_641 = arith.constant 8192 : i32
      %mul3A_642 = arith.muli %add3A_524, %mul3A_641 : i32
      %add3A_643 = arith.addi %mul3A_2, %mul3A_642 : i32
      %dma_wait3A_644 = arith.constant 2 : i32
      %dma_wait3A_645 = arith.constant 6 : i32
      %dma_wait3A_646 = arith.constant 6 : i32
      %dma_wait3A_647 = arith.constant 0 : i32
      %dma_wait3A_648 = tpu.memref_slice %arg6[%dma_wait3A_645, %dma_wait3A_647] : memref<8x8192xf32, #tpu.memory_space<vmem>> -> memref<1x8192xf32, #tpu.memory_space<vmem>>
      %dma_wait3A_649 = tpu.memref_squeeze %dma_wait3A_648 : memref<1x8192xf32, #tpu.memory_space<vmem>> -> memref<8192xf32, #tpu.memory_space<vmem>>
      %dma_wait3A_650 = tpu.memref_slice %arg2[%dma_wait3A_644, %add3A_643] : memref<4x4194304xf32, #tpu.memory_space<hbm>> -> memref<1x8192xf32, #tpu.memory_space<hbm>>
      %dma_wait3A_651 = tpu.memref_squeeze %dma_wait3A_650 : memref<1x8192xf32, #tpu.memory_space<hbm>> -> memref<8192xf32, #tpu.memory_space<hbm>>
      %dma_wait3A_652 = tpu.memref_slice %arg8[%dma_wait3A_646] : memref<8x!tpu.dma_semaphore, #tpu.memory_space<semaphore_mem>> -> memref<1x!tpu.dma_semaphore, #tpu.memory_space<semaphore_mem>>
      %dma_wait3A_653 = tpu.memref_squeeze %dma_wait3A_652 : memref<1x!tpu.dma_semaphore, #tpu.memory_space<semaphore_mem>> -> memref<!tpu.dma_semaphore, #tpu.memory_space<semaphore_mem>>
      %dma_wait3A_654 = arith.constant 0 : i32
      %dma_wait3A_655 = tpu.memref_slice %arg6[%dma_wait3A_645, %dma_wait3A_654] : memref<8x8192xf32, #tpu.memory_space<vmem>> -> memref<1x8192xf32, #tpu.memory_space<vmem>>
      %dma_wait3A_656 = tpu.memref_squeeze %dma_wait3A_655 : memref<1x8192xf32, #tpu.memory_space<vmem>> -> memref<8192xf32, #tpu.memory_space<vmem>>
      %dma_wait3A_657 = tpu.memref_slice %arg2[%dma_wait3A_644, %add3A_643] : memref<4x4194304xf32, #tpu.memory_space<hbm>> -> memref<1x8192xf32, #tpu.memory_space<hbm>>
      %dma_wait3A_658 = tpu.memref_squeeze %dma_wait3A_657 : memref<1x8192xf32, #tpu.memory_space<hbm>> -> memref<8192xf32, #tpu.memory_space<hbm>>
      tpu.wait_dma2 semaphore(%dma_wait3A_653 : memref<!tpu.dma_semaphore, #tpu.memory_space<semaphore_mem>>) src(%dma_wait3A_658 : memref<8192xf32, #tpu.memory_space<hbm>>) dst(%dma_wait3A_656 : memref<8192xf32, #tpu.memory_space<vmem>>)
      %scan3A_659 = arith.constant 0 : i32
      %scan3A_660 = arith.constant 512 : i32
      %scan3A_661 = arith.addi %scan3A_659, %scan3A_660 : i32
      %scan3A_662 = arith.constant 8 : i32
      scf.for %scan3A_728 = %scan3A_659 to %scan3A_661 step %scan3A_662  : i32 {
        %mul3A_729 = arith.constant 16 : i32
        %mul3A_730 = arith.muli %scan3A_728, %mul3A_729 : i32
        %get3A = arith.constant 6 : i32
        %get3A_731 = arith.index_cast %get3A : i32 to index
        %get3A_732 = arith.index_cast %mul3A_730 : i32 to index
        %get3A_733 = tpu.vector_load %arg6[%get3A_731, %get3A_732] {strides = array<i32>} : memref<8x8192xf32, #tpu.memory_space<vmem>>, vector<1x16xf32>,
        %get3A_734 = vector.shape_cast %get3A_733 : vector<1x16xf32> to vector<16xf32>
        %get3A_735 = arith.constant 1 : i32
        %get3A_736 = arith.index_cast %get3A_735 : i32 to index
        %get3A_737 = arith.index_cast %mul3A_730 : i32 to index
        %get3A_738 = tpu.vector_load %arg5[%get3A_736, %get3A_737] {strides = array<i32>} : memref<2x8192xf32, #tpu.memory_space<vmem>>, vector<1x16xf32>,
        %get3A_739 = vector.shape_cast %get3A_738 : vector<1x16xf32> to vector<16xf32>
        %add3A_740 = arith.addf %get3A_734, %get3A_739 : vector<16xf32>
        %swap3A = arith.constant 6 : i32
        %swap3A_741 = arith.index_cast %swap3A : i32 to index
        %swap3A_742 = arith.index_cast %mul3A_730 : i32 to index
        %swap3A_743 = tpu.vector_load %arg6[%swap3A_741, %swap3A_742] {strides = array<i32>} : memref<8x8192xf32, #tpu.memory_space<vmem>>, vector<1x16xf32>,
        %swap3A_744 = vector.shape_cast %swap3A_743 : vector<1x16xf32> to vector<16xf32>
        %swap3A_745 = vector.shape_cast %add3A_740 : vector<16xf32> to vector<1x16xf32>
        tpu.vector_store %arg6[%swap3A_741, %swap3A_742], %swap3A_745 {strides = array<i32>} : memref<8x8192xf32, #tpu.memory_space<vmem>>, vector<1x16xf32>,
        %scan3A_746 = arith.constant 1 : i32
        %scan3A_747 = arith.addi %scan3A_728, %scan3A_746 : i32
        %mul3A_748 = arith.constant 16 : i32
        %mul3A_749 = arith.muli %scan3A_747, %mul3A_748 : i32
        %get3A_750 = arith.constant 6 : i32
        %get3A_751 = arith.index_cast %get3A_750 : i32 to index
        %get3A_752 = arith.index_cast %mul3A_749 : i32 to index
        %get3A_753 = tpu.vector_load %arg6[%get3A_751, %get3A_752] {strides = array<i32>} : memref<8x8192xf32, #tpu.memory_space<vmem>>, vector<1x16xf32>,
        %get3A_754 = vector.shape_cast %get3A_753 : vector<1x16xf32> to vector<16xf32>
        %get3A_755 = arith.constant 1 : i32
        %get3A_756 = arith.index_cast %get3A_755 : i32 to index
        %get3A_757 = arith.index_cast %mul3A_749 : i32 to index
        %get3A_758 = tpu.vector_load %arg5[%get3A_756, %get3A_757] {strides = array<i32>} : memref<2x8192xf32, #tpu.memory_space<vmem>>, vector<1x16xf32>,
        %get3A_759 = vector.shape_cast %get3A_758 : vector<1x16xf32> to vector<16xf32>
        %add3A_760 = arith.addf %get3A_754, %get3A_759 : vector<16xf32>
        %swap3A_761 = arith.constant 6 : i32
        %swap3A_762 = arith.index_cast %swap3A_761 : i32 to index
        %swap3A_763 = arith.index_cast %mul3A_749 : i32 to index
        %swap3A_764 = tpu.vector_load %arg6[%swap3A_762, %swap3A_763] {strides = array<i32>} : memref<8x8192xf32, #tpu.memory_space<vmem>>, vector<1x16xf32>,
        %swap3A_765 = vector.shape_cast %swap3A_764 : vector<1x16xf32> to vector<16xf32>
        %swap3A_766 = vector.shape_cast %add3A_760 : vector<16xf32> to vector<1x16xf32>
        tpu.vector_store %arg6[%swap3A_762, %swap3A_763], %swap3A_766 {strides = array<i32>} : memref<8x8192xf32, #tpu.memory_space<vmem>>, vector<1x16xf32>,
        %scan3A_767 = arith.constant 2 : i32
        %scan3A_768 = arith.addi %scan3A_728, %scan3A_767 : i32
        %mul3A_769 = arith.constant 16 : i32
        %mul3A_770 = arith.muli %scan3A_768, %mul3A_769 : i32
        %get3A_771 = arith.constant 6 : i32
        %get3A_772 = arith.index_cast %get3A_771 : i32 to index
        %get3A_773 = arith.index_cast %mul3A_770 : i32 to index
        %get3A_774 = tpu.vector_load %arg6[%get3A_772, %get3A_773] {strides = array<i32>} : memref<8x8192xf32, #tpu.memory_space<vmem>>, vector<1x16xf32>,
        %get3A_775 = vector.shape_cast %get3A_774 : vector<1x16xf32> to vector<16xf32>
        %get3A_776 = arith.constant 1 : i32
        %get3A_777 = arith.index_cast %get3A_776 : i32 to index
        %get3A_778 = arith.index_cast %mul3A_770 : i32 to index
        %get3A_779 = tpu.vector_load %arg5[%get3A_777, %get3A_778] {strides = array<i32>} : memref<2x8192xf32, #tpu.memory_space<vmem>>, vector<1x16xf32>,
        %get3A_780 = vector.shape_cast %get3A_779 : vector<1x16xf32> to vector<16xf32>
        %add3A_781 = arith.addf %get3A_775, %get3A_780 : vector<16xf32>
        %swap3A_782 = arith.constant 6 : i32
        %swap3A_783 = arith.index_cast %swap3A_782 : i32 to index
        %swap3A_784 = arith.index_cast %mul3A_770 : i32 to index
        %swap3A_785 = tpu.vector_load %arg6[%swap3A_783, %swap3A_784] {strides = array<i32>} : memref<8x8192xf32, #tpu.memory_space<vmem>>, vector<1x16xf32>,
        %swap3A_786 = vector.shape_cast %swap3A_785 : vector<1x16xf32> to vector<16xf32>
        %swap3A_787 = vector.shape_cast %add3A_781 : vector<16xf32> to vector<1x16xf32>
        tpu.vector_store %arg6[%swap3A_783, %swap3A_784], %swap3A_787 {strides = array<i32>} : memref<8x8192xf32, #tpu.memory_space<vmem>>, vector<1x16xf32>,
        %scan3A_788 = arith.constant 3 : i32
        %scan3A_789 = arith.addi %scan3A_728, %scan3A_788 : i32
        %mul3A_790 = arith.constant 16 : i32
        %mul3A_791 = arith.muli %scan3A_789, %mul3A_790 : i32
        %get3A_792 = arith.constant 6 : i32
        %get3A_793 = arith.index_cast %get3A_792 : i32 to index
        %get3A_794 = arith.index_cast %mul3A_791 : i32 to index
        %get3A_795 = tpu.vector_load %arg6[%get3A_793, %get3A_794] {strides = array<i32>} : memref<8x8192xf32, #tpu.memory_space<vmem>>, vector<1x16xf32>,
        %get3A_796 = vector.shape_cast %get3A_795 : vector<1x16xf32> to vector<16xf32>
        %get3A_797 = arith.constant 1 : i32
        %get3A_798 = arith.index_cast %get3A_797 : i32 to index
        %get3A_799 = arith.index_cast %mul3A_791 : i32 to index
        %get3A_800 = tpu.vector_load %arg5[%get3A_798, %get3A_799] {strides = array<i32>} : memref<2x8192xf32, #tpu.memory_space<vmem>>, vector<1x16xf32>,
        %get3A_801 = vector.shape_cast %get3A_800 : vector<1x16xf32> to vector<16xf32>
        %add3A_802 = arith.addf %get3A_796, %get3A_801 : vector<16xf32>
        %swap3A_803 = arith.constant 6 : i32
        %swap3A_804 = arith.index_cast %swap3A_803 : i32 to index
        %swap3A_805 = arith.index_cast %mul3A_791 : i32 to index
        %swap3A_806 = tpu.vector_load %arg6[%swap3A_804, %swap3A_805] {strides = array<i32>} : memref<8x8192xf32, #tpu.memory_space<vmem>>, vector<1x16xf32>,
        %swap3A_807 = vector.shape_cast %swap3A_806 : vector<1x16xf32> to vector<16xf32>
        %swap3A_808 = vector.shape_cast %add3A_802 : vector<16xf32> to vector<1x16xf32>
        tpu.vector_store %arg6[%swap3A_804, %swap3A_805], %swap3A_808 {strides = array<i32>} : memref<8x8192xf32, #tpu.memory_space<vmem>>, vector<1x16xf32>,
        %scan3A_809 = arith.constant 4 : i32
        %scan3A_810 = arith.addi %scan3A_728, %scan3A_809 : i32
        %mul3A_811 = arith.constant 16 : i32
        %mul3A_812 = arith.muli %scan3A_810, %mul3A_811 : i32
        %get3A_813 = arith.constant 6 : i32
        %get3A_814 = arith.index_cast %get3A_813 : i32 to index
        %get3A_815 = arith.index_cast %mul3A_812 : i32 to index
        %get3A_816 = tpu.vector_load %arg6[%get3A_814, %get3A_815] {strides = array<i32>} : memref<8x8192xf32, #tpu.memory_space<vmem>>, vector<1x16xf32>,
        %get3A_817 = vector.shape_cast %get3A_816 : vector<1x16xf32> to vector<16xf32>
        %get3A_818 = arith.constant 1 : i32
        %get3A_819 = arith.index_cast %get3A_818 : i32 to index
        %get3A_820 = arith.index_cast %mul3A_812 : i32 to index
        %get3A_821 = tpu.vector_load %arg5[%get3A_819, %get3A_820] {strides = array<i32>} : memref<2x8192xf32, #tpu.memory_space<vmem>>, vector<1x16xf32>,
        %get3A_822 = vector.shape_cast %get3A_821 : vector<1x16xf32> to vector<16xf32>
        %add3A_823 = arith.addf %get3A_817, %get3A_822 : vector<16xf32>
        %swap3A_824 = arith.constant 6 : i32
        %swap3A_825 = arith.index_cast %swap3A_824 : i32 to index
        %swap3A_826 = arith.index_cast %mul3A_812 : i32 to index
        %swap3A_827 = tpu.vector_load %arg6[%swap3A_825, %swap3A_826] {strides = array<i32>} : memref<8x8192xf32, #tpu.memory_space<vmem>>, vector<1x16xf32>,
        %swap3A_828 = vector.shape_cast %swap3A_827 : vector<1x16xf32> to vector<16xf32>
        %swap3A_829 = vector.shape_cast %add3A_823 : vector<16xf32> to vector<1x16xf32>
        tpu.vector_store %arg6[%swap3A_825, %swap3A_826], %swap3A_829 {strides = array<i32>} : memref<8x8192xf32, #tpu.memory_space<vmem>>, vector<1x16xf32>,
        %scan3A_830 = arith.constant 5 : i32
        %scan3A_831 = arith.addi %scan3A_728, %scan3A_830 : i32
        %mul3A_832 = arith.constant 16 : i32
        %mul3A_833 = arith.muli %scan3A_831, %mul3A_832 : i32
        %get3A_834 = arith.constant 6 : i32
        %get3A_835 = arith.index_cast %get3A_834 : i32 to index
        %get3A_836 = arith.index_cast %mul3A_833 : i32 to index
        %get3A_837 = tpu.vector_load %arg6[%get3A_835, %get3A_836] {strides = array<i32>} : memref<8x8192xf32, #tpu.memory_space<vmem>>, vector<1x16xf32>,
        %get3A_838 = vector.shape_cast %get3A_837 : vector<1x16xf32> to vector<16xf32>
        %get3A_839 = arith.constant 1 : i32
        %get3A_840 = arith.index_cast %get3A_839 : i32 to index
        %get3A_841 = arith.index_cast %mul3A_833 : i32 to index
        %get3A_842 = tpu.vector_load %arg5[%get3A_840, %get3A_841] {strides = array<i32>} : memref<2x8192xf32, #tpu.memory_space<vmem>>, vector<1x16xf32>,
        %get3A_843 = vector.shape_cast %get3A_842 : vector<1x16xf32> to vector<16xf32>
        %add3A_844 = arith.addf %get3A_838, %get3A_843 : vector<16xf32>
        %swap3A_845 = arith.constant 6 : i32
        %swap3A_846 = arith.index_cast %swap3A_845 : i32 to index
        %swap3A_847 = arith.index_cast %mul3A_833 : i32 to index
        %swap3A_848 = tpu.vector_load %arg6[%swap3A_846, %swap3A_847] {strides = array<i32>} : memref<8x8192xf32, #tpu.memory_space<vmem>>, vector<1x16xf32>,
        %swap3A_849 = vector.shape_cast %swap3A_848 : vector<1x16xf32> to vector<16xf32>
        %swap3A_850 = vector.shape_cast %add3A_844 : vector<16xf32> to vector<1x16xf32>
        tpu.vector_store %arg6[%swap3A_846, %swap3A_847], %swap3A_850 {strides = array<i32>} : memref<8x8192xf32, #tpu.memory_space<vmem>>, vector<1x16xf32>,
        %scan3A_851 = arith.constant 6 : i32
        %scan3A_852 = arith.addi %scan3A_728, %scan3A_851 : i32
        %mul3A_853 = arith.constant 16 : i32
        %mul3A_854 = arith.muli %scan3A_852, %mul3A_853 : i32
        %get3A_855 = arith.constant 6 : i32
        %get3A_856 = arith.index_cast %get3A_855 : i32 to index
        %get3A_857 = arith.index_cast %mul3A_854 : i32 to index
        %get3A_858 = tpu.vector_load %arg6[%get3A_856, %get3A_857] {strides = array<i32>} : memref<8x8192xf32, #tpu.memory_space<vmem>>, vector<1x16xf32>,
        %get3A_859 = vector.shape_cast %get3A_858 : vector<1x16xf32> to vector<16xf32>
        %get3A_860 = arith.constant 1 : i32
        %get3A_861 = arith.index_cast %get3A_860 : i32 to index
        %get3A_862 = arith.index_cast %mul3A_854 : i32 to index
        %get3A_863 = tpu.vector_load %arg5[%get3A_861, %get3A_862] {strides = array<i32>} : memref<2x8192xf32, #tpu.memory_space<vmem>>, vector<1x16xf32>,
        %get3A_864 = vector.shape_cast %get3A_863 : vector<1x16xf32> to vector<16xf32>
        %add3A_865 = arith.addf %get3A_859, %get3A_864 : vector<16xf32>
        %swap3A_866 = arith.constant 6 : i32
        %swap3A_867 = arith.index_cast %swap3A_866 : i32 to index
        %swap3A_868 = arith.index_cast %mul3A_854 : i32 to index
        %swap3A_869 = tpu.vector_load %arg6[%swap3A_867, %swap3A_868] {strides = array<i32>} : memref<8x8192xf32, #tpu.memory_space<vmem>>, vector<1x16xf32>,
        %swap3A_870 = vector.shape_cast %swap3A_869 : vector<1x16xf32> to vector<16xf32>
        %swap3A_871 = vector.shape_cast %add3A_865 : vector<16xf32> to vector<1x16xf32>
        tpu.vector_store %arg6[%swap3A_867, %swap3A_868], %swap3A_871 {strides = array<i32>} : memref<8x8192xf32, #tpu.memory_space<vmem>>, vector<1x16xf32>,
        %scan3A_872 = arith.constant 7 : i32
        %scan3A_873 = arith.addi %scan3A_728, %scan3A_872 : i32
        %mul3A_874 = arith.constant 16 : i32
        %mul3A_875 = arith.muli %scan3A_873, %mul3A_874 : i32
        %get3A_876 = arith.constant 6 : i32
        %get3A_877 = arith.index_cast %get3A_876 : i32 to index
        %get3A_878 = arith.index_cast %mul3A_875 : i32 to index
        %get3A_879 = tpu.vector_load %arg6[%get3A_877, %get3A_878] {strides = array<i32>} : memref<8x8192xf32, #tpu.memory_space<vmem>>, vector<1x16xf32>,
        %get3A_880 = vector.shape_cast %get3A_879 : vector<1x16xf32> to vector<16xf32>
        %get3A_881 = arith.constant 1 : i32
        %get3A_882 = arith.index_cast %get3A_881 : i32 to index
        %get3A_883 = arith.index_cast %mul3A_875 : i32 to index
        %get3A_884 = tpu.vector_load %arg5[%get3A_882, %get3A_883] {strides = array<i32>} : memref<2x8192xf32, #tpu.memory_space<vmem>>, vector<1x16xf32>,
        %get3A_885 = vector.shape_cast %get3A_884 : vector<1x16xf32> to vector<16xf32>
        %add3A_886 = arith.addf %get3A_880, %get3A_885 : vector<16xf32>
        %swap3A_887 = arith.constant 6 : i32
        %swap3A_888 = arith.index_cast %swap3A_887 : i32 to index
        %swap3A_889 = arith.index_cast %mul3A_875 : i32 to index
        %swap3A_890 = tpu.vector_load %arg6[%swap3A_888, %swap3A_889] {strides = array<i32>} : memref<8x8192xf32, #tpu.memory_space<vmem>>, vector<1x16xf32>,
        %swap3A_891 = vector.shape_cast %swap3A_890 : vector<1x16xf32> to vector<16xf32>
        %swap3A_892 = vector.shape_cast %add3A_886 : vector<16xf32> to vector<1x16xf32>
        tpu.vector_store %arg6[%swap3A_888, %swap3A_889], %swap3A_892 {strides = array<i32>} : memref<8x8192xf32, #tpu.memory_space<vmem>>, vector<1x16xf32>,
      }
      %scan3A_663 = arith.constant 512 : i32
      %mul3A_664 = arith.constant 8192 : i32
      %mul3A_665 = arith.muli %add3A_524, %mul3A_664 : i32
      %add3A_666 = arith.addi %mul3A_2, %mul3A_665 : i32
      %dma_start3A_667 = arith.constant 6 : i32
      %dma_start3A_668 = arith.constant 2 : i32
      %dma_start3A_669 = arith.constant 6 : i32
      %dma_start3A_670 = arith.constant 0 : i32
      %dma_start3A_671 = tpu.memref_slice %arg6[%dma_start3A_667, %dma_start3A_670] : memref<8x8192xf32, #tpu.memory_space<vmem>> -> memref<1x8192xf32, #tpu.memory_space<vmem>>
      %dma_start3A_672 = tpu.memref_squeeze %dma_start3A_671 : memref<1x8192xf32, #tpu.memory_space<vmem>> -> memref<8192xf32, #tpu.memory_space<vmem>>
      %dma_start3A_673 = tpu.memref_slice %arg4[%dma_start3A_668, %add3A_666] : memref<4x4194304xf32, #tpu.memory_space<hbm>> -> memref<1x8192xf32, #tpu.memory_space<hbm>>
      %dma_start3A_674 = tpu.memref_squeeze %dma_start3A_673 : memref<1x8192xf32, #tpu.memory_space<hbm>> -> memref<8192xf32, #tpu.memory_space<hbm>>
      %dma_start3A_675 = tpu.memref_slice %arg9[%dma_start3A_669] : memref<8x!tpu.dma_semaphore, #tpu.memory_space<semaphore_mem>> -> memref<1x!tpu.dma_semaphore, #tpu.memory_space<semaphore_mem>>
      %dma_start3A_676 = tpu.memref_squeeze %dma_start3A_675 : memref<1x!tpu.dma_semaphore, #tpu.memory_space<semaphore_mem>> -> memref<!tpu.dma_semaphore, #tpu.memory_space<semaphore_mem>>
      %dma_start3A_677 = tpu.memref_slice %arg4[%dma_start3A_668, %add3A_666] : memref<4x4194304xf32, #tpu.memory_space<hbm>> -> memref<1x8192xf32, #tpu.memory_space<hbm>>
      %dma_start3A_678 = tpu.memref_squeeze %dma_start3A_677 : memref<1x8192xf32, #tpu.memory_space<hbm>> -> memref<8192xf32, #tpu.memory_space<hbm>>
      %dma_start3A_679 = arith.constant 0 : i32
      %dma_start3A_680 = tpu.memref_slice %arg6[%dma_start3A_667, %dma_start3A_679] : memref<8x8192xf32, #tpu.memory_space<vmem>> -> memref<1x8192xf32, #tpu.memory_space<vmem>>
      %dma_start3A_681 = tpu.memref_squeeze %dma_start3A_680 : memref<1x8192xf32, #tpu.memory_space<vmem>> -> memref<8192xf32, #tpu.memory_space<vmem>>
      tpu.enqueue_dma source(%dma_start3A_681 : memref<8192xf32, #tpu.memory_space<vmem>>) target(%dma_start3A_678 : memref<8192xf32, #tpu.memory_space<hbm>>) target_semaphore(%dma_start3A_676 : memref<!tpu.dma_semaphore, #tpu.memory_space<semaphore_mem>>)
      %lt3A_682 = arith.constant 7 : i32
      %lt3A_683 = arith.cmpi slt, %scan3A_223, %lt3A_682 : i32
      %convert_element_type3A_684 = arith.extui %lt3A_683 : i1 to i32
      %cond3A_685 = arith.constant 0 : i32
      %cond3A_686 = arith.cmpi ne, %convert_element_type3A_684, %cond3A_685 : i32
      scf.if %cond3A_686 {
        %sub3A = arith.constant 1 : i32
        %sub3A_728 = arith.subi %add3A_524, %sub3A : i32
        %mul3A_729 = arith.constant 8192 : i32
        %mul3A_730 = arith.muli %sub3A_728, %mul3A_729 : i32
        %add3A_731 = arith.addi %mul3A_2, %mul3A_730 : i32
        %dma_wait3A_732 = arith.constant 3 : i32
        %dma_wait3A_733 = arith.constant 3 : i32
        %dma_wait3A_734 = arith.constant 3 : i32
        %dma_wait3A_735 = arith.constant 0 : i32
        %dma_wait3A_736 = tpu.memref_slice %arg6[%dma_wait3A_732, %dma_wait3A_735] : memref<8x8192xf32, #tpu.memory_space<vmem>> -> memref<1x8192xf32, #tpu.memory_space<vmem>>
        %dma_wait3A_737 = tpu.memref_squeeze %dma_wait3A_736 : memref<1x8192xf32, #tpu.memory_space<vmem>> -> memref<8192xf32, #tpu.memory_space<vmem>>
        %dma_wait3A_738 = tpu.memref_slice %arg4[%dma_wait3A_733, %add3A_731] : memref<4x4194304xf32, #tpu.memory_space<hbm>> -> memref<1x8192xf32, #tpu.memory_space<hbm>>
        %dma_wait3A_739 = tpu.memref_squeeze %dma_wait3A_738 : memref<1x8192xf32, #tpu.memory_space<hbm>> -> memref<8192xf32, #tpu.memory_space<hbm>>
        %dma_wait3A_740 = tpu.memref_slice %arg9[%dma_wait3A_734] : memref<8x!tpu.dma_semaphore, #tpu.memory_space<semaphore_mem>> -> memref<1x!tpu.dma_semaphore, #tpu.memory_space<semaphore_mem>>
        %dma_wait3A_741 = tpu.memref_squeeze %dma_wait3A_740 : memref<1x!tpu.dma_semaphore, #tpu.memory_space<semaphore_mem>> -> memref<!tpu.dma_semaphore, #tpu.memory_space<semaphore_mem>>
        %dma_wait3A_742 = tpu.memref_slice %arg4[%dma_wait3A_733, %add3A_731] : memref<4x4194304xf32, #tpu.memory_space<hbm>> -> memref<1x8192xf32, #tpu.memory_space<hbm>>
        %dma_wait3A_743 = tpu.memref_squeeze %dma_wait3A_742 : memref<1x8192xf32, #tpu.memory_space<hbm>> -> memref<8192xf32, #tpu.memory_space<hbm>>
        %dma_wait3A_744 = arith.constant 0 : i32
        %dma_wait3A_745 = tpu.memref_slice %arg6[%dma_wait3A_732, %dma_wait3A_744] : memref<8x8192xf32, #tpu.memory_space<vmem>> -> memref<1x8192xf32, #tpu.memory_space<vmem>>
        %dma_wait3A_746 = tpu.memref_squeeze %dma_wait3A_745 : memref<1x8192xf32, #tpu.memory_space<vmem>> -> memref<8192xf32, #tpu.memory_space<vmem>>
        tpu.wait_dma2 semaphore(%dma_wait3A_741 : memref<!tpu.dma_semaphore, #tpu.memory_space<semaphore_mem>>) src(%dma_wait3A_746 : memref<8192xf32, #tpu.memory_space<vmem>>) dst(%dma_wait3A_743 : memref<8192xf32, #tpu.memory_space<hbm>>)
        %add3A_747 = arith.constant 1 : i32
        %add3A_748 = arith.addi %add3A_524, %add3A_747 : i32
        %mul3A_749 = arith.constant 8192 : i32
        %mul3A_750 = arith.muli %add3A_748, %mul3A_749 : i32
        %add3A_751 = arith.addi %mul3A_2, %mul3A_750 : i32
        %dma_start3A_752 = arith.constant 3 : i32
        %dma_start3A_753 = arith.constant 3 : i32
        %dma_start3A_754 = arith.constant 3 : i32
        %dma_start3A_755 = arith.constant 0 : i32
        %dma_start3A_756 = tpu.memref_slice %arg6[%dma_start3A_753, %dma_start3A_755] : memref<8x8192xf32, #tpu.memory_space<vmem>> -> memref<1x8192xf32, #tpu.memory_space<vmem>>
        %dma_start3A_757 = tpu.memref_squeeze %dma_start3A_756 : memref<1x8192xf32, #tpu.memory_space<vmem>> -> memref<8192xf32, #tpu.memory_space<vmem>>
        %dma_start3A_758 = tpu.memref_slice %arg2[%dma_start3A_752, %add3A_751] : memref<4x4194304xf32, #tpu.memory_space<hbm>> -> memref<1x8192xf32, #tpu.memory_space<hbm>>
        %dma_start3A_759 = tpu.memref_squeeze %dma_start3A_758 : memref<1x8192xf32, #tpu.memory_space<hbm>> -> memref<8192xf32, #tpu.memory_space<hbm>>
        %dma_start3A_760 = tpu.memref_slice %arg8[%dma_start3A_754] : memref<8x!tpu.dma_semaphore, #tpu.memory_space<semaphore_mem>> -> memref<1x!tpu.dma_semaphore, #tpu.memory_space<semaphore_mem>>
        %dma_start3A_761 = tpu.memref_squeeze %dma_start3A_760 : memref<1x!tpu.dma_semaphore, #tpu.memory_space<semaphore_mem>> -> memref<!tpu.dma_semaphore, #tpu.memory_space<semaphore_mem>>
        %dma_start3A_762 = arith.constant 0 : i32
        %dma_start3A_763 = tpu.memref_slice %arg6[%dma_start3A_753, %dma_start3A_762] : memref<8x8192xf32, #tpu.memory_space<vmem>> -> memref<1x8192xf32, #tpu.memory_space<vmem>>
        %dma_start3A_764 = tpu.memref_squeeze %dma_start3A_763 : memref<1x8192xf32, #tpu.memory_space<vmem>> -> memref<8192xf32, #tpu.memory_space<vmem>>
        %dma_start3A_765 = tpu.memref_slice %arg2[%dma_start3A_752, %add3A_751] : memref<4x4194304xf32, #tpu.memory_space<hbm>> -> memref<1x8192xf32, #tpu.memory_space<hbm>>
        %dma_start3A_766 = tpu.memref_squeeze %dma_start3A_765 : memref<1x8192xf32, #tpu.memory_space<hbm>> -> memref<8192xf32, #tpu.memory_space<hbm>>
        tpu.enqueue_dma source(%dma_start3A_766 : memref<8192xf32, #tpu.memory_space<hbm>>) target(%dma_start3A_764 : memref<8192xf32, #tpu.memory_space<vmem>>) target_semaphore(%dma_start3A_761 : memref<!tpu.dma_semaphore, #tpu.memory_space<semaphore_mem>>)
      } else {
      }
      %mul3A_687 = arith.constant 8192 : i32
      %mul3A_688 = arith.muli %add3A_524, %mul3A_687 : i32
      %add3A_689 = arith.addi %mul3A_2, %mul3A_688 : i32
      %dma_wait3A_690 = arith.constant 3 : i32
      %dma_wait3A_691 = arith.constant 7 : i32
      %dma_wait3A_692 = arith.constant 7 : i32
      %dma_wait3A_693 = arith.constant 0 : i32
      %dma_wait3A_694 = tpu.memref_slice %arg6[%dma_wait3A_691, %dma_wait3A_693] : memref<8x8192xf32, #tpu.memory_space<vmem>> -> memref<1x8192xf32, #tpu.memory_space<vmem>>
      %dma_wait3A_695 = tpu.memref_squeeze %dma_wait3A_694 : memref<1x8192xf32, #tpu.memory_space<vmem>> -> memref<8192xf32, #tpu.memory_space<vmem>>
      %dma_wait3A_696 = tpu.memref_slice %arg2[%dma_wait3A_690, %add3A_689] : memref<4x4194304xf32, #tpu.memory_space<hbm>> -> memref<1x8192xf32, #tpu.memory_space<hbm>>
      %dma_wait3A_697 = tpu.memref_squeeze %dma_wait3A_696 : memref<1x8192xf32, #tpu.memory_space<hbm>> -> memref<8192xf32, #tpu.memory_space<hbm>>
      %dma_wait3A_698 = tpu.memref_slice %arg8[%dma_wait3A_692] : memref<8x!tpu.dma_semaphore, #tpu.memory_space<semaphore_mem>> -> memref<1x!tpu.dma_semaphore, #tpu.memory_space<semaphore_mem>>
      %dma_wait3A_699 = tpu.memref_squeeze %dma_wait3A_698 : memref<1x!tpu.dma_semaphore, #tpu.memory_space<semaphore_mem>> -> memref<!tpu.dma_semaphore, #tpu.memory_space<semaphore_mem>>
      %dma_wait3A_700 = arith.constant 0 : i32
      %dma_wait3A_701 = tpu.memref_slice %arg6[%dma_wait3A_691, %dma_wait3A_700] : memref<8x8192xf32, #tpu.memory_space<vmem>> -> memref<1x8192xf32, #tpu.memory_space<vmem>>
      %dma_wait3A_702 = tpu.memref_squeeze %dma_wait3A_701 : memref<1x8192xf32, #tpu.memory_space<vmem>> -> memref<8192xf32, #tpu.memory_space<vmem>>
      %dma_wait3A_703 = tpu.memref_slice %arg2[%dma_wait3A_690, %add3A_689] : memref<4x4194304xf32, #tpu.memory_space<hbm>> -> memref<1x8192xf32, #tpu.memory_space<hbm>>
      %dma_wait3A_704 = tpu.memref_squeeze %dma_wait3A_703 : memref<1x8192xf32, #tpu.memory_space<hbm>> -> memref<8192xf32, #tpu.memory_space<hbm>>
      tpu.wait_dma2 semaphore(%dma_wait3A_699 : memref<!tpu.dma_semaphore, #tpu.memory_space<semaphore_mem>>) src(%dma_wait3A_704 : memref<8192xf32, #tpu.memory_space<hbm>>) dst(%dma_wait3A_702 : memref<8192xf32, #tpu.memory_space<vmem>>)
      %scan3A_705 = arith.constant 0 : i32
      %scan3A_706 = arith.constant 512 : i32
      %scan3A_707 = arith.addi %scan3A_705, %scan3A_706 : i32
      %scan3A_708 = arith.constant 8 : i32
      scf.for %scan3A_728 = %scan3A_705 to %scan3A_707 step %scan3A_708  : i32 {
        %mul3A_729 = arith.constant 16 : i32
        %mul3A_730 = arith.muli %scan3A_728, %mul3A_729 : i32
        %get3A = arith.constant 7 : i32
        %get3A_731 = arith.index_cast %get3A : i32 to index
        %get3A_732 = arith.index_cast %mul3A_730 : i32 to index
        %get3A_733 = tpu.vector_load %arg6[%get3A_731, %get3A_732] {strides = array<i32>} : memref<8x8192xf32, #tpu.memory_space<vmem>>, vector<1x16xf32>,
        %get3A_734 = vector.shape_cast %get3A_733 : vector<1x16xf32> to vector<16xf32>
        %get3A_735 = arith.constant 1 : i32
        %get3A_736 = arith.index_cast %get3A_735 : i32 to index
        %get3A_737 = arith.index_cast %mul3A_730 : i32 to index
        %get3A_738 = tpu.vector_load %arg5[%get3A_736, %get3A_737] {strides = array<i32>} : memref<2x8192xf32, #tpu.memory_space<vmem>>, vector<1x16xf32>,
        %get3A_739 = vector.shape_cast %get3A_738 : vector<1x16xf32> to vector<16xf32>
        %add3A_740 = arith.addf %get3A_734, %get3A_739 : vector<16xf32>
        %swap3A = arith.constant 7 : i32
        %swap3A_741 = arith.index_cast %swap3A : i32 to index
        %swap3A_742 = arith.index_cast %mul3A_730 : i32 to index
        %swap3A_743 = tpu.vector_load %arg6[%swap3A_741, %swap3A_742] {strides = array<i32>} : memref<8x8192xf32, #tpu.memory_space<vmem>>, vector<1x16xf32>,
        %swap3A_744 = vector.shape_cast %swap3A_743 : vector<1x16xf32> to vector<16xf32>
        %swap3A_745 = vector.shape_cast %add3A_740 : vector<16xf32> to vector<1x16xf32>
        tpu.vector_store %arg6[%swap3A_741, %swap3A_742], %swap3A_745 {strides = array<i32>} : memref<8x8192xf32, #tpu.memory_space<vmem>>, vector<1x16xf32>,
        %scan3A_746 = arith.constant 1 : i32
        %scan3A_747 = arith.addi %scan3A_728, %scan3A_746 : i32
        %mul3A_748 = arith.constant 16 : i32
        %mul3A_749 = arith.muli %scan3A_747, %mul3A_748 : i32
        %get3A_750 = arith.constant 7 : i32
        %get3A_751 = arith.index_cast %get3A_750 : i32 to index
        %get3A_752 = arith.index_cast %mul3A_749 : i32 to index
        %get3A_753 = tpu.vector_load %arg6[%get3A_751, %get3A_752] {strides = array<i32>} : memref<8x8192xf32, #tpu.memory_space<vmem>>, vector<1x16xf32>,
        %get3A_754 = vector.shape_cast %get3A_753 : vector<1x16xf32> to vector<16xf32>
        %get3A_755 = arith.constant 1 : i32
        %get3A_756 = arith.index_cast %get3A_755 : i32 to index
        %get3A_757 = arith.index_cast %mul3A_749 : i32 to index
        %get3A_758 = tpu.vector_load %arg5[%get3A_756, %get3A_757] {strides = array<i32>} : memref<2x8192xf32, #tpu.memory_space<vmem>>, vector<1x16xf32>,
        %get3A_759 = vector.shape_cast %get3A_758 : vector<1x16xf32> to vector<16xf32>
        %add3A_760 = arith.addf %get3A_754, %get3A_759 : vector<16xf32>
        %swap3A_761 = arith.constant 7 : i32
        %swap3A_762 = arith.index_cast %swap3A_761 : i32 to index
        %swap3A_763 = arith.index_cast %mul3A_749 : i32 to index
        %swap3A_764 = tpu.vector_load %arg6[%swap3A_762, %swap3A_763] {strides = array<i32>} : memref<8x8192xf32, #tpu.memory_space<vmem>>, vector<1x16xf32>,
        %swap3A_765 = vector.shape_cast %swap3A_764 : vector<1x16xf32> to vector<16xf32>
        %swap3A_766 = vector.shape_cast %add3A_760 : vector<16xf32> to vector<1x16xf32>
        tpu.vector_store %arg6[%swap3A_762, %swap3A_763], %swap3A_766 {strides = array<i32>} : memref<8x8192xf32, #tpu.memory_space<vmem>>, vector<1x16xf32>,
        %scan3A_767 = arith.constant 2 : i32
        %scan3A_768 = arith.addi %scan3A_728, %scan3A_767 : i32
        %mul3A_769 = arith.constant 16 : i32
        %mul3A_770 = arith.muli %scan3A_768, %mul3A_769 : i32
        %get3A_771 = arith.constant 7 : i32
        %get3A_772 = arith.index_cast %get3A_771 : i32 to index
        %get3A_773 = arith.index_cast %mul3A_770 : i32 to index
        %get3A_774 = tpu.vector_load %arg6[%get3A_772, %get3A_773] {strides = array<i32>} : memref<8x8192xf32, #tpu.memory_space<vmem>>, vector<1x16xf32>,
        %get3A_775 = vector.shape_cast %get3A_774 : vector<1x16xf32> to vector<16xf32>
        %get3A_776 = arith.constant 1 : i32
        %get3A_777 = arith.index_cast %get3A_776 : i32 to index
        %get3A_778 = arith.index_cast %mul3A_770 : i32 to index
        %get3A_779 = tpu.vector_load %arg5[%get3A_777, %get3A_778] {strides = array<i32>} : memref<2x8192xf32, #tpu.memory_space<vmem>>, vector<1x16xf32>,
        %get3A_780 = vector.shape_cast %get3A_779 : vector<1x16xf32> to vector<16xf32>
        %add3A_781 = arith.addf %get3A_775, %get3A_780 : vector<16xf32>
        %swap3A_782 = arith.constant 7 : i32
        %swap3A_783 = arith.index_cast %swap3A_782 : i32 to index
        %swap3A_784 = arith.index_cast %mul3A_770 : i32 to index
        %swap3A_785 = tpu.vector_load %arg6[%swap3A_783, %swap3A_784] {strides = array<i32>} : memref<8x8192xf32, #tpu.memory_space<vmem>>, vector<1x16xf32>,
        %swap3A_786 = vector.shape_cast %swap3A_785 : vector<1x16xf32> to vector<16xf32>
        %swap3A_787 = vector.shape_cast %add3A_781 : vector<16xf32> to vector<1x16xf32>
        tpu.vector_store %arg6[%swap3A_783, %swap3A_784], %swap3A_787 {strides = array<i32>} : memref<8x8192xf32, #tpu.memory_space<vmem>>, vector<1x16xf32>,
        %scan3A_788 = arith.constant 3 : i32
        %scan3A_789 = arith.addi %scan3A_728, %scan3A_788 : i32
        %mul3A_790 = arith.constant 16 : i32
        %mul3A_791 = arith.muli %scan3A_789, %mul3A_790 : i32
        %get3A_792 = arith.constant 7 : i32
        %get3A_793 = arith.index_cast %get3A_792 : i32 to index
        %get3A_794 = arith.index_cast %mul3A_791 : i32 to index
        %get3A_795 = tpu.vector_load %arg6[%get3A_793, %get3A_794] {strides = array<i32>} : memref<8x8192xf32, #tpu.memory_space<vmem>>, vector<1x16xf32>,
        %get3A_796 = vector.shape_cast %get3A_795 : vector<1x16xf32> to vector<16xf32>
        %get3A_797 = arith.constant 1 : i32
        %get3A_798 = arith.index_cast %get3A_797 : i32 to index
        %get3A_799 = arith.index_cast %mul3A_791 : i32 to index
        %get3A_800 = tpu.vector_load %arg5[%get3A_798, %get3A_799] {strides = array<i32>} : memref<2x8192xf32, #tpu.memory_space<vmem>>, vector<1x16xf32>,
        %get3A_801 = vector.shape_cast %get3A_800 : vector<1x16xf32> to vector<16xf32>
        %add3A_802 = arith.addf %get3A_796, %get3A_801 : vector<16xf32>
        %swap3A_803 = arith.constant 7 : i32
        %swap3A_804 = arith.index_cast %swap3A_803 : i32 to index
        %swap3A_805 = arith.index_cast %mul3A_791 : i32 to index
        %swap3A_806 = tpu.vector_load %arg6[%swap3A_804, %swap3A_805] {strides = array<i32>} : memref<8x8192xf32, #tpu.memory_space<vmem>>, vector<1x16xf32>,
        %swap3A_807 = vector.shape_cast %swap3A_806 : vector<1x16xf32> to vector<16xf32>
        %swap3A_808 = vector.shape_cast %add3A_802 : vector<16xf32> to vector<1x16xf32>
        tpu.vector_store %arg6[%swap3A_804, %swap3A_805], %swap3A_808 {strides = array<i32>} : memref<8x8192xf32, #tpu.memory_space<vmem>>, vector<1x16xf32>,
        %scan3A_809 = arith.constant 4 : i32
        %scan3A_810 = arith.addi %scan3A_728, %scan3A_809 : i32
        %mul3A_811 = arith.constant 16 : i32
        %mul3A_812 = arith.muli %scan3A_810, %mul3A_811 : i32
        %get3A_813 = arith.constant 7 : i32
        %get3A_814 = arith.index_cast %get3A_813 : i32 to index
        %get3A_815 = arith.index_cast %mul3A_812 : i32 to index
        %get3A_816 = tpu.vector_load %arg6[%get3A_814, %get3A_815] {strides = array<i32>} : memref<8x8192xf32, #tpu.memory_space<vmem>>, vector<1x16xf32>,
        %get3A_817 = vector.shape_cast %get3A_816 : vector<1x16xf32> to vector<16xf32>
        %get3A_818 = arith.constant 1 : i32
        %get3A_819 = arith.index_cast %get3A_818 : i32 to index
        %get3A_820 = arith.index_cast %mul3A_812 : i32 to index
        %get3A_821 = tpu.vector_load %arg5[%get3A_819, %get3A_820] {strides = array<i32>} : memref<2x8192xf32, #tpu.memory_space<vmem>>, vector<1x16xf32>,
        %get3A_822 = vector.shape_cast %get3A_821 : vector<1x16xf32> to vector<16xf32>
        %add3A_823 = arith.addf %get3A_817, %get3A_822 : vector<16xf32>
        %swap3A_824 = arith.constant 7 : i32
        %swap3A_825 = arith.index_cast %swap3A_824 : i32 to index
        %swap3A_826 = arith.index_cast %mul3A_812 : i32 to index
        %swap3A_827 = tpu.vector_load %arg6[%swap3A_825, %swap3A_826] {strides = array<i32>} : memref<8x8192xf32, #tpu.memory_space<vmem>>, vector<1x16xf32>,
        %swap3A_828 = vector.shape_cast %swap3A_827 : vector<1x16xf32> to vector<16xf32>
        %swap3A_829 = vector.shape_cast %add3A_823 : vector<16xf32> to vector<1x16xf32>
        tpu.vector_store %arg6[%swap3A_825, %swap3A_826], %swap3A_829 {strides = array<i32>} : memref<8x8192xf32, #tpu.memory_space<vmem>>, vector<1x16xf32>,
        %scan3A_830 = arith.constant 5 : i32
        %scan3A_831 = arith.addi %scan3A_728, %scan3A_830 : i32
        %mul3A_832 = arith.constant 16 : i32
        %mul3A_833 = arith.muli %scan3A_831, %mul3A_832 : i32
        %get3A_834 = arith.constant 7 : i32
        %get3A_835 = arith.index_cast %get3A_834 : i32 to index
        %get3A_836 = arith.index_cast %mul3A_833 : i32 to index
        %get3A_837 = tpu.vector_load %arg6[%get3A_835, %get3A_836] {strides = array<i32>} : memref<8x8192xf32, #tpu.memory_space<vmem>>, vector<1x16xf32>,
        %get3A_838 = vector.shape_cast %get3A_837 : vector<1x16xf32> to vector<16xf32>
        %get3A_839 = arith.constant 1 : i32
        %get3A_840 = arith.index_cast %get3A_839 : i32 to index
        %get3A_841 = arith.index_cast %mul3A_833 : i32 to index
        %get3A_842 = tpu.vector_load %arg5[%get3A_840, %get3A_841] {strides = array<i32>} : memref<2x8192xf32, #tpu.memory_space<vmem>>, vector<1x16xf32>,
        %get3A_843 = vector.shape_cast %get3A_842 : vector<1x16xf32> to vector<16xf32>
        %add3A_844 = arith.addf %get3A_838, %get3A_843 : vector<16xf32>
        %swap3A_845 = arith.constant 7 : i32
        %swap3A_846 = arith.index_cast %swap3A_845 : i32 to index
        %swap3A_847 = arith.index_cast %mul3A_833 : i32 to index
        %swap3A_848 = tpu.vector_load %arg6[%swap3A_846, %swap3A_847] {strides = array<i32>} : memref<8x8192xf32, #tpu.memory_space<vmem>>, vector<1x16xf32>,
        %swap3A_849 = vector.shape_cast %swap3A_848 : vector<1x16xf32> to vector<16xf32>
        %swap3A_850 = vector.shape_cast %add3A_844 : vector<16xf32> to vector<1x16xf32>
        tpu.vector_store %arg6[%swap3A_846, %swap3A_847], %swap3A_850 {strides = array<i32>} : memref<8x8192xf32, #tpu.memory_space<vmem>>, vector<1x16xf32>,
        %scan3A_851 = arith.constant 6 : i32
        %scan3A_852 = arith.addi %scan3A_728, %scan3A_851 : i32
        %mul3A_853 = arith.constant 16 : i32
        %mul3A_854 = arith.muli %scan3A_852, %mul3A_853 : i32
        %get3A_855 = arith.constant 7 : i32
        %get3A_856 = arith.index_cast %get3A_855 : i32 to index
        %get3A_857 = arith.index_cast %mul3A_854 : i32 to index
        %get3A_858 = tpu.vector_load %arg6[%get3A_856, %get3A_857] {strides = array<i32>} : memref<8x8192xf32, #tpu.memory_space<vmem>>, vector<1x16xf32>,
        %get3A_859 = vector.shape_cast %get3A_858 : vector<1x16xf32> to vector<16xf32>
        %get3A_860 = arith.constant 1 : i32
        %get3A_861 = arith.index_cast %get3A_860 : i32 to index
        %get3A_862 = arith.index_cast %mul3A_854 : i32 to index
        %get3A_863 = tpu.vector_load %arg5[%get3A_861, %get3A_862] {strides = array<i32>} : memref<2x8192xf32, #tpu.memory_space<vmem>>, vector<1x16xf32>,
        %get3A_864 = vector.shape_cast %get3A_863 : vector<1x16xf32> to vector<16xf32>
        %add3A_865 = arith.addf %get3A_859, %get3A_864 : vector<16xf32>
        %swap3A_866 = arith.constant 7 : i32
        %swap3A_867 = arith.index_cast %swap3A_866 : i32 to index
        %swap3A_868 = arith.index_cast %mul3A_854 : i32 to index
        %swap3A_869 = tpu.vector_load %arg6[%swap3A_867, %swap3A_868] {strides = array<i32>} : memref<8x8192xf32, #tpu.memory_space<vmem>>, vector<1x16xf32>,
        %swap3A_870 = vector.shape_cast %swap3A_869 : vector<1x16xf32> to vector<16xf32>
        %swap3A_871 = vector.shape_cast %add3A_865 : vector<16xf32> to vector<1x16xf32>
        tpu.vector_store %arg6[%swap3A_867, %swap3A_868], %swap3A_871 {strides = array<i32>} : memref<8x8192xf32, #tpu.memory_space<vmem>>, vector<1x16xf32>,
        %scan3A_872 = arith.constant 7 : i32
        %scan3A_873 = arith.addi %scan3A_728, %scan3A_872 : i32
        %mul3A_874 = arith.constant 16 : i32
        %mul3A_875 = arith.muli %scan3A_873, %mul3A_874 : i32
        %get3A_876 = arith.constant 7 : i32
        %get3A_877 = arith.index_cast %get3A_876 : i32 to index
        %get3A_878 = arith.index_cast %mul3A_875 : i32 to index
        %get3A_879 = tpu.vector_load %arg6[%get3A_877, %get3A_878] {strides = array<i32>} : memref<8x8192xf32, #tpu.memory_space<vmem>>, vector<1x16xf32>,
        %get3A_880 = vector.shape_cast %get3A_879 : vector<1x16xf32> to vector<16xf32>
        %get3A_881 = arith.constant 1 : i32
        %get3A_882 = arith.index_cast %get3A_881 : i32 to index
        %get3A_883 = arith.index_cast %mul3A_875 : i32 to index
        %get3A_884 = tpu.vector_load %arg5[%get3A_882, %get3A_883] {strides = array<i32>} : memref<2x8192xf32, #tpu.memory_space<vmem>>, vector<1x16xf32>,
        %get3A_885 = vector.shape_cast %get3A_884 : vector<1x16xf32> to vector<16xf32>
        %add3A_886 = arith.addf %get3A_880, %get3A_885 : vector<16xf32>
        %swap3A_887 = arith.constant 7 : i32
        %swap3A_888 = arith.index_cast %swap3A_887 : i32 to index
        %swap3A_889 = arith.index_cast %mul3A_875 : i32 to index
        %swap3A_890 = tpu.vector_load %arg6[%swap3A_888, %swap3A_889] {strides = array<i32>} : memref<8x8192xf32, #tpu.memory_space<vmem>>, vector<1x16xf32>,
        %swap3A_891 = vector.shape_cast %swap3A_890 : vector<1x16xf32> to vector<16xf32>
        %swap3A_892 = vector.shape_cast %add3A_886 : vector<16xf32> to vector<1x16xf32>
        tpu.vector_store %arg6[%swap3A_888, %swap3A_889], %swap3A_892 {strides = array<i32>} : memref<8x8192xf32, #tpu.memory_space<vmem>>, vector<1x16xf32>,
      }
      %scan3A_709 = arith.constant 512 : i32
      %mul3A_710 = arith.constant 8192 : i32
      %mul3A_711 = arith.muli %add3A_524, %mul3A_710 : i32
      %add3A_712 = arith.addi %mul3A_2, %mul3A_711 : i32
      %dma_start3A_713 = arith.constant 7 : i32
      %dma_start3A_714 = arith.constant 3 : i32
      %dma_start3A_715 = arith.constant 7 : i32
      %dma_start3A_716 = arith.constant 0 : i32
      %dma_start3A_717 = tpu.memref_slice %arg6[%dma_start3A_713, %dma_start3A_716] : memref<8x8192xf32, #tpu.memory_space<vmem>> -> memref<1x8192xf32, #tpu.memory_space<vmem>>
      %dma_start3A_718 = tpu.memref_squeeze %dma_start3A_717 : memref<1x8192xf32, #tpu.memory_space<vmem>> -> memref<8192xf32, #tpu.memory_space<vmem>>
      %dma_start3A_719 = tpu.memref_slice %arg4[%dma_start3A_714, %add3A_712] : memref<4x4194304xf32, #tpu.memory_space<hbm>> -> memref<1x8192xf32, #tpu.memory_space<hbm>>
      %dma_start3A_720 = tpu.memref_squeeze %dma_start3A_719 : memref<1x8192xf32, #tpu.memory_space<hbm>> -> memref<8192xf32, #tpu.memory_space<hbm>>
      %dma_start3A_721 = tpu.memref_slice %arg9[%dma_start3A_715] : memref<8x!tpu.dma_semaphore, #tpu.memory_space<semaphore_mem>> -> memref<1x!tpu.dma_semaphore, #tpu.memory_space<semaphore_mem>>
      %dma_start3A_722 = tpu.memref_squeeze %dma_start3A_721 : memref<1x!tpu.dma_semaphore, #tpu.memory_space<semaphore_mem>> -> memref<!tpu.dma_semaphore, #tpu.memory_space<semaphore_mem>>
      %dma_start3A_723 = tpu.memref_slice %arg4[%dma_start3A_714, %add3A_712] : memref<4x4194304xf32, #tpu.memory_space<hbm>> -> memref<1x8192xf32, #tpu.memory_space<hbm>>
      %dma_start3A_724 = tpu.memref_squeeze %dma_start3A_723 : memref<1x8192xf32, #tpu.memory_space<hbm>> -> memref<8192xf32, #tpu.memory_space<hbm>>
      %dma_start3A_725 = arith.constant 0 : i32
      %dma_start3A_726 = tpu.memref_slice %arg6[%dma_start3A_713, %dma_start3A_725] : memref<8x8192xf32, #tpu.memory_space<vmem>> -> memref<1x8192xf32, #tpu.memory_space<vmem>>
      %dma_start3A_727 = tpu.memref_squeeze %dma_start3A_726 : memref<1x8192xf32, #tpu.memory_space<vmem>> -> memref<8192xf32, #tpu.memory_space<vmem>>
      tpu.enqueue_dma source(%dma_start3A_727 : memref<8192xf32, #tpu.memory_space<vmem>>) target(%dma_start3A_724 : memref<8192xf32, #tpu.memory_space<hbm>>) target_semaphore(%dma_start3A_722 : memref<!tpu.dma_semaphore, #tpu.memory_space<semaphore_mem>>)
    }
    %scan3A_87 = arith.constant 8 : i32
    %add3A_88 = arith.constant 114688 : i32
    %add3A_89 = arith.addi %mul3A_2, %add3A_88 : i32
    %dma_wait3A = arith.constant 0 : i32
    %dma_wait3A_90 = arith.constant 0 : i32
    %dma_wait3A_91 = arith.constant 0 : i32
    %dma_wait3A_92 = arith.constant 0 : i32
    %dma_wait3A_93 = tpu.memref_slice %arg6[%dma_wait3A, %dma_wait3A_92] : memref<8x8192xf32, #tpu.memory_space<vmem>> -> memref<1x8192xf32, #tpu.memory_space<vmem>>
    %dma_wait3A_94 = tpu.memref_squeeze %dma_wait3A_93 : memref<1x8192xf32, #tpu.memory_space<vmem>> -> memref<8192xf32, #tpu.memory_space<vmem>>
    %dma_wait3A_95 = tpu.memref_slice %arg4[%dma_wait3A_90, %add3A_89] : memref<4x4194304xf32, #tpu.memory_space<hbm>> -> memref<1x8192xf32, #tpu.memory_space<hbm>>
    %dma_wait3A_96 = tpu.memref_squeeze %dma_wait3A_95 : memref<1x8192xf32, #tpu.memory_space<hbm>> -> memref<8192xf32, #tpu.memory_space<hbm>>
    %dma_wait3A_97 = tpu.memref_slice %arg9[%dma_wait3A_91] : memref<8x!tpu.dma_semaphore, #tpu.memory_space<semaphore_mem>> -> memref<1x!tpu.dma_semaphore, #tpu.memory_space<semaphore_mem>>
    %dma_wait3A_98 = tpu.memref_squeeze %dma_wait3A_97 : memref<1x!tpu.dma_semaphore, #tpu.memory_space<semaphore_mem>> -> memref<!tpu.dma_semaphore, #tpu.memory_space<semaphore_mem>>
    %dma_wait3A_99 = tpu.memref_slice %arg4[%dma_wait3A_90, %add3A_89] : memref<4x4194304xf32, #tpu.memory_space<hbm>> -> memref<1x8192xf32, #tpu.memory_space<hbm>>
    %dma_wait3A_100 = tpu.memref_squeeze %dma_wait3A_99 : memref<1x8192xf32, #tpu.memory_space<hbm>> -> memref<8192xf32, #tpu.memory_space<hbm>>
    %dma_wait3A_101 = arith.constant 0 : i32
    %dma_wait3A_102 = tpu.memref_slice %arg6[%dma_wait3A, %dma_wait3A_101] : memref<8x8192xf32, #tpu.memory_space<vmem>> -> memref<1x8192xf32, #tpu.memory_space<vmem>>
    %dma_wait3A_103 = tpu.memref_squeeze %dma_wait3A_102 : memref<1x8192xf32, #tpu.memory_space<vmem>> -> memref<8192xf32, #tpu.memory_space<vmem>>
    tpu.wait_dma2 semaphore(%dma_wait3A_98 : memref<!tpu.dma_semaphore, #tpu.memory_space<semaphore_mem>>) src(%dma_wait3A_103 : memref<8192xf32, #tpu.memory_space<vmem>>) dst(%dma_wait3A_100 : memref<8192xf32, #tpu.memory_space<hbm>>)
    %add3A_104 = arith.constant 114688 : i32
    %add3A_105 = arith.addi %mul3A_2, %add3A_104 : i32
    %dma_wait3A_106 = arith.constant 1 : i32
    %dma_wait3A_107 = arith.constant 1 : i32
    %dma_wait3A_108 = arith.constant 1 : i32
    %dma_wait3A_109 = arith.constant 0 : i32
    %dma_wait3A_110 = tpu.memref_slice %arg6[%dma_wait3A_106, %dma_wait3A_109] : memref<8x8192xf32, #tpu.memory_space<vmem>> -> memref<1x8192xf32, #tpu.memory_space<vmem>>
    %dma_wait3A_111 = tpu.memref_squeeze %dma_wait3A_110 : memref<1x8192xf32, #tpu.memory_space<vmem>> -> memref<8192xf32, #tpu.memory_space<vmem>>
    %dma_wait3A_112 = tpu.memref_slice %arg4[%dma_wait3A_107, %add3A_105] : memref<4x4194304xf32, #tpu.memory_space<hbm>> -> memref<1x8192xf32, #tpu.memory_space<hbm>>
    %dma_wait3A_113 = tpu.memref_squeeze %dma_wait3A_112 : memref<1x8192xf32, #tpu.memory_space<hbm>> -> memref<8192xf32, #tpu.memory_space<hbm>>
    %dma_wait3A_114 = tpu.memref_slice %arg9[%dma_wait3A_108] : memref<8x!tpu.dma_semaphore, #tpu.memory_space<semaphore_mem>> -> memref<1x!tpu.dma_semaphore, #tpu.memory_space<semaphore_mem>>
    %dma_wait3A_115 = tpu.memref_squeeze %dma_wait3A_114 : memref<1x!tpu.dma_semaphore, #tpu.memory_space<semaphore_mem>> -> memref<!tpu.dma_semaphore, #tpu.memory_space<semaphore_mem>>
    %dma_wait3A_116 = tpu.memref_slice %arg4[%dma_wait3A_107, %add3A_105] : memref<4x4194304xf32, #tpu.memory_space<hbm>> -> memref<1x8192xf32, #tpu.memory_space<hbm>>
    %dma_wait3A_117 = tpu.memref_squeeze %dma_wait3A_116 : memref<1x8192xf32, #tpu.memory_space<hbm>> -> memref<8192xf32, #tpu.memory_space<hbm>>
    %dma_wait3A_118 = arith.constant 0 : i32
    %dma_wait3A_119 = tpu.memref_slice %arg6[%dma_wait3A_106, %dma_wait3A_118] : memref<8x8192xf32, #tpu.memory_space<vmem>> -> memref<1x8192xf32, #tpu.memory_space<vmem>>
    %dma_wait3A_120 = tpu.memref_squeeze %dma_wait3A_119 : memref<1x8192xf32, #tpu.memory_space<vmem>> -> memref<8192xf32, #tpu.memory_space<vmem>>
    tpu.wait_dma2 semaphore(%dma_wait3A_115 : memref<!tpu.dma_semaphore, #tpu.memory_space<semaphore_mem>>) src(%dma_wait3A_120 : memref<8192xf32, #tpu.memory_space<vmem>>) dst(%dma_wait3A_117 : memref<8192xf32, #tpu.memory_space<hbm>>)
    %add3A_121 = arith.constant 114688 : i32
    %add3A_122 = arith.addi %mul3A_2, %add3A_121 : i32
    %dma_wait3A_123 = arith.constant 2 : i32
    %dma_wait3A_124 = arith.constant 2 : i32
    %dma_wait3A_125 = arith.constant 2 : i32
    %dma_wait3A_126 = arith.constant 0 : i32
    %dma_wait3A_127 = tpu.memref_slice %arg6[%dma_wait3A_123, %dma_wait3A_126] : memref<8x8192xf32, #tpu.memory_space<vmem>> -> memref<1x8192xf32, #tpu.memory_space<vmem>>
    %dma_wait3A_128 = tpu.memref_squeeze %dma_wait3A_127 : memref<1x8192xf32, #tpu.memory_space<vmem>> -> memref<8192xf32, #tpu.memory_space<vmem>>
    %dma_wait3A_129 = tpu.memref_slice %arg4[%dma_wait3A_124, %add3A_122] : memref<4x4194304xf32, #tpu.memory_space<hbm>> -> memref<1x8192xf32, #tpu.memory_space<hbm>>
    %dma_wait3A_130 = tpu.memref_squeeze %dma_wait3A_129 : memref<1x8192xf32, #tpu.memory_space<hbm>> -> memref<8192xf32, #tpu.memory_space<hbm>>
    %dma_wait3A_131 = tpu.memref_slice %arg9[%dma_wait3A_125] : memref<8x!tpu.dma_semaphore, #tpu.memory_space<semaphore_mem>> -> memref<1x!tpu.dma_semaphore, #tpu.memory_space<semaphore_mem>>
    %dma_wait3A_132 = tpu.memref_squeeze %dma_wait3A_131 : memref<1x!tpu.dma_semaphore, #tpu.memory_space<semaphore_mem>> -> memref<!tpu.dma_semaphore, #tpu.memory_space<semaphore_mem>>
    %dma_wait3A_133 = tpu.memref_slice %arg4[%dma_wait3A_124, %add3A_122] : memref<4x4194304xf32, #tpu.memory_space<hbm>> -> memref<1x8192xf32, #tpu.memory_space<hbm>>
    %dma_wait3A_134 = tpu.memref_squeeze %dma_wait3A_133 : memref<1x8192xf32, #tpu.memory_space<hbm>> -> memref<8192xf32, #tpu.memory_space<hbm>>
    %dma_wait3A_135 = arith.constant 0 : i32
    %dma_wait3A_136 = tpu.memref_slice %arg6[%dma_wait3A_123, %dma_wait3A_135] : memref<8x8192xf32, #tpu.memory_space<vmem>> -> memref<1x8192xf32, #tpu.memory_space<vmem>>
    %dma_wait3A_137 = tpu.memref_squeeze %dma_wait3A_136 : memref<1x8192xf32, #tpu.memory_space<vmem>> -> memref<8192xf32, #tpu.memory_space<vmem>>
    tpu.wait_dma2 semaphore(%dma_wait3A_132 : memref<!tpu.dma_semaphore, #tpu.memory_space<semaphore_mem>>) src(%dma_wait3A_137 : memref<8192xf32, #tpu.memory_space<vmem>>) dst(%dma_wait3A_134 : memref<8192xf32, #tpu.memory_space<hbm>>)
    %add3A_138 = arith.constant 114688 : i32
    %add3A_139 = arith.addi %mul3A_2, %add3A_138 : i32
    %dma_wait3A_140 = arith.constant 3 : i32
    %dma_wait3A_141 = arith.constant 3 : i32
    %dma_wait3A_142 = arith.constant 3 : i32
    %dma_wait3A_143 = arith.constant 0 : i32
    %dma_wait3A_144 = tpu.memref_slice %arg6[%dma_wait3A_140, %dma_wait3A_143] : memref<8x8192xf32, #tpu.memory_space<vmem>> -> memref<1x8192xf32, #tpu.memory_space<vmem>>
    %dma_wait3A_145 = tpu.memref_squeeze %dma_wait3A_144 : memref<1x8192xf32, #tpu.memory_space<vmem>> -> memref<8192xf32, #tpu.memory_space<vmem>>
    %dma_wait3A_146 = tpu.memref_slice %arg4[%dma_wait3A_141, %add3A_139] : memref<4x4194304xf32, #tpu.memory_space<hbm>> -> memref<1x8192xf32, #tpu.memory_space<hbm>>
    %dma_wait3A_147 = tpu.memref_squeeze %dma_wait3A_146 : memref<1x8192xf32, #tpu.memory_space<hbm>> -> memref<8192xf32, #tpu.memory_space<hbm>>
    %dma_wait3A_148 = tpu.memref_slice %arg9[%dma_wait3A_142] : memref<8x!tpu.dma_semaphore, #tpu.memory_space<semaphore_mem>> -> memref<1x!tpu.dma_semaphore, #tpu.memory_space<semaphore_mem>>
    %dma_wait3A_149 = tpu.memref_squeeze %dma_wait3A_148 : memref<1x!tpu.dma_semaphore, #tpu.memory_space<semaphore_mem>> -> memref<!tpu.dma_semaphore, #tpu.memory_space<semaphore_mem>>
    %dma_wait3A_150 = tpu.memref_slice %arg4[%dma_wait3A_141, %add3A_139] : memref<4x4194304xf32, #tpu.memory_space<hbm>> -> memref<1x8192xf32, #tpu.memory_space<hbm>>
    %dma_wait3A_151 = tpu.memref_squeeze %dma_wait3A_150 : memref<1x8192xf32, #tpu.memory_space<hbm>> -> memref<8192xf32, #tpu.memory_space<hbm>>
    %dma_wait3A_152 = arith.constant 0 : i32
    %dma_wait3A_153 = tpu.memref_slice %arg6[%dma_wait3A_140, %dma_wait3A_152] : memref<8x8192xf32, #tpu.memory_space<vmem>> -> memref<1x8192xf32, #tpu.memory_space<vmem>>
    %dma_wait3A_154 = tpu.memref_squeeze %dma_wait3A_153 : memref<1x8192xf32, #tpu.memory_space<vmem>> -> memref<8192xf32, #tpu.memory_space<vmem>>
    tpu.wait_dma2 semaphore(%dma_wait3A_149 : memref<!tpu.dma_semaphore, #tpu.memory_space<semaphore_mem>>) src(%dma_wait3A_154 : memref<8192xf32, #tpu.memory_space<vmem>>) dst(%dma_wait3A_151 : memref<8192xf32, #tpu.memory_space<hbm>>)
    %add3A_155 = arith.constant 122880 : i32
    %add3A_156 = arith.addi %mul3A_2, %add3A_155 : i32
    %dma_wait3A_157 = arith.constant 4 : i32
    %dma_wait3A_158 = arith.constant 0 : i32
    %dma_wait3A_159 = arith.constant 4 : i32
    %dma_wait3A_160 = arith.constant 0 : i32
    %dma_wait3A_161 = tpu.memref_slice %arg6[%dma_wait3A_157, %dma_wait3A_160] : memref<8x8192xf32, #tpu.memory_space<vmem>> -> memref<1x8192xf32, #tpu.memory_space<vmem>>
    %dma_wait3A_162 = tpu.memref_squeeze %dma_wait3A_161 : memref<1x8192xf32, #tpu.memory_space<vmem>> -> memref<8192xf32, #tpu.memory_space<vmem>>
    %dma_wait3A_163 = tpu.memref_slice %arg4[%dma_wait3A_158, %add3A_156] : memref<4x4194304xf32, #tpu.memory_space<hbm>> -> memref<1x8192xf32, #tpu.memory_space<hbm>>
    %dma_wait3A_164 = tpu.memref_squeeze %dma_wait3A_163 : memref<1x8192xf32, #tpu.memory_space<hbm>> -> memref<8192xf32, #tpu.memory_space<hbm>>
    %dma_wait3A_165 = tpu.memref_slice %arg9[%dma_wait3A_159] : memref<8x!tpu.dma_semaphore, #tpu.memory_space<semaphore_mem>> -> memref<1x!tpu.dma_semaphore, #tpu.memory_space<semaphore_mem>>
    %dma_wait3A_166 = tpu.memref_squeeze %dma_wait3A_165 : memref<1x!tpu.dma_semaphore, #tpu.memory_space<semaphore_mem>> -> memref<!tpu.dma_semaphore, #tpu.memory_space<semaphore_mem>>
    %dma_wait3A_167 = tpu.memref_slice %arg4[%dma_wait3A_158, %add3A_156] : memref<4x4194304xf32, #tpu.memory_space<hbm>> -> memref<1x8192xf32, #tpu.memory_space<hbm>>
    %dma_wait3A_168 = tpu.memref_squeeze %dma_wait3A_167 : memref<1x8192xf32, #tpu.memory_space<hbm>> -> memref<8192xf32, #tpu.memory_space<hbm>>
    %dma_wait3A_169 = arith.constant 0 : i32
    %dma_wait3A_170 = tpu.memref_slice %arg6[%dma_wait3A_157, %dma_wait3A_169] : memref<8x8192xf32, #tpu.memory_space<vmem>> -> memref<1x8192xf32, #tpu.memory_space<vmem>>
    %dma_wait3A_171 = tpu.memref_squeeze %dma_wait3A_170 : memref<1x8192xf32, #tpu.memory_space<vmem>> -> memref<8192xf32, #tpu.memory_space<vmem>>
    tpu.wait_dma2 semaphore(%dma_wait3A_166 : memref<!tpu.dma_semaphore, #tpu.memory_space<semaphore_mem>>) src(%dma_wait3A_171 : memref<8192xf32, #tpu.memory_space<vmem>>) dst(%dma_wait3A_168 : memref<8192xf32, #tpu.memory_space<hbm>>)
    %add3A_172 = arith.constant 122880 : i32
    %add3A_173 = arith.addi %mul3A_2, %add3A_172 : i32
    %dma_wait3A_174 = arith.constant 5 : i32
    %dma_wait3A_175 = arith.constant 1 : i32
    %dma_wait3A_176 = arith.constant 5 : i32
    %dma_wait3A_177 = arith.constant 0 : i32
    %dma_wait3A_178 = tpu.memref_slice %arg6[%dma_wait3A_174, %dma_wait3A_177] : memref<8x8192xf32, #tpu.memory_space<vmem>> -> memref<1x8192xf32, #tpu.memory_space<vmem>>
    %dma_wait3A_179 = tpu.memref_squeeze %dma_wait3A_178 : memref<1x8192xf32, #tpu.memory_space<vmem>> -> memref<8192xf32, #tpu.memory_space<vmem>>
    %dma_wait3A_180 = tpu.memref_slice %arg4[%dma_wait3A_175, %add3A_173] : memref<4x4194304xf32, #tpu.memory_space<hbm>> -> memref<1x8192xf32, #tpu.memory_space<hbm>>
    %dma_wait3A_181 = tpu.memref_squeeze %dma_wait3A_180 : memref<1x8192xf32, #tpu.memory_space<hbm>> -> memref<8192xf32, #tpu.memory_space<hbm>>
    %dma_wait3A_182 = tpu.memref_slice %arg9[%dma_wait3A_176] : memref<8x!tpu.dma_semaphore, #tpu.memory_space<semaphore_mem>> -> memref<1x!tpu.dma_semaphore, #tpu.memory_space<semaphore_mem>>
    %dma_wait3A_183 = tpu.memref_squeeze %dma_wait3A_182 : memref<1x!tpu.dma_semaphore, #tpu.memory_space<semaphore_mem>> -> memref<!tpu.dma_semaphore, #tpu.memory_space<semaphore_mem>>
    %dma_wait3A_184 = tpu.memref_slice %arg4[%dma_wait3A_175, %add3A_173] : memref<4x4194304xf32, #tpu.memory_space<hbm>> -> memref<1x8192xf32, #tpu.memory_space<hbm>>
    %dma_wait3A_185 = tpu.memref_squeeze %dma_wait3A_184 : memref<1x8192xf32, #tpu.memory_space<hbm>> -> memref<8192xf32, #tpu.memory_space<hbm>>
    %dma_wait3A_186 = arith.constant 0 : i32
    %dma_wait3A_187 = tpu.memref_slice %arg6[%dma_wait3A_174, %dma_wait3A_186] : memref<8x8192xf32, #tpu.memory_space<vmem>> -> memref<1x8192xf32, #tpu.memory_space<vmem>>
    %dma_wait3A_188 = tpu.memref_squeeze %dma_wait3A_187 : memref<1x8192xf32, #tpu.memory_space<vmem>> -> memref<8192xf32, #tpu.memory_space<vmem>>
    tpu.wait_dma2 semaphore(%dma_wait3A_183 : memref<!tpu.dma_semaphore, #tpu.memory_space<semaphore_mem>>) src(%dma_wait3A_188 : memref<8192xf32, #tpu.memory_space<vmem>>) dst(%dma_wait3A_185 : memref<8192xf32, #tpu.memory_space<hbm>>)
    %add3A_189 = arith.constant 122880 : i32
    %add3A_190 = arith.addi %mul3A_2, %add3A_189 : i32
    %dma_wait3A_191 = arith.constant 6 : i32
    %dma_wait3A_192 = arith.constant 2 : i32
    %dma_wait3A_193 = arith.constant 6 : i32
    %dma_wait3A_194 = arith.constant 0 : i32
    %dma_wait3A_195 = tpu.memref_slice %arg6[%dma_wait3A_191, %dma_wait3A_194] : memref<8x8192xf32, #tpu.memory_space<vmem>> -> memref<1x8192xf32, #tpu.memory_space<vmem>>
    %dma_wait3A_196 = tpu.memref_squeeze %dma_wait3A_195 : memref<1x8192xf32, #tpu.memory_space<vmem>> -> memref<8192xf32, #tpu.memory_space<vmem>>
    %dma_wait3A_197 = tpu.memref_slice %arg4[%dma_wait3A_192, %add3A_190] : memref<4x4194304xf32, #tpu.memory_space<hbm>> -> memref<1x8192xf32, #tpu.memory_space<hbm>>
    %dma_wait3A_198 = tpu.memref_squeeze %dma_wait3A_197 : memref<1x8192xf32, #tpu.memory_space<hbm>> -> memref<8192xf32, #tpu.memory_space<hbm>>
    %dma_wait3A_199 = tpu.memref_slice %arg9[%dma_wait3A_193] : memref<8x!tpu.dma_semaphore, #tpu.memory_space<semaphore_mem>> -> memref<1x!tpu.dma_semaphore, #tpu.memory_space<semaphore_mem>>
    %dma_wait3A_200 = tpu.memref_squeeze %dma_wait3A_199 : memref<1x!tpu.dma_semaphore, #tpu.memory_space<semaphore_mem>> -> memref<!tpu.dma_semaphore, #tpu.memory_space<semaphore_mem>>
    %dma_wait3A_201 = tpu.memref_slice %arg4[%dma_wait3A_192, %add3A_190] : memref<4x4194304xf32, #tpu.memory_space<hbm>> -> memref<1x8192xf32, #tpu.memory_space<hbm>>
    %dma_wait3A_202 = tpu.memref_squeeze %dma_wait3A_201 : memref<1x8192xf32, #tpu.memory_space<hbm>> -> memref<8192xf32, #tpu.memory_space<hbm>>
    %dma_wait3A_203 = arith.constant 0 : i32
    %dma_wait3A_204 = tpu.memref_slice %arg6[%dma_wait3A_191, %dma_wait3A_203] : memref<8x8192xf32, #tpu.memory_space<vmem>> -> memref<1x8192xf32, #tpu.memory_space<vmem>>
    %dma_wait3A_205 = tpu.memref_squeeze %dma_wait3A_204 : memref<1x8192xf32, #tpu.memory_space<vmem>> -> memref<8192xf32, #tpu.memory_space<vmem>>
    tpu.wait_dma2 semaphore(%dma_wait3A_200 : memref<!tpu.dma_semaphore, #tpu.memory_space<semaphore_mem>>) src(%dma_wait3A_205 : memref<8192xf32, #tpu.memory_space<vmem>>) dst(%dma_wait3A_202 : memref<8192xf32, #tpu.memory_space<hbm>>)
    %add3A_206 = arith.constant 122880 : i32
    %add3A_207 = arith.addi %mul3A_2, %add3A_206 : i32
    %dma_wait3A_208 = arith.constant 7 : i32
    %dma_wait3A_209 = arith.constant 3 : i32
    %dma_wait3A_210 = arith.constant 7 : i32
    %dma_wait3A_211 = arith.constant 0 : i32
    %dma_wait3A_212 = tpu.memref_slice %arg6[%dma_wait3A_208, %dma_wait3A_211] : memref<8x8192xf32, #tpu.memory_space<vmem>> -> memref<1x8192xf32, #tpu.memory_space<vmem>>
    %dma_wait3A_213 = tpu.memref_squeeze %dma_wait3A_212 : memref<1x8192xf32, #tpu.memory_space<vmem>> -> memref<8192xf32, #tpu.memory_space<vmem>>
    %dma_wait3A_214 = tpu.memref_slice %arg4[%dma_wait3A_209, %add3A_207] : memref<4x4194304xf32, #tpu.memory_space<hbm>> -> memref<1x8192xf32, #tpu.memory_space<hbm>>
    %dma_wait3A_215 = tpu.memref_squeeze %dma_wait3A_214 : memref<1x8192xf32, #tpu.memory_space<hbm>> -> memref<8192xf32, #tpu.memory_space<hbm>>
    %dma_wait3A_216 = tpu.memref_slice %arg9[%dma_wait3A_210] : memref<8x!tpu.dma_semaphore, #tpu.memory_space<semaphore_mem>> -> memref<1x!tpu.dma_semaphore, #tpu.memory_space<semaphore_mem>>
    %dma_wait3A_217 = tpu.memref_squeeze %dma_wait3A_216 : memref<1x!tpu.dma_semaphore, #tpu.memory_space<semaphore_mem>> -> memref<!tpu.dma_semaphore, #tpu.memory_space<semaphore_mem>>
    %dma_wait3A_218 = tpu.memref_slice %arg4[%dma_wait3A_209, %add3A_207] : memref<4x4194304xf32, #tpu.memory_space<hbm>> -> memref<1x8192xf32, #tpu.memory_space<hbm>>
    %dma_wait3A_219 = tpu.memref_squeeze %dma_wait3A_218 : memref<1x8192xf32, #tpu.memory_space<hbm>> -> memref<8192xf32, #tpu.memory_space<hbm>>
    %dma_wait3A_220 = arith.constant 0 : i32
    %dma_wait3A_221 = tpu.memref_slice %arg6[%dma_wait3A_208, %dma_wait3A_220] : memref<8x8192xf32, #tpu.memory_space<vmem>> -> memref<1x8192xf32, #tpu.memory_space<vmem>>
    %dma_wait3A_222 = tpu.memref_squeeze %dma_wait3A_221 : memref<1x8192xf32, #tpu.memory_space<vmem>> -> memref<8192xf32, #tpu.memory_space<vmem>>
    tpu.wait_dma2 semaphore(%dma_wait3A_217 : memref<!tpu.dma_semaphore, #tpu.memory_space<semaphore_mem>>) src(%dma_wait3A_222 : memref<8192xf32, #tpu.memory_space<vmem>>) dst(%dma_wait3A_219 : memref<8192xf32, #tpu.memory_space<hbm>>)
    return
  }
}

</mosaic_0001>

<sc_bundles>
// kernel: kernel.3.cloned.1.call-start
scs
__scs_entry_jumppad:
0x0: {  	(pc) =	sbr.rel $0x88, $3  }
0x1: {  	(tag) =	ssettag $0x0;
	lr =	simm.s32 $0x1  }
0x2: {  	[smem:$0x3F9F] =	sst lr;
	_ =	strace $0xD0000000  }
0x3: {  	_ = 	snop  }
0x4: {  	_ = 	snop  }
0x5: {  	_ = 	snop  }
0x6: {  	_ = 	snop  }
0x7: {  	_ = 	snop  }
__scs_overlays_trampoline_lowered:
0x8: {  	[smem:$0x3FAE] =	sst s0  }
0x9: {  	[smem:$0x3FAF] =	sst s1  }
0xa: {  	[smem:$0x3FB0] =	sst s2  }
0xb: {  	[smem:$0x3FB1] =	sst s3  }
0xc: {  	[smem:$0x3FB2] =	sst s4  }
0xd: {  	[smem:$0x3FB3] =	sst s5  }
0xe: {  	[smem:$0x3FB4] =	sst s6  }
0xf: {  	[smem:$0x3FB5] =	sst s7  }
0x10: {  	[smem:$0x3FB6] =	sst s8  }
0x11: {  	[smem:$0x3FB7] =	sst s9;
	s0 =	simm.s32 @!p0 $0x0  }
0x12: {  	s1 =	sld [smem:$0x3F9D];
	s0 =	simm.s32 @p0 $0x1  }
0x13: {  	[smem:$0x3FB8] =	sst s0;
	s0 =	simm.s32 @!p1 $0x0  }
0x14: {  	s2 =	sld [smem:$0x3F9C];
	s0 =	simm.s32 @p1 $0x1  }
0x15: {  	[smem:$0x3FB9] =	sst s0;
	s0 =	simm.s32 @!p2 $0x0  }
0x16: {  	s3 =	sld [smem:$0x3FDB];
	s0 =	simm.s32 @p2 $0x1  }
0x17: {  	s4 =	simm.s32 $0x1BF5;
	[smem:$0x3FBB] =	sst s0  }
0x18: {  	s0 =	sld [smem:$0x3F9E];
	_ =	swait.ge [sflag:s4], $0x0  }
0x19: {  	s7 =	sld [smem:$0x3F9F]  }
0x1a: {  	s8 =	sadd.s32 $0xFFFFE003, lr  }
0x1b: {  	s9 =	sadd.s32 $0xFFFFFEF7, lr;
	s5 =	simm.s32 $0xFFFFFFFF;
	p2 =	slt.u32 s8, $0xFFFFF086  }
0x1c: {  	p1 =	slt.u32 s9, $0xF7A;
	s5 =	simm.s32 @!p2 $0x0  }
0x1d: {  	s5 =	simm.s32 @p1 $0x1;
	p0 =	seq.s32 s7, s2  }
0x1e: {  	s7 =	smul.u32 @!p0 $0xF7A, s2;
	p2 =	seq.s32 @!p0 s5, $0x0  }
0x1f: {  	s9 =	smul.u32 $0xF7A, s1;
	s8 =	simm.s32 @!p0 $0x1BF5;
	p2 =	por !p2, p0  }
0x20: {  	[sflag:s8] =	ssyncset.s32 @!p0 $0xFFFFF086;
	s6 =	sadd.s32 @!p0 s3, s7;
	s7 =	simm.s32 @!p0 $0x108  }
0x21: {  	s3 =	sadd.s32 s3, s9;
	s6 =	sadd.s32 @!p0 $0x88, s6;
	s7 =	simm.s32 @p2 $0x1082  }
0x22: {  	[simem:s7], [sflag:s8] =	dma.local @!p0 [hbm:s6], $0xF7A  }
0x23: {  	s9 =	sor.u32 $0xD0000000, s2;
	s6 =	simm.s32 $0x108;
	_ =	swait.ge @!p0 [sflag:s8], $0x0  }
0x24: {  	s3 =	sadd.s32 $0x88, s3;
	s6 =	simm.s32 @!p1 $0x1082;
	[sflag:s4] =	ssyncset.s32 $0xFFFFF086  }
0x25: {  	[simem:s6], [sflag:s4] =	dma.local [hbm:s3], $0xF7A  }
0x26: {  	[smem:$0x3F9F] =	sst s1;
	(tag) =	ssettag s2;
	_ =	strace s9  }
0x27: {  	s1 =	sld [smem:$0x3FAF]  }
0x28: {  	s2 =	sld [smem:$0x3FB0]  }
0x29: {  	s4 =	sld [smem:$0x3FB2]  }
0x2a: {  	p0 =	seq.s32 s5, $0x0;
	s5 =	sld [smem:$0x3FB3]  }
0x2b: {  	s6 =	sld [smem:$0x3FB4]  }
0x2c: {  	s7 =	sld [smem:$0x3FB5]  }
0x2d: {  	s3 =	simm.s32 $0x108;
	s8 =	sld [smem:$0x3FB6]  }
0x2e: {  	s3 =	simm.s32 @!p0 $0x1082;
	s9 =	sld [smem:$0x3FB7]  }
0x2f: {  	lr =	sadd.s32 s0, s3;
	s0 =	sld [smem:$0x3FAE]  }
0x30: {  	s3 =	sld [smem:$0x3FB1]  }
0x31: {  	[smem:$0x3FBA] =	sst s10  }
0x32: {  	s10 =	sld [smem:$0x3FB8];
	_ =	sdelay $0x3  }
0x33: {  	p0 =	seq.s32 s10, $0x1;
	s10 =	sld [smem:$0x3FBA];
	_ =	sdelay $0x3  }
0x34: {  	[smem:$0x3FBA] =	sst s10  }
0x35: {  	s10 =	sld [smem:$0x3FB9];
	_ =	sdelay $0x3  }
0x36: {  	p1 =	seq.s32 s10, $0x1;
	s10 =	sld [smem:$0x3FBA];
	_ =	sdelay $0x3  }
0x37: {  	[smem:$0x3FBA] =	sst s10  }
0x38: {  	s10 =	sld [smem:$0x3FBB]  }
0x39: {  	_ = 	snop;
	(pc) =	sbr.ind lr, $3  }
0x3a: {  	_ = 	snop  }
0x3b: {  	_ = 	snop  }
0x3c: {  	p2 =	seq.s32 s10, $0x1;
	s10 =	sld [smem:$0x3FBA]  }
0x3d: {  	_ =	shalt  }
0x3e: {  	_ =	shalt  }
0x3f: {  	_ =	shalt  }
0x40: {  	_ =	shalt  }
0x41: {  	_ =	shalt  }
0x42: {  	_ =	shalt  }
0x43: {  	_ =	shalt  }
0x44: {  	_ =	shalt  }
0x45: {  	_ =	shalt  }
0x46: {  	_ =	shalt  }
0x47: {  	_ =	shalt  }
0x48: {  	_ =	shalt  }
0x49: {  	_ =	shalt  }
0x4a: {  	_ =	shalt  }
0x4b: {  	_ =	shalt  }
0x4c: {  	_ =	shalt  }
0x4d: {  	_ =	shalt  }
0x4e: {  	_ =	shalt  }
0x4f: {  	_ =	shalt  }
0x50: {  	_ =	shalt  }
0x51: {  	_ =	shalt  }
0x52: {  	_ =	shalt  }
0x53: {  	_ =	shalt  }
0x54: {  	_ =	shalt  }
0x55: {  	_ =	shalt  }
0x56: {  	_ =	shalt  }
0x57: {  	_ =	shalt  }
0x58: {  	_ =	shalt  }
0x59: {  	_ =	shalt  }
0x5a: {  	_ =	shalt  }
0x5b: {  	_ =	shalt  }
0x5c: {  	_ =	shalt  }
0x5d: {  	_ =	shalt  }
0x5e: {  	_ =	shalt  }
0x5f: {  	_ =	shalt  }
0x60: {  	_ =	shalt  }
0x61: {  	_ =	shalt  }
0x62: {  	_ =	shalt  }
0x63: {  	_ =	shalt  }
0x64: {  	_ =	shalt  }
0x65: {  	_ =	shalt  }
0x66: {  	_ =	shalt  }
0x67: {  	_ =	shalt  }
0x68: {  	_ =	shalt  }
0x69: {  	_ =	shalt  }
0x6a: {  	_ =	shalt  }
0x6b: {  	_ =	shalt  }
0x6c: {  	_ =	shalt  }
0x6d: {  	_ =	shalt  }
0x6e: {  	_ =	shalt  }
0x6f: {  	_ =	shalt  }
0x70: {  	_ =	shalt  }
0x71: {  	_ =	shalt  }
0x72: {  	_ =	shalt  }
0x73: {  	_ =	shalt  }
0x74: {  	_ =	shalt  }
0x75: {  	_ =	shalt  }
0x76: {  	_ =	shalt  }
0x77: {  	_ =	shalt  }
0x78: {  	_ =	shalt  }
0x79: {  	_ =	shalt  }
0x7a: {  	_ =	shalt  }
0x7b: {  	_ =	shalt  }
0x7c: {  	_ =	shalt  }
0x7d: {  	_ =	shalt  }
0x7e: {  	_ =	shalt  }
0x7f: {  	_ =	shalt  }
0x80: {  	_ =	shalt  }
0x81: {  	_ =	shalt  }
0x82: {  	_ =	shalt  }
0x83: {  	_ =	shalt  }
0x84: {  	_ =	shalt  }
0x85: {  	_ =	shalt  }
0x86: {  	_ =	shalt  }
0x87: {  	_ =	shalt  }
.Lfunc_end0:
.L_simem_size_0:
called_computation.3_lowered:
.L_overlay_start_0:
0x88: {  	s2 =	sld [smem:$0x3FD9]  }
0x89: {  	s3 =	sld [smem:$0x3FFE];
	_ =	sdelay $0x1  }
0x8a: {  	s1 =	srdreg.scid  }
0x8b: {  	s0 =	sand.u32 $0x1, s1  }
0x8c: {  	s17 =	sshll.u32 s0, $0xA;
	s2 =	sadd.s32 s3, s2  }
0x8d: {  	s2 =	sadd.s32 s2, s17  }
0x8e: {  	[smem:$0x3FC6] =	sst s2  }
0x8f: {  	_ = 	snop  }
0x90: {  	s2 =	sld [smem:$0x3FD0];
	(tm) =	ssettm $0x1  }
0x91: {  	s18 =	sld [smem:$0x3FFB];
	_ =	sdelay $0x3  }
0x92: {  	_ =	strace s18  }
0x93: {  	s3 =	sld [smem:$0x3FFC];
	_ =	sdelay $0x3  }
0x94: {  	_ =	strace s3  }
0x95: {  	s3 =	sld [smem:$0x3FFD];
	_ =	sdelay $0x3  }
0x96: {  	_ =	strace s3  }
0x97: {  	_ =	strace $0x8FFFFFFF  }
0x98: {  	s19 =	sld [smem:$0x3FDB];
	_ =	sdelay $0x1  }
0x99: {  	s4 =	simm.s32 $_scs_section_size  }
0x9a: {  	s5 =	simm.s32 $_size__tile_overlayer_lowered;
	s6 =	simm.s32 $_tile_overlayer_lowered  }
0x9b: {  	s22 =	simm.s32 $0x1BFF;
	s21 =	sshll.u32 s6, $0x1;
	s3 =	sadd.s32 s4, s19  }
0x9c: {  	s7 =	simm.s32 $0x0;
	s20 =	sshll.u32 s5, $0x1;
	s5 =	sadd.s32 s21, s3  }
0x9d: {  	[timem:s7], [sflag:s22] =	dma.local [hbm:s5], s20  }
0x9e: {  	_ =	swait.ge [sflag:s22], s20  }
0x9f: {  	s4 =	ssub.s32 $0x0, s20;
	[sflag:s22] =	ssyncset.done $0x0  }
0xa0: {  	[sflag:s22] =	ssyncadd.s32 s4;
	_ =	sdelay $0x1  }
0xa1: {  	s23 =	simm.s32 $0x1B8B  }
0xa2: {  	_ =	swait.ge [sflag:s23], $0x1  }
0xa3: {  	[sflag:s23] =	ssyncset.done $0x0  }
0xa4: {  	s25 =	simm.s32 $0x1B8E;
	s24 =	sld [smem:$0x3FFE];
	[sflag:s23] =	ssyncadd.s32 $0xFFFFFFFF  }
0xa5: {  	s26 =	simm.s32 $execute0_lowered;
	[smem:$0x3FD2] =	sst s25  }
0xa6: {  	s5 =	sshll.u32 s26, $0x1;
	_ =	strace $0x8000004C;
	[dreg:$0x1] =	wrdreg $0xFFFFFFFF  }
0xa7: {  	s28 =	simm.s32 $_size_execute0_lowered;
	s3 =	sadd.s32 s3, s5;
	[dreg:$0x0] =	wrdreg $0x0  }
0xa8: {  	s5 =	sshll.u32 s28, $0x1;
	[dreg:$0x2] =	wrdreg s3  }
0xa9: {  	[dreg:$0x3] =	wrdreg s5  }
0xaa: {  	[dreg:$0x4] =	wrdreg $0xC0  }
0xab: {  	_ =	task [dreg:s7], $0x5FFFF  }
0xac: {  	[dreg:$0x1] =	wrdreg $0xFFFFFFFF  }
0xad: {  	[dreg:$0x0] =	wrdreg $0x60  }
0xae: {  	[dreg:$0x2] =	wrdreg s2  }
0xaf: {  	[dreg:$0x3] =	wrdreg s24  }
0xb0: {  	[dreg:$0x4] =	wrdreg $0x9  }
0xb1: {  	_ =	task.clear_ibuf [dreg:s7], $0x5FFFF;
	_ =	strace $0x9000004C  }
0xb2: {  	s29 =	simm.s32 $0x9;
	_ =	strace $0x8000004E  }
0xb3: {  	_ =	swait.ge [sflag:s29], $0x1  }
0xb4: {  	[sflag:s29] =	ssyncadd.s32 $0xFFFFFFFF  }
0xb5: {  	_ =	strace $0x9000004E  }
0xb6: {  	_ =	sfence  }
0xb7: {  	s30 =	sld [smem:$0x0];
	_ =	sdelay $0x2  }
0xb8: {  	s31 =	sshll.u32 s1, $0xD;
	s1 =	sshrl.u32 s1, $0x2  }
0xb9: {  	s3 =	sand.u32 $0x4000, s31;
	s1 =	sadd.s32 s1, s30  }
0xba: {  	s0 =	sor.u32 s3, s0;
	s1 =	sshll.u32 s1, $0x11  }
0xbb: {  	s0 =	sor.u32 s1, s0  }
0xbc: {  	s0 =	sadd.s32 $0x8F2B, s0  }
0xbd: {  	[sflag:s0] =	ssyncadd.remote.s32 $0x1  }
0xbe: {  	_ =	sfence.sel $0xFFFF  }
0xbf: {  	[dreg:$0x0] =	wrdreg $0xFFFFFFFF;
	(pc) =	sbr.abs _section_cstart, $3  }
0xc0: {  	[dreg:$0x1] =	wrdreg $0xFFFFFFFF  }
0xc1: {  	_ =	task.clear_ibuf [dreg:s7], $0x2FFFF;
	_ =	strace $0x9FFFFFFF  }
0xc2: {  	(tm) =	ssettm $0x7FFFFFFF  }
0xc3: {  	_ =	shalt  }
tec
execute0_lowered:
.L_overlay_start_1:
0x0: {  	(tag) =	ssettag $0x1  }
0x1: {  	s1 =	rddreg [dreg:$0x0]  }
0x2: {  	s0 =	rddreg [dreg:$0x1]  }
0x3: {  	s3 =	simm.s32 $0x0;
	s2 =	srdreg.scid;
	s4 =	stileid.u32  }
0x4: {  	s28 =	simm.s32 $0x7;
	s29 =	simm.s32 $0x8;
	s30 =	simm.s32 $0x9  }
0x5: {  	s31 =	simm.s32 $0xA;
	[smem:$0x7FF] =	sst s3;
	s2 =	sand.u32 $0x1, s2  }
0x6: {  	s4 =	sshll.u32 s4, $0x12;
	s8 =	sadd.s32 $0x1000, s0;
	s9 =	sadd.s32 $0x10, s1  }
0x7: {  	s11 =	sadd.s32 $0x20, s1;
	_ =	strace $0x8000004D;
	[dreg:$0x3] =	wrdreg s9  }
0x8: {  	s20 =	sadd.s32 $0x30, s1;
	s22 =	sadd.s32 $0x101010, s0;
	[dreg:$0x4] =	wrdreg s11  }
0x9: {  	s23 =	sadd.s32 $0x101020, s0;
	s5 =	sshll.u32 s2, $0x11;
	[dreg:$0x5] =	wrdreg s20  }
0xa: {  	s2 =	ssub.s32 $0x2, s2;
	s21 =	smov.u32 s8;
	[dreg:$0x6] =	wrdreg s22  }
0xb: {  	[dreg:$0x7] =	wrdreg s23;
	s22 =	simm.s32 $0x3;
	s23 =	simm.s32 $0x4  }
0xc: {  	s4 =	sor.u32 s5, s4;
	s5 =	sadd.s32 $0x101000, s0;
	s6 =	sshrl.u32 s2, $0x1  }
0xd: {  	s0 =	sadd.s32 $0x101030, s0;
	s7 =	sshrl.u32 s4, $0x3;
	s2 =	ssub.s32 s2, s6  }
0xe: {  	s19 =	sshrl.u32 s4, $0x1;
	s24 =	sshll.u32 s4, $0x2;
	[dreg:$0x9] =	wrdreg s0  }
0xf: {  	s18 =	sor.u32 $0x4000, s4;
	s26 =	sor.u32 $0x2000, s4;
	s4 =	simm.s32 $0x0  }
0x10: {  	s6 =	sadd.s32 s8, s7;
	s7 =	sadd.s32 s1, s19;
	s10 =	sadd.s32 s19, s9  }
0x11: {  	s11 =	sadd.s32 s19, s11;
	s13 =	sadd.s32 s19, s20;
	[dreg:$0x8] =	wrdreg s24  }
0x12: {  	s25 =	smax.u32 s2, $0x1;
	[dreg:$0xb] =	wrdreg s26;
	s24 =	simm.s32 $0x5  }
0x13: {  	s26 =	simm.s32 $0x2;
	[dreg:$0xa] =	wrdreg s25;
	s25 =	simm.s32 $0x6  }
.LBB2_1:
0x14: {  	[dreg:$0xc] =	wrdreg s4;
	s0 =	simm.s32 $0x10  }
0x15: {  	s9 =	sadd.s32 $0x0, s6;
	s2 =	simm.s32 $0x100;
	s8 =	simm.s32 $0x0  }
.LBB2_2:
0x16: {  	[tilespmem:s8], [sflag:$0x1] =	stream.linear.gather [hbm4b:s9+s3], $0x80, $0x38;
	[tilespmem:$0x14000] =	vst v63  }
0x17: {  	s4 =	smov.u32 s0;
	s8 =	smov.u32 s2;
	p0 =	sne.s32 s0, $0x3F0  }
.Ltmp0:
0x18: {  	s0 =	sadd.s32 $0x10, s0;
	(pc) =	sbr.rel @p0 .LBB2_2-.Ltmp0, $2  }
0x19: {  	_ =	sdelay $0x2  }
0x1a: {  	s2 =	sadd.s32 $0x100, s2;
	s9 =	sadd.s32 s4, s6  }
0x1b: {  	[tilespmem:s8], [sflag:$0x1] =	stream.linear.gather [hbm4b:s9+s3], $0x80, $0x38;
	[tilespmem:$0x14000] =	vst v63  }
0x1c: {  	s0 =	simm.s32 $0x4000  }
0x1d: {  	s2 =	simm.s32 $0x40;
	s9 =	sadd.s32 $0x0, s7;
	s8 =	simm.s32 $0x4400  }
.LBB2_4:
0x1e: {  	[tilespmem:s0], [sflag:$0x3] =	stream.linear.gather [hbm4b:s9+s3], $0x80, $0x38;
	[tilespmem:$0x14000] =	vst v63  }
0x1f: {  	s4 =	smov.u32 s2;
	s0 =	smov.u32 s8;
	p0 =	sne.s32 s2, $0xFC0  }
.Ltmp1:
0x20: {  	s2 =	sadd.s32 $0x40, s2;
	(pc) =	sbr.rel @p0 .LBB2_4-.Ltmp1, $2  }
0x21: {  	_ =	sdelay $0x2  }
0x22: {  	s8 =	sadd.s32 $0x400, s8;
	s9 =	sadd.s32 s4, s7  }
0x23: {  	[tilespmem:s0], [sflag:$0x3] =	stream.linear.gather [hbm4b:s9+s3], $0x80, $0x38;
	[tilespmem:$0x14000] =	vst v63  }
0x24: {  	s0 =	simm.s32 $0x4080  }
0x25: {  	s2 =	simm.s32 $0x40;
	s9 =	sadd.s32 $0x0, s10;
	s8 =	simm.s32 $0x4480  }
.LBB2_6:
0x26: {  	[tilespmem:s0], [sflag:$0x4] =	stream.linear.gather [hbm4b:s9+s3], $0x80, $0x38;
	[tilespmem:$0x14000] =	vst v63  }
0x27: {  	s4 =	smov.u32 s2;
	s0 =	smov.u32 s8;
	p0 =	sne.s32 s2, $0xFC0  }
.Ltmp2:
0x28: {  	s2 =	sadd.s32 $0x40, s2;
	(pc) =	sbr.rel @p0 .LBB2_6-.Ltmp2, $2  }
0x29: {  	_ =	sdelay $0x2  }
0x2a: {  	s8 =	sadd.s32 $0x400, s8;
	s9 =	sadd.s32 s4, s10  }
0x2b: {  	[tilespmem:s0], [sflag:$0x4] =	stream.linear.gather [hbm4b:s9+s3], $0x80, $0x38;
	[tilespmem:$0x14000] =	vst v63  }
0x2c: {  	s0 =	simm.s32 $0x4100  }
0x2d: {  	s2 =	simm.s32 $0x40;
	s9 =	sadd.s32 $0x0, s11;
	s8 =	simm.s32 $0x4500  }
.LBB2_8:
0x2e: {  	[tilespmem:s0], [sflag:$0x5] =	stream.linear.gather [hbm4b:s9+s3], $0x80, $0x38;
	[tilespmem:$0x14000] =	vst v63  }
0x2f: {  	s4 =	smov.u32 s2;
	s0 =	smov.u32 s8;
	p0 =	sne.s32 s2, $0xFC0  }
.Ltmp3:
0x30: {  	s2 =	sadd.s32 $0x40, s2;
	(pc) =	sbr.rel @p0 .LBB2_8-.Ltmp3, $2  }
0x31: {  	_ =	sdelay $0x2  }
0x32: {  	s8 =	sadd.s32 $0x400, s8;
	s9 =	sadd.s32 s4, s11  }
0x33: {  	[tilespmem:s0], [sflag:$0x5] =	stream.linear.gather [hbm4b:s9+s3], $0x80, $0x38;
	[tilespmem:$0x14000] =	vst v63  }
0x34: {  	s9 =	simm.s32 $0x0;
	s0 =	simm.s32 $0x4180  }
0x35: {  	s2 =	simm.s32 $0x40;
	s12 =	sadd.s32 $0x0, s13;
	s8 =	simm.s32 $0x4580  }
.LBB2_10:
0x36: {  	[tilespmem:s0], [sflag:$0x6] =	stream.linear.gather [hbm4b:s12+s9], $0x80, $0x38;
	[tilespmem:$0x14000] =	vst v63  }
0x37: {  	s4 =	smov.u32 s2;
	s0 =	smov.u32 s8;
	p0 =	sne.s32 s2, $0xFC0  }
.Ltmp4:
0x38: {  	s2 =	sadd.s32 $0x40, s2;
	(pc) =	sbr.rel @p0 .LBB2_10-.Ltmp4, $2  }
0x39: {  	_ =	sdelay $0x2  }
0x3a: {  	s8 =	sadd.s32 $0x400, s8;
	s12 =	sadd.s32 s4, s13  }
0x3b: {  	[tilespmem:s0], [sflag:$0x6] =	stream.linear.gather [hbm4b:s12+s9], $0x80, $0x38;
	[tilespmem:$0x14000] =	vst v63  }
.LBB2_12:
0x3c: {  	s12 =	sshll.u32 s9, $0xE;
	s0 =	rddreg [dreg:$0xb]  }
0x3d: {  	s0 =	sor.u32 s0, s12  }
0x3e: {  	s2 =	sshrl.u32 s0, $0x3  }
0x3f: {  	s8 =	simm.s32 $0x80;
	s2 =	sadd.s32 s21, s2  }
0x40: {  	s14 =	simm.s32 $0x10;
	s15 =	simm.s32 $0x180;
	s16 =	sadd.s32 $0x0, s2  }
.LBB2_13:
0x41: {  	[tilespmem:s8], [sflag:$0x2] =	stream.linear.gather [hbm4b:s16+s3], $0x80, $0x38;
	[tilespmem:$0x14000] =	vst v63  }
0x42: {  	s4 =	smov.u32 s14;
	s8 =	smov.u32 s15;
	p0 =	sne.s32 s14, $0x3F0  }
.Ltmp5:
0x43: {  	s14 =	sadd.s32 $0x10, s14;
	(pc) =	sbr.rel @p0 .LBB2_13-.Ltmp5, $2  }
0x44: {  	_ =	sdelay $0x2  }
0x45: {  	s15 =	sadd.s32 $0x100, s15;
	s16 =	sadd.s32 s4, s2  }
0x46: {  	[tilespmem:s8], [sflag:$0x2] =	stream.linear.gather [hbm4b:s16+s3], $0x80, $0x38;
	[tilespmem:$0x14000] =	vst v63  }
0x47: {  	s2 =	simm.s32 $0x1  }
0x48: {  	_ =	swait.ge [sflag:s2], $0x2000  }
0x49: {  	p0 =	seq.s32 s9, $0x0;
	[sflag:s2] =	ssyncset.done $0x0  }
0x4a: {  	[sflag:s2] =	ssyncadd.s32 $0xFFFFE000;
	s2 =	simm.s32 @!p0 $0xF  }
0x4b: {  	s8 =	sshrl.u32 s0, $0x1;
	s14 =	simm.s32 $0x40;
	_ =	swait.ge @!p0 [sflag:s2], $0x2000  }
0x4c: {  	s15 =	simm.s32 $0x4600;
	s0 =	sadd.s32 s1, s8;
	[sflag:s2] =	ssyncset.done @!p0 $0x0  }
0x4d: {  	s16 =	sadd.s32 $0x0, s0;
	[sflag:s2] =	ssyncadd.s32 @!p0 $0xFFFFE000;
	s2 =	simm.s32 $0x4200  }
.LBB2_15:
0x4e: {  	[tilespmem:s2], [sflag:$0x7] =	stream.linear.gather [hbm4b:s16+s3], $0x80, $0x38;
	[tilespmem:$0x14000] =	vst v63  }
0x4f: {  	s4 =	smov.u32 s14;
	s2 =	smov.u32 s15;
	p1 =	sne.s32 s14, $0xFC0  }
.Ltmp6:
0x50: {  	s14 =	sadd.s32 $0x40, s14;
	(pc) =	sbr.rel @p1 .LBB2_15-.Ltmp6, $2  }
0x51: {  	_ =	sdelay $0x2  }
0x52: {  	s15 =	sadd.s32 $0x400, s15;
	s16 =	sadd.s32 s4, s0  }
0x53: {  	[tilespmem:s2], [sflag:$0x7] =	stream.linear.gather [hbm4b:s16+s3], $0x80, $0x38;
	[tilespmem:$0x14000] =	vst v63  }
0x54: {  	_ =	swait.ge [sflag:s22], $0x2000  }
0x55: {  	[sflag:s22] =	ssyncset.done $0x0  }
0x56: {  	s0 =	simm.s32 $0x4040;
	[sflag:s22] =	ssyncadd.s32 $0xFFFFE000  }
0x57: {  	s2 =	simm.s32 $0x40;
	v0 =	vld [tilespmem:s0+$0xFFFFFFC0]  }
0x58: {  	v1 =	vld [tilespmem:s2+$0xFFFFFFC0];
	_ =	sdelay $0x4  }
0x59: {  	v0 =	vadd.f32 v1, v0;
	_ =	sdelay $0x1  }
0x5a: {  	[tilespmem:s0+$0xFFFFFFC0] =	vst v0;
	v0 =	vld [tilespmem:s0+$0xFFFFFFD0]  }
0x5b: {  	v1 =	vld [tilespmem:s2+$0xFFFFFFD0];
	_ =	sdelay $0x4  }
0x5c: {  	v0 =	vadd.f32 v1, v0;
	_ =	sdelay $0x1  }
0x5d: {  	[tilespmem:s0+$0xFFFFFFD0] =	vst v0;
	v0 =	vld [tilespmem:s0+$0xFFFFFFE0]  }
0x5e: {  	v1 =	vld [tilespmem:s2+$0xFFFFFFE0];
	_ =	sdelay $0x4  }
0x5f: {  	v0 =	vadd.f32 v1, v0;
	_ =	sdelay $0x1  }
0x60: {  	[tilespmem:s0+$0xFFFFFFE0] =	vst v0;
	v0 =	vld [tilespmem:s0+$0xFFFFFFF0]  }
0x61: {  	v1 =	vld [tilespmem:s2+$0xFFFFFFF0];
	_ =	sdelay $0x4  }
0x62: {  	v0 =	vadd.f32 v1, v0;
	_ =	sdelay $0x1  }
0x63: {  	[tilespmem:s0+$0xFFFFFFF0] =	vst v0;
	v0 =	vld [tilespmem:s0+$0x0]  }
0x64: {  	v1 =	vld [tilespmem:s2+$0x0];
	_ =	sdelay $0x4  }
0x65: {  	v0 =	vadd.f32 v1, v0;
	_ =	sdelay $0x1  }
0x66: {  	[tilespmem:s0+$0x0] =	vst v0;
	v0 =	vld [tilespmem:s0+$0x10]  }
0x67: {  	v1 =	vld [tilespmem:s2+$0x10];
	_ =	sdelay $0x4  }
0x68: {  	v0 =	vadd.f32 v1, v0;
	_ =	sdelay $0x1  }
0x69: {  	[tilespmem:s0+$0x10] =	vst v0;
	v0 =	vld [tilespmem:s0+$0x20]  }
0x6a: {  	v1 =	vld [tilespmem:s2+$0x20];
	_ =	sdelay $0x4  }
0x6b: {  	v0 =	vadd.f32 v1, v0;
	_ =	sdelay $0x1  }
0x6c: {  	[tilespmem:s0+$0x20] =	vst v0;
	v0 =	vld [tilespmem:s0+$0x30]  }
0x6d: {  	v1 =	vld [tilespmem:s2+$0x30];
	_ =	sdelay $0x4  }
0x6e: {  	v0 =	vadd.f32 v1, v0  }
0x6f: {  	s14 =	simm.s32 $0x0;
	s15 =	simm.s32 $0x4440  }
.LBB2_17:
0x70: {  	v1 =	vld [tilespmem:s15+$0xFFFFFFC0];
	[tilespmem:s0+$0x30] =	vst v0;
	s2 =	sadd.s32 $0x100, s2;
	s0 =	smov.u32 s15  }
0x71: {  	s14 =	sadd.s32 $0x8, s14;
	v0 =	vld [tilespmem:s2+$0xFFFFFFC0]  }
0x72: {  	p1 =	slt.u32 s14, $0x1F8;
	_ =	sdelay $0x3  }
0x73: {  	v0 =	vadd.f32 v0, v1;
	_ =	sdelay $0x1  }
0x74: {  	[tilespmem:s15+$0xFFFFFFC0] =	vst v0;
	v0 =	vld [tilespmem:s15+$0xFFFFFFD0]  }
0x75: {  	v1 =	vld [tilespmem:s2+$0xFFFFFFD0];
	_ =	sdelay $0x4  }
0x76: {  	v0 =	vadd.f32 v1, v0;
	_ =	sdelay $0x1  }
0x77: {  	[tilespmem:s15+$0xFFFFFFD0] =	vst v0;
	v0 =	vld [tilespmem:s15+$0xFFFFFFE0]  }
0x78: {  	v1 =	vld [tilespmem:s2+$0xFFFFFFE0];
	_ =	sdelay $0x4  }
0x79: {  	v0 =	vadd.f32 v1, v0;
	_ =	sdelay $0x1  }
0x7a: {  	[tilespmem:s15+$0xFFFFFFE0] =	vst v0;
	v0 =	vld [tilespmem:s15+$0xFFFFFFF0]  }
0x7b: {  	v1 =	vld [tilespmem:s2+$0xFFFFFFF0];
	_ =	sdelay $0x4  }
0x7c: {  	v0 =	vadd.f32 v1, v0;
	_ =	sdelay $0x1  }
0x7d: {  	[tilespmem:s15+$0xFFFFFFF0] =	vst v0;
	v0 =	vld [tilespmem:s15+$0x0]  }
0x7e: {  	v1 =	vld [tilespmem:s2+$0x0];
	_ =	sdelay $0x4  }
0x7f: {  	v0 =	vadd.f32 v1, v0;
	_ =	sdelay $0x1  }
0x80: {  	[tilespmem:s15+$0x0] =	vst v0;
	v0 =	vld [tilespmem:s15+$0x10]  }
0x81: {  	v1 =	vld [tilespmem:s2+$0x10];
	_ =	sdelay $0x4  }
0x82: {  	v0 =	vadd.f32 v1, v0;
	_ =	sdelay $0x1  }
0x83: {  	[tilespmem:s15+$0x10] =	vst v0;
	v0 =	vld [tilespmem:s15+$0x20]  }
0x84: {  	v1 =	vld [tilespmem:s2+$0x20];
	_ =	sdelay $0x4  }
0x85: {  	v0 =	vadd.f32 v1, v0;
	_ =	sdelay $0x1  }
0x86: {  	[tilespmem:s15+$0x20] =	vst v0;
	v0 =	vld [tilespmem:s15+$0x30]  }
0x87: {  	v1 =	vld [tilespmem:s2+$0x30];
	_ =	sdelay $0x1  }
.Ltmp7:
0x88: {  	(pc) =	sbr.rel @p1 .LBB2_17-.Ltmp7, $3  }
0x89: {  	_ =	sdelay $0x1  }
0x8a: {  	v0 =	vadd.f32 v1, v0  }
0x8b: {  	s15 =	sadd.s32 $0x400, s15  }
0x8c: {  	s2 =	sshll.u32 s9, $0x10;
	s4 =	rddreg [dreg:$0x8]  }
0x8d: {  	s2 =	sadd.s32 s4, s2  }
0x8e: {  	s14 =	sshrl.u32 s2, $0x3  }
0x8f: {  	s15 =	simm.s32 $0x4000;
	s2 =	sadd.s32 s5, s14  }
0x90: {  	[tilespmem:s0+$0x30] =	vst v0;
	s0 =	simm.s32 $0x40;
	s16 =	simm.s32 $0x4400;
	s17 =	sadd.s32 $0x0, s2  }
.LBB2_19:
0x91: {  	[hbm4b:s17+s3] =	stream.linear.scatter [tilespmem:s15], [sflag:$0xB], $0x80, $0x38;
	[tilespmem:$0x14000] =	vst v63  }
0x92: {  	s4 =	smov.u32 s0;
	s15 =	smov.u32 s16;
	p1 =	sne.s32 s0, $0xFC0  }
.Ltmp8:
0x93: {  	s0 =	sadd.s32 $0x40, s0;
	(pc) =	sbr.rel @p1 .LBB2_19-.Ltmp8, $2  }
0x94: {  	_ =	sdelay $0x2  }
0x95: {  	s16 =	sadd.s32 $0x400, s16;
	s17 =	sadd.s32 s4, s2  }
0x96: {  	[hbm4b:s17+s3] =	stream.linear.scatter [tilespmem:s15], [sflag:$0xB], $0x80, $0x38;
	[tilespmem:$0x14000] =	vst v63  }
0x97: {  	s0 =	simm.s32 @!p0 $0x10  }
0x98: {  	_ =	swait.ge @!p0 [sflag:s0], $0x2000  }
0x99: {  	s19 =	sor.u32 $0x10, s8;
	[sflag:s0] =	ssyncset.done @!p0 $0x0  }
0x9a: {  	s2 =	simm.s32 $0x4280;
	[sflag:s0] =	ssyncadd.s32 @!p0 $0xFFFFE000;
	s0 =	sadd.s32 s1, s19  }
0x9b: {  	s15 =	simm.s32 $0x40;
	s16 =	simm.s32 $0x4680;
	s17 =	sadd.s32 $0x0, s0  }
.LBB2_21:
0x9c: {  	[tilespmem:s2], [sflag:$0x8] =	stream.linear.gather [hbm4b:s17+s3], $0x80, $0x38;
	[tilespmem:$0x14000] =	vst v63  }
0x9d: {  	s4 =	smov.u32 s15;
	s2 =	smov.u32 s16;
	p1 =	sne.s32 s15, $0xFC0  }
.Ltmp9:
0x9e: {  	s15 =	sadd.s32 $0x40, s15;
	(pc) =	sbr.rel @p1 .LBB2_21-.Ltmp9, $2  }
0x9f: {  	_ =	sdelay $0x2  }
0xa0: {  	s16 =	sadd.s32 $0x400, s16;
	s17 =	sadd.s32 s4, s0  }
0xa1: {  	[tilespmem:s2], [sflag:$0x8] =	stream.linear.gather [hbm4b:s17+s3], $0x80, $0x38;
	[tilespmem:$0x14000] =	vst v63  }
0xa2: {  	_ =	swait.ge [sflag:s23], $0x2000  }
0xa3: {  	[sflag:s23] =	ssyncset.done $0x0  }
0xa4: {  	s0 =	simm.s32 $0x40F0;
	[sflag:s23] =	ssyncadd.s32 $0xFFFFE000  }
0xa5: {  	s2 =	simm.s32 $0x40;
	v0 =	vld [tilespmem:s0+$0xFFFFFF90]  }
0xa6: {  	v1 =	vld [tilespmem:s2+$0xFFFFFFC0];
	_ =	sdelay $0x4  }
0xa7: {  	v0 =	vadd.f32 v1, v0;
	_ =	sdelay $0x1  }
0xa8: {  	[tilespmem:s0+$0xFFFFFF90] =	vst v0;
	v0 =	vld [tilespmem:s0+$0xFFFFFFA0]  }
0xa9: {  	v1 =	vld [tilespmem:s2+$0xFFFFFFD0];
	_ =	sdelay $0x4  }
0xaa: {  	v0 =	vadd.f32 v1, v0;
	_ =	sdelay $0x1  }
0xab: {  	[tilespmem:s0+$0xFFFFFFA0] =	vst v0;
	v0 =	vld [tilespmem:s0+$0xFFFFFFB0]  }
0xac: {  	v1 =	vld [tilespmem:s2+$0xFFFFFFE0];
	_ =	sdelay $0x4  }
0xad: {  	v0 =	vadd.f32 v1, v0;
	_ =	sdelay $0x1  }
0xae: {  	[tilespmem:s0+$0xFFFFFFB0] =	vst v0;
	v0 =	vld [tilespmem:s0+$0xFFFFFFC0]  }
0xaf: {  	v1 =	vld [tilespmem:s2+$0xFFFFFFF0];
	_ =	sdelay $0x4  }
0xb0: {  	v0 =	vadd.f32 v1, v0;
	_ =	sdelay $0x1  }
0xb1: {  	[tilespmem:s0+$0xFFFFFFC0] =	vst v0;
	v0 =	vld [tilespmem:s0+$0xFFFFFFD0]  }
0xb2: {  	v1 =	vld [tilespmem:s2+$0x0];
	_ =	sdelay $0x4  }
0xb3: {  	v0 =	vadd.f32 v1, v0;
	_ =	sdelay $0x1  }
0xb4: {  	[tilespmem:s0+$0xFFFFFFD0] =	vst v0;
	v0 =	vld [tilespmem:s0+$0xFFFFFFE0]  }
0xb5: {  	v1 =	vld [tilespmem:s2+$0x10];
	_ =	sdelay $0x4  }
0xb6: {  	v0 =	vadd.f32 v1, v0;
	_ =	sdelay $0x1  }
0xb7: {  	[tilespmem:s0+$0xFFFFFFE0] =	vst v0;
	v0 =	vld [tilespmem:s0+$0xFFFFFFF0]  }
0xb8: {  	v1 =	vld [tilespmem:s2+$0x20];
	_ =	sdelay $0x4  }
0xb9: {  	v0 =	vadd.f32 v1, v0;
	_ =	sdelay $0x1  }
0xba: {  	[tilespmem:s0+$0xFFFFFFF0] =	vst v0;
	v0 =	vld [tilespmem:s0+$0x0]  }
0xbb: {  	v1 =	vld [tilespmem:s2+$0x30];
	_ =	sdelay $0x4  }
0xbc: {  	v0 =	vadd.f32 v1, v0  }
0xbd: {  	s15 =	simm.s32 $0x0;
	s16 =	simm.s32 $0x44F0  }
.LBB2_23:
0xbe: {  	v1 =	vld [tilespmem:s16+$0xFFFFFF90];
	[tilespmem:s0+$0x0] =	vst v0;
	s2 =	sadd.s32 $0x100, s2;
	s0 =	smov.u32 s16  }
0xbf: {  	s15 =	sadd.s32 $0x8, s15;
	v0 =	vld [tilespmem:s2+$0xFFFFFFC0]  }
0xc0: {  	p1 =	slt.u32 s15, $0x1F8;
	_ =	sdelay $0x3  }
0xc1: {  	v0 =	vadd.f32 v0, v1;
	_ =	sdelay $0x1  }
0xc2: {  	[tilespmem:s16+$0xFFFFFF90] =	vst v0;
	v0 =	vld [tilespmem:s16+$0xFFFFFFA0]  }
0xc3: {  	v1 =	vld [tilespmem:s2+$0xFFFFFFD0];
	_ =	sdelay $0x4  }
0xc4: {  	v0 =	vadd.f32 v1, v0;
	_ =	sdelay $0x1  }
0xc5: {  	[tilespmem:s16+$0xFFFFFFA0] =	vst v0;
	v0 =	vld [tilespmem:s16+$0xFFFFFFB0]  }
0xc6: {  	v1 =	vld [tilespmem:s2+$0xFFFFFFE0];
	_ =	sdelay $0x4  }
0xc7: {  	v0 =	vadd.f32 v1, v0;
	_ =	sdelay $0x1  }
0xc8: {  	[tilespmem:s16+$0xFFFFFFB0] =	vst v0;
	v0 =	vld [tilespmem:s16+$0xFFFFFFC0]  }
0xc9: {  	v1 =	vld [tilespmem:s2+$0xFFFFFFF0];
	_ =	sdelay $0x4  }
0xca: {  	v0 =	vadd.f32 v1, v0;
	_ =	sdelay $0x1  }
0xcb: {  	[tilespmem:s16+$0xFFFFFFC0] =	vst v0;
	v0 =	vld [tilespmem:s16+$0xFFFFFFD0]  }
0xcc: {  	v1 =	vld [tilespmem:s2+$0x0];
	_ =	sdelay $0x4  }
0xcd: {  	v0 =	vadd.f32 v1, v0;
	_ =	sdelay $0x1  }
0xce: {  	[tilespmem:s16+$0xFFFFFFD0] =	vst v0;
	v0 =	vld [tilespmem:s16+$0xFFFFFFE0]  }
0xcf: {  	v1 =	vld [tilespmem:s2+$0x10];
	_ =	sdelay $0x4  }
0xd0: {  	v0 =	vadd.f32 v1, v0;
	_ =	sdelay $0x1  }
0xd1: {  	[tilespmem:s16+$0xFFFFFFE0] =	vst v0;
	v0 =	vld [tilespmem:s16+$0xFFFFFFF0]  }
0xd2: {  	v1 =	vld [tilespmem:s2+$0x20];
	_ =	sdelay $0x4  }
0xd3: {  	v0 =	vadd.f32 v1, v0;
	_ =	sdelay $0x1  }
0xd4: {  	[tilespmem:s16+$0xFFFFFFF0] =	vst v0;
	v0 =	vld [tilespmem:s16+$0x0]  }
0xd5: {  	v1 =	vld [tilespmem:s2+$0x30];
	_ =	sdelay $0x1  }
.Ltmp10:
0xd6: {  	(pc) =	sbr.rel @p1 .LBB2_23-.Ltmp10, $3  }
0xd7: {  	_ =	sdelay $0x1  }
0xd8: {  	v0 =	vadd.f32 v1, v0  }
0xd9: {  	s16 =	sadd.s32 $0x400, s16  }
0xda: {  	s2 =	rddreg [dreg:$0x6]  }
0xdb: {  	s15 =	simm.s32 $0x4080;
	s2 =	sadd.s32 s14, s2  }
0xdc: {  	[tilespmem:s0+$0x0] =	vst v0;
	s0 =	simm.s32 $0x40;
	s16 =	simm.s32 $0x4480;
	s17 =	sadd.s32 $0x0, s2  }
.LBB2_25:
0xdd: {  	[hbm4b:s17+s3] =	stream.linear.scatter [tilespmem:s15], [sflag:$0xC], $0x80, $0x38;
	[tilespmem:$0x14000] =	vst v63  }
0xde: {  	s4 =	smov.u32 s0;
	s15 =	smov.u32 s16;
	p1 =	sne.s32 s0, $0xFC0  }
.Ltmp11:
0xdf: {  	s0 =	sadd.s32 $0x40, s0;
	(pc) =	sbr.rel @p1 .LBB2_25-.Ltmp11, $2  }
0xe0: {  	_ =	sdelay $0x2  }
0xe1: {  	s16 =	sadd.s32 $0x400, s16;
	s17 =	sadd.s32 s4, s2  }
0xe2: {  	[hbm4b:s17+s3] =	stream.linear.scatter [tilespmem:s15], [sflag:$0xC], $0x80, $0x38;
	[tilespmem:$0x14000] =	vst v63  }
0xe3: {  	s0 =	simm.s32 @!p0 $0x11  }
0xe4: {  	_ =	swait.ge @!p0 [sflag:s0], $0x2000  }
0xe5: {  	s2 =	sor.u32 $0x20, s8;
	[sflag:s0] =	ssyncset.done @!p0 $0x0  }
0xe6: {  	s15 =	simm.s32 $0x4300;
	[sflag:s0] =	ssyncadd.s32 @!p0 $0xFFFFE000;
	s0 =	sadd.s32 s1, s2  }
0xe7: {  	s16 =	simm.s32 $0x40;
	s17 =	simm.s32 $0x4700;
	s20 =	sadd.s32 $0x0, s0  }
.LBB2_27:
0xe8: {  	[tilespmem:s15], [sflag:$0x9] =	stream.linear.gather [hbm4b:s20+s3], $0x80, $0x38;
	[tilespmem:$0x14000] =	vst v63  }
0xe9: {  	s4 =	smov.u32 s16;
	s15 =	smov.u32 s17;
	p1 =	sne.s32 s16, $0xFC0  }
.Ltmp12:
0xea: {  	s16 =	sadd.s32 $0x40, s16;
	(pc) =	sbr.rel @p1 .LBB2_27-.Ltmp12, $2  }
0xeb: {  	_ =	sdelay $0x2  }
0xec: {  	s17 =	sadd.s32 $0x400, s17;
	s20 =	sadd.s32 s4, s0  }
0xed: {  	[tilespmem:s15], [sflag:$0x9] =	stream.linear.gather [hbm4b:s20+s3], $0x80, $0x38;
	[tilespmem:$0x14000] =	vst v63  }
0xee: {  	_ =	swait.ge [sflag:s24], $0x2000  }
0xef: {  	[sflag:s24] =	ssyncset.done $0x0  }
0xf0: {  	s0 =	simm.s32 $0x4170;
	[sflag:s24] =	ssyncadd.s32 $0xFFFFE000  }
0xf1: {  	s15 =	simm.s32 $0x40;
	v0 =	vld [tilespmem:s0+$0xFFFFFF90]  }
0xf2: {  	v1 =	vld [tilespmem:s15+$0xFFFFFFC0];
	_ =	sdelay $0x4  }
0xf3: {  	v0 =	vadd.f32 v1, v0;
	_ =	sdelay $0x1  }
0xf4: {  	[tilespmem:s0+$0xFFFFFF90] =	vst v0;
	v0 =	vld [tilespmem:s0+$0xFFFFFFA0]  }
0xf5: {  	v1 =	vld [tilespmem:s15+$0xFFFFFFD0];
	_ =	sdelay $0x4  }
0xf6: {  	v0 =	vadd.f32 v1, v0;
	_ =	sdelay $0x1  }
0xf7: {  	[tilespmem:s0+$0xFFFFFFA0] =	vst v0;
	v0 =	vld [tilespmem:s0+$0xFFFFFFB0]  }
0xf8: {  	v1 =	vld [tilespmem:s15+$0xFFFFFFE0];
	_ =	sdelay $0x4  }
0xf9: {  	v0 =	vadd.f32 v1, v0;
	_ =	sdelay $0x1  }
0xfa: {  	[tilespmem:s0+$0xFFFFFFB0] =	vst v0;
	v0 =	vld [tilespmem:s0+$0xFFFFFFC0]  }
0xfb: {  	v1 =	vld [tilespmem:s15+$0xFFFFFFF0];
	_ =	sdelay $0x4  }
0xfc: {  	v0 =	vadd.f32 v1, v0;
	_ =	sdelay $0x1  }
0xfd: {  	[tilespmem:s0+$0xFFFFFFC0] =	vst v0;
	v0 =	vld [tilespmem:s0+$0xFFFFFFD0]  }
0xfe: {  	v1 =	vld [tilespmem:s15+$0x0];
	_ =	sdelay $0x4  }
0xff: {  	v0 =	vadd.f32 v1, v0;
	_ =	sdelay $0x1  }
0x100: {  	[tilespmem:s0+$0xFFFFFFD0] =	vst v0;
	v0 =	vld [tilespmem:s0+$0xFFFFFFE0]  }
0x101: {  	v1 =	vld [tilespmem:s15+$0x10];
	_ =	sdelay $0x4  }
0x102: {  	v0 =	vadd.f32 v1, v0;
	_ =	sdelay $0x1  }
0x103: {  	[tilespmem:s0+$0xFFFFFFE0] =	vst v0;
	v0 =	vld [tilespmem:s0+$0xFFFFFFF0]  }
0x104: {  	v1 =	vld [tilespmem:s15+$0x20];
	_ =	sdelay $0x4  }
0x105: {  	v0 =	vadd.f32 v1, v0;
	_ =	sdelay $0x1  }
0x106: {  	[tilespmem:s0+$0xFFFFFFF0] =	vst v0;
	v0 =	vld [tilespmem:s0+$0x0]  }
0x107: {  	v1 =	vld [tilespmem:s15+$0x30];
	_ =	sdelay $0x4  }
0x108: {  	v0 =	vadd.f32 v1, v0  }
0x109: {  	s16 =	simm.s32 $0x0;
	s17 =	simm.s32 $0x4570  }
.LBB2_29:
0x10a: {  	v1 =	vld [tilespmem:s17+$0xFFFFFF90];
	[tilespmem:s0+$0x0] =	vst v0;
	s15 =	sadd.s32 $0x100, s15;
	s0 =	smov.u32 s17  }
0x10b: {  	s16 =	sadd.s32 $0x8, s16;
	v0 =	vld [tilespmem:s15+$0xFFFFFFC0]  }
0x10c: {  	p1 =	slt.u32 s16, $0x1F8;
	_ =	sdelay $0x3  }
0x10d: {  	v0 =	vadd.f32 v0, v1;
	_ =	sdelay $0x1  }
0x10e: {  	[tilespmem:s17+$0xFFFFFF90] =	vst v0;
	v0 =	vld [tilespmem:s17+$0xFFFFFFA0]  }
0x10f: {  	v1 =	vld [tilespmem:s15+$0xFFFFFFD0];
	_ =	sdelay $0x4  }
0x110: {  	v0 =	vadd.f32 v1, v0;
	_ =	sdelay $0x1  }
0x111: {  	[tilespmem:s17+$0xFFFFFFA0] =	vst v0;
	v0 =	vld [tilespmem:s17+$0xFFFFFFB0]  }
0x112: {  	v1 =	vld [tilespmem:s15+$0xFFFFFFE0];
	_ =	sdelay $0x4  }
0x113: {  	v0 =	vadd.f32 v1, v0;
	_ =	sdelay $0x1  }
0x114: {  	[tilespmem:s17+$0xFFFFFFB0] =	vst v0;
	v0 =	vld [tilespmem:s17+$0xFFFFFFC0]  }
0x115: {  	v1 =	vld [tilespmem:s15+$0xFFFFFFF0];
	_ =	sdelay $0x4  }
0x116: {  	v0 =	vadd.f32 v1, v0;
	_ =	sdelay $0x1  }
0x117: {  	[tilespmem:s17+$0xFFFFFFC0] =	vst v0;
	v0 =	vld [tilespmem:s17+$0xFFFFFFD0]  }
0x118: {  	v1 =	vld [tilespmem:s15+$0x0];
	_ =	sdelay $0x4  }
0x119: {  	v0 =	vadd.f32 v1, v0;
	_ =	sdelay $0x1  }
0x11a: {  	[tilespmem:s17+$0xFFFFFFD0] =	vst v0;
	v0 =	vld [tilespmem:s17+$0xFFFFFFE0]  }
0x11b: {  	v1 =	vld [tilespmem:s15+$0x10];
	_ =	sdelay $0x4  }
0x11c: {  	v0 =	vadd.f32 v1, v0;
	_ =	sdelay $0x1  }
0x11d: {  	[tilespmem:s17+$0xFFFFFFE0] =	vst v0;
	v0 =	vld [tilespmem:s17+$0xFFFFFFF0]  }
0x11e: {  	v1 =	vld [tilespmem:s15+$0x20];
	_ =	sdelay $0x4  }
0x11f: {  	v0 =	vadd.f32 v1, v0;
	_ =	sdelay $0x1  }
0x120: {  	[tilespmem:s17+$0xFFFFFFF0] =	vst v0;
	v0 =	vld [tilespmem:s17+$0x0]  }
0x121: {  	v1 =	vld [tilespmem:s15+$0x30];
	_ =	sdelay $0x1  }
.Ltmp13:
0x122: {  	(pc) =	sbr.rel @p1 .LBB2_29-.Ltmp13, $3  }
0x123: {  	_ =	sdelay $0x1  }
0x124: {  	v0 =	vadd.f32 v1, v0  }
0x125: {  	s17 =	sadd.s32 $0x400, s17  }
0x126: {  	s4 =	rddreg [dreg:$0x7]  }
0x127: {  	s16 =	simm.s32 $0x4100;
	s15 =	sadd.s32 s14, s4  }
0x128: {  	[tilespmem:s0+$0x0] =	vst v0;
	s0 =	simm.s32 $0x40;
	s17 =	simm.s32 $0x4500;
	s20 =	sadd.s32 $0x0, s15  }
.LBB2_31:
0x129: {  	[hbm4b:s20+s3] =	stream.linear.scatter [tilespmem:s16], [sflag:$0xD], $0x80, $0x38;
	[tilespmem:$0x14000] =	vst v63  }
0x12a: {  	s4 =	smov.u32 s0;
	s16 =	smov.u32 s17;
	p1 =	sne.s32 s0, $0xFC0  }
.Ltmp14:
0x12b: {  	s0 =	sadd.s32 $0x40, s0;
	(pc) =	sbr.rel @p1 .LBB2_31-.Ltmp14, $2  }
0x12c: {  	_ =	sdelay $0x2  }
0x12d: {  	s17 =	sadd.s32 $0x400, s17;
	s20 =	sadd.s32 s4, s15  }
0x12e: {  	[hbm4b:s20+s3] =	stream.linear.scatter [tilespmem:s16], [sflag:$0xD], $0x80, $0x38;
	[tilespmem:$0x14000] =	vst v63  }
0x12f: {  	s4 =	simm.s32 @!p0 $0x12  }
0x130: {  	s0 =	sor.u32 $0x30, s8;
	s16 =	simm.s32 $0x4380;
	_ =	swait.ge @!p0 [sflag:s4], $0x2000  }
0x131: {  	s17 =	simm.s32 $0x40;
	s15 =	sadd.s32 s1, s0;
	[sflag:s4] =	ssyncset.done @!p0 $0x0  }
0x132: {  	s20 =	simm.s32 $0x4780;
	[sflag:s4] =	ssyncadd.s32 @!p0 $0xFFFFE000;
	s4 =	sadd.s32 $0x0, s15  }
.LBB2_33:
0x133: {  	[tilespmem:s16], [sflag:$0xA] =	stream.linear.gather [hbm4b:s4+s3], $0x80, $0x38;
	[tilespmem:$0x14000] =	vst v63  }
0x134: {  	s4 =	smov.u32 s17;
	s16 =	smov.u32 s20;
	p0 =	sne.s32 s17, $0xFC0  }
.Ltmp15:
0x135: {  	s17 =	sadd.s32 $0x40, s17;
	(pc) =	sbr.rel @p0 .LBB2_33-.Ltmp15, $2  }
0x136: {  	_ =	sdelay $0x2  }
0x137: {  	s20 =	sadd.s32 $0x400, s20;
	s4 =	sadd.s32 s4, s15  }
0x138: {  	[tilespmem:s16], [sflag:$0xA] =	stream.linear.gather [hbm4b:s4+s3], $0x80, $0x38;
	[tilespmem:$0x14000] =	vst v63  }
0x139: {  	_ =	swait.ge [sflag:s25], $0x2000  }
0x13a: {  	[sflag:s25] =	ssyncset.done $0x0  }
0x13b: {  	s15 =	simm.s32 $0x41F0;
	[sflag:s25] =	ssyncadd.s32 $0xFFFFE000  }
0x13c: {  	s16 =	simm.s32 $0x40;
	v0 =	vld [tilespmem:s15+$0xFFFFFF90]  }
0x13d: {  	v1 =	vld [tilespmem:s16+$0xFFFFFFC0];
	_ =	sdelay $0x4  }
0x13e: {  	v0 =	vadd.f32 v1, v0;
	_ =	sdelay $0x1  }
0x13f: {  	[tilespmem:s15+$0xFFFFFF90] =	vst v0;
	v0 =	vld [tilespmem:s15+$0xFFFFFFA0]  }
0x140: {  	v1 =	vld [tilespmem:s16+$0xFFFFFFD0];
	_ =	sdelay $0x4  }
0x141: {  	v0 =	vadd.f32 v1, v0;
	_ =	sdelay $0x1  }
0x142: {  	[tilespmem:s15+$0xFFFFFFA0] =	vst v0;
	v0 =	vld [tilespmem:s15+$0xFFFFFFB0]  }
0x143: {  	v1 =	vld [tilespmem:s16+$0xFFFFFFE0];
	_ =	sdelay $0x4  }
0x144: {  	v0 =	vadd.f32 v1, v0;
	_ =	sdelay $0x1  }
0x145: {  	[tilespmem:s15+$0xFFFFFFB0] =	vst v0;
	v0 =	vld [tilespmem:s15+$0xFFFFFFC0]  }
0x146: {  	v1 =	vld [tilespmem:s16+$0xFFFFFFF0];
	_ =	sdelay $0x4  }
0x147: {  	v0 =	vadd.f32 v1, v0;
	_ =	sdelay $0x1  }
0x148: {  	[tilespmem:s15+$0xFFFFFFC0] =	vst v0;
	v0 =	vld [tilespmem:s15+$0xFFFFFFD0]  }
0x149: {  	v1 =	vld [tilespmem:s16+$0x0];
	_ =	sdelay $0x4  }
0x14a: {  	v0 =	vadd.f32 v1, v0;
	_ =	sdelay $0x1  }
0x14b: {  	[tilespmem:s15+$0xFFFFFFD0] =	vst v0;
	v0 =	vld [tilespmem:s15+$0xFFFFFFE0]  }
0x14c: {  	v1 =	vld [tilespmem:s16+$0x10];
	_ =	sdelay $0x4  }
0x14d: {  	v0 =	vadd.f32 v1, v0;
	_ =	sdelay $0x1  }
0x14e: {  	[tilespmem:s15+$0xFFFFFFE0] =	vst v0;
	v0 =	vld [tilespmem:s15+$0xFFFFFFF0]  }
0x14f: {  	v1 =	vld [tilespmem:s16+$0x20];
	_ =	sdelay $0x4  }
0x150: {  	v0 =	vadd.f32 v1, v0;
	_ =	sdelay $0x1  }
0x151: {  	[tilespmem:s15+$0xFFFFFFF0] =	vst v0;
	v0 =	vld [tilespmem:s15+$0x0]  }
0x152: {  	v1 =	vld [tilespmem:s16+$0x30];
	_ =	sdelay $0x4  }
0x153: {  	v0 =	vadd.f32 v1, v0  }
0x154: {  	s17 =	simm.s32 $0x0;
	s20 =	simm.s32 $0x45F0  }
.LBB2_35:
0x155: {  	v1 =	vld [tilespmem:s20+$0xFFFFFF90];
	[tilespmem:s15+$0x0] =	vst v0;
	s16 =	sadd.s32 $0x100, s16;
	s15 =	smov.u32 s20  }
0x156: {  	s17 =	sadd.s32 $0x8, s17;
	v0 =	vld [tilespmem:s16+$0xFFFFFFC0]  }
0x157: {  	p0 =	slt.u32 s17, $0x1F8;
	_ =	sdelay $0x3  }
0x158: {  	v0 =	vadd.f32 v0, v1;
	_ =	sdelay $0x1  }
0x159: {  	[tilespmem:s20+$0xFFFFFF90] =	vst v0;
	v0 =	vld [tilespmem:s20+$0xFFFFFFA0]  }
0x15a: {  	v1 =	vld [tilespmem:s16+$0xFFFFFFD0];
	_ =	sdelay $0x4  }
0x15b: {  	v0 =	vadd.f32 v1, v0;
	_ =	sdelay $0x1  }
0x15c: {  	[tilespmem:s20+$0xFFFFFFA0] =	vst v0;
	v0 =	vld [tilespmem:s20+$0xFFFFFFB0]  }
0x15d: {  	v1 =	vld [tilespmem:s16+$0xFFFFFFE0];
	_ =	sdelay $0x4  }
0x15e: {  	v0 =	vadd.f32 v1, v0;
	_ =	sdelay $0x1  }
0x15f: {  	[tilespmem:s20+$0xFFFFFFB0] =	vst v0;
	v0 =	vld [tilespmem:s20+$0xFFFFFFC0]  }
0x160: {  	v1 =	vld [tilespmem:s16+$0xFFFFFFF0];
	_ =	sdelay $0x4  }
0x161: {  	v0 =	vadd.f32 v1, v0;
	_ =	sdelay $0x1  }
0x162: {  	[tilespmem:s20+$0xFFFFFFC0] =	vst v0;
	v0 =	vld [tilespmem:s20+$0xFFFFFFD0]  }
0x163: {  	v1 =	vld [tilespmem:s16+$0x0];
	_ =	sdelay $0x4  }
0x164: {  	v0 =	vadd.f32 v1, v0;
	_ =	sdelay $0x1  }
0x165: {  	[tilespmem:s20+$0xFFFFFFD0] =	vst v0;
	v0 =	vld [tilespmem:s20+$0xFFFFFFE0]  }
0x166: {  	v1 =	vld [tilespmem:s16+$0x10];
	_ =	sdelay $0x4  }
0x167: {  	v0 =	vadd.f32 v1, v0;
	_ =	sdelay $0x1  }
0x168: {  	[tilespmem:s20+$0xFFFFFFE0] =	vst v0;
	v0 =	vld [tilespmem:s20+$0xFFFFFFF0]  }
0x169: {  	v1 =	vld [tilespmem:s16+$0x20];
	_ =	sdelay $0x4  }
0x16a: {  	v0 =	vadd.f32 v1, v0;
	_ =	sdelay $0x1  }
0x16b: {  	[tilespmem:s20+$0xFFFFFFF0] =	vst v0;
	v0 =	vld [tilespmem:s20+$0x0]  }
0x16c: {  	v1 =	vld [tilespmem:s16+$0x30];
	_ =	sdelay $0x1  }
.Ltmp16:
0x16d: {  	(pc) =	sbr.rel @p0 .LBB2_35-.Ltmp16, $3  }
0x16e: {  	_ =	sdelay $0x1  }
0x16f: {  	v0 =	vadd.f32 v1, v0  }
0x170: {  	s20 =	sadd.s32 $0x400, s20  }
0x171: {  	s4 =	rddreg [dreg:$0x9]  }
0x172: {  	s16 =	simm.s32 $0x4180;
	s14 =	sadd.s32 s14, s4  }
0x173: {  	[tilespmem:s15+$0x0] =	vst v0;
	s15 =	simm.s32 $0x40;
	s17 =	simm.s32 $0x4580;
	s4 =	sadd.s32 $0x0, s14  }
.LBB2_37:
0x174: {  	[hbm4b:s4+s3] =	stream.linear.scatter [tilespmem:s16], [sflag:$0xE], $0x80, $0x38;
	[tilespmem:$0x14000] =	vst v63  }
0x175: {  	s4 =	smov.u32 s15;
	s16 =	smov.u32 s17;
	p0 =	sne.s32 s15, $0xFC0  }
.Ltmp17:
0x176: {  	s15 =	sadd.s32 $0x40, s15;
	(pc) =	sbr.rel @p0 .LBB2_37-.Ltmp17, $2  }
0x177: {  	_ =	sdelay $0x2  }
0x178: {  	s17 =	sadd.s32 $0x400, s17;
	s4 =	sadd.s32 s4, s14  }
0x179: {  	p0 =	seq.s32 s9, $0x7  }
.Ltmp18:
0x17a: {  	_ = 	snop;
	(pc) =	sbr.rel @!p0 .LBB2_39-.Ltmp18, $2  }
0x17b: {  	_ =	sdelay $0x2  }
0x17c: {  	[hbm4b:s4+s3] =	stream.linear.scatter [tilespmem:s16], [sflag:$0xE], $0x80, $0x38;
	[tilespmem:$0x14000] =	vst v63  }
.Ltmp19:
0x17d: {  	(pc) =	sbr.rel .LBB2_45-.Ltmp19, $4  }
0x17e: {  	_ = 	snop  }
0x17f: {  	_ =	swait.ge [sflag:s26], $0x2000  }
0x180: {  	[sflag:s26] =	ssyncset.done $0x0  }
0x181: {  	[sflag:s26] =	ssyncadd.s32 $0xFFFFE000  }
.LBB2_39:
0x182: {  	s14 =	sadd.s32 s12, s18  }
0x183: {  	s4 =	sshrl.u32 s14, $0x3  }
0x184: {  	s16 =	simm.s32 $0x0;
	s15 =	sadd.s32 s21, s4  }
0x185: {  	s17 =	simm.s32 $0x10;
	s20 =	simm.s32 $0x100;
	s4 =	sadd.s32 $0x0, s15  }
.LBB2_40:
0x186: {  	[tilespmem:s16], [sflag:$0x1] =	stream.linear.gather [hbm4b:s4+s3], $0x80, $0x38;
	[tilespmem:$0x14000] =	vst v63  }
0x187: {  	s4 =	smov.u32 s17;
	s16 =	smov.u32 s20;
	p1 =	sne.s32 s17, $0x3F0  }
.Ltmp20:
0x188: {  	s17 =	sadd.s32 $0x10, s17;
	(pc) =	sbr.rel @p1 .LBB2_40-.Ltmp20, $2  }
0x189: {  	_ =	sdelay $0x2  }
0x18a: {  	s20 =	sadd.s32 $0x100, s20;
	s4 =	sadd.s32 s4, s15  }
0x18b: {  	[tilespmem:s16], [sflag:$0x1] =	stream.linear.gather [hbm4b:s4+s3], $0x80, $0x38;
	[tilespmem:$0x14000] =	vst v63  }
0x18c: {  	_ =	swait.ge [sflag:s26], $0x2000  }
0x18d: {  	[sflag:s26] =	ssyncset.done $0x0  }
0x18e: {  	s15 =	simm.s32 $0xB;
	[sflag:s26] =	ssyncadd.s32 $0xFFFFE000  }
0x18f: {  	s20 =	sshrl.u32 s14, $0x1;
	s16 =	simm.s32 $0x40;
	_ =	swait.ge [sflag:s15], $0x2000  }
0x190: {  	s17 =	simm.s32 $0x4400;
	s14 =	sadd.s32 s1, s20;
	[sflag:s15] =	ssyncset.done $0x0  }
0x191: {  	s4 =	sadd.s32 $0x0, s14;
	[sflag:s15] =	ssyncadd.s32 $0xFFFFE000;
	s15 =	simm.s32 $0x4000  }
.LBB2_42:
0x192: {  	[tilespmem:s15], [sflag:$0x3] =	stream.linear.gather [hbm4b:s4+s3], $0x80, $0x38;
	[tilespmem:$0x14000] =	vst v63  }
0x193: {  	s4 =	smov.u32 s16;
	s15 =	smov.u32 s17;
	p1 =	seq.s32 s16, $0xFC0  }
.Ltmp21:
0x194: {  	s16 =	sadd.s32 $0x40, s16;
	(pc) =	sbr.rel @!p1 .LBB2_42-.Ltmp21, $2  }
0x195: {  	_ =	sdelay $0x2  }
0x196: {  	s17 =	sadd.s32 $0x400, s17;
	s4 =	sadd.s32 s4, s14  }
0x197: {  	[tilespmem:s15], [sflag:$0x3] =	stream.linear.gather [hbm4b:s4+s3], $0x80, $0x38;
	[tilespmem:$0x14000] =	vst v63  }
.LBB2_45:
0x198: {  	_ =	swait.ge [sflag:s28], $0x2000  }
0x199: {  	[sflag:s28] =	ssyncset.done $0x0  }
0x19a: {  	s14 =	simm.s32 $0x4270;
	[sflag:s28] =	ssyncadd.s32 $0xFFFFE000  }
0x19b: {  	s15 =	simm.s32 $0xF0;
	v0 =	vld [tilespmem:s14+$0xFFFFFF90]  }
0x19c: {  	v1 =	vld [tilespmem:s15+$0xFFFFFF90];
	_ =	sdelay $0x4  }
0x19d: {  	v0 =	vadd.f32 v1, v0;
	_ =	sdelay $0x1  }
0x19e: {  	[tilespmem:s14+$0xFFFFFF90] =	vst v0;
	v0 =	vld [tilespmem:s14+$0xFFFFFFA0]  }
0x19f: {  	v1 =	vld [tilespmem:s15+$0xFFFFFFA0];
	_ =	sdelay $0x4  }
0x1a0: {  	v0 =	vadd.f32 v1, v0;
	_ =	sdelay $0x1  }
0x1a1: {  	[tilespmem:s14+$0xFFFFFFA0] =	vst v0;
	v0 =	vld [tilespmem:s14+$0xFFFFFFB0]  }
0x1a2: {  	v1 =	vld [tilespmem:s15+$0xFFFFFFB0];
	_ =	sdelay $0x4  }
0x1a3: {  	v0 =	vadd.f32 v1, v0;
	_ =	sdelay $0x1  }
0x1a4: {  	[tilespmem:s14+$0xFFFFFFB0] =	vst v0;
	v0 =	vld [tilespmem:s14+$0xFFFFFFC0]  }
0x1a5: {  	v1 =	vld [tilespmem:s15+$0xFFFFFFC0];
	_ =	sdelay $0x4  }
0x1a6: {  	v0 =	vadd.f32 v1, v0;
	_ =	sdelay $0x1  }
0x1a7: {  	[tilespmem:s14+$0xFFFFFFC0] =	vst v0;
	v0 =	vld [tilespmem:s14+$0xFFFFFFD0]  }
0x1a8: {  	v1 =	vld [tilespmem:s15+$0xFFFFFFD0];
	_ =	sdelay $0x4  }
0x1a9: {  	v0 =	vadd.f32 v1, v0;
	_ =	sdelay $0x1  }
0x1aa: {  	[tilespmem:s14+$0xFFFFFFD0] =	vst v0;
	v0 =	vld [tilespmem:s14+$0xFFFFFFE0]  }
0x1ab: {  	v1 =	vld [tilespmem:s15+$0xFFFFFFE0];
	_ =	sdelay $0x4  }
0x1ac: {  	v0 =	vadd.f32 v1, v0;
	_ =	sdelay $0x1  }
0x1ad: {  	[tilespmem:s14+$0xFFFFFFE0] =	vst v0;
	v0 =	vld [tilespmem:s14+$0xFFFFFFF0]  }
0x1ae: {  	v1 =	vld [tilespmem:s15+$0xFFFFFFF0];
	_ =	sdelay $0x4  }
0x1af: {  	v0 =	vadd.f32 v1, v0;
	_ =	sdelay $0x1  }
0x1b0: {  	[tilespmem:s14+$0xFFFFFFF0] =	vst v0;
	v0 =	vld [tilespmem:s14+$0x0]  }
0x1b1: {  	v1 =	vld [tilespmem:s15+$0x0];
	_ =	sdelay $0x4  }
0x1b2: {  	v0 =	vadd.f32 v1, v0  }
0x1b3: {  	s16 =	simm.s32 $0x0;
	s17 =	simm.s32 $0x4670  }
.LBB2_46:
0x1b4: {  	v1 =	vld [tilespmem:s17+$0xFFFFFF90];
	[tilespmem:s14+$0x0] =	vst v0;
	s15 =	sadd.s32 $0x100, s15;
	s14 =	smov.u32 s17  }
0x1b5: {  	s16 =	sadd.s32 $0x8, s16;
	v0 =	vld [tilespmem:s15+$0xFFFFFF90]  }
0x1b6: {  	p1 =	slt.u32 s16, $0x1F8;
	_ =	sdelay $0x3  }
0x1b7: {  	v0 =	vadd.f32 v0, v1;
	_ =	sdelay $0x1  }
0x1b8: {  	[tilespmem:s17+$0xFFFFFF90] =	vst v0;
	v0 =	vld [tilespmem:s17+$0xFFFFFFA0]  }
0x1b9: {  	v1 =	vld [tilespmem:s15+$0xFFFFFFA0];
	_ =	sdelay $0x4  }
0x1ba: {  	v0 =	vadd.f32 v1, v0;
	_ =	sdelay $0x1  }
0x1bb: {  	[tilespmem:s17+$0xFFFFFFA0] =	vst v0;
	v0 =	vld [tilespmem:s17+$0xFFFFFFB0]  }
0x1bc: {  	v1 =	vld [tilespmem:s15+$0xFFFFFFB0];
	_ =	sdelay $0x4  }
0x1bd: {  	v0 =	vadd.f32 v1, v0;
	_ =	sdelay $0x1  }
0x1be: {  	[tilespmem:s17+$0xFFFFFFB0] =	vst v0;
	v0 =	vld [tilespmem:s17+$0xFFFFFFC0]  }
0x1bf: {  	v1 =	vld [tilespmem:s15+$0xFFFFFFC0];
	_ =	sdelay $0x4  }
0x1c0: {  	v0 =	vadd.f32 v1, v0;
	_ =	sdelay $0x1  }
0x1c1: {  	[tilespmem:s17+$0xFFFFFFC0] =	vst v0;
	v0 =	vld [tilespmem:s17+$0xFFFFFFD0]  }
0x1c2: {  	v1 =	vld [tilespmem:s15+$0xFFFFFFD0];
	_ =	sdelay $0x4  }
0x1c3: {  	v0 =	vadd.f32 v1, v0;
	_ =	sdelay $0x1  }
0x1c4: {  	[tilespmem:s17+$0xFFFFFFD0] =	vst v0;
	v0 =	vld [tilespmem:s17+$0xFFFFFFE0]  }
0x1c5: {  	v1 =	vld [tilespmem:s15+$0xFFFFFFE0];
	_ =	sdelay $0x4  }
0x1c6: {  	v0 =	vadd.f32 v1, v0;
	_ =	sdelay $0x1  }
0x1c7: {  	[tilespmem:s17+$0xFFFFFFE0] =	vst v0;
	v0 =	vld [tilespmem:s17+$0xFFFFFFF0]  }
0x1c8: {  	v1 =	vld [tilespmem:s15+$0xFFFFFFF0];
	_ =	sdelay $0x4  }
0x1c9: {  	v0 =	vadd.f32 v1, v0;
	_ =	sdelay $0x1  }
0x1ca: {  	[tilespmem:s17+$0xFFFFFFF0] =	vst v0;
	v0 =	vld [tilespmem:s17+$0x0]  }
0x1cb: {  	v1 =	vld [tilespmem:s15+$0x0];
	_ =	sdelay $0x1  }
.Ltmp22:
0x1cc: {  	(pc) =	sbr.rel @p1 .LBB2_46-.Ltmp22, $3  }
0x1cd: {  	_ =	sdelay $0x1  }
0x1ce: {  	v0 =	vadd.f32 v1, v0  }
0x1cf: {  	s17 =	sadd.s32 $0x400, s17  }
0x1d0: {  	s8 =	sadd.s32 s5, s8;
	s15 =	simm.s32 $0x4200  }
0x1d1: {  	[tilespmem:s14+$0x0] =	vst v0;
	s14 =	simm.s32 $0x40;
	s16 =	simm.s32 $0x4600;
	s4 =	sadd.s32 $0x0, s8  }
.LBB2_48:
0x1d2: {  	[hbm4b:s4+s3] =	stream.linear.scatter [tilespmem:s15], [sflag:$0xF], $0x80, $0x38;
	[tilespmem:$0x14000] =	vst v63  }
0x1d3: {  	s4 =	smov.u32 s14;
	s15 =	smov.u32 s16;
	p1 =	sne.s32 s14, $0xFC0  }
.Ltmp23:
0x1d4: {  	s14 =	sadd.s32 $0x40, s14;
	(pc) =	sbr.rel @p1 .LBB2_48-.Ltmp23, $2  }
0x1d5: {  	_ =	sdelay $0x2  }
0x1d6: {  	s16 =	sadd.s32 $0x400, s16;
	s4 =	sadd.s32 s4, s8  }
.Ltmp24:
0x1d7: {  	(pc) =	sbr.rel @p0 .LBB2_53-.Ltmp24, $2  }
0x1d8: {  	_ =	sdelay $0x2  }
0x1d9: {  	[hbm4b:s4+s3] =	stream.linear.scatter [tilespmem:s15], [sflag:$0xF], $0x80, $0x38;
	[tilespmem:$0x14000] =	vst v63  }
0x1da: {  	s8 =	simm.s32 $0xC  }
0x1db: {  	s4 =	sadd.s32 s12, s18;
	_ =	swait.ge [sflag:s8], $0x2000  }
0x1dc: {  	s4 =	sshrl.u32 s4, $0x1;
	[sflag:s8] =	ssyncset.done $0x0;
	s20 =	rddreg [dreg:$0x3]  }
0x1dd: {  	s14 =	simm.s32 $0x4080;
	[sflag:s8] =	ssyncadd.s32 $0xFFFFE000;
	s8 =	sadd.s32 s4, s20  }
0x1de: {  	s15 =	simm.s32 $0x40;
	s16 =	simm.s32 $0x4480;
	s4 =	sadd.s32 $0x0, s8  }
.LBB2_51:
0x1df: {  	[tilespmem:s14], [sflag:$0x4] =	stream.linear.gather [hbm4b:s4+s3], $0x80, $0x38;
	[tilespmem:$0x14000] =	vst v63  }
0x1e0: {  	s4 =	smov.u32 s15;
	s14 =	smov.u32 s16;
	p1 =	sne.s32 s15, $0xFC0  }
.Ltmp25:
0x1e1: {  	s15 =	sadd.s32 $0x40, s15;
	(pc) =	sbr.rel @p1 .LBB2_51-.Ltmp25, $2  }
0x1e2: {  	_ =	sdelay $0x2  }
0x1e3: {  	s16 =	sadd.s32 $0x400, s16;
	s4 =	sadd.s32 s4, s8  }
0x1e4: {  	[tilespmem:s14], [sflag:$0x4] =	stream.linear.gather [hbm4b:s4+s3], $0x80, $0x38;
	[tilespmem:$0x14000] =	vst v63  }
.LBB2_53:
0x1e5: {  	_ =	swait.ge [sflag:s29], $0x2000  }
0x1e6: {  	[sflag:s29] =	ssyncset.done $0x0  }
0x1e7: {  	s8 =	simm.s32 $0x42F0;
	[sflag:s29] =	ssyncadd.s32 $0xFFFFE000  }
0x1e8: {  	s14 =	simm.s32 $0xF0;
	v0 =	vld [tilespmem:s8+$0xFFFFFF90]  }
0x1e9: {  	v1 =	vld [tilespmem:s14+$0xFFFFFF90];
	_ =	sdelay $0x4  }
0x1ea: {  	v0 =	vadd.f32 v1, v0;
	_ =	sdelay $0x1  }
0x1eb: {  	[tilespmem:s8+$0xFFFFFF90] =	vst v0;
	v0 =	vld [tilespmem:s8+$0xFFFFFFA0]  }
0x1ec: {  	v1 =	vld [tilespmem:s14+$0xFFFFFFA0];
	_ =	sdelay $0x4  }
0x1ed: {  	v0 =	vadd.f32 v1, v0;
	_ =	sdelay $0x1  }
0x1ee: {  	[tilespmem:s8+$0xFFFFFFA0] =	vst v0;
	v0 =	vld [tilespmem:s8+$0xFFFFFFB0]  }
0x1ef: {  	v1 =	vld [tilespmem:s14+$0xFFFFFFB0];
	_ =	sdelay $0x4  }
0x1f0: {  	v0 =	vadd.f32 v1, v0;
	_ =	sdelay $0x1  }
0x1f1: {  	[tilespmem:s8+$0xFFFFFFB0] =	vst v0;
	v0 =	vld [tilespmem:s8+$0xFFFFFFC0]  }
0x1f2: {  	v1 =	vld [tilespmem:s14+$0xFFFFFFC0];
	_ =	sdelay $0x4  }
0x1f3: {  	v0 =	vadd.f32 v1, v0;
	_ =	sdelay $0x1  }
0x1f4: {  	[tilespmem:s8+$0xFFFFFFC0] =	vst v0;
	v0 =	vld [tilespmem:s8+$0xFFFFFFD0]  }
0x1f5: {  	v1 =	vld [tilespmem:s14+$0xFFFFFFD0];
	_ =	sdelay $0x4  }
0x1f6: {  	v0 =	vadd.f32 v1, v0;
	_ =	sdelay $0x1  }
0x1f7: {  	[tilespmem:s8+$0xFFFFFFD0] =	vst v0;
	v0 =	vld [tilespmem:s8+$0xFFFFFFE0]  }
0x1f8: {  	v1 =	vld [tilespmem:s14+$0xFFFFFFE0];
	_ =	sdelay $0x4  }
0x1f9: {  	v0 =	vadd.f32 v1, v0;
	_ =	sdelay $0x1  }
0x1fa: {  	[tilespmem:s8+$0xFFFFFFE0] =	vst v0;
	v0 =	vld [tilespmem:s8+$0xFFFFFFF0]  }
0x1fb: {  	v1 =	vld [tilespmem:s14+$0xFFFFFFF0];
	_ =	sdelay $0x4  }
0x1fc: {  	v0 =	vadd.f32 v1, v0;
	_ =	sdelay $0x1  }
0x1fd: {  	[tilespmem:s8+$0xFFFFFFF0] =	vst v0;
	v0 =	vld [tilespmem:s8+$0x0]  }
0x1fe: {  	v1 =	vld [tilespmem:s14+$0x0];
	_ =	sdelay $0x4  }
0x1ff: {  	v0 =	vadd.f32 v1, v0  }
0x200: {  	s15 =	simm.s32 $0x0;
	s16 =	simm.s32 $0x46F0  }
.LBB2_54:
0x201: {  	v1 =	vld [tilespmem:s16+$0xFFFFFF90];
	[tilespmem:s8+$0x0] =	vst v0;
	s14 =	sadd.s32 $0x100, s14;
	s8 =	smov.u32 s16  }
0x202: {  	s15 =	sadd.s32 $0x8, s15;
	v0 =	vld [tilespmem:s14+$0xFFFFFF90]  }
0x203: {  	p1 =	slt.u32 s15, $0x1F8;
	_ =	sdelay $0x3  }
0x204: {  	v0 =	vadd.f32 v0, v1;
	_ =	sdelay $0x1  }
0x205: {  	[tilespmem:s16+$0xFFFFFF90] =	vst v0;
	v0 =	vld [tilespmem:s16+$0xFFFFFFA0]  }
0x206: {  	v1 =	vld [tilespmem:s14+$0xFFFFFFA0];
	_ =	sdelay $0x4  }
0x207: {  	v0 =	vadd.f32 v1, v0;
	_ =	sdelay $0x1  }
0x208: {  	[tilespmem:s16+$0xFFFFFFA0] =	vst v0;
	v0 =	vld [tilespmem:s16+$0xFFFFFFB0]  }
0x209: {  	v1 =	vld [tilespmem:s14+$0xFFFFFFB0];
	_ =	sdelay $0x4  }
0x20a: {  	v0 =	vadd.f32 v1, v0;
	_ =	sdelay $0x1  }
0x20b: {  	[tilespmem:s16+$0xFFFFFFB0] =	vst v0;
	v0 =	vld [tilespmem:s16+$0xFFFFFFC0]  }
0x20c: {  	v1 =	vld [tilespmem:s14+$0xFFFFFFC0];
	_ =	sdelay $0x4  }
0x20d: {  	v0 =	vadd.f32 v1, v0;
	_ =	sdelay $0x1  }
0x20e: {  	[tilespmem:s16+$0xFFFFFFC0] =	vst v0;
	v0 =	vld [tilespmem:s16+$0xFFFFFFD0]  }
0x20f: {  	v1 =	vld [tilespmem:s14+$0xFFFFFFD0];
	_ =	sdelay $0x4  }
0x210: {  	v0 =	vadd.f32 v1, v0;
	_ =	sdelay $0x1  }
0x211: {  	[tilespmem:s16+$0xFFFFFFD0] =	vst v0;
	v0 =	vld [tilespmem:s16+$0xFFFFFFE0]  }
0x212: {  	v1 =	vld [tilespmem:s14+$0xFFFFFFE0];
	_ =	sdelay $0x4  }
0x213: {  	v0 =	vadd.f32 v1, v0;
	_ =	sdelay $0x1  }
0x214: {  	[tilespmem:s16+$0xFFFFFFE0] =	vst v0;
	v0 =	vld [tilespmem:s16+$0xFFFFFFF0]  }
0x215: {  	v1 =	vld [tilespmem:s14+$0xFFFFFFF0];
	_ =	sdelay $0x4  }
0x216: {  	v0 =	vadd.f32 v1, v0;
	_ =	sdelay $0x1  }
0x217: {  	[tilespmem:s16+$0xFFFFFFF0] =	vst v0;
	v0 =	vld [tilespmem:s16+$0x0]  }
0x218: {  	v1 =	vld [tilespmem:s14+$0x0];
	_ =	sdelay $0x1  }
.Ltmp26:
0x219: {  	(pc) =	sbr.rel @p1 .LBB2_54-.Ltmp26, $3  }
0x21a: {  	_ =	sdelay $0x1  }
0x21b: {  	v0 =	vadd.f32 v1, v0  }
0x21c: {  	s16 =	sadd.s32 $0x400, s16  }
0x21d: {  	s14 =	sadd.s32 s5, s19;
	s15 =	simm.s32 $0x4280  }
0x21e: {  	[tilespmem:s8+$0x0] =	vst v0;
	s8 =	simm.s32 $0x40;
	s16 =	simm.s32 $0x4680;
	s4 =	sadd.s32 $0x0, s14  }
.LBB2_56:
0x21f: {  	[hbm4b:s4+s3] =	stream.linear.scatter [tilespmem:s15], [sflag:$0x10], $0x80, $0x38;
	[tilespmem:$0x14000] =	vst v63  }
0x220: {  	s4 =	smov.u32 s8;
	s15 =	smov.u32 s16;
	p1 =	sne.s32 s8, $0xFC0  }
.Ltmp27:
0x221: {  	s8 =	sadd.s32 $0x40, s8;
	(pc) =	sbr.rel @p1 .LBB2_56-.Ltmp27, $2  }
0x222: {  	_ =	sdelay $0x2  }
0x223: {  	s16 =	sadd.s32 $0x400, s16;
	s4 =	sadd.s32 s4, s14  }
.Ltmp28:
0x224: {  	(pc) =	sbr.rel @p0 .LBB2_61-.Ltmp28, $2  }
0x225: {  	_ =	sdelay $0x2  }
0x226: {  	[hbm4b:s4+s3] =	stream.linear.scatter [tilespmem:s15], [sflag:$0x10], $0x80, $0x38;
	[tilespmem:$0x14000] =	vst v63  }
0x227: {  	s8 =	simm.s32 $0xD  }
0x228: {  	s4 =	sadd.s32 s12, s18;
	_ =	swait.ge [sflag:s8], $0x2000  }
0x229: {  	s4 =	sshrl.u32 s4, $0x1;
	[sflag:s8] =	ssyncset.done $0x0;
	s20 =	rddreg [dreg:$0x4]  }
0x22a: {  	s14 =	simm.s32 $0x4100;
	[sflag:s8] =	ssyncadd.s32 $0xFFFFE000;
	s8 =	sadd.s32 s4, s20  }
0x22b: {  	s15 =	simm.s32 $0x40;
	s16 =	simm.s32 $0x4500;
	s4 =	sadd.s32 $0x0, s8  }
.LBB2_59:
0x22c: {  	[tilespmem:s14], [sflag:$0x5] =	stream.linear.gather [hbm4b:s4+s3], $0x80, $0x38;
	[tilespmem:$0x14000] =	vst v63  }
0x22d: {  	s4 =	smov.u32 s15;
	s14 =	smov.u32 s16;
	p1 =	sne.s32 s15, $0xFC0  }
.Ltmp29:
0x22e: {  	s15 =	sadd.s32 $0x40, s15;
	(pc) =	sbr.rel @p1 .LBB2_59-.Ltmp29, $2  }
0x22f: {  	_ =	sdelay $0x2  }
0x230: {  	s16 =	sadd.s32 $0x400, s16;
	s4 =	sadd.s32 s4, s8  }
0x231: {  	[tilespmem:s14], [sflag:$0x5] =	stream.linear.gather [hbm4b:s4+s3], $0x80, $0x38;
	[tilespmem:$0x14000] =	vst v63  }
.LBB2_61:
0x232: {  	_ =	swait.ge [sflag:s30], $0x2000  }
0x233: {  	[sflag:s30] =	ssyncset.done $0x0  }
0x234: {  	s8 =	simm.s32 $0x4370;
	[sflag:s30] =	ssyncadd.s32 $0xFFFFE000  }
0x235: {  	s14 =	simm.s32 $0xF0;
	v0 =	vld [tilespmem:s8+$0xFFFFFF90]  }
0x236: {  	v1 =	vld [tilespmem:s14+$0xFFFFFF90];
	_ =	sdelay $0x4  }
0x237: {  	v0 =	vadd.f32 v1, v0;
	_ =	sdelay $0x1  }
0x238: {  	[tilespmem:s8+$0xFFFFFF90] =	vst v0;
	v0 =	vld [tilespmem:s8+$0xFFFFFFA0]  }
0x239: {  	v1 =	vld [tilespmem:s14+$0xFFFFFFA0];
	_ =	sdelay $0x4  }
0x23a: {  	v0 =	vadd.f32 v1, v0;
	_ =	sdelay $0x1  }
0x23b: {  	[tilespmem:s8+$0xFFFFFFA0] =	vst v0;
	v0 =	vld [tilespmem:s8+$0xFFFFFFB0]  }
0x23c: {  	v1 =	vld [tilespmem:s14+$0xFFFFFFB0];
	_ =	sdelay $0x4  }
0x23d: {  	v0 =	vadd.f32 v1, v0;
	_ =	sdelay $0x1  }
0x23e: {  	[tilespmem:s8+$0xFFFFFFB0] =	vst v0;
	v0 =	vld [tilespmem:s8+$0xFFFFFFC0]  }
0x23f: {  	v1 =	vld [tilespmem:s14+$0xFFFFFFC0];
	_ =	sdelay $0x4  }
0x240: {  	v0 =	vadd.f32 v1, v0;
	_ =	sdelay $0x1  }
0x241: {  	[tilespmem:s8+$0xFFFFFFC0] =	vst v0;
	v0 =	vld [tilespmem:s8+$0xFFFFFFD0]  }
0x242: {  	v1 =	vld [tilespmem:s14+$0xFFFFFFD0];
	_ =	sdelay $0x4  }
0x243: {  	v0 =	vadd.f32 v1, v0;
	_ =	sdelay $0x1  }
0x244: {  	[tilespmem:s8+$0xFFFFFFD0] =	vst v0;
	v0 =	vld [tilespmem:s8+$0xFFFFFFE0]  }
0x245: {  	v1 =	vld [tilespmem:s14+$0xFFFFFFE0];
	_ =	sdelay $0x4  }
0x246: {  	v0 =	vadd.f32 v1, v0;
	_ =	sdelay $0x1  }
0x247: {  	[tilespmem:s8+$0xFFFFFFE0] =	vst v0;
	v0 =	vld [tilespmem:s8+$0xFFFFFFF0]  }
0x248: {  	v1 =	vld [tilespmem:s14+$0xFFFFFFF0];
	_ =	sdelay $0x4  }
0x249: {  	v0 =	vadd.f32 v1, v0;
	_ =	sdelay $0x1  }
0x24a: {  	[tilespmem:s8+$0xFFFFFFF0] =	vst v0;
	v0 =	vld [tilespmem:s8+$0x0]  }
0x24b: {  	v1 =	vld [tilespmem:s14+$0x0];
	_ =	sdelay $0x4  }
0x24c: {  	v0 =	vadd.f32 v1, v0  }
0x24d: {  	s15 =	simm.s32 $0x0;
	s16 =	simm.s32 $0x4770  }
.LBB2_62:
0x24e: {  	v1 =	vld [tilespmem:s16+$0xFFFFFF90];
	[tilespmem:s8+$0x0] =	vst v0;
	s14 =	sadd.s32 $0x100, s14;
	s8 =	smov.u32 s16  }
0x24f: {  	s15 =	sadd.s32 $0x8, s15;
	v0 =	vld [tilespmem:s14+$0xFFFFFF90]  }
0x250: {  	p1 =	slt.u32 s15, $0x1F8;
	_ =	sdelay $0x3  }
0x251: {  	v0 =	vadd.f32 v0, v1;
	_ =	sdelay $0x1  }
0x252: {  	[tilespmem:s16+$0xFFFFFF90] =	vst v0;
	v0 =	vld [tilespmem:s16+$0xFFFFFFA0]  }
0x253: {  	v1 =	vld [tilespmem:s14+$0xFFFFFFA0];
	_ =	sdelay $0x4  }
0x254: {  	v0 =	vadd.f32 v1, v0;
	_ =	sdelay $0x1  }
0x255: {  	[tilespmem:s16+$0xFFFFFFA0] =	vst v0;
	v0 =	vld [tilespmem:s16+$0xFFFFFFB0]  }
0x256: {  	v1 =	vld [tilespmem:s14+$0xFFFFFFB0];
	_ =	sdelay $0x4  }
0x257: {  	v0 =	vadd.f32 v1, v0;
	_ =	sdelay $0x1  }
0x258: {  	[tilespmem:s16+$0xFFFFFFB0] =	vst v0;
	v0 =	vld [tilespmem:s16+$0xFFFFFFC0]  }
0x259: {  	v1 =	vld [tilespmem:s14+$0xFFFFFFC0];
	_ =	sdelay $0x4  }
0x25a: {  	v0 =	vadd.f32 v1, v0;
	_ =	sdelay $0x1  }
0x25b: {  	[tilespmem:s16+$0xFFFFFFC0] =	vst v0;
	v0 =	vld [tilespmem:s16+$0xFFFFFFD0]  }
0x25c: {  	v1 =	vld [tilespmem:s14+$0xFFFFFFD0];
	_ =	sdelay $0x4  }
0x25d: {  	v0 =	vadd.f32 v1, v0;
	_ =	sdelay $0x1  }
0x25e: {  	[tilespmem:s16+$0xFFFFFFD0] =	vst v0;
	v0 =	vld [tilespmem:s16+$0xFFFFFFE0]  }
0x25f: {  	v1 =	vld [tilespmem:s14+$0xFFFFFFE0];
	_ =	sdelay $0x4  }
0x260: {  	v0 =	vadd.f32 v1, v0;
	_ =	sdelay $0x1  }
0x261: {  	[tilespmem:s16+$0xFFFFFFE0] =	vst v0;
	v0 =	vld [tilespmem:s16+$0xFFFFFFF0]  }
0x262: {  	v1 =	vld [tilespmem:s14+$0xFFFFFFF0];
	_ =	sdelay $0x4  }
0x263: {  	v0 =	vadd.f32 v1, v0;
	_ =	sdelay $0x1  }
0x264: {  	[tilespmem:s16+$0xFFFFFFF0] =	vst v0;
	v0 =	vld [tilespmem:s16+$0x0]  }
0x265: {  	v1 =	vld [tilespmem:s14+$0x0];
	_ =	sdelay $0x1  }
.Ltmp30:
0x266: {  	(pc) =	sbr.rel @p1 .LBB2_62-.Ltmp30, $3  }
0x267: {  	_ =	sdelay $0x1  }
0x268: {  	v0 =	vadd.f32 v1, v0  }
0x269: {  	s16 =	sadd.s32 $0x400, s16  }
0x26a: {  	s2 =	sadd.s32 s5, s2;
	s14 =	simm.s32 $0x4300  }
0x26b: {  	[tilespmem:s8+$0x0] =	vst v0;
	s8 =	simm.s32 $0x40;
	s15 =	simm.s32 $0x4700;
	s4 =	sadd.s32 $0x0, s2  }
.LBB2_64:
0x26c: {  	[hbm4b:s4+s3] =	stream.linear.scatter [tilespmem:s14], [sflag:$0x11], $0x80, $0x38;
	[tilespmem:$0x14000] =	vst v63  }
0x26d: {  	s4 =	smov.u32 s8;
	s14 =	smov.u32 s15;
	p1 =	sne.s32 s8, $0xFC0  }
.Ltmp31:
0x26e: {  	s8 =	sadd.s32 $0x40, s8;
	(pc) =	sbr.rel @p1 .LBB2_64-.Ltmp31, $2  }
0x26f: {  	_ =	sdelay $0x2  }
0x270: {  	s15 =	sadd.s32 $0x400, s15;
	s4 =	sadd.s32 s4, s2  }
.Ltmp32:
0x271: {  	(pc) =	sbr.rel @p0 .LBB2_69-.Ltmp32, $2  }
0x272: {  	_ =	sdelay $0x2  }
0x273: {  	[hbm4b:s4+s3] =	stream.linear.scatter [tilespmem:s14], [sflag:$0x11], $0x80, $0x38;
	[tilespmem:$0x14000] =	vst v63  }
0x274: {  	s4 =	simm.s32 $0xE  }
0x275: {  	s2 =	sadd.s32 s12, s18;
	_ =	swait.ge [sflag:s4], $0x2000  }
0x276: {  	s8 =	simm.s32 $0x4180;
	s2 =	sshrl.u32 s2, $0x1;
	s20 =	rddreg [dreg:$0x5]  }
0x277: {  	s12 =	simm.s32 $0x40;
	[sflag:s4] =	ssyncset.done $0x0;
	s2 =	sadd.s32 s2, s20  }
0x278: {  	s14 =	simm.s32 $0x4580;
	[sflag:s4] =	ssyncadd.s32 $0xFFFFE000;
	s4 =	sadd.s32 $0x0, s2  }
.LBB2_67:
0x279: {  	[tilespmem:s8], [sflag:$0x6] =	stream.linear.gather [hbm4b:s4+s3], $0x80, $0x38;
	[tilespmem:$0x14000] =	vst v63  }
0x27a: {  	s4 =	smov.u32 s12;
	s8 =	smov.u32 s14;
	p0 =	sne.s32 s12, $0xFC0  }
.Ltmp33:
0x27b: {  	s12 =	sadd.s32 $0x40, s12;
	(pc) =	sbr.rel @p0 .LBB2_67-.Ltmp33, $2  }
0x27c: {  	_ =	sdelay $0x2  }
0x27d: {  	s14 =	sadd.s32 $0x400, s14;
	s4 =	sadd.s32 s4, s2  }
0x27e: {  	[tilespmem:s8], [sflag:$0x6] =	stream.linear.gather [hbm4b:s4+s3], $0x80, $0x38;
	[tilespmem:$0x14000] =	vst v63  }
.LBB2_69:
0x27f: {  	_ =	swait.ge [sflag:s31], $0x2000  }
0x280: {  	[sflag:s31] =	ssyncset.done $0x0  }
0x281: {  	s2 =	simm.s32 $0x43F0;
	[sflag:s31] =	ssyncadd.s32 $0xFFFFE000  }
0x282: {  	s8 =	simm.s32 $0xF0;
	v0 =	vld [tilespmem:s2+$0xFFFFFF90]  }
0x283: {  	v1 =	vld [tilespmem:s8+$0xFFFFFF90];
	_ =	sdelay $0x4  }
0x284: {  	v0 =	vadd.f32 v1, v0;
	_ =	sdelay $0x1  }
0x285: {  	[tilespmem:s2+$0xFFFFFF90] =	vst v0;
	v0 =	vld [tilespmem:s2+$0xFFFFFFA0]  }
0x286: {  	v1 =	vld [tilespmem:s8+$0xFFFFFFA0];
	_ =	sdelay $0x4  }
0x287: {  	v0 =	vadd.f32 v1, v0;
	_ =	sdelay $0x1  }
0x288: {  	[tilespmem:s2+$0xFFFFFFA0] =	vst v0;
	v0 =	vld [tilespmem:s2+$0xFFFFFFB0]  }
0x289: {  	v1 =	vld [tilespmem:s8+$0xFFFFFFB0];
	_ =	sdelay $0x4  }
0x28a: {  	v0 =	vadd.f32 v1, v0;
	_ =	sdelay $0x1  }
0x28b: {  	[tilespmem:s2+$0xFFFFFFB0] =	vst v0;
	v0 =	vld [tilespmem:s2+$0xFFFFFFC0]  }
0x28c: {  	v1 =	vld [tilespmem:s8+$0xFFFFFFC0];
	_ =	sdelay $0x4  }
0x28d: {  	v0 =	vadd.f32 v1, v0;
	_ =	sdelay $0x1  }
0x28e: {  	[tilespmem:s2+$0xFFFFFFC0] =	vst v0;
	v0 =	vld [tilespmem:s2+$0xFFFFFFD0]  }
0x28f: {  	v1 =	vld [tilespmem:s8+$0xFFFFFFD0];
	_ =	sdelay $0x4  }
0x290: {  	v0 =	vadd.f32 v1, v0;
	_ =	sdelay $0x1  }
0x291: {  	[tilespmem:s2+$0xFFFFFFD0] =	vst v0;
	v0 =	vld [tilespmem:s2+$0xFFFFFFE0]  }
0x292: {  	v1 =	vld [tilespmem:s8+$0xFFFFFFE0];
	_ =	sdelay $0x4  }
0x293: {  	v0 =	vadd.f32 v1, v0;
	_ =	sdelay $0x1  }
0x294: {  	[tilespmem:s2+$0xFFFFFFE0] =	vst v0;
	v0 =	vld [tilespmem:s2+$0xFFFFFFF0]  }
0x295: {  	v1 =	vld [tilespmem:s8+$0xFFFFFFF0];
	_ =	sdelay $0x4  }
0x296: {  	v0 =	vadd.f32 v1, v0;
	_ =	sdelay $0x1  }
0x297: {  	[tilespmem:s2+$0xFFFFFFF0] =	vst v0;
	v0 =	vld [tilespmem:s2+$0x0]  }
0x298: {  	v1 =	vld [tilespmem:s8+$0x0];
	_ =	sdelay $0x4  }
0x299: {  	v0 =	vadd.f32 v1, v0  }
0x29a: {  	s12 =	simm.s32 $0x0;
	s14 =	simm.s32 $0x47F0  }
.LBB2_70:
0x29b: {  	v1 =	vld [tilespmem:s14+$0xFFFFFF90];
	[tilespmem:s2+$0x0] =	vst v0;
	s8 =	sadd.s32 $0x100, s8;
	s2 =	smov.u32 s14  }
0x29c: {  	s12 =	sadd.s32 $0x8, s12;
	v0 =	vld [tilespmem:s8+$0xFFFFFF90]  }
0x29d: {  	p0 =	slt.u32 s12, $0x1F8;
	_ =	sdelay $0x3  }
0x29e: {  	v0 =	vadd.f32 v0, v1;
	_ =	sdelay $0x1  }
0x29f: {  	[tilespmem:s14+$0xFFFFFF90] =	vst v0;
	v0 =	vld [tilespmem:s14+$0xFFFFFFA0]  }
0x2a0: {  	v1 =	vld [tilespmem:s8+$0xFFFFFFA0];
	_ =	sdelay $0x4  }
0x2a1: {  	v0 =	vadd.f32 v1, v0;
	_ =	sdelay $0x1  }
0x2a2: {  	[tilespmem:s14+$0xFFFFFFA0] =	vst v0;
	v0 =	vld [tilespmem:s14+$0xFFFFFFB0]  }
0x2a3: {  	v1 =	vld [tilespmem:s8+$0xFFFFFFB0];
	_ =	sdelay $0x4  }
0x2a4: {  	v0 =	vadd.f32 v1, v0;
	_ =	sdelay $0x1  }
0x2a5: {  	[tilespmem:s14+$0xFFFFFFB0] =	vst v0;
	v0 =	vld [tilespmem:s14+$0xFFFFFFC0]  }
0x2a6: {  	v1 =	vld [tilespmem:s8+$0xFFFFFFC0];
	_ =	sdelay $0x4  }
0x2a7: {  	v0 =	vadd.f32 v1, v0;
	_ =	sdelay $0x1  }
0x2a8: {  	[tilespmem:s14+$0xFFFFFFC0] =	vst v0;
	v0 =	vld [tilespmem:s14+$0xFFFFFFD0]  }
0x2a9: {  	v1 =	vld [tilespmem:s8+$0xFFFFFFD0];
	_ =	sdelay $0x4  }
0x2aa: {  	v0 =	vadd.f32 v1, v0;
	_ =	sdelay $0x1  }
0x2ab: {  	[tilespmem:s14+$0xFFFFFFD0] =	vst v0;
	v0 =	vld [tilespmem:s14+$0xFFFFFFE0]  }
0x2ac: {  	v1 =	vld [tilespmem:s8+$0xFFFFFFE0];
	_ =	sdelay $0x4  }
0x2ad: {  	v0 =	vadd.f32 v1, v0;
	_ =	sdelay $0x1  }
0x2ae: {  	[tilespmem:s14+$0xFFFFFFE0] =	vst v0;
	v0 =	vld [tilespmem:s14+$0xFFFFFFF0]  }
0x2af: {  	v1 =	vld [tilespmem:s8+$0xFFFFFFF0];
	_ =	sdelay $0x4  }
0x2b0: {  	v0 =	vadd.f32 v1, v0;
	_ =	sdelay $0x1  }
0x2b1: {  	[tilespmem:s14+$0xFFFFFFF0] =	vst v0;
	v0 =	vld [tilespmem:s14+$0x0]  }
0x2b2: {  	v1 =	vld [tilespmem:s8+$0x0];
	_ =	sdelay $0x1  }
.Ltmp34:
0x2b3: {  	(pc) =	sbr.rel @p0 .LBB2_70-.Ltmp34, $3  }
0x2b4: {  	_ =	sdelay $0x1  }
0x2b5: {  	v0 =	vadd.f32 v1, v0  }
0x2b6: {  	s14 =	sadd.s32 $0x400, s14  }
0x2b7: {  	s0 =	sadd.s32 s5, s0;
	s8 =	simm.s32 $0x4380  }
0x2b8: {  	[tilespmem:s2+$0x0] =	vst v0;
	s2 =	simm.s32 $0x40;
	s12 =	simm.s32 $0x4780;
	s4 =	sadd.s32 $0x0, s0  }
.LBB2_72:
0x2b9: {  	[hbm4b:s4+s3] =	stream.linear.scatter [tilespmem:s8], [sflag:$0x12], $0x80, $0x38;
	[tilespmem:$0x14000] =	vst v63  }
0x2ba: {  	s4 =	smov.u32 s2;
	s8 =	smov.u32 s12;
	p0 =	sne.s32 s2, $0xFC0  }
.Ltmp35:
0x2bb: {  	s2 =	sadd.s32 $0x40, s2;
	(pc) =	sbr.rel @p0 .LBB2_72-.Ltmp35, $2  }
0x2bc: {  	_ =	sdelay $0x2  }
0x2bd: {  	s12 =	sadd.s32 $0x400, s12;
	s4 =	sadd.s32 s4, s0  }
0x2be: {  	s9 =	sadd.s32 $0x1, s9  }
0x2bf: {  	p0 =	sne.s32 s9, $0x8  }
.Ltmp36:
0x2c0: {  	_ = 	snop;
	(pc) =	sbr.rel @p0 .LBB2_12-.Ltmp36, $2  }
0x2c1: {  	_ =	sdelay $0x2  }
0x2c2: {  	[hbm4b:s4+s3] =	stream.linear.scatter [tilespmem:s8], [sflag:$0x12], $0x80, $0x38;
	[tilespmem:$0x14000] =	vst v63  }
0x2c3: {  	s0 =	simm.s32 $0xB  }
0x2c4: {  	_ =	swait.ge [sflag:s0], $0x2000  }
0x2c5: {  	[sflag:s0] =	ssyncset.done $0x0  }
0x2c6: {  	s12 =	simm.s32 $0xC;
	[sflag:s0] =	ssyncadd.s32 $0xFFFFE000  }
0x2c7: {  	_ =	swait.ge [sflag:s12], $0x2000  }
0x2c8: {  	[sflag:s12] =	ssyncset.done $0x0  }
0x2c9: {  	s14 =	simm.s32 $0xD;
	[sflag:s12] =	ssyncadd.s32 $0xFFFFE000  }
0x2ca: {  	_ =	swait.ge [sflag:s14], $0x2000  }
0x2cb: {  	[sflag:s14] =	ssyncset.done $0x0  }
0x2cc: {  	s15 =	simm.s32 $0xE;
	[sflag:s14] =	ssyncadd.s32 $0xFFFFE000  }
0x2cd: {  	_ =	swait.ge [sflag:s15], $0x2000  }
0x2ce: {  	[sflag:s15] =	ssyncset.done $0x0  }
0x2cf: {  	s16 =	simm.s32 $0xF;
	[sflag:s15] =	ssyncadd.s32 $0xFFFFE000  }
0x2d0: {  	_ =	swait.ge [sflag:s16], $0x2000  }
0x2d1: {  	[sflag:s16] =	ssyncset.done $0x0  }
0x2d2: {  	s17 =	simm.s32 $0x10;
	[sflag:s16] =	ssyncadd.s32 $0xFFFFE000  }
0x2d3: {  	_ =	swait.ge [sflag:s17], $0x2000  }
0x2d4: {  	[sflag:s17] =	ssyncset.done $0x0  }
0x2d5: {  	s19 =	simm.s32 $0x11;
	[sflag:s17] =	ssyncadd.s32 $0xFFFFE000  }
0x2d6: {  	_ =	swait.ge [sflag:s19], $0x2000  }
0x2d7: {  	[sflag:s19] =	ssyncset.done $0x0  }
0x2d8: {  	s2 =	simm.s32 $0x12;
	[sflag:s19] =	ssyncadd.s32 $0xFFFFE000  }
0x2d9: {  	_ =	swait.ge [sflag:s2], $0x2000  }
0x2da: {  	s4 =	rddreg [dreg:$0xc]  }
0x2db: {  	s20 =	rddreg [dreg:$0xa];
	s4 =	sadd.s32 $0x1, s4  }
0x2dc: {  	p0 =	sne.s32 s4, s20  }
.Ltmp37:
0x2dd: {  	_ = 	snop;
	(pc) =	sbr.rel @p0 .LBB2_1-.Ltmp37, $3  }
0x2de: {  	_ =	sdelay $0x1  }
0x2df: {  	[sflag:s2] =	ssyncset.done $0x0  }
0x2e0: {  	[sflag:s2] =	ssyncadd.s32 $0xFFFFE000  }
0x2e1: {  	_ =	sfence.sel $0x180000  }
0x2e2: {  	[bflag:$0x0] =	sbarrier.arrive $0xFFFF  }
0x2e3: {  	_ =	strace $0x9000004D  }
0x2e4: {  	s0 =	stileid.u32;
	[bflag:$0x2] =	sbarrier.arrive $0xFFFF  }
0x2e5: {  	p0 =	sne.s32 s0, $0x0;
	s0 =	rddreg [dreg:$0x2]  }
0x2e6: {  	s0 =	sadd.s32 @!p0 $0x100000, s0  }
0x2e7: {  	[sflag:s0] =	ssyncadd.tile.s32 @!p0 $0x1;
	_ =	shalt  }
.Lfunc_end2:
_tile_overlayer_lowered:
.L_overlay_start_2:
0x2e8: {  	(tag) =	ssettag $0x2  }
0x2e9: {  	s0 =	rddreg [dreg:$0x0];
	s2 =	stileid.u32  }
0x2ea: {  	s1 =	rddreg [dreg:$0x1];
	p0 =	sne.s32 s2, $0x0  }
0x2eb: {  	s3 =	rddreg [dreg:$0x2];
	[bflag:$0x3] =	sbarrier.arrive $0xFFFF;
	s2 =	simm.s32 @!p0 $0x1C13  }
0x2ec: {  	[timem:s3], [sflag:s2] =	dma.local @!p0 [hbm:s0], s1  }
0x2ed: {  	s0 =	simm.s32 @!p0 $0x13  }
0x2ee: {  	_ =	swait.ge @!p0 [sflag:s0], s1  }
0x2ef: {  	s1 =	ssub.s32 @!p0 $0x0, s1;
	[sflag:s0] =	ssyncset.done @!p0 $0x0  }
0x2f0: {  	[sflag:s0] =	ssyncadd.s32 @!p0 s1  }
0x2f1: {  	[bflag:$0x3] =	sbarrier.arrive $0xFFFF  }
0x2f2: {  	_ =	shalt  }

// kernel: sparse-core-data-format-call.1.cloned.1.call-start
scs
called_computation.1_lowered:
.L_overlay_start_0:
0x0: {  	s2 =	sld [smem:$0x3FD9]  }
0x1: {  	s3 =	sld [smem:$0x3FFE];
	_ =	sdelay $0x1  }
0x2: {  	s1 =	srdreg.scid  }
0x3: {  	s0 =	sand.u32 $0x1, s1  }
0x4: {  	s18 =	sshll.u32 s0, $0xA;
	s2 =	sadd.s32 s3, s2  }
0x5: {  	s2 =	sadd.s32 s2, s18  }
0x6: {  	[smem:$0x3FC6] =	sst s2  }
0x7: {  	_ = 	snop  }
0x8: {  	s2 =	sld [smem:$0x3FC8];
	(tm) =	ssettm $0x1  }
0x9: {  	s19 =	sld [smem:$0x3FFB];
	_ =	sdelay $0x3  }
0xa: {  	_ =	strace s19  }
0xb: {  	s3 =	sld [smem:$0x3FFC];
	_ =	sdelay $0x3  }
0xc: {  	_ =	strace s3  }
0xd: {  	s3 =	sld [smem:$0x3FFD];
	_ =	sdelay $0x3  }
0xe: {  	_ =	strace s3  }
0xf: {  	_ =	strace $0x8FFFFFFF  }
0x10: {  	s20 =	sld [smem:$0x3FDB];
	_ =	sdelay $0x1  }
0x11: {  	s4 =	simm.s32 $_scs_section_size  }
0x12: {  	s5 =	simm.s32 $_size__tile_overlayer_lowered;
	s6 =	simm.s32 $_tile_overlayer_lowered  }
0x13: {  	s23 =	simm.s32 $0x1BFF;
	s22 =	sshll.u32 s6, $0x1;
	s3 =	sadd.s32 s4, s20  }
0x14: {  	s7 =	simm.s32 $0x0;
	s21 =	sshll.u32 s5, $0x1;
	s5 =	sadd.s32 s22, s3  }
0x15: {  	[timem:s7], [sflag:s23] =	dma.local [hbm:s5], s21  }
0x16: {  	_ =	swait.ge [sflag:s23], s21  }
0x17: {  	s4 =	ssub.s32 $0x0, s21;
	[sflag:s23] =	ssyncset.done $0x0  }
0x18: {  	[sflag:s23] =	ssyncadd.s32 s4;
	_ =	sdelay $0x1  }
0x19: {  	s24 =	simm.s32 $0x1B8B  }
0x1a: {  	_ =	swait.ge [sflag:s24], $0x1  }
0x1b: {  	[sflag:s24] =	ssyncset.done $0x0  }
0x1c: {  	s26 =	simm.s32 $0x1B8E;
	s25 =	sld [smem:$0x3FFE];
	[sflag:s24] =	ssyncadd.s32 $0xFFFFFFFF  }
0x1d: {  	s27 =	simm.s32 $execute0_lowered;
	[smem:$0x3FD2] =	sst s26  }
0x1e: {  	s5 =	sshll.u32 s27, $0x1;
	_ =	strace $0x80000046;
	[dreg:$0x1] =	wrdreg $0xFFFFFFFF  }
0x1f: {  	s28 =	simm.s32 $_size_execute0_lowered;
	s3 =	sadd.s32 s3, s5;
	[dreg:$0x0] =	wrdreg $0x0  }
0x20: {  	s5 =	sshll.u32 s28, $0x1;
	[dreg:$0x2] =	wrdreg s3  }
0x21: {  	[dreg:$0x3] =	wrdreg s5  }
0x22: {  	[dreg:$0x4] =	wrdreg $0xC0  }
0x23: {  	_ =	task [dreg:s7], $0x5FFFF  }
0x24: {  	[dreg:$0x1] =	wrdreg $0xFFFFFFFF  }
0x25: {  	[dreg:$0x0] =	wrdreg $0x60  }
0x26: {  	[dreg:$0x2] =	wrdreg s2  }
0x27: {  	[dreg:$0x3] =	wrdreg s25  }
0x28: {  	[dreg:$0x4] =	wrdreg $0x9  }
0x29: {  	_ =	task.clear_ibuf [dreg:s7], $0x5FFFF;
	_ =	strace $0x90000046  }
0x2a: {  	s29 =	simm.s32 $0x9;
	_ =	strace $0x80000048  }
0x2b: {  	_ =	swait.ge [sflag:s29], $0x1  }
0x2c: {  	[sflag:s29] =	ssyncadd.s32 $0xFFFFFFFF  }
0x2d: {  	_ =	strace $0x90000048  }
0x2e: {  	_ =	sfence  }
0x2f: {  	s30 =	sld [smem:$0x0];
	_ =	sdelay $0x2  }
0x30: {  	s31 =	sshll.u32 s1, $0xD;
	s1 =	sshrl.u32 s1, $0x2  }
0x31: {  	s3 =	sand.u32 $0x4000, s31;
	s1 =	sadd.s32 s1, s30  }
0x32: {  	s0 =	sor.u32 s3, s0;
	s1 =	sshll.u32 s1, $0x11  }
0x33: {  	s0 =	sor.u32 s1, s0  }
0x34: {  	s0 =	sadd.s32 $0x8F2B, s0  }
0x35: {  	[sflag:s0] =	ssyncadd.remote.s32 $0x1  }
0x36: {  	_ =	sfence.sel $0xFFFF  }
0x37: {  	[dreg:$0x0] =	wrdreg $0xFFFFFFFF;
	(pc) =	sbr.abs _section_cstart, $3  }
0x38: {  	[dreg:$0x1] =	wrdreg $0xFFFFFFFF  }
0x39: {  	_ =	task.clear_ibuf [dreg:s7], $0x2FFFF;
	_ =	strace $0x9FFFFFFF  }
0x3a: {  	(tm) =	ssettm $0x7FFFFFFF  }
0x3b: {  	_ =	shalt  }
tec
execute0_lowered:
.L_overlay_start_1:
0x0: {  	(tag) =	ssettag $0x1  }
0x1: {  	s0 =	srdreg.scid  }
0x2: {  	s1 =	sshll.u32 s0, $0x4  }
0x3: {  	s2 =	rddreg [dreg:$0x0];
	s0 =	stileid.u32;
	s1 =	sand.u32 $0x10, s1  }
0x4: {  	s4 =	rddreg [dreg:$0x1];
	s7 =	simm.s32 $0x1;
	s1 =	sor.u32 s0, s1  }
0x5: {  	s8 =	simm.s32 $0x2;
	s9 =	simm.s32 $0x0;
	s3 =	sshll.u32 s1, $0x1  }
0x6: {  	s12 =	simm.s32 $0x0;
	s11 =	simm.s32 $0x0;
	s6 =	ssub.s32 $0x400, s3  }
.Ltmp0:
0x7: {  	s4 =	sadd.s32 $0x1000, s4;
	s5 =	sand.u32 $0x3E, s6;
	(pc) =	sbr.rel .LBB1_1-.Ltmp0, $4  }
0x8: {  	s1 =	rddreg [dreg:$0x2];
	_ =	strace $0x80000047;
	p0 =	sne.s32 s5, $0x0  }
0x9: {  	s6 =	sshrl.u32 s6, $0x6;
	s5 =	simm.s32 $0x1;
	s7 =	simm.s32 @!p0 $0x0  }
0xa: {  	s10 =	smov.u32 s3;
	[sflag:s5] =	ssyncpa.u1 $0x0;
	s6 =	sadd.s32 s7, s6  }
0xb: {  	[sflag:s8] =	ssyncpa.u1 $0x0;
	s8 =	simm.s32 $0x0;
	s7 =	sadd.s32 $0x1, s6  }
.LBB1_9:
0xc: {  	s14 =	sadd.s32 $0x40, s10  }
0xd: {  	p1 =	sgt.s32 s14, $0x3FF  }
0xe: {  	s14 =	smov.u32 @p1 s3;
	p1 =	sne.s32 s11, s7  }
.Ltmp1:
0xf: {  	p0 =	slt.u32 s11, $0x2;
	(pc) =	sbr.rel @!p1 .LBB1_10-.Ltmp1, $4  }
0x10: {  	s13 =	simm.s32 @!p0 $0x2  }
0x11: {  	s15 =	sadd.s32 $0x1, s11;
	_ =	swait.ge @!p0 [sflag:s13], $0x4000  }
0x12: {  	s12 =	smov.u32 s10;
	s9 =	sadd.s32 $0x4000, s9;
	[sflag:s13] =	ssyncset.done @!p0 $0x0  }
0x13: {  	s11 =	smov.u32 s15;
	s10 =	smov.u32 s14;
	[sflag:s13] =	ssyncadd.s32 @!p0 $0xFFFFC000  }
.LBB1_1:
0x14: {  	p0 =	sge.u32 s11, s6  }
0x15: {  	s13 =	sxor.u32 @!p0 $0xFFFFFFFF, s11  }
0x16: {  	s31 =	sadd.s32 $0xFFFFFFFF, s11;
	s14 =	sshll.u32 @!p0 s10, $0xA;
	s13 =	sshll.u32 @!p0 s13, $0xE  }
0x17: {  	s15 =	simm.s32 @!p0 $0x0;
	s14 =	sadd.s32 @!p0 s2, s14;
	s13 =	sand.u32 @!p0 $0x4000, s13  }
0x18: {  	[tilespmem:s13], [sflag:$0x1] =	stream.linear.gather @!p0 [hbm4b:s14+s15], $0x4000, $0x38;
	[tilespmem:$0x10000] =	vst v63  }
0x19: {  	p0 =	sge.u32 s31, s6  }
.Ltmp2:
0x1a: {  	_ = 	snop;
	(pc) =	sbr.rel @p0 .LBB1_9-.Ltmp2, $1  }
0x1b: {  	_ =	sdelay $0x3  }
0x1c: {  	s13 =	sshll.u32 s9, $0x2  }
0x1d: {  	_ =	swait.ge [sflag:s5], $0x4000;
	s14 =	sshll.u32 s11, $0xE;
	s16 =	simm.s32 $0x0  }
0x1e: {  	p1 =	por $0x1, $0x1;
	s13 =	sand.u32 $0x10000, s13;
	[sflag:s5] =	ssyncset.done $0x0  }
0x1f: {  	s14 =	sand.u32 $0x4000, s14;
	s15 =	sshrl.u32 s13, $0x2;
	[sflag:s5] =	ssyncadd.s32 $0xFFFFC000  }
0x20: {  	s13 =	sor.u32 $0x8000, s14;
	s14 =	sadd.s32 $0x8040, s15;
	s15 =	sadd.s32 $0x40, s15  }
.LBB1_3:
0x21: {  	s16 =	sshll.u32 s16, $0x2  }
0x22: {  	p0 =	por p1, p1;
	s17 =	sshra.s32 s16, $0x2  }
0x23: {  	s18 =	simm.s32 $0x0;
	s16 =	sadd.s32 s17, s14;
	s17 =	sadd.s32 s17, s15  }
.LBB1_4:
0x24: {  	v0 =	vmov s17;
	_ =	sdelay $0x3  }
0x25: {  	s20 =	simm.s32 $0x0  }
0x26: {  	v6 =	vld.idx.msk [tilespmem:v0+s20+$0x30 ss:$0x1], $0xffff  }
0x27: {  	v7 =	vld.idx.msk [tilespmem:v0+s20+$0xFFFFFFC0 ss:$0x1], $0xffff  }
0x28: {  	v5 =	vld.idx.msk [tilespmem:v0+s20+$0xFFFFFFD0 ss:$0x1], $0xffff  }
0x29: {  	v4 =	vld.idx.msk [tilespmem:v0+s20+$0xFFFFFFE0 ss:$0x1], $0xffff  }
0x2a: {  	v3 =	vld.idx.msk [tilespmem:v0+s20+$0xFFFFFFF0 ss:$0x1], $0xffff  }
0x2b: {  	v1 =	vld.idx.msk [tilespmem:v0+s20+$0x0 ss:$0x1], $0xffff  }
0x2c: {  	v2 =	vld.idx.msk [tilespmem:v0+s20+$0x10 ss:$0x1], $0xffff;
	[tilespmem:s16+$0x30] =	vst v6  }
0x2d: {  	s19 =	simm.s32 $0x80;
	s21 =	simm.s32 $0x400;
	[tilespmem:s16+$0xFFFFFFC0] =	vst v7;
	v6 =	vld.idx.msk [tilespmem:v0+s20+$0x20 ss:$0x1], $0xffff;
	s20 =	smov.u32 s16  }
.LBB1_5:
0x2e: {  	p1 =	sne.s32 s21, $0xE00;
	v7 =	vld.idx.msk [tilespmem:v0+s19+$0x30 ss:$0x1], $0xffff;
	[tilespmem:s20+$0xFFFFFFD0] =	vst v5  }
0x2f: {  	v8 =	vld.idx.msk [tilespmem:v0+s19+$0xFFFFFFC0 ss:$0x1], $0xffff;
	[tilespmem:s20+$0xFFFFFFE0] =	vst v4  }
0x30: {  	v5 =	vld.idx.msk [tilespmem:v0+s19+$0xFFFFFFD0 ss:$0x1], $0xffff;
	[tilespmem:s20+$0xFFFFFFF0] =	vst v3  }
.Ltmp3:
0x31: {  	v4 =	vld.idx.msk [tilespmem:v0+s19+$0xFFFFFFE0 ss:$0x1], $0xffff;
	[tilespmem:s20+$0x0] =	vst v1;
	(pc) =	sbr.rel @p1 .LBB1_5-.Ltmp3, $4  }
0x32: {  	v3 =	vld.idx.msk [tilespmem:v0+s19+$0xFFFFFFF0 ss:$0x1], $0xffff;
	[tilespmem:s20+$0x10] =	vst v2  }
0x33: {  	v1 =	vld.idx.msk [tilespmem:v0+s19+$0x0 ss:$0x1], $0xffff;
	[tilespmem:s20+$0x20] =	vst v6;
	s20 =	sadd.s32 $0x400, s20  }
0x34: {  	v2 =	vld.idx.msk [tilespmem:v0+s19+$0x10 ss:$0x1], $0xffff;
	[tilespmem:s20+$0x30] =	vst v7  }
0x35: {  	[tilespmem:s20+$0xFFFFFFC0] =	vst v8;
	v6 =	vld.idx.msk [tilespmem:v0+s19+$0x20 ss:$0x1], $0xffff;
	s19 =	sshra.s32 s21, $0x2;
	s21 =	sadd.s32 $0x200, s21  }
0x36: {  	_ =	sdelay $0x2  }
0x37: {  	[tilespmem:s20+$0xFFFFFFD0] =	vst v5  }
0x38: {  	v56 =	vld.idx.msk [tilespmem:v0+s19+$0x30 ss:$0x1], $0xffff;
	[tilespmem:s20+$0xFFFFFFE0] =	vst v4  }
0x39: {  	v57 =	vld.idx.msk [tilespmem:v0+s19+$0xFFFFFFC0 ss:$0x1], $0xffff;
	[tilespmem:s20+$0xFFFFFFF0] =	vst v3  }
0x3a: {  	v58 =	vld.idx.msk [tilespmem:v0+s19+$0xFFFFFFD0 ss:$0x1], $0xffff;
	[tilespmem:s20+$0x0] =	vst v1  }
0x3b: {  	v59 =	vld.idx.msk [tilespmem:v0+s19+$0xFFFFFFE0 ss:$0x1], $0xffff;
	[tilespmem:s20+$0x10] =	vst v2  }
0x3c: {  	v60 =	vld.idx.msk [tilespmem:v0+s19+$0xFFFFFFF0 ss:$0x1], $0xffff;
	s31 =	sadd.s32 $0x400, s20;
	[tilespmem:s20+$0x20] =	vst v6  }
0x3d: {  	v61 =	vld.idx.msk [tilespmem:v0+s19+$0x0 ss:$0x1], $0xffff;
	[tilespmem:s31+$0x30] =	vst v56  }
0x3e: {  	v62 =	vld.idx.msk [tilespmem:v0+s19+$0x10 ss:$0x1], $0xffff;
	s18 =	sadd.s32 $0x1, s18;
	[tilespmem:s31+$0xFFFFFFC0] =	vst v57  }
0x3f: {  	v63 =	vld.idx.msk [tilespmem:v0+s19+$0x20 ss:$0x1], $0xffff;
	p1 =	sne.s32 s18, $0x8;
	[tilespmem:s31+$0xFFFFFFD0] =	vst v58  }
.Ltmp4:
0x40: {  	[tilespmem:s31+$0xFFFFFFE0] =	vst v59;
	(pc) =	sbr.rel @p1 .LBB1_4-.Ltmp4, $4  }
0x41: {  	[tilespmem:s31+$0xFFFFFFF0] =	vst v60  }
0x42: {  	[tilespmem:s31+$0x0] =	vst v61  }
0x43: {  	[tilespmem:s31+$0x10] =	vst v62  }
0x44: {  	s16 =	sadd.s32 $0x80, s16;
	s17 =	sadd.s32 $0x400, s17;
	[tilespmem:s31+$0x20] =	vst v63  }
.Ltmp5:
0x45: {  	(pc) =	sbr.rel @p0 .LBB1_3-.Ltmp5, $2  }
0x46: {  	_ =	sdelay $0x2  }
0x47: {  	s16 =	simm.s32 $0x2000;
	p1 =	por $0x0, $0x0  }
.Ltmp6:
0x48: {  	(pc) =	sbr.rel .LBB1_9-.Ltmp6, $4  }
0x49: {  	_ = 	snop  }
0x4a: {  	s12 =	sshll.u32 s12, $0xA  }
0x4b: {  	s12 =	sadd.s32 s4, s12  }
0x4c: {  	[hbm4b:s12+s8] =	stream.linear.scatter [tilespmem:s13], [sflag:$0x2], $0x4000, $0x38;
	[tilespmem:$0x10000] =	vst v63  }
.LBB1_10:
0x4d: {  	_ =	sfence.sel $0x180000  }
0x4e: {  	s2 =	simm.s32 $0x1;
	[bflag:$0x0] =	sbarrier.arrive $0xFFFF  }
0x4f: {  	s31 =	simm.s32 $0x2;
	[sflag:s2] =	ssyncpa.u1 $0x1  }
0x50: {  	[sflag:s31] =	ssyncpa.u1 $0x1  }
0x51: {  	p0 =	sne.s32 s0, $0x0;
	_ =	strace $0x90000047  }
0x52: {  	s0 =	sadd.s32 @!p0 $0x100000, s1;
	[bflag:$0x2] =	sbarrier.arrive $0xFFFF  }
0x53: {  	[sflag:s0] =	ssyncadd.tile.s32 @!p0 $0x1;
	_ =	shalt  }
.Lfunc_end1:
_tile_overlayer_lowered:
.L_overlay_start_2:
0x54: {  	(tag) =	ssettag $0x2  }
0x55: {  	s0 =	rddreg [dreg:$0x0];
	s2 =	stileid.u32  }
0x56: {  	s1 =	rddreg [dreg:$0x1];
	p0 =	sne.s32 s2, $0x0  }
0x57: {  	s3 =	rddreg [dreg:$0x2];
	[bflag:$0x3] =	sbarrier.arrive $0xFFFF;
	s2 =	simm.s32 @!p0 $0x1C01  }
0x58: {  	[timem:s3], [sflag:s2] =	dma.local @!p0 [hbm:s0], s1  }
0x59: {  	s0 =	simm.s32 @!p0 $0x1  }
0x5a: {  	_ =	swait.ge @!p0 [sflag:s0], s1  }
0x5b: {  	s1 =	ssub.s32 @!p0 $0x0, s1;
	[sflag:s0] =	ssyncset.done @!p0 $0x0  }
0x5c: {  	[sflag:s0] =	ssyncadd.s32 @!p0 s1  }
0x5d: {  	[bflag:$0x3] =	sbarrier.arrive $0xFFFF  }
0x5e: {  	_ =	shalt  }

// kernel: sparse-core-data-format-call.2.cloned.1.call-start
scs
called_computation.2_lowered:
.L_overlay_start_0:
0x0: {  	s2 =	sld [smem:$0x3FD9]  }
0x1: {  	s3 =	sld [smem:$0x3FFE];
	_ =	sdelay $0x1  }
0x2: {  	s1 =	srdreg.scid  }
0x3: {  	s0 =	sand.u32 $0x1, s1  }
0x4: {  	s19 =	sshll.u32 s0, $0xA;
	s2 =	sadd.s32 s3, s2  }
0x5: {  	s2 =	sadd.s32 s2, s19  }
0x6: {  	[smem:$0x3FC6] =	sst s2  }
0x7: {  	_ = 	snop  }
0x8: {  	s20 =	sld [smem:$0x3FC9]  }
0x9: {  	s4 =	sld [smem:$0x3FD0];
	(tm) =	ssettm $0x1  }
0xa: {  	s21 =	sld [smem:$0x3FFB];
	_ =	sdelay $0x3  }
0xb: {  	_ =	strace s21  }
0xc: {  	s2 =	sld [smem:$0x3FFC];
	_ =	sdelay $0x3  }
0xd: {  	_ =	strace s2  }
0xe: {  	s2 =	sld [smem:$0x3FFD];
	_ =	sdelay $0x3  }
0xf: {  	_ =	strace s2  }
0x10: {  	_ =	strace $0x8FFFFFFF  }
0x11: {  	s22 =	sld [smem:$0x3FDB];
	_ =	sdelay $0x1  }
0x12: {  	s5 =	simm.s32 $_scs_section_size  }
0x13: {  	s6 =	simm.s32 $_size__tile_overlayer_lowered;
	s7 =	simm.s32 $_tile_overlayer_lowered  }
0x14: {  	s8 =	simm.s32 $0x1BFF;
	s23 =	sshll.u32 s7, $0x1;
	s5 =	sadd.s32 s5, s22  }
0x15: {  	s24 =	simm.s32 $0x0;
	s6 =	sshll.u32 s6, $0x1;
	s7 =	sadd.s32 s23, s5  }
0x16: {  	[timem:s24], [sflag:s8] =	dma.local [hbm:s7], s6  }
0x17: {  	_ =	swait.ge [sflag:s8], s6  }
0x18: {  	s6 =	ssub.s32 $0x0, s6;
	[sflag:s8] =	ssyncset.done $0x0  }
0x19: {  	[sflag:s8] =	ssyncadd.s32 s6;
	_ =	sdelay $0x1  }
0x1a: {  	s25 =	simm.s32 $0x1B8B  }
0x1b: {  	_ =	swait.ge [sflag:s25], $0x1  }
0x1c: {  	[sflag:s25] =	ssyncset.done $0x0  }
0x1d: {  	[sflag:s25] =	ssyncadd.s32 $0xFFFFFFFF  }
0x1e: {  	s6 =	sld [smem:$0x0]  }
0x1f: {  	s7 =	sand.u32 $0xFFFFFFFE, s1  }
0x20: {  	p0 =	sne.s32 s1, s7  }
0x21: {  	s7 =	sshll.u32 @p0 s7, $0xE  }
0x22: {  	s7 =	sadd.s32 @p0 $0x11B8D, s7;
	s8 =	sshll.u32 @p0 s6, $0x11  }
0x23: {  	s7 =	sor.u32 @p0 s8, s7  }
0x24: {  	[sflag:s7] =	ssyncadd.remote.s32 @p0 $0x1;
	_ =	sdelay $0x1  }
0x25: {  	s7 =	simm.s32 @p0 $0x1B8D  }
0x26: {  	_ =	swait.eq @p0 [sflag:s7], $0x1  }
0x27: {  	[sflag:s7] =	ssyncadd.s32 @p0 $0xFFFFFFFF  }
0x28: {  	s8 =	sshll.u32 @!p0 s1, $0xE  }
0x29: {  	s8 =	sor.u32 @!p0 $0x4000, s8;
	s7 =	simm.s32 @!p0 $0x1B8D  }
0x2a: {  	s6 =	sshll.u32 @!p0 s6, $0x11;
	s8 =	sadd.s32 @!p0 $0x11B8D, s8;
	_ =	swait.eq @!p0 [sflag:s7], $0x1  }
0x2b: {  	s6 =	sor.u32 @!p0 s6, s8;
	[sflag:s7] =	ssyncadd.s32 @!p0 $0xFFFFFFFF  }
0x2c: {  	s26 =	simm.s32 $0x1B8E;
	[sflag:s6] =	ssyncadd.remote.s32 @!p0 $0x1  }
0x2d: {  	s27 =	simm.s32 $execute0_lowered;
	[smem:$0x3FD2] =	sst s26  }
0x2e: {  	s6 =	sshll.u32 s27, $0x1;
	_ =	strace $0x80000049;
	[dreg:$0x1] =	wrdreg $0xFFFFFFFF  }
0x2f: {  	s28 =	simm.s32 $_size_execute0_lowered;
	s5 =	sadd.s32 s5, s6;
	[dreg:$0x0] =	wrdreg $0x0  }
0x30: {  	s6 =	sshll.u32 s28, $0x1;
	[dreg:$0x2] =	wrdreg s5  }
0x31: {  	[dreg:$0x3] =	wrdreg s6  }
0x32: {  	[dreg:$0x4] =	wrdreg $0xC0  }
0x33: {  	_ =	task [dreg:s24], $0x5FFFF  }
0x34: {  	[dreg:$0x1] =	wrdreg $0xFFFFFFFF  }
0x35: {  	[dreg:$0x0] =	wrdreg $0x60  }
0x36: {  	[dreg:$0x2] =	wrdreg s20  }
0x37: {  	[dreg:$0x3] =	wrdreg s4  }
0x38: {  	[dreg:$0x4] =	wrdreg $0xA  }
0x39: {  	_ =	task.clear_ibuf [dreg:s24], $0x5FFFF;
	_ =	strace $0x90000049  }
0x3a: {  	s29 =	simm.s32 $0xA;
	_ =	strace $0x8000004B  }
0x3b: {  	_ =	swait.ge [sflag:s29], $0x1  }
0x3c: {  	[sflag:s29] =	ssyncadd.s32 $0xFFFFFFFF  }
0x3d: {  	_ =	strace $0x9000004B  }
0x3e: {  	_ =	sfence  }
0x3f: {  	s30 =	sld [smem:$0x0];
	_ =	sdelay $0x2  }
0x40: {  	s31 =	sshll.u32 s1, $0xD;
	s1 =	sshrl.u32 s1, $0x2  }
0x41: {  	s4 =	sand.u32 $0x4000, s31;
	s1 =	sadd.s32 s1, s30  }
0x42: {  	s0 =	sor.u32 s4, s0;
	s1 =	sshll.u32 s1, $0x11  }
0x43: {  	s0 =	sor.u32 s1, s0  }
0x44: {  	s0 =	sadd.s32 $0x8F2B, s0  }
0x45: {  	[sflag:s0] =	ssyncadd.remote.s32 $0x1  }
0x46: {  	_ =	sfence.sel $0xFFFF  }
0x47: {  	[dreg:$0x0] =	wrdreg $0xFFFFFFFF;
	(pc) =	sbr.abs _section_cstart, $3  }
0x48: {  	[dreg:$0x1] =	wrdreg $0xFFFFFFFF  }
0x49: {  	_ =	task.clear_ibuf [dreg:s24], $0x2FFFF;
	_ =	strace $0x9FFFFFFF  }
0x4a: {  	(tm) =	ssettm $0x7FFFFFFF  }
0x4b: {  	_ =	shalt  }
tec
execute0_lowered:
.L_overlay_start_1:
0x0: {  	(tag) =	ssettag $0x1  }
0x1: {  	s0 =	stileid.u32;
	s3 =	rddreg [dreg:$0x0]  }
0x2: {  	s1 =	srdreg.scid;
	s4 =	rddreg [dreg:$0x1]  }
0x3: {  	s7 =	simm.s32 $0x1;
	s2 =	sshll.u32 s0, $0x5;
	s1 =	sshll.u32 s1, $0x9  }
0x4: {  	s31 =	simm.s32 $0x2;
	s15 =	simm.s32 $0x0;
	s1 =	sor.u32 s2, s1  }
0x5: {  	s9 =	simm.s32 $0x1000;
	s10 =	simm.s32 $0x0;
	s2 =	sand.u32 $0x380, s1  }
0x6: {  	s16 =	simm.s32 $0x0;
	s17 =	simm.s32 $0x0;
	s5 =	ssub.s32 $0x1000, s2  }
0x7: {  	s11 =	simm.s32 $0x0;
	s14 =	simm.s32 $0x0;
	s6 =	sand.u32 $0x380, s5  }
.Ltmp0:
0x8: {  	s1 =	rddreg [dreg:$0x2];
	p0 =	sne.s32 s6, $0x0;
	(pc) =	sbr.rel .LBB1_1-.Ltmp0, $4  }
0x9: {  	_ =	strace $0x8000004A;
	s8 =	sshrl.u32 s5, $0xA;
	s7 =	simm.s32 @!p0 $0x0  }
0xa: {  	s12 =	smov.u32 s2;
	s6 =	simm.s32 $0x1;
	s7 =	sadd.s32 s7, s8  }
0xb: {  	s5 =	sand.u32 $0x3, s0;
	[sflag:s6] =	ssyncpa.u1 $0x0;
	s7 =	sshll.u32 s7, $0x3  }
0xc: {  	s13 =	smov.u32 s5;
	[sflag:s31] =	ssyncpa.u1 $0x0;
	s8 =	sor.u32 $0x1, s7  }
.LBB1_4:
0xd: {  	_ =	sdelay $0x3  }
0xe: {  	[tilespmem:v0+s20+$0xFFFFFFA0 ss:$0x1] =	vst.idx.msk $0xffff, v6  }
0xf: {  	v56 =	vld.idx.msk [tilespmem:v1+s19+$0x30 ss:$0x1], $0xffff;
	[tilespmem:v0+s20+$0xFFFFFFB0 ss:$0x1] =	vst.idx.msk $0xffff, v4  }
0x10: {  	v57 =	vld.idx.msk [tilespmem:v1+s19+$0xFFFFFFC0 ss:$0x1], $0xffff;
	[tilespmem:v0+s20+$0xFFFFFFC0 ss:$0x1] =	vst.idx.msk $0xffff, v2  }
0x11: {  	v58 =	vld.idx.msk [tilespmem:v1+s19+$0xFFFFFFD0 ss:$0x1], $0xffff;
	[tilespmem:v0+s20+$0xFFFFFFD0 ss:$0x1] =	vst.idx.msk $0xffff, v3  }
0x12: {  	v59 =	vld.idx.msk [tilespmem:v1+s19+$0xFFFFFFE0 ss:$0x1], $0xffff;
	[tilespmem:v0+s20+$0xFFFFFFE0 ss:$0x1] =	vst.idx.msk $0xffff, v5  }
0x13: {  	v60 =	vld.idx.msk [tilespmem:v1+s19+$0xFFFFFFF0 ss:$0x1], $0xffff;
	[tilespmem:v0+s20+$0xFFFFFFF0 ss:$0x1] =	vst.idx.msk $0xffff, v7  }
0x14: {  	v61 =	vld.idx.msk [tilespmem:v1+s19+$0x0 ss:$0x1], $0xffff;
	[tilespmem:v0+s19+$0x0 ss:$0x1] =	vst.idx.msk $0xffff, v56  }
0x15: {  	v62 =	vld.idx.msk [tilespmem:v1+s19+$0x10 ss:$0x1], $0xffff;
	[tilespmem:v0+s19+$0xFFFFFF90 ss:$0x1] =	vst.idx.msk $0xffff, v57  }
0x16: {  	s17 =	sshll.u32 s17, $0x7;
	v63 =	vld.idx.msk [tilespmem:v1+s19+$0x20 ss:$0x1], $0xffff;
	s28 =	sand.u32 $0x78, s15;
	s21 =	sshll.u32 s15, $0x2;
	[tilespmem:v0+s19+$0xFFFFFFA0 ss:$0x1] =	vst.idx.msk $0xffff, v58  }
0x17: {  	s16 =	sshll.u32 s16, $0x9;
	s30 =	sshrl.u32 s15, $0x1;
	s17 =	sand.u32 $0x180, s17;
	[tilespmem:v0+s19+$0xFFFFFFB0 ss:$0x1] =	vst.idx.msk $0xffff, v59  }
0x18: {  	s31 =	sand.u32 $0x7, s15;
	s29 =	sand.u32 $0x200, s21;
	s17 =	sor.u32 s17, s28;
	[tilespmem:v0+s19+$0xFFFFFFC0 ss:$0x1] =	vst.idx.msk $0xffff, v60  }
0x19: {  	s20 =	sand.u32 $0x180, s30;
	s16 =	sadd.s32 s4, s16;
	s17 =	sor.u32 s29, s17;
	[tilespmem:v0+s19+$0xFFFFFFD0 ss:$0x1] =	vst.idx.msk $0xffff, v61  }
0x1a: {  	s15 =	sshll.u32 s31, $0x12;
	s16 =	sadd.s32 s20, s16;
	s17 =	sshrl.u32 s17, $0x3;
	[tilespmem:v0+s19+$0xFFFFFFE0 ss:$0x1] =	vst.idx.msk $0xffff, v62  }
0x1b: {  	s15 =	sor.u32 $0x80, s15;
	[tilespmem:v0+s19+$0xFFFFFFF0 ss:$0x1] =	vst.idx.msk $0xffff, v63;
	s16 =	sadd.s32 s17, s16  }
0x1c: {  	[hbm4b:s16+s15] =	stream.strided.scatter [tilespmem:s18], [sflag:$0x2], $0x4000, s9, s15, $0x38;
	[tilespmem:$0x10000] =	vst v63  }
.LBB1_5:
0x1d: {  	s18 =	sadd.s32 $0x80, s11  }
0x1e: {  	s15 =	sadd.s32 $0x400, s12;
	s19 =	smov.u32 s12;
	p1 =	sgt.s32 s18, $0x3FF  }
0x1f: {  	s19 =	smov.u32 @p1 s15  }
0x20: {  	s21 =	smov.u32 s13;
	s15 =	sadd.s32 $0x4, s13;
	p2 =	sgt.s32 s19, $0xFFF  }
0x21: {  	s21 =	smov.u32 @p2 s15  }
0x22: {  	s18 =	simm.s32 @p1 $0x0;
	p1 =	sgt.s32 s21, $0x3  }
0x23: {  	p0 =	slt.u32 s14, $0x2;
	s21 =	smov.u32 @p1 s5;
	p1 =	sne.s32 s14, s8  }
.Ltmp1:
0x24: {  	s20 =	simm.s32 @!p0 $0x2;
	(pc) =	sbr.rel @!p1 .LBB1_6-.Ltmp1, $4  }
0x25: {  	s16 =	smov.u32 s12;
	s17 =	smov.u32 s13;
	_ =	swait.ge @!p0 [sflag:s20], $0x4000  }
0x26: {  	s10 =	sadd.s32 $0x4000, s10;
	[sflag:s20] =	ssyncset.done @!p0 $0x0;
	s19 =	smov.u32 @p2 s2  }
0x27: {  	s15 =	smov.u32 s11;
	[sflag:s20] =	ssyncadd.s32 @!p0 $0xFFFFC000;
	s11 =	smov.u32 s18  }
0x28: {  	s12 =	smov.u32 s19;
	s14 =	sadd.s32 $0x1, s14;
	s13 =	smov.u32 s21  }
.LBB1_1:
0x29: {  	p0 =	sge.u32 s14, s7  }
0x2a: {  	s31 =	sadd.s32 $0xFFFFFFFF, s14;
	s18 =	sshll.u32 @!p0 s12, $0x7  }
0x2b: {  	s19 =	sxor.u32 @!p0 $0xFFFFFFFF, s14;
	s20 =	sand.u32 @!p0 $0x78, s11;
	s21 =	sand.u32 @!p0 $0x380, s18  }
0x2c: {  	s19 =	sshll.u32 @!p0 s19, $0xE;
	s20 =	sor.u32 @!p0 s20, s21;
	s21 =	sshll.u32 @!p0 s13, $0x13  }
0x2d: {  	s18 =	sand.u32 @!p0 $0x7FC00, s18;
	s20 =	sshrl.u32 @!p0 s20, $0x3;
	s21 =	sadd.s32 @!p0 s3, s21  }
0x2e: {  	s18 =	sadd.s32 @!p0 s11, s18;
	s20 =	sadd.s32 @!p0 s20, s21;
	s21 =	sand.u32 @!p0 $0x7, s11  }
0x2f: {  	s19 =	sand.u32 @!p0 $0x4000, s19;
	s18 =	sand.u32 @!p0 $0x7FF80, s18;
	s21 =	sshll.u32 @!p0 s21, $0x12  }
0x30: {  	s18 =	sadd.s32 @!p0 s18, s20;
	s20 =	sor.u32 @!p0 $0x400, s21;
	s21 =	simm.s32 @!p0 $0x2000  }
0x31: {  	[tilespmem:s19], [sflag:$0x1] =	stream.strided.gather @!p0 [hbm4b:s18+s20], $0x4000, s21, s20, $0x38;
	[tilespmem:$0x10000] =	vst v63  }
0x32: {  	p0 =	sge.u32 s31, s7  }
.Ltmp2:
0x33: {  	_ = 	snop;
	(pc) =	sbr.rel @p0 .LBB1_5-.Ltmp2, $1  }
0x34: {  	_ =	sdelay $0x3  }
0x35: {  	s18 =	sand.u32 $0x4000, s10  }
0x36: {  	s19 =	sor.u32 $0x40, s18  }
0x37: {  	v1 =	vmov s19;
	_ =	sdelay $0x1  }
0x38: {  	_ =	swait.ge [sflag:s6], $0x4000  }
0x39: {  	[sflag:s6] =	ssyncset.done $0x0  }
0x3a: {  	s20 =	simm.s32 $0x0;
	[sflag:s6] =	ssyncadd.s32 $0xFFFFC000  }
0x3b: {  	s18 =	sor.u32 $0x8070, s18;
	v7 =	vld.idx.msk [tilespmem:v1+s20+$0x30 ss:$0x1], $0xffff  }
0x3c: {  	v0 =	vmov s18;
	v8 =	vld.idx.msk [tilespmem:v1+s20+$0xFFFFFFC0 ss:$0x1], $0xffff  }
0x3d: {  	v6 =	vld.idx.msk [tilespmem:v1+s20+$0xFFFFFFD0 ss:$0x1], $0xffff  }
0x3e: {  	v4 =	vld.idx.msk [tilespmem:v1+s20+$0xFFFFFFE0 ss:$0x1], $0xffff  }
0x3f: {  	v2 =	vld.idx.msk [tilespmem:v1+s20+$0xFFFFFFF0 ss:$0x1], $0xffff  }
0x40: {  	s31 =	sshll.u32 s14, $0xE;
	v3 =	vld.idx.msk [tilespmem:v1+s20+$0x0 ss:$0x1], $0xffff  }
0x41: {  	s18 =	sand.u32 $0x4000, s31;
	v5 =	vld.idx.msk [tilespmem:v1+s20+$0x10 ss:$0x1], $0xffff;
	[tilespmem:v0+s20+$0x0 ss:$0x1] =	vst.idx.msk $0xffff, v7  }
0x42: {  	s21 =	simm.s32 $0x400;
	s19 =	simm.s32 $0x80;
	s18 =	sor.u32 $0x8000, s18;
	[tilespmem:v0+s20+$0xFFFFFF90 ss:$0x1] =	vst.idx.msk $0xffff, v8;
	v7 =	vld.idx.msk [tilespmem:v1+s20+$0x20 ss:$0x1], $0xffff  }
.LBB1_3:
0x43: {  	p0 =	sne.s32 s21, $0xFE00;
	v8 =	vld.idx.msk [tilespmem:v1+s19+$0x30 ss:$0x1], $0xffff;
	[tilespmem:v0+s20+$0xFFFFFFA0 ss:$0x1] =	vst.idx.msk $0xffff, v6  }
0x44: {  	v9 =	vld.idx.msk [tilespmem:v1+s19+$0xFFFFFFC0 ss:$0x1], $0xffff;
	[tilespmem:v0+s20+$0xFFFFFFB0 ss:$0x1] =	vst.idx.msk $0xffff, v4  }
0x45: {  	v6 =	vld.idx.msk [tilespmem:v1+s19+$0xFFFFFFD0 ss:$0x1], $0xffff;
	[tilespmem:v0+s20+$0xFFFFFFC0 ss:$0x1] =	vst.idx.msk $0xffff, v2  }
.Ltmp3:
0x46: {  	v4 =	vld.idx.msk [tilespmem:v1+s19+$0xFFFFFFE0 ss:$0x1], $0xffff;
	[tilespmem:v0+s20+$0xFFFFFFD0 ss:$0x1] =	vst.idx.msk $0xffff, v3;
	(pc) =	sbr.rel @p0 .LBB1_3-.Ltmp3, $4  }
0x47: {  	v2 =	vld.idx.msk [tilespmem:v1+s19+$0xFFFFFFF0 ss:$0x1], $0xffff;
	[tilespmem:v0+s20+$0xFFFFFFE0 ss:$0x1] =	vst.idx.msk $0xffff, v5  }
0x48: {  	v3 =	vld.idx.msk [tilespmem:v1+s19+$0x0 ss:$0x1], $0xffff;
	[tilespmem:v0+s20+$0xFFFFFFF0 ss:$0x1] =	vst.idx.msk $0xffff, v7;
	s20 =	smov.u32 s19  }
0x49: {  	v5 =	vld.idx.msk [tilespmem:v1+s20+$0x10 ss:$0x1], $0xffff;
	[tilespmem:v0+s20+$0x0 ss:$0x1] =	vst.idx.msk $0xffff, v8  }
0x4a: {  	s19 =	sshra.s32 s21, $0x2;
	s21 =	sadd.s32 $0x200, s21;
	[tilespmem:v0+s20+$0xFFFFFF90 ss:$0x1] =	vst.idx.msk $0xffff, v9;
	v7 =	vld.idx.msk [tilespmem:v1+s20+$0x20 ss:$0x1], $0xffff  }
.Ltmp4:
0x4b: {  	_ = 	snop;
	(pc) =	sbr.rel .LBB1_4-.Ltmp4, $1  }
0x4c: {  	_ =	sdelay $0x3  }
.LBB1_6:
0x4d: {  	_ =	sfence.sel $0x180000  }
0x4e: {  	s2 =	simm.s32 $0x1;
	[bflag:$0x0] =	sbarrier.arrive $0xFFFF  }
0x4f: {  	s31 =	simm.s32 $0x2;
	[sflag:s2] =	ssyncpa.u1 $0x1  }
0x50: {  	[sflag:s31] =	ssyncpa.u1 $0x1  }
0x51: {  	p0 =	sne.s32 s0, $0x0;
	_ =	strace $0x9000004A  }
0x52: {  	s0 =	sadd.s32 @!p0 $0x100000, s1;
	[bflag:$0x2] =	sbarrier.arrive $0xFFFF  }
0x53: {  	[sflag:s0] =	ssyncadd.tile.s32 @!p0 $0x1;
	_ =	shalt  }
.Lfunc_end1:
_tile_overlayer_lowered:
.L_overlay_start_2:
0x54: {  	(tag) =	ssettag $0x2  }
0x55: {  	s0 =	rddreg [dreg:$0x0];
	s2 =	stileid.u32  }
0x56: {  	s1 =	rddreg [dreg:$0x1];
	p0 =	sne.s32 s2, $0x0  }
0x57: {  	s3 =	rddreg [dreg:$0x2];
	[bflag:$0x3] =	sbarrier.arrive $0xFFFF;
	s2 =	simm.s32 @!p0 $0x1C01  }
0x58: {  	[timem:s3], [sflag:s2] =	dma.local @!p0 [hbm:s0], s1  }
0x59: {  	s0 =	simm.s32 @!p0 $0x1  }
0x5a: {  	_ =	swait.ge @!p0 [sflag:s0], s1  }
0x5b: {  	s1 =	ssub.s32 @!p0 $0x0, s1;
	[sflag:s0] =	ssyncset.done @!p0 $0x0  }
0x5c: {  	[sflag:s0] =	ssyncadd.s32 @!p0 s1  }
0x5d: {  	[bflag:$0x3] =	sbarrier.arrive $0xFFFF  }
0x5e: {  	_ =	shalt  }

// kernel: sparse-core-data-format-call.cloned.1.call-start
scs
called_computation_lowered:
.L_overlay_start_0:
0x0: {  	s2 =	sld [smem:$0x3FD9]  }
0x1: {  	s3 =	sld [smem:$0x3FFE];
	_ =	sdelay $0x1  }
0x2: {  	s1 =	srdreg.scid  }
0x3: {  	s0 =	sand.u32 $0x1, s1  }
0x4: {  	s18 =	sshll.u32 s0, $0xA;
	s2 =	sadd.s32 s3, s2  }
0x5: {  	s2 =	sadd.s32 s2, s18  }
0x6: {  	[smem:$0x3FC6] =	sst s2  }
0x7: {  	_ = 	snop  }
0x8: {  	s2 =	sld [smem:$0x3FD0];
	(tm) =	ssettm $0x1  }
0x9: {  	s19 =	sld [smem:$0x3FFB];
	_ =	sdelay $0x3  }
0xa: {  	_ =	strace s19  }
0xb: {  	s3 =	sld [smem:$0x3FFC];
	_ =	sdelay $0x3  }
0xc: {  	_ =	strace s3  }
0xd: {  	s3 =	sld [smem:$0x3FFD];
	_ =	sdelay $0x3  }
0xe: {  	_ =	strace s3  }
0xf: {  	_ =	strace $0x8FFFFFFF  }
0x10: {  	s20 =	sld [smem:$0x3FDB];
	_ =	sdelay $0x1  }
0x11: {  	s4 =	simm.s32 $_scs_section_size  }
0x12: {  	s5 =	simm.s32 $_size__tile_overlayer_lowered;
	s6 =	simm.s32 $_tile_overlayer_lowered  }
0x13: {  	s23 =	simm.s32 $0x1BFF;
	s22 =	sshll.u32 s6, $0x1;
	s3 =	sadd.s32 s4, s20  }
0x14: {  	s7 =	simm.s32 $0x0;
	s21 =	sshll.u32 s5, $0x1;
	s5 =	sadd.s32 s22, s3  }
0x15: {  	[timem:s7], [sflag:s23] =	dma.local [hbm:s5], s21  }
0x16: {  	_ =	swait.ge [sflag:s23], s21  }
0x17: {  	s4 =	ssub.s32 $0x0, s21;
	[sflag:s23] =	ssyncset.done $0x0  }
0x18: {  	[sflag:s23] =	ssyncadd.s32 s4;
	_ =	sdelay $0x1  }
0x19: {  	s24 =	simm.s32 $0x1B8B  }
0x1a: {  	_ =	swait.ge [sflag:s24], $0x1  }
0x1b: {  	[sflag:s24] =	ssyncset.done $0x0  }
0x1c: {  	s26 =	simm.s32 $0x1B8E;
	s25 =	sld [smem:$0x3FFE];
	[sflag:s24] =	ssyncadd.s32 $0xFFFFFFFF  }
0x1d: {  	s27 =	simm.s32 $execute0_lowered;
	[smem:$0x3FD2] =	sst s26  }
0x1e: {  	s5 =	sshll.u32 s27, $0x1;
	_ =	strace $0x8000004F;
	[dreg:$0x1] =	wrdreg $0xFFFFFFFF  }
0x1f: {  	s28 =	simm.s32 $_size_execute0_lowered;
	s3 =	sadd.s32 s3, s5;
	[dreg:$0x0] =	wrdreg $0x0  }
0x20: {  	s5 =	sshll.u32 s28, $0x1;
	[dreg:$0x2] =	wrdreg s3  }
0x21: {  	[dreg:$0x3] =	wrdreg s5  }
0x22: {  	[dreg:$0x4] =	wrdreg $0xC0  }
0x23: {  	_ =	task [dreg:s7], $0x5FFFF  }
0x24: {  	[dreg:$0x1] =	wrdreg $0xFFFFFFFF  }
0x25: {  	[dreg:$0x0] =	wrdreg $0x60  }
0x26: {  	[dreg:$0x2] =	wrdreg s25  }
0x27: {  	[dreg:$0x3] =	wrdreg s2  }
0x28: {  	[dreg:$0x4] =	wrdreg $0x9  }
0x29: {  	_ =	task.clear_ibuf [dreg:s7], $0x5FFFF;
	_ =	strace $0x9000004F  }
0x2a: {  	s29 =	simm.s32 $0x9;
	_ =	strace $0x80000051  }
0x2b: {  	_ =	swait.ge [sflag:s29], $0x1  }
0x2c: {  	[sflag:s29] =	ssyncadd.s32 $0xFFFFFFFF  }
0x2d: {  	_ =	strace $0x90000051  }
0x2e: {  	_ =	sfence  }
0x2f: {  	s30 =	sld [smem:$0x0];
	_ =	sdelay $0x2  }
0x30: {  	s31 =	sshll.u32 s1, $0xD;
	s1 =	sshrl.u32 s1, $0x2  }
0x31: {  	s3 =	sand.u32 $0x4000, s31;
	s1 =	sadd.s32 s1, s30  }
0x32: {  	s0 =	sor.u32 s3, s0;
	s1 =	sshll.u32 s1, $0x11  }
0x33: {  	s0 =	sor.u32 s1, s0  }
0x34: {  	s0 =	sadd.s32 $0x8F2B, s0  }
0x35: {  	[sflag:s0] =	ssyncadd.remote.s32 $0x1  }
0x36: {  	_ =	sfence.sel $0xFFFF  }
0x37: {  	[dreg:$0x0] =	wrdreg $0xFFFFFFFF;
	(pc) =	sbr.abs _section_cstart, $3  }
0x38: {  	[dreg:$0x1] =	wrdreg $0xFFFFFFFF  }
0x39: {  	_ =	task.clear_ibuf [dreg:s7], $0x2FFFF;
	_ =	strace $0x9FFFFFFF  }
0x3a: {  	(tm) =	ssettm $0x7FFFFFFF  }
0x3b: {  	_ =	shalt  }
tec
execute0_lowered:
.L_overlay_start_1:
0x0: {  	(tag) =	ssettag $0x1  }
0x1: {  	s5 =	rddreg [dreg:$0x0]  }
0x2: {  	s0 =	srdreg.scid;
	s3 =	rddreg [dreg:$0x1];
	s7 =	simm.s32 $0x1  }
0x3: {  	s8 =	simm.s32 $0x2;
	s14 =	simm.s32 $0x0;
	s1 =	sshll.u32 s0, $0x4  }
0x4: {  	s9 =	simm.s32 $0x0;
	s0 =	stileid.u32;
	s1 =	sand.u32 $0x10, s1  }
0x5: {  	s15 =	simm.s32 $0x0;
	s16 =	simm.s32 $0x0;
	s1 =	sor.u32 s0, s1  }
0x6: {  	s10 =	simm.s32 $0x0;
	s11 =	simm.s32 $0x0;
	s2 =	sshll.u32 s1, $0x3  }
0x7: {  	s13 =	simm.s32 $0x0;
	s5 =	sadd.s32 $0x101000, s5;
	s6 =	ssub.s32 $0x1000, s2  }
.Ltmp0:
0x8: {  	s1 =	rddreg [dreg:$0x2];
	s4 =	sand.u32 $0xF8, s6;
	(pc) =	sbr.rel .LBB1_1-.Ltmp0, $4  }
0x9: {  	_ =	strace $0x80000050;
	p0 =	sne.s32 s4, $0x0;
	s4 =	simm.s32 $0x1  }
0xa: {  	s6 =	sshrl.u32 s6, $0x8;
	s7 =	simm.s32 @!p0 $0x0;
	[sflag:s4] =	ssyncpa.u1 $0x0  }
0xb: {  	s12 =	smov.u32 s2;
	s7 =	sadd.s32 s7, s6;
	[sflag:s8] =	ssyncpa.u1 $0x0  }
0xc: {  	s8 =	simm.s32 $0x400000;
	s6 =	sshll.u32 s7, $0x1;
	s7 =	sshllo.u32 s7, $0x1  }
.LBB1_7:
0xd: {  	s17 =	sadd.s32 $0x200, s10  }
0xe: {  	s14 =	sadd.s32 $0x4, s11;
	s18 =	smov.u32 s11;
	p1 =	sgt.s32 s17, $0x3FF  }
0xf: {  	s18 =	smov.u32 @p1 s14  }
0x10: {  	s20 =	smov.u32 s12;
	s14 =	sadd.s32 $0x100, s12;
	p2 =	sgt.s32 s18, $0x3  }
0x11: {  	s20 =	smov.u32 @p2 s14  }
0x12: {  	s17 =	simm.s32 @p1 $0x0;
	p1 =	sgt.s32 s20, $0xFFF  }
0x13: {  	p0 =	slt.u32 s13, $0x2;
	s20 =	smov.u32 @p1 s2;
	p1 =	sne.s32 s13, s7  }
.Ltmp1:
0x14: {  	s19 =	simm.s32 @!p0 $0x2;
	(pc) =	sbr.rel @!p1 .LBB1_8-.Ltmp1, $4  }
0x15: {  	s15 =	smov.u32 s11;
	s16 =	smov.u32 s12;
	_ =	swait.ge @!p0 [sflag:s19], $0x4000  }
0x16: {  	s9 =	sadd.s32 $0x4000, s9;
	[sflag:s19] =	ssyncset.done @!p0 $0x0;
	s18 =	simm.s32 @p2 $0x0  }
0x17: {  	s14 =	smov.u32 s10;
	[sflag:s19] =	ssyncadd.s32 @!p0 $0xFFFFC000;
	s10 =	smov.u32 s17  }
0x18: {  	s11 =	smov.u32 s18;
	s13 =	sadd.s32 $0x1, s13;
	s12 =	smov.u32 s20  }
.LBB1_1:
0x19: {  	p0 =	sge.u32 s13, s6  }
0x1a: {  	s17 =	sshll.u32 @!p0 s11, $0x7  }
0x1b: {  	s18 =	sand.u32 @!p0 $0x78, s10;
	s19 =	sshll.u32 @!p0 s10, $0x2;
	s17 =	sand.u32 @!p0 $0x180, s17  }
0x1c: {  	s31 =	sadd.s32 $0xFFFFFFFF, s13;
	s19 =	sand.u32 @!p0 $0x200, s19;
	s17 =	sor.u32 @!p0 s17, s18  }
0x1d: {  	s18 =	sshll.u32 @!p0 s12, $0x9;
	s17 =	sor.u32 @!p0 s19, s17;
	s19 =	sshrl.u32 @!p0 s10, $0x1  }
0x1e: {  	s20 =	sxor.u32 @!p0 $0xFFFFFFFF, s13;
	s18 =	sadd.s32 @!p0 s5, s18;
	s19 =	sand.u32 @!p0 $0x180, s19  }
0x1f: {  	s20 =	sshll.u32 @!p0 s20, $0xE;
	s18 =	sadd.s32 @!p0 s19, s18;
	s19 =	sand.u32 @!p0 $0x7, s10  }
0x20: {  	s20 =	sand.u32 @!p0 $0x4000, s20;
	s17 =	sshrl.u32 @!p0 s17, $0x3;
	s19 =	sshll.u32 @!p0 s19, $0x12  }
0x21: {  	s17 =	sadd.s32 @!p0 s17, s18;
	s18 =	sor.u32 @!p0 $0x800, s19;
	s19 =	simm.s32 @!p0 $0x1000  }
0x22: {  	[tilespmem:s20], [sflag:$0x1] =	stream.strided.gather @!p0 [hbm4b:s17+s18], $0x4000, s19, s18, $0x38;
	[tilespmem:$0x10000] =	vst v63  }
0x23: {  	p0 =	sge.u32 s31, s6  }
.Ltmp2:
0x24: {  	_ = 	snop;
	(pc) =	sbr.rel @p0 .LBB1_7-.Ltmp2, $1  }
0x25: {  	_ =	sdelay $0x3  }
0x26: {  	s17 =	sshll.u32 s9, $0x2;
	_ =	swait.ge [sflag:s4], $0x4000;
	s31 =	sshll.u32 s13, $0xE  }
0x27: {  	s21 =	simm.s32 $0x0;
	s22 =	simm.s32 $0x0;
	s17 =	sand.u32 $0x10000, s17  }
0x28: {  	s23 =	simm.s32 $0x0;
	[sflag:s4] =	ssyncset.done $0x0;
	s20 =	sshrl.u32 s17, $0x2  }
0x29: {  	s17 =	sand.u32 $0x4000, s31;
	[sflag:s4] =	ssyncadd.s32 $0xFFFFC000;
	s18 =	sor.u32 $0x400, s20  }
0x2a: {  	s19 =	sor.u32 $0x8000, s20;
	s17 =	sor.u32 $0x8000, s17;
	s20 =	sadd.s32 $0x8C00, s20  }
.LBB1_3:
0x2b: {  	v0 =	vmov s19;
	v1 =	vld [tilespmem:s18+$0x270]  }
0x2c: {  	v2 =	vld [tilespmem:s18+$0xFFFFFC10]  }
0x2d: {  	v3 =	vld [tilespmem:s18+$0xFFFFFC20]  }
0x2e: {  	s24 =	sshll.u32 s22, $0x2;
	s25 =	sand.u32 $0x3, s21;
	v4 =	vld [tilespmem:s18+$0xFFFFFC30]  }
0x2f: {  	v5 =	vld [tilespmem:s18+$0xFFFFFC40];
	s26 =	sand.u32 $0xFFFFF800, s24;
	s25 =	sshll.u32 s25, $0x9;
	s24 =	simm.s32 $0x0  }
0x30: {  	v6 =	vld [tilespmem:s18+$0xFFFFFC50];
	s25 =	sor.u32 s25, s26;
	[tilespmem:v0+s24+$0xC70 ss:$0x1] =	vst.idx.msk $0xffff, v1  }
0x31: {  	v7 =	vld [tilespmem:s18+$0x220];
	s25 =	sshrl.u32 s25, $0x2;
	[tilespmem:v0+s24+$0x10 ss:$0x1] =	vst.idx.msk $0xffff, v2  }
0x32: {  	v8 =	vld [tilespmem:s18+$0x230];
	s25 =	sadd.s32 s25, s20;
	[tilespmem:v0+s24+$0x20 ss:$0x1] =	vst.idx.msk $0xffff, v3  }
0x33: {  	v1 =	vmov s25;
	[tilespmem:v0+s24+$0x30 ss:$0x1] =	vst.idx.msk $0xffff, v4;
	v4 =	vld [tilespmem:s18+$0xFFFFFE00]  }
0x34: {  	[tilespmem:v0+s24+$0x40 ss:$0x1] =	vst.idx.msk $0xffff, v5;
	v5 =	vld [tilespmem:s18+$0xFFFFFE10]  }
0x35: {  	[tilespmem:v0+s24+$0x50 ss:$0x1] =	vst.idx.msk $0xffff, v6;
	v6 =	vld [tilespmem:s18+$0xFFFFFE20]  }
0x36: {  	v2 =	vld [tilespmem:s18+$0xFFFFFC60];
	[tilespmem:v0+s24+$0xC20 ss:$0x1] =	vst.idx.msk $0xffff, v7  }
0x37: {  	v3 =	vld [tilespmem:s18+$0xFFFFFC70];
	[tilespmem:v0+s24+$0xC30 ss:$0x1] =	vst.idx.msk $0xffff, v8  }
0x38: {  	[tilespmem:v1+s24+$0xFFFFF800 ss:$0x1] =	vst.idx.msk $0xffff, v4;
	v4 =	vld [tilespmem:s18+$0xFFFFFE50]  }
0x39: {  	[tilespmem:v0+s24+$0x410 ss:$0x1] =	vst.idx.msk $0xffff, v5;
	v5 =	vld [tilespmem:s18+$0xFFFFFE60]  }
0x3a: {  	[tilespmem:v0+s24+$0x420 ss:$0x1] =	vst.idx.msk $0xffff, v6;
	v6 =	vld [tilespmem:s18+$0xFFFFFE70]  }
0x3b: {  	[tilespmem:v0+s24+$0x60 ss:$0x1] =	vst.idx.msk $0xffff, v2;
	v2 =	vld [tilespmem:s18+$0xFFFFFE30]  }
0x3c: {  	[tilespmem:v0+s24+$0x70 ss:$0x1] =	vst.idx.msk $0xffff, v3;
	v3 =	vld [tilespmem:s18+$0xFFFFFE40]  }
0x3d: {  	[tilespmem:v0+s24+$0x450 ss:$0x1] =	vst.idx.msk $0xffff, v4;
	v4 =	vld [tilespmem:s18+$0x20]  }
0x3e: {  	[tilespmem:v0+s24+$0x460 ss:$0x1] =	vst.idx.msk $0xffff, v5;
	v5 =	vld [tilespmem:s18+$0x30]  }
0x3f: {  	[tilespmem:v0+s24+$0x470 ss:$0x1] =	vst.idx.msk $0xffff, v6;
	v6 =	vld [tilespmem:s18+$0x40]  }
0x40: {  	[tilespmem:v0+s24+$0x430 ss:$0x1] =	vst.idx.msk $0xffff, v2;
	v2 =	vld [tilespmem:s18+$0x0]  }
0x41: {  	[tilespmem:v0+s24+$0x440 ss:$0x1] =	vst.idx.msk $0xffff, v3;
	v3 =	vld [tilespmem:s18+$0x10]  }
0x42: {  	[tilespmem:v0+s24+$0x820 ss:$0x1] =	vst.idx.msk $0xffff, v4;
	v4 =	vld [tilespmem:s18+$0x70]  }
0x43: {  	[tilespmem:v0+s24+$0x830 ss:$0x1] =	vst.idx.msk $0xffff, v5;
	v5 =	vld [tilespmem:s18+$0x200]  }
0x44: {  	[tilespmem:v0+s24+$0x840 ss:$0x1] =	vst.idx.msk $0xffff, v6;
	v6 =	vld [tilespmem:s18+$0x210]  }
0x45: {  	[tilespmem:v1+s24+$0xFFFFFC00 ss:$0x1] =	vst.idx.msk $0xffff, v2;
	v2 =	vld [tilespmem:s18+$0x50]  }
0x46: {  	[tilespmem:v0+s24+$0x810 ss:$0x1] =	vst.idx.msk $0xffff, v3;
	v3 =	vld [tilespmem:s18+$0x60]  }
0x47: {  	[tilespmem:v0+s24+$0x870 ss:$0x1] =	vst.idx.msk $0xffff, v4;
	v4 =	vld [tilespmem:s18+$0x240]  }
0x48: {  	[tilespmem:v1+s24+$0x0 ss:$0x1] =	vst.idx.msk $0xffff, v5;
	v5 =	vld [tilespmem:s18+$0x250]  }
0x49: {  	[tilespmem:v0+s24+$0xC10 ss:$0x1] =	vst.idx.msk $0xffff, v6;
	v6 =	vld [tilespmem:s18+$0x260]  }
0x4a: {  	s25 =	sadd.s32 $0x80, s18;
	[tilespmem:v0+s24+$0x850 ss:$0x1] =	vst.idx.msk $0xffff, v2;
	v2 =	vld [tilespmem:s18+$0xFFFFFC00]  }
0x4b: {  	s27 =	simm.s32 $0x8000;
	s26 =	simm.s32 $0x4000;
	[tilespmem:v0+s24+$0x860 ss:$0x1] =	vst.idx.msk $0xffff, v3;
	v3 =	vld [tilespmem:s25+$0x270]  }
.LBB1_4:
0x4c: {  	p0 =	sne.s32 s27, $0xC000;
	v7 =	vld [tilespmem:s25+$0xFFFFFC10];
	[tilespmem:v0+s24+$0xC40 ss:$0x1] =	vst.idx.msk $0xffff, v4  }
0x4d: {  	v4 =	vld [tilespmem:s25+$0xFFFFFC20];
	[tilespmem:v0+s24+$0xC50 ss:$0x1] =	vst.idx.msk $0xffff, v5  }
0x4e: {  	v5 =	vld [tilespmem:s25+$0xFFFFFC30];
	[tilespmem:v0+s24+$0xC60 ss:$0x1] =	vst.idx.msk $0xffff, v6  }
0x4f: {  	v6 =	vld [tilespmem:s25+$0xFFFFFC40];
	[tilespmem:v0+s24+$0x0 ss:$0x1] =	vst.idx.msk $0xffff, v2;
	s24 =	sshra.s32 s26, $0x2;
	s26 =	smov.u32 s27  }
0x50: {  	v2 =	vld [tilespmem:s25+$0xFFFFFC50];
	[tilespmem:v0+s24+$0xC70 ss:$0x1] =	vst.idx.msk $0xffff, v3  }
0x51: {  	[tilespmem:v0+s24+$0x10 ss:$0x1] =	vst.idx.msk $0xffff, v7;
	v3 =	vld [tilespmem:s25+$0xFFFFFC60]  }
0x52: {  	[tilespmem:v0+s24+$0x20 ss:$0x1] =	vst.idx.msk $0xffff, v4;
	v4 =	vld [tilespmem:s25+$0xFFFFFC70]  }
0x53: {  	[tilespmem:v0+s24+$0x30 ss:$0x1] =	vst.idx.msk $0xffff, v5;
	v5 =	vld [tilespmem:s25+$0xFFFFFE00]  }
0x54: {  	[tilespmem:v0+s24+$0x40 ss:$0x1] =	vst.idx.msk $0xffff, v6;
	v6 =	vld [tilespmem:s25+$0xFFFFFE10]  }
0x55: {  	[tilespmem:v0+s24+$0x50 ss:$0x1] =	vst.idx.msk $0xffff, v2;
	v2 =	vld [tilespmem:s25+$0xFFFFFE20]  }
0x56: {  	[tilespmem:v0+s24+$0x60 ss:$0x1] =	vst.idx.msk $0xffff, v3;
	v3 =	vld [tilespmem:s25+$0xFFFFFE30]  }
0x57: {  	[tilespmem:v0+s24+$0x70 ss:$0x1] =	vst.idx.msk $0xffff, v4;
	v4 =	vld [tilespmem:s25+$0xFFFFFE40]  }
0x58: {  	[tilespmem:v1+s24+$0xFFFFF800 ss:$0x1] =	vst.idx.msk $0xffff, v5;
	v5 =	vld [tilespmem:s25+$0xFFFFFE50]  }
0x59: {  	[tilespmem:v0+s24+$0x410 ss:$0x1] =	vst.idx.msk $0xffff, v6;
	v6 =	vld [tilespmem:s25+$0xFFFFFE60]  }
0x5a: {  	[tilespmem:v0+s24+$0x420 ss:$0x1] =	vst.idx.msk $0xffff, v2;
	v2 =	vld [tilespmem:s25+$0xFFFFFE70]  }
0x5b: {  	[tilespmem:v0+s24+$0x430 ss:$0x1] =	vst.idx.msk $0xffff, v3;
	v3 =	vld [tilespmem:s25+$0x0]  }
0x5c: {  	[tilespmem:v0+s24+$0x440 ss:$0x1] =	vst.idx.msk $0xffff, v4;
	v4 =	vld [tilespmem:s25+$0x10]  }
0x5d: {  	[tilespmem:v0+s24+$0x450 ss:$0x1] =	vst.idx.msk $0xffff, v5;
	v5 =	vld [tilespmem:s25+$0x20]  }
0x5e: {  	[tilespmem:v0+s24+$0x460 ss:$0x1] =	vst.idx.msk $0xffff, v6;
	v6 =	vld [tilespmem:s25+$0x30]  }
0x5f: {  	[tilespmem:v0+s24+$0x470 ss:$0x1] =	vst.idx.msk $0xffff, v2;
	v2 =	vld [tilespmem:s25+$0x40]  }
0x60: {  	[tilespmem:v1+s24+$0xFFFFFC00 ss:$0x1] =	vst.idx.msk $0xffff, v3;
	v3 =	vld [tilespmem:s25+$0x50]  }
0x61: {  	[tilespmem:v0+s24+$0x810 ss:$0x1] =	vst.idx.msk $0xffff, v4;
	v4 =	vld [tilespmem:s25+$0x60]  }
0x62: {  	[tilespmem:v0+s24+$0x820 ss:$0x1] =	vst.idx.msk $0xffff, v5;
	v5 =	vld [tilespmem:s25+$0x70]  }
0x63: {  	[tilespmem:v0+s24+$0x830 ss:$0x1] =	vst.idx.msk $0xffff, v6;
	v6 =	vld [tilespmem:s25+$0x200]  }
0x64: {  	[tilespmem:v0+s24+$0x840 ss:$0x1] =	vst.idx.msk $0xffff, v2;
	v2 =	vld [tilespmem:s25+$0x210]  }
0x65: {  	[tilespmem:v0+s24+$0x850 ss:$0x1] =	vst.idx.msk $0xffff, v3;
	v3 =	vld [tilespmem:s25+$0x220]  }
0x66: {  	[tilespmem:v0+s24+$0x860 ss:$0x1] =	vst.idx.msk $0xffff, v4;
	v7 =	vld [tilespmem:s25+$0x230]  }
.Ltmp3:
0x67: {  	[tilespmem:v0+s24+$0x870 ss:$0x1] =	vst.idx.msk $0xffff, v5;
	v4 =	vld [tilespmem:s25+$0x240];
	(pc) =	sbr.rel @p0 .LBB1_4-.Ltmp3, $4  }
0x68: {  	[tilespmem:v1+s24+$0x0 ss:$0x1] =	vst.idx.msk $0xffff, v6;
	v5 =	vld [tilespmem:s25+$0x250]  }
0x69: {  	[tilespmem:v0+s24+$0xC10 ss:$0x1] =	vst.idx.msk $0xffff, v2;
	v6 =	vld [tilespmem:s25+$0x260]  }
0x6a: {  	v2 =	vld [tilespmem:s25+$0xFFFFFC00];
	[tilespmem:v0+s24+$0xC20 ss:$0x1] =	vst.idx.msk $0xffff, v3;
	s25 =	sadd.s32 $0x80, s25  }
0x6b: {  	s27 =	sadd.s32 $0x4000, s27;
	v3 =	vld [tilespmem:s25+$0x270];
	[tilespmem:v0+s24+$0xC30 ss:$0x1] =	vst.idx.msk $0xffff, v7  }
0x6c: {  	_ =	sdelay $0x3  }
0x6d: {  	v7 =	vld [tilespmem:s25+$0xFFFFFC10];
	[tilespmem:v0+s24+$0xC40 ss:$0x1] =	vst.idx.msk $0xffff, v4  }
0x6e: {  	v34 =	vld [tilespmem:s25+$0xFFFFFC20];
	[tilespmem:v0+s24+$0xC50 ss:$0x1] =	vst.idx.msk $0xffff, v5  }
0x6f: {  	v35 =	vld [tilespmem:s25+$0xFFFFFC30];
	[tilespmem:v0+s24+$0xC60 ss:$0x1] =	vst.idx.msk $0xffff, v6  }
0x70: {  	s26 =	sshra.s32 s26, $0x2;
	v36 =	vld [tilespmem:s25+$0xFFFFFC40];
	[tilespmem:v0+s24+$0x0 ss:$0x1] =	vst.idx.msk $0xffff, v2  }
0x71: {  	v37 =	vld [tilespmem:s25+$0xFFFFFC50];
	[tilespmem:v0+s26+$0xC70 ss:$0x1] =	vst.idx.msk $0xffff, v3  }
0x72: {  	v38 =	vld [tilespmem:s25+$0xFFFFFC60];
	[tilespmem:v0+s26+$0x10 ss:$0x1] =	vst.idx.msk $0xffff, v7  }
0x73: {  	v39 =	vld [tilespmem:s25+$0xFFFFFC70];
	[tilespmem:v0+s26+$0x20 ss:$0x1] =	vst.idx.msk $0xffff, v34  }
0x74: {  	v40 =	vld [tilespmem:s25+$0xFFFFFE00];
	[tilespmem:v0+s26+$0x30 ss:$0x1] =	vst.idx.msk $0xffff, v35  }
0x75: {  	v41 =	vld [tilespmem:s25+$0xFFFFFE10];
	[tilespmem:v0+s26+$0x40 ss:$0x1] =	vst.idx.msk $0xffff, v36  }
0x76: {  	v42 =	vld [tilespmem:s25+$0xFFFFFE20];
	[tilespmem:v0+s26+$0x50 ss:$0x1] =	vst.idx.msk $0xffff, v37  }
0x77: {  	v43 =	vld [tilespmem:s25+$0xFFFFFE30];
	[tilespmem:v0+s26+$0x60 ss:$0x1] =	vst.idx.msk $0xffff, v38  }
0x78: {  	v44 =	vld [tilespmem:s25+$0xFFFFFE40];
	[tilespmem:v0+s26+$0x70 ss:$0x1] =	vst.idx.msk $0xffff, v39  }
0x79: {  	v45 =	vld [tilespmem:s25+$0xFFFFFE50];
	[tilespmem:v1+s26+$0xFFFFF800 ss:$0x1] =	vst.idx.msk $0xffff, v40  }
0x7a: {  	v46 =	vld [tilespmem:s25+$0xFFFFFE60];
	[tilespmem:v0+s26+$0x410 ss:$0x1] =	vst.idx.msk $0xffff, v41  }
0x7b: {  	v47 =	vld [tilespmem:s25+$0xFFFFFE70];
	[tilespmem:v0+s26+$0x420 ss:$0x1] =	vst.idx.msk $0xffff, v42  }
0x7c: {  	v48 =	vld [tilespmem:s25+$0x0];
	[tilespmem:v0+s26+$0x430 ss:$0x1] =	vst.idx.msk $0xffff, v43  }
0x7d: {  	v49 =	vld [tilespmem:s25+$0x10];
	[tilespmem:v0+s26+$0x440 ss:$0x1] =	vst.idx.msk $0xffff, v44  }
0x7e: {  	v50 =	vld [tilespmem:s25+$0x20];
	[tilespmem:v0+s26+$0x450 ss:$0x1] =	vst.idx.msk $0xffff, v45  }
0x7f: {  	v51 =	vld [tilespmem:s25+$0x30];
	[tilespmem:v0+s26+$0x460 ss:$0x1] =	vst.idx.msk $0xffff, v46  }
0x80: {  	v52 =	vld [tilespmem:s25+$0x40];
	[tilespmem:v0+s26+$0x470 ss:$0x1] =	vst.idx.msk $0xffff, v47  }
0x81: {  	v53 =	vld [tilespmem:s25+$0x50];
	[tilespmem:v1+s26+$0xFFFFFC00 ss:$0x1] =	vst.idx.msk $0xffff, v48  }
0x82: {  	v54 =	vld [tilespmem:s25+$0x60];
	[tilespmem:v0+s26+$0x810 ss:$0x1] =	vst.idx.msk $0xffff, v49  }
0x83: {  	v55 =	vld [tilespmem:s25+$0x70];
	[tilespmem:v0+s26+$0x820 ss:$0x1] =	vst.idx.msk $0xffff, v50  }
0x84: {  	v56 =	vld [tilespmem:s25+$0x200];
	[tilespmem:v0+s26+$0x830 ss:$0x1] =	vst.idx.msk $0xffff, v51  }
0x85: {  	v57 =	vld [tilespmem:s25+$0x210];
	[tilespmem:v0+s26+$0x840 ss:$0x1] =	vst.idx.msk $0xffff, v52  }
0x86: {  	v58 =	vld [tilespmem:s25+$0x220];
	[tilespmem:v0+s26+$0x850 ss:$0x1] =	vst.idx.msk $0xffff, v53  }
0x87: {  	v59 =	vld [tilespmem:s25+$0x230];
	[tilespmem:v0+s26+$0x860 ss:$0x1] =	vst.idx.msk $0xffff, v54  }
0x88: {  	v60 =	vld [tilespmem:s25+$0x240];
	[tilespmem:v0+s26+$0x870 ss:$0x1] =	vst.idx.msk $0xffff, v55  }
0x89: {  	v61 =	vld [tilespmem:s25+$0x250];
	[tilespmem:v1+s26+$0x0 ss:$0x1] =	vst.idx.msk $0xffff, v56  }
0x8a: {  	v62 =	vld [tilespmem:s25+$0x260];
	s23 =	sadd.s32 $0x1, s23;
	[tilespmem:v0+s26+$0xC10 ss:$0x1] =	vst.idx.msk $0xffff, v57  }
0x8b: {  	v63 =	vld [tilespmem:s25+$0xFFFFFC00];
	p0 =	sne.s32 s23, $0x8;
	[tilespmem:v0+s26+$0xC20 ss:$0x1] =	vst.idx.msk $0xffff, v58  }
.Ltmp4:
0x8c: {  	[tilespmem:v0+s26+$0xC30 ss:$0x1] =	vst.idx.msk $0xffff, v59;
	(pc) =	sbr.rel @p0 .LBB1_3-.Ltmp4, $4  }
0x8d: {  	[tilespmem:v0+s26+$0xC40 ss:$0x1] =	vst.idx.msk $0xffff, v60  }
0x8e: {  	[tilespmem:v0+s26+$0xC50 ss:$0x1] =	vst.idx.msk $0xffff, v61  }
0x8f: {  	s18 =	sadd.s32 $0x800, s18;
	[tilespmem:v0+s26+$0xC60 ss:$0x1] =	vst.idx.msk $0xffff, v62  }
0x90: {  	s22 =	sadd.s32 $0x80, s22;
	s21 =	sadd.s32 $0x1, s21;
	s19 =	sadd.s32 $0x80, s19;
	[tilespmem:v0+s26+$0x0 ss:$0x1] =	vst.idx.msk $0xffff, v63  }
0x91: {  	s16 =	sshll.u32 s16, $0x7;
	s18 =	sand.u32 $0x78, s14  }
0x92: {  	s15 =	sshll.u32 s15, $0x13;
	s31 =	sand.u32 $0x7, s14;
	s19 =	sand.u32 $0x380, s16  }
.Ltmp5:
0x93: {  	s16 =	sand.u32 $0x7FC00, s16;
	s18 =	sor.u32 s19, s18;
	(pc) =	sbr.rel .LBB1_7-.Ltmp5, $4  }
0x94: {  	s15 =	sadd.s32 s3, s15;
	s16 =	sadd.s32 s14, s16;
	s18 =	sshrl.u32 s18, $0x3  }
0x95: {  	s14 =	sshll.u32 s31, $0x12;
	s16 =	sand.u32 $0x7FF80, s16;
	s15 =	sadd.s32 s18, s15  }
0x96: {  	s14 =	sor.u32 $0x1000, s14;
	s15 =	sadd.s32 s16, s15  }
0x97: {  	[hbm4b:s15+s14] =	stream.strided.scatter [tilespmem:s17], [sflag:$0x2], $0x4000, s8, s14, $0x38;
	[tilespmem:$0x10000] =	vst v63  }
.LBB1_8:
0x98: {  	_ =	sfence.sel $0x180000  }
0x99: {  	s2 =	simm.s32 $0x1;
	[bflag:$0x0] =	sbarrier.arrive $0xFFFF  }
0x9a: {  	s31 =	simm.s32 $0x2;
	[sflag:s2] =	ssyncpa.u1 $0x1  }
0x9b: {  	[sflag:s31] =	ssyncpa.u1 $0x1  }
0x9c: {  	p0 =	sne.s32 s0, $0x0;
	_ =	strace $0x90000050  }
0x9d: {  	s0 =	sadd.s32 @!p0 $0x100000, s1;
	[bflag:$0x2] =	sbarrier.arrive $0xFFFF  }
0x9e: {  	[sflag:s0] =	ssyncadd.tile.s32 @!p0 $0x1;
	_ =	shalt  }
.Lfunc_end1:
_tile_overlayer_lowered:
.L_overlay_start_2:
0x9f: {  	(tag) =	ssettag $0x2  }
0xa0: {  	s0 =	rddreg [dreg:$0x0];
	s2 =	stileid.u32  }
0xa1: {  	s1 =	rddreg [dreg:$0x1];
	p0 =	sne.s32 s2, $0x0  }
0xa2: {  	s3 =	rddreg [dreg:$0x2];
	[bflag:$0x3] =	sbarrier.arrive $0xFFFF;
	s2 =	simm.s32 @!p0 $0x1C01  }
0xa3: {  	[timem:s3], [sflag:s2] =	dma.local @!p0 [hbm:s0], s1  }
0xa4: {  	s0 =	simm.s32 @!p0 $0x1  }
0xa5: {  	_ =	swait.ge @!p0 [sflag:s0], s1  }
0xa6: {  	s1 =	ssub.s32 @!p0 $0x0, s1;
	[sflag:s0] =	ssyncset.done @!p0 $0x0  }
0xa7: {  	[sflag:s0] =	ssyncadd.s32 @!p0 s1  }
0xa8: {  	[bflag:$0x3] =	sbarrier.arrive $0xFFFF  }
0xa9: {  	_ =	shalt  }

</sc_bundles>
